<compile_context>
chip_gen: v7x
topology: tpu7x:2x2x1
jax: 0.10.2.dev20260603
libtpu: 0.0.44.dev20260713+nightly
codegen_flags: <defaults>
</compile_context>

<pallas_src>
import functools

import jax
import jax.numpy as jnp
from jax import lax
from jax.experimental import pallas as pl
from jax.experimental.pallas import tpu as pltpu
from jax.experimental.pallas import tpu_sc as plsc

_DIM = 256
_NQ = 4
_K = 8192
_M = 8192

_BKA = 2048


def _cbnorm_body(cb_ref, w_ref, out_ref, outb_ref):
    cb = cb_ref[0]
    w = w_ref[0]
    icb = lax.dot_general(cb, w, (((1,), (1,)), ((), ())),
                          preferred_element_type=jnp.float32)
    n = jnp.sqrt(jnp.sum(icb * icb, axis=-1, keepdims=True))
    cbn = icb / jnp.maximum(n, 1e-12)
    out_ref[0] = cbn
    outb_ref[0] = cbn.astype(jnp.bfloat16)


def _cb_norm_all(codebooks, weights):
    grid = (_NQ, _K // _BKA)
    spec = pl.BlockSpec((1, _BKA, _DIM), lambda i, k: (i, k, 0))
    return pl.pallas_call(
        _cbnorm_body,
        grid=grid,
        in_specs=[
            spec,
            pl.BlockSpec((1, _DIM, _DIM), lambda i, k: (i, 0, 0)),
        ],
        out_specs=[spec, spec],
        out_shape=[
            jax.ShapeDtypeStruct((_NQ, _K, _DIM), jnp.float32),
            jax.ShapeDtypeStruct((_NQ, _K, _DIM), jnp.bfloat16),
        ],
    )(codebooks, weights)


_BM = 4096
_KC = 1024


def _rotate_t(rT, tT):
    nx = jnp.sqrt(jnp.sum(rT * rT, axis=0, keepdims=True))
    sT = rT / jnp.maximum(nx, 1e-12)
    diff = sT - tT
    partial = jnp.sum(diff * diff)
    norm_s = jnp.sqrt(jnp.sum(sT * sT, axis=0, keepdims=True))
    norm_t = jnp.sqrt(jnp.sum(tT * tT, axis=0, keepdims=True))
    u = sT / jnp.maximum(norm_s, 1e-6)
    q = tT / jnp.maximum(norm_t, 1e-6)
    wv = u + q
    wn = jnp.sqrt(jnp.sum(wv * wv, axis=0, keepdims=True))
    w = wv / jnp.maximum(wn, 1e-6)
    sw = jnp.sum(sT * w, axis=0, keepdims=True)
    su = jnp.sum(sT * u, axis=0, keepdims=True)
    rot = sT - 2.0 * sw * w + 2.0 * su * q
    rot = rot * (norm_t / jnp.maximum(norm_s, 1e-6))
    return rot, partial


def _sim_step(k, nk, cb_ref, xnt_ref, best8_ref, bestr_ref, idx_ref):
    cbc = cb_ref[...]
    s = lax.dot_general(cbc, xnt_ref[...], (((1,), (0,)), ((), ())),
                        preferred_element_type=jnp.float32)
    best8 = best8_ref[...]
    bestr = bestr_ref[...]
    for r in range(_KC // 8):
        row = lax.slice_in_dim(s, 8 * r, 8 * (r + 1), axis=0)
        upd = row > best8
        best8 = jnp.where(upd, row, best8)
        bestr = jnp.where(upd, k * (_KC // 8) + r, bestr)
    best8_ref[...] = best8
    bestr_ref[...] = bestr

    @pl.when(k == nk - 1)
    def _():
        m = jnp.max(best8, axis=0)
        sub = lax.broadcasted_iota(jnp.int32, (8, _BM), 0)
        code8 = bestr * 8 + sub
        idx_ref[...] = jnp.min(
            jnp.where(best8 == m[None, :], code8, _NQ * _K), axis=0)


def _simargmax_body(x_ref, cb_ref, idx_ref, best8_ref, bestr_ref, xnt_ref):
    k = pl.program_id(1)
    nk = pl.num_programs(1)

    @pl.when(k == 0)
    def _():
        xb = x_ref[...]
        n = jnp.sqrt(jnp.sum(xb * xb, axis=-1, keepdims=True))
        xn = xb / jnp.maximum(n, 1e-12)
        xnt_ref[...] = xn.T.astype(jnp.bfloat16)
        best8_ref[...] = jnp.full((8, _BM), -jnp.inf, jnp.float32)
        bestr_ref[...] = jnp.zeros((8, _BM), jnp.int32)

    _sim_step(k, nk, cb_ref, xnt_ref, best8_ref, bestr_ref, idx_ref)


def _sim_argmax(residual, cb_bf16_i):
    grid = (_M // _BM, _K // _KC)
    return pl.pallas_call(
        _simargmax_body,
        grid=grid,
        in_specs=[
            pl.BlockSpec((_BM, _DIM), lambda m, k: (m, 0)),
            pl.BlockSpec((_KC, _DIM), lambda m, k: (k, 0)),
        ],
        out_specs=pl.BlockSpec((_BM,), lambda m, k: (m,)),
        out_shape=jax.ShapeDtypeStruct((_M,), jnp.int32),
        scratch_shapes=[
            pltpu.VMEM((8, _BM), jnp.float32),
            pltpu.VMEM((8, _BM), jnp.int32),
            pltpu.VMEM((_DIM, _BM), jnp.bfloat16),
        ],
    )(residual, cb_bf16_i)


def _fused_body(r_ref, q_ref, cb_ref, idx_ref, res_ref, loss_ref,
                best8_ref, bestr_ref, xnt_ref, lacc_ref):
    mstep = pl.program_id(0)
    nm = pl.num_programs(0)
    k = pl.program_id(1)
    nk = pl.num_programs(1)

    @pl.when(k == 0)
    def _():
        rT = r_ref[...].T
        tT = q_ref[...].T
        rot, partial = _rotate_t(rT, tT)
        resT = rT - rot
        res_ref[...] = resT.T
        n = jnp.sqrt(jnp.sum(resT * resT, axis=0, keepdims=True))
        xnt_ref[...] = (resT / jnp.maximum(n, 1e-12)).astype(jnp.bfloat16)
        best8_ref[...] = jnp.full((8, _BM), -jnp.inf, jnp.float32)
        bestr_ref[...] = jnp.zeros((8, _BM), jnp.int32)
        acc = jnp.where(mstep == 0, jnp.zeros((1, 1), jnp.float32),
                        lacc_ref[...]) + partial
        lacc_ref[...] = acc

        @pl.when(mstep == nm - 1)
        def _():
            loss_ref[...] = acc * (1.25 / (_M * _DIM))

    _sim_step(k, nk, cb_ref, xnt_ref, best8_ref, bestr_ref, idx_ref)


def _fused_rot_sim(residual, quantized, cb_bf16_i):
    grid = (_M // _BM, _K // _KC)
    return pl.pallas_call(
        _fused_body,
        grid=grid,
        in_specs=[
            pl.BlockSpec((_BM, _DIM), lambda m, k: (m, 0)),
            pl.BlockSpec((_BM, _DIM), lambda m, k: (m, 0)),
            pl.BlockSpec((_KC, _DIM), lambda m, k: (k, 0)),
        ],
        out_specs=[
            pl.BlockSpec((_BM,), lambda m, k: (m,)),
            pl.BlockSpec((_BM, _DIM), lambda m, k: (m, 0)),
            pl.BlockSpec((1, 1), lambda m, k: (0, 0)),
        ],
        out_shape=[
            jax.ShapeDtypeStruct((_M,), jnp.int32),
            jax.ShapeDtypeStruct((_M, _DIM), jnp.float32),
            jax.ShapeDtypeStruct((1, 1), jnp.float32),
        ],
        scratch_shapes=[
            pltpu.VMEM((8, _BM), jnp.float32),
            pltpu.VMEM((8, _BM), jnp.int32),
            pltpu.VMEM((_DIM, _BM), jnp.bfloat16),
            pltpu.VMEM((1, 1), jnp.float32),
        ],
    )(residual, quantized, cb_bf16_i)


_BMT = 2048


def _tail_body(x_ref, r_ref, q_ref, qout_ref, loss_ref, lacc_ref):
    m = pl.program_id(0)
    nm = pl.num_programs(0)
    rT = r_ref[...].T
    tT = q_ref[...].T
    rot, partial = _rotate_t(rT, tT)
    resT = rT - rot
    qout_ref[...] = x_ref[...] - resT.T
    acc = jnp.where(m == 0, jnp.zeros((1, 1), jnp.float32),
                    lacc_ref[...]) + partial
    lacc_ref[...] = acc

    @pl.when(m == nm - 1)
    def _():
        loss_ref[...] = acc * (1.25 / (_M * _DIM))


def _tail(x, residual, quantized):
    grid = (_M // _BMT,)
    spec = pl.BlockSpec((_BMT, _DIM), lambda m: (m, 0))
    return pl.pallas_call(
        _tail_body,
        grid=grid,
        in_specs=[spec, spec, spec],
        out_specs=[spec, pl.BlockSpec((1, 1), lambda m: (0, 0))],
        out_shape=[
            jax.ShapeDtypeStruct((_M, _DIM), jnp.float32),
            jax.ShapeDtypeStruct((1, 1), jnp.float32),
        ],
        scratch_shapes=[pltpu.VMEM((1, 1), jnp.float32)],
    )(x, residual, quantized)


_NW = 32
_BPW = _M // _NW


def _make_sc_gather():
    mesh = plsc.VectorSubcoreMesh(core_axis_name="c", subcore_axis_name="s")

    @functools.partial(
        pl.kernel,
        mesh=mesh,
        out_type=jax.ShapeDtypeStruct((_M, _DIM), jnp.float32),
        scratch_types=[
            pltpu.VMEM((_BPW,), jnp.int32),
            pltpu.VMEM((_BPW, _DIM), jnp.float32),
            pltpu.SemaphoreType.DMA,
        ],
    )
    def gather(table_hbm, idx_hbm, out_hbm, idx_v, rows_v, sem):
        wid = lax.axis_index("s") * 2 + lax.axis_index("c")
        base = wid * _BPW
        pltpu.sync_copy(idx_hbm.at[pl.ds(base, _BPW)], idx_v)
        pltpu.async_copy(table_hbm.at[idx_v], rows_v, sem).wait()
        pltpu.sync_copy(rows_v, out_hbm.at[pl.ds(base, _BPW)])

    return gather


_sc_gather = _make_sc_gather()




def kernel(x, codebooks, weights):
    b, n, d = x.shape
    xf = x.reshape(_M, _DIM)
    cb_norm, cb_bf16 = _cb_norm_all(codebooks, weights)

    idx = _sim_argmax(xf, cb_bf16[0])
    quantized = _sc_gather(cb_norm[0], idx)
    residual = xf
    all_idx = [idx]
    all_loss = []
    for i in range(1, _NQ):
        idx, residual, loss = _fused_rot_sim(residual, quantized, cb_bf16[i])
        quantized = _sc_gather(cb_norm[i], idx)
        all_idx.append(idx)
        all_loss.append(loss.reshape(()))
    qout, loss = _tail(xf, residual, quantized)
    all_loss.append(loss.reshape(()))

    quantized_out = qout.reshape(b, n, d)
    indices = jnp.stack(all_idx, axis=-1).reshape(b, n, _NQ)
    losses = jnp.stack(all_loss, axis=-1)
    return quantized_out, indices, losses

# --- scband reference (transcript-rebuilt; emitter-appended) ---
"""Pipeline reference for scband-residual-cos-sim-vq-79525614452864 (READ-ONLY COPY).

The authoritative reference and input builder live on the scoring server;
editing this copy changes nothing except your own understanding.
"""

import jax, jax.numpy as jnp
import numpy as np

DIM = 256
NUM_Q = 4
CODEBOOK_SIZE = 8192
BATCH = 8
TOKENS = 1024


def setup_inputs(seed: int = 0) -> dict:
    key = jax.random.key(seed)
    k1, k2, k3 = jax.random.split(key, 3)
    x = jax.random.normal(k1, (BATCH, TOKENS, DIM), dtype=jnp.float32)
    # frozen codebooks (buffers): randn * dim**-0.5, one per quantizer
    codebooks = jax.random.normal(k2, (NUM_Q, CODEBOOK_SIZE, DIM), dtype=jnp.float32) * (DIM ** -0.5)
    # code_transform: nn.Linear(dim, dim, bias=False) per quantizer (kaiming-uniform-ish init)
    bound = DIM ** -0.5
    weights = jax.random.uniform(k3, (NUM_Q, DIM, DIM), dtype=jnp.float32, minval=-bound, maxval=bound)
    return {"x": x, "codebooks": codebooks, "weights": weights}


def _l2norm(t, eps=1e-12):
    # mirrors F.normalize(t, dim=-1): denom clamped at eps
    n = jnp.linalg.norm(t, axis=-1, keepdims=True)
    return t / jnp.clip(n, eps)


def _safe_div(num, den, eps=1e-6):
    return num / jnp.clip(den, eps)


def _rotate_to(src, tgt):
    # rotation trick STE (arXiv:2410.06424)
    b, n, d = src.shape
    s = src.reshape(-1, d)
    t = tgt.reshape(-1, d)
    norm_s = jnp.linalg.norm(s, axis=-1, keepdims=True)
    norm_t = jnp.linalg.norm(t, axis=-1, keepdims=True)
    u = _safe_div(s, norm_s)
    q = _safe_div(t, norm_t)
    w = jax.lax.stop_gradient(_l2norm(u + q, eps=1e-6))
    e = s[:, None, :]  # [N, 1, d]
    rotated = (e
               - 2.0 * jnp.matmul(jnp.matmul(e, w[:, :, None]), w[:, None, :])
               + 2.0 * jnp.matmul(jnp.matmul(e, jax.lax.stop_gradient(u)[:, :, None]), q[:, None, :]))
    rotated = rotated[:, 0, :]
    rotated = rotated * jax.lax.stop_gradient(_safe_div(norm_t, norm_s))
    return rotated.reshape(b, n, d)


def _cossim_vq_layer(x, codebook, W):
    # x: [b, n, d]; codebook: [K, d]; W: [d, d] (Linear weight, y = c @ W.T)
    x_norm = _l2norm(x)
    implicit_cb = jnp.matmul(codebook, W.T)
    cb_norm = _l2norm(implicit_cb)
    sim = jax.lax.stop_gradient(jnp.einsum('bnd,kd->bnk', x_norm, cb_norm))
    indices = jnp.argmax(sim, axis=-1)  # [b, n]
    quantized = jnp.take(cb_norm, indices, axis=0)  # [b, n, d]
    commit_loss = (jnp.mean((jax.lax.stop_gradient(x_norm) - quantized) ** 2)
                   + 0.25 * jnp.mean((x_norm - jax.lax.stop_gradient(quantized)) ** 2))
    quantized = _rotate_to(x_norm, quantized)
    return quantized, indices, commit_loss


def reference(x, codebooks, weights):
    quantized_out = jnp.zeros_like(x)
    residual = x
    all_indices = []
    all_losses = []
    for i in range(NUM_Q):
        q, idx, loss = _cossim_vq_layer(residual, codebooks[i], weights[i])
        residual = residual - jax.lax.stop_gradient(q)
        quantized_out = quantized_out + q
        all_indices.append(idx)
        all_losses.append(loss)
    return (quantized_out, jnp.stack(all_indices, axis=-1), jnp.stack(all_losses, axis=-1))

if __name__ == "__main__":
    import jax
    _d = setup_inputs()
    print(jax.jit(kernel)(*tuple(_d.values())))

</pallas_src>

<mosaic_0001>
#map = affine_map<(d0, d1) -> (0, 0)>
#map1 = affine_map<(d0, d1) -> (0)>
module attributes {stable_mosaic.version = 14 : i64} {
  func.func @gather(%arg0: i32, %arg1: i32, %arg2: memref<8192x256xf32, #tpu.memory_space<hbm>>, %arg3: memref<8192xi32, #tpu.memory_space<hbm>>, %arg4: memref<8192x256xf32, #tpu.memory_space<hbm>>, %arg5: memref<256xi32, #tpu.memory_space<vmem>>, %arg6: memref<256x256xf32, #tpu.memory_space<vmem>>, %arg7: memref<!tpu.dma_semaphore, #tpu.memory_space<semaphore_mem>>) attributes {dimension_semantics = [#tpu.dimension_semantics<core_parallel>, #tpu.dimension_semantics<subcore_parallel>], iteration_bounds = array<i64: 2, 16>, scalar_prefetch = 0 : i64, scratch_operands = 3 : i64, tpu.core_type = #tpu.core_type<sc_vector_subcore>, window_params = [{transform_indices = #map}, {transform_indices = #map1}, {transform_indices = #map}]} {
    %mul3A = arith.constant 2 : i32
    %mul3A_0 = arith.muli %arg1, %mul3A : i32
    %add3A = arith.addi %mul3A_0, %arg0 : i32
    %mul3A_1 = arith.constant 256 : i32
    %mul3A_2 = arith.muli %add3A, %mul3A_1 : i32
    "tpu.region"() ({
      %run_scoped3A = tpu.sem_alloc : memref<!tpu.dma_semaphore, #tpu.memory_space<semaphore_mem>>
      %dma_start3A_7 = tpu.memref_slice %arg3[%mul3A_2] : memref<8192xi32, #tpu.memory_space<hbm>> -> memref<256xi32, #tpu.memory_space<hbm>>
      %dma_start3A_8 = tpu.memref_slice %arg3[%mul3A_2] : memref<8192xi32, #tpu.memory_space<hbm>> -> memref<256xi32, #tpu.memory_space<hbm>>
      tpu.enqueue_dma source(%dma_start3A_8 : memref<256xi32, #tpu.memory_space<hbm>>) target(%arg5 : memref<256xi32, #tpu.memory_space<vmem>>) target_semaphore(%run_scoped3A : memref<!tpu.dma_semaphore, #tpu.memory_space<semaphore_mem>>)
      %dma_wait3A_9 = tpu.memref_slice %arg3[%mul3A_2] : memref<8192xi32, #tpu.memory_space<hbm>> -> memref<256xi32, #tpu.memory_space<hbm>>
      %dma_wait3A_10 = tpu.memref_slice %arg3[%mul3A_2] : memref<8192xi32, #tpu.memory_space<hbm>> -> memref<256xi32, #tpu.memory_space<hbm>>
      tpu.wait_dma2 semaphore(%run_scoped3A : memref<!tpu.dma_semaphore, #tpu.memory_space<semaphore_mem>>) src(%dma_wait3A_10 : memref<256xi32, #tpu.memory_space<hbm>>) dst(%arg5 : memref<256xi32, #tpu.memory_space<vmem>>)
      tpu.yield
    }) : () -> ()
    %dma_start3A = arith.constant 0 : i32
    %dma_start3A_3 = arith.constant 0 : i32
    %dma_start3A_4 = tpu.memref_slice %arg2[%dma_start3A, %dma_start3A_3] : memref<8192x256xf32, #tpu.memory_space<hbm>> -> memref<8192x256xf32, #tpu.memory_space<hbm>>
    tpu.enqueue_indirect_dma source(%dma_start3A_4 : memref<8192x256xf32, #tpu.memory_space<hbm>>) target(%arg6 : memref<256x256xf32, #tpu.memory_space<vmem>>) offsets(%arg5 : memref<256xi32, #tpu.memory_space<vmem>>) semaphore(%arg7 : memref<!tpu.dma_semaphore, #tpu.memory_space<semaphore_mem>>)
    %dma_wait3A = arith.constant 0 : i32
    %dma_wait3A_5 = arith.constant 0 : i32
    %dma_wait3A_6 = tpu.memref_slice %arg2[%dma_wait3A, %dma_wait3A_5] : memref<8192x256xf32, #tpu.memory_space<hbm>> -> memref<8192x256xf32, #tpu.memory_space<hbm>>
    tpu.wait_indirect_dma semaphore(%arg7 : memref<!tpu.dma_semaphore, #tpu.memory_space<semaphore_mem>>) src(%dma_wait3A_6 : memref<8192x256xf32, #tpu.memory_space<hbm>>) dst(%arg6 : memref<256x256xf32, #tpu.memory_space<vmem>>)
    "tpu.region"() ({
      %run_scoped3A = tpu.sem_alloc : memref<!tpu.dma_semaphore, #tpu.memory_space<semaphore_mem>>
      %dma_start3A_7 = arith.constant 0 : i32
      %dma_start3A_8 = tpu.memref_slice %arg4[%mul3A_2, %dma_start3A_7] : memref<8192x256xf32, #tpu.memory_space<hbm>> -> memref<256x256xf32, #tpu.memory_space<hbm>>
      %dma_start3A_9 = arith.constant 0 : i32
      %dma_start3A_10 = tpu.memref_slice %arg4[%mul3A_2, %dma_start3A_9] : memref<8192x256xf32, #tpu.memory_space<hbm>> -> memref<256x256xf32, #tpu.memory_space<hbm>>
      tpu.enqueue_dma source(%arg6 : memref<256x256xf32, #tpu.memory_space<vmem>>) target(%dma_start3A_10 : memref<256x256xf32, #tpu.memory_space<hbm>>) target_semaphore(%run_scoped3A : memref<!tpu.dma_semaphore, #tpu.memory_space<semaphore_mem>>)
      %dma_wait3A_11 = arith.constant 0 : i32
      %dma_wait3A_12 = tpu.memref_slice %arg4[%mul3A_2, %dma_wait3A_11] : memref<8192x256xf32, #tpu.memory_space<hbm>> -> memref<256x256xf32, #tpu.memory_space<hbm>>
      %dma_wait3A_13 = arith.constant 0 : i32
      %dma_wait3A_14 = tpu.memref_slice %arg4[%mul3A_2, %dma_wait3A_13] : memref<8192x256xf32, #tpu.memory_space<hbm>> -> memref<256x256xf32, #tpu.memory_space<hbm>>
      tpu.wait_dma2 semaphore(%run_scoped3A : memref<!tpu.dma_semaphore, #tpu.memory_space<semaphore_mem>>) src(%arg6 : memref<256x256xf32, #tpu.memory_space<vmem>>) dst(%dma_wait3A_14 : memref<256x256xf32, #tpu.memory_space<hbm>>)
      tpu.yield
    }) : () -> ()
    return
  }
}

#map = affine_map<(d0, d1) -> (0, 0)>
#map1 = affine_map<(d0, d1) -> (0)>
module attributes {stable_mosaic.version = 14 : i64} {
  func.func @gather(%arg0: i32, %arg1: i32, %arg2: memref<8192x256xf32, #tpu.memory_space<hbm>>, %arg3: memref<8192xi32, #tpu.memory_space<hbm>>, %arg4: memref<8192x256xf32, #tpu.memory_space<hbm>>, %arg5: memref<256xi32, #tpu.memory_space<vmem>>, %arg6: memref<256x256xf32, #tpu.memory_space<vmem>>, %arg7: memref<!tpu.dma_semaphore, #tpu.memory_space<semaphore_mem>>) attributes {dimension_semantics = [#tpu.dimension_semantics<core_parallel>, #tpu.dimension_semantics<subcore_parallel>], iteration_bounds = array<i64: 2, 16>, scalar_prefetch = 0 : i64, scratch_operands = 3 : i64, tpu.core_type = #tpu.core_type<sc_vector_subcore>, window_params = [{transform_indices = #map}, {transform_indices = #map1}, {transform_indices = #map}]} {
    %mul3A = arith.constant 2 : i32
    %mul3A_0 = arith.muli %arg1, %mul3A : i32
    %add3A = arith.addi %mul3A_0, %arg0 : i32
    %mul3A_1 = arith.constant 256 : i32
    %mul3A_2 = arith.muli %add3A, %mul3A_1 : i32
    "tpu.region"() ({
      %run_scoped3A = tpu.sem_alloc : memref<!tpu.dma_semaphore, #tpu.memory_space<semaphore_mem>>
      %dma_start3A_7 = tpu.memref_slice %arg3[%mul3A_2] : memref<8192xi32, #tpu.memory_space<hbm>> -> memref<256xi32, #tpu.memory_space<hbm>>
      %dma_start3A_8 = tpu.memref_slice %arg3[%mul3A_2] : memref<8192xi32, #tpu.memory_space<hbm>> -> memref<256xi32, #tpu.memory_space<hbm>>
      tpu.enqueue_dma source(%dma_start3A_8 : memref<256xi32, #tpu.memory_space<hbm>>) target(%arg5 : memref<256xi32, #tpu.memory_space<vmem>>) target_semaphore(%run_scoped3A : memref<!tpu.dma_semaphore, #tpu.memory_space<semaphore_mem>>)
      %dma_wait3A_9 = tpu.memref_slice %arg3[%mul3A_2] : memref<8192xi32, #tpu.memory_space<hbm>> -> memref<256xi32, #tpu.memory_space<hbm>>
      %dma_wait3A_10 = tpu.memref_slice %arg3[%mul3A_2] : memref<8192xi32, #tpu.memory_space<hbm>> -> memref<256xi32, #tpu.memory_space<hbm>>
      tpu.wait_dma2 semaphore(%run_scoped3A : memref<!tpu.dma_semaphore, #tpu.memory_space<semaphore_mem>>) src(%dma_wait3A_10 : memref<256xi32, #tpu.memory_space<hbm>>) dst(%arg5 : memref<256xi32, #tpu.memory_space<vmem>>)
      tpu.yield
    }) : () -> ()
    %dma_start3A = arith.constant 0 : i32
    %dma_start3A_3 = arith.constant 0 : i32
    %dma_start3A_4 = tpu.memref_slice %arg2[%dma_start3A, %dma_start3A_3] : memref<8192x256xf32, #tpu.memory_space<hbm>> -> memref<8192x256xf32, #tpu.memory_space<hbm>>
    tpu.enqueue_indirect_dma source(%dma_start3A_4 : memref<8192x256xf32, #tpu.memory_space<hbm>>) target(%arg6 : memref<256x256xf32, #tpu.memory_space<vmem>>) offsets(%arg5 : memref<256xi32, #tpu.memory_space<vmem>>) semaphore(%arg7 : memref<!tpu.dma_semaphore, #tpu.memory_space<semaphore_mem>>)
    %dma_wait3A = arith.constant 0 : i32
    %dma_wait3A_5 = arith.constant 0 : i32
    %dma_wait3A_6 = tpu.memref_slice %arg2[%dma_wait3A, %dma_wait3A_5] : memref<8192x256xf32, #tpu.memory_space<hbm>> -> memref<8192x256xf32, #tpu.memory_space<hbm>>
    tpu.wait_indirect_dma semaphore(%arg7 : memref<!tpu.dma_semaphore, #tpu.memory_space<semaphore_mem>>) src(%dma_wait3A_6 : memref<8192x256xf32, #tpu.memory_space<hbm>>) dst(%arg6 : memref<256x256xf32, #tpu.memory_space<vmem>>)
    "tpu.region"() ({
      %run_scoped3A = tpu.sem_alloc : memref<!tpu.dma_semaphore, #tpu.memory_space<semaphore_mem>>
      %dma_start3A_7 = arith.constant 0 : i32
      %dma_start3A_8 = tpu.memref_slice %arg4[%mul3A_2, %dma_start3A_7] : memref<8192x256xf32, #tpu.memory_space<hbm>> -> memref<256x256xf32, #tpu.memory_space<hbm>>
      %dma_start3A_9 = arith.constant 0 : i32
      %dma_start3A_10 = tpu.memref_slice %arg4[%mul3A_2, %dma_start3A_9] : memref<8192x256xf32, #tpu.memory_space<hbm>> -> memref<256x256xf32, #tpu.memory_space<hbm>>
      tpu.enqueue_dma source(%arg6 : memref<256x256xf32, #tpu.memory_space<vmem>>) target(%dma_start3A_10 : memref<256x256xf32, #tpu.memory_space<hbm>>) target_semaphore(%run_scoped3A : memref<!tpu.dma_semaphore, #tpu.memory_space<semaphore_mem>>)
      %dma_wait3A_11 = arith.constant 0 : i32
      %dma_wait3A_12 = tpu.memref_slice %arg4[%mul3A_2, %dma_wait3A_11] : memref<8192x256xf32, #tpu.memory_space<hbm>> -> memref<256x256xf32, #tpu.memory_space<hbm>>
      %dma_wait3A_13 = arith.constant 0 : i32
      %dma_wait3A_14 = tpu.memref_slice %arg4[%mul3A_2, %dma_wait3A_13] : memref<8192x256xf32, #tpu.memory_space<hbm>> -> memref<256x256xf32, #tpu.memory_space<hbm>>
      tpu.wait_dma2 semaphore(%run_scoped3A : memref<!tpu.dma_semaphore, #tpu.memory_space<semaphore_mem>>) src(%arg6 : memref<256x256xf32, #tpu.memory_space<vmem>>) dst(%dma_wait3A_14 : memref<256x256xf32, #tpu.memory_space<hbm>>)
      tpu.yield
    }) : () -> ()
    return
  }
}

#map = affine_map<(d0, d1) -> (0, 0)>
#map1 = affine_map<(d0, d1) -> (0)>
module attributes {stable_mosaic.version = 14 : i64} {
  func.func @gather(%arg0: i32, %arg1: i32, %arg2: memref<8192x256xf32, #tpu.memory_space<hbm>>, %arg3: memref<8192xi32, #tpu.memory_space<hbm>>, %arg4: memref<8192x256xf32, #tpu.memory_space<hbm>>, %arg5: memref<256xi32, #tpu.memory_space<vmem>>, %arg6: memref<256x256xf32, #tpu.memory_space<vmem>>, %arg7: memref<!tpu.dma_semaphore, #tpu.memory_space<semaphore_mem>>) attributes {dimension_semantics = [#tpu.dimension_semantics<core_parallel>, #tpu.dimension_semantics<subcore_parallel>], iteration_bounds = array<i64: 2, 16>, scalar_prefetch = 0 : i64, scratch_operands = 3 : i64, tpu.core_type = #tpu.core_type<sc_vector_subcore>, window_params = [{transform_indices = #map}, {transform_indices = #map1}, {transform_indices = #map}]} {
    %mul3A = arith.constant 2 : i32
    %mul3A_0 = arith.muli %arg1, %mul3A : i32
    %add3A = arith.addi %mul3A_0, %arg0 : i32
    %mul3A_1 = arith.constant 256 : i32
    %mul3A_2 = arith.muli %add3A, %mul3A_1 : i32
    "tpu.region"() ({
      %run_scoped3A = tpu.sem_alloc : memref<!tpu.dma_semaphore, #tpu.memory_space<semaphore_mem>>
      %dma_start3A_7 = tpu.memref_slice %arg3[%mul3A_2] : memref<8192xi32, #tpu.memory_space<hbm>> -> memref<256xi32, #tpu.memory_space<hbm>>
      %dma_start3A_8 = tpu.memref_slice %arg3[%mul3A_2] : memref<8192xi32, #tpu.memory_space<hbm>> -> memref<256xi32, #tpu.memory_space<hbm>>
      tpu.enqueue_dma source(%dma_start3A_8 : memref<256xi32, #tpu.memory_space<hbm>>) target(%arg5 : memref<256xi32, #tpu.memory_space<vmem>>) target_semaphore(%run_scoped3A : memref<!tpu.dma_semaphore, #tpu.memory_space<semaphore_mem>>)
      %dma_wait3A_9 = tpu.memref_slice %arg3[%mul3A_2] : memref<8192xi32, #tpu.memory_space<hbm>> -> memref<256xi32, #tpu.memory_space<hbm>>
      %dma_wait3A_10 = tpu.memref_slice %arg3[%mul3A_2] : memref<8192xi32, #tpu.memory_space<hbm>> -> memref<256xi32, #tpu.memory_space<hbm>>
      tpu.wait_dma2 semaphore(%run_scoped3A : memref<!tpu.dma_semaphore, #tpu.memory_space<semaphore_mem>>) src(%dma_wait3A_10 : memref<256xi32, #tpu.memory_space<hbm>>) dst(%arg5 : memref<256xi32, #tpu.memory_space<vmem>>)
      tpu.yield
    }) : () -> ()
    %dma_start3A = arith.constant 0 : i32
    %dma_start3A_3 = arith.constant 0 : i32
    %dma_start3A_4 = tpu.memref_slice %arg2[%dma_start3A, %dma_start3A_3] : memref<8192x256xf32, #tpu.memory_space<hbm>> -> memref<8192x256xf32, #tpu.memory_space<hbm>>
    tpu.enqueue_indirect_dma source(%dma_start3A_4 : memref<8192x256xf32, #tpu.memory_space<hbm>>) target(%arg6 : memref<256x256xf32, #tpu.memory_space<vmem>>) offsets(%arg5 : memref<256xi32, #tpu.memory_space<vmem>>) semaphore(%arg7 : memref<!tpu.dma_semaphore, #tpu.memory_space<semaphore_mem>>)
    %dma_wait3A = arith.constant 0 : i32
    %dma_wait3A_5 = arith.constant 0 : i32
    %dma_wait3A_6 = tpu.memref_slice %arg2[%dma_wait3A, %dma_wait3A_5] : memref<8192x256xf32, #tpu.memory_space<hbm>> -> memref<8192x256xf32, #tpu.memory_space<hbm>>
    tpu.wait_indirect_dma semaphore(%arg7 : memref<!tpu.dma_semaphore, #tpu.memory_space<semaphore_mem>>) src(%dma_wait3A_6 : memref<8192x256xf32, #tpu.memory_space<hbm>>) dst(%arg6 : memref<256x256xf32, #tpu.memory_space<vmem>>)
    "tpu.region"() ({
      %run_scoped3A = tpu.sem_alloc : memref<!tpu.dma_semaphore, #tpu.memory_space<semaphore_mem>>
      %dma_start3A_7 = arith.constant 0 : i32
      %dma_start3A_8 = tpu.memref_slice %arg4[%mul3A_2, %dma_start3A_7] : memref<8192x256xf32, #tpu.memory_space<hbm>> -> memref<256x256xf32, #tpu.memory_space<hbm>>
      %dma_start3A_9 = arith.constant 0 : i32
      %dma_start3A_10 = tpu.memref_slice %arg4[%mul3A_2, %dma_start3A_9] : memref<8192x256xf32, #tpu.memory_space<hbm>> -> memref<256x256xf32, #tpu.memory_space<hbm>>
      tpu.enqueue_dma source(%arg6 : memref<256x256xf32, #tpu.memory_space<vmem>>) target(%dma_start3A_10 : memref<256x256xf32, #tpu.memory_space<hbm>>) target_semaphore(%run_scoped3A : memref<!tpu.dma_semaphore, #tpu.memory_space<semaphore_mem>>)
      %dma_wait3A_11 = arith.constant 0 : i32
      %dma_wait3A_12 = tpu.memref_slice %arg4[%mul3A_2, %dma_wait3A_11] : memref<8192x256xf32, #tpu.memory_space<hbm>> -> memref<256x256xf32, #tpu.memory_space<hbm>>
      %dma_wait3A_13 = arith.constant 0 : i32
      %dma_wait3A_14 = tpu.memref_slice %arg4[%mul3A_2, %dma_wait3A_13] : memref<8192x256xf32, #tpu.memory_space<hbm>> -> memref<256x256xf32, #tpu.memory_space<hbm>>
      tpu.wait_dma2 semaphore(%run_scoped3A : memref<!tpu.dma_semaphore, #tpu.memory_space<semaphore_mem>>) src(%arg6 : memref<256x256xf32, #tpu.memory_space<vmem>>) dst(%dma_wait3A_14 : memref<256x256xf32, #tpu.memory_space<hbm>>)
      tpu.yield
    }) : () -> ()
    return
  }
}

#map = affine_map<(d0, d1) -> (0, 0)>
#map1 = affine_map<(d0, d1) -> (0)>
module attributes {stable_mosaic.version = 14 : i64} {
  func.func @gather(%arg0: i32, %arg1: i32, %arg2: memref<8192x256xf32, #tpu.memory_space<hbm>>, %arg3: memref<8192xi32, #tpu.memory_space<hbm>>, %arg4: memref<8192x256xf32, #tpu.memory_space<hbm>>, %arg5: memref<256xi32, #tpu.memory_space<vmem>>, %arg6: memref<256x256xf32, #tpu.memory_space<vmem>>, %arg7: memref<!tpu.dma_semaphore, #tpu.memory_space<semaphore_mem>>) attributes {dimension_semantics = [#tpu.dimension_semantics<core_parallel>, #tpu.dimension_semantics<subcore_parallel>], iteration_bounds = array<i64: 2, 16>, scalar_prefetch = 0 : i64, scratch_operands = 3 : i64, tpu.core_type = #tpu.core_type<sc_vector_subcore>, window_params = [{transform_indices = #map}, {transform_indices = #map1}, {transform_indices = #map}]} {
    %mul3A = arith.constant 2 : i32
    %mul3A_0 = arith.muli %arg1, %mul3A : i32
    %add3A = arith.addi %mul3A_0, %arg0 : i32
    %mul3A_1 = arith.constant 256 : i32
    %mul3A_2 = arith.muli %add3A, %mul3A_1 : i32
    "tpu.region"() ({
      %run_scoped3A = tpu.sem_alloc : memref<!tpu.dma_semaphore, #tpu.memory_space<semaphore_mem>>
      %dma_start3A_7 = tpu.memref_slice %arg3[%mul3A_2] : memref<8192xi32, #tpu.memory_space<hbm>> -> memref<256xi32, #tpu.memory_space<hbm>>
      %dma_start3A_8 = tpu.memref_slice %arg3[%mul3A_2] : memref<8192xi32, #tpu.memory_space<hbm>> -> memref<256xi32, #tpu.memory_space<hbm>>
      tpu.enqueue_dma source(%dma_start3A_8 : memref<256xi32, #tpu.memory_space<hbm>>) target(%arg5 : memref<256xi32, #tpu.memory_space<vmem>>) target_semaphore(%run_scoped3A : memref<!tpu.dma_semaphore, #tpu.memory_space<semaphore_mem>>)
      %dma_wait3A_9 = tpu.memref_slice %arg3[%mul3A_2] : memref<8192xi32, #tpu.memory_space<hbm>> -> memref<256xi32, #tpu.memory_space<hbm>>
      %dma_wait3A_10 = tpu.memref_slice %arg3[%mul3A_2] : memref<8192xi32, #tpu.memory_space<hbm>> -> memref<256xi32, #tpu.memory_space<hbm>>
      tpu.wait_dma2 semaphore(%run_scoped3A : memref<!tpu.dma_semaphore, #tpu.memory_space<semaphore_mem>>) src(%dma_wait3A_10 : memref<256xi32, #tpu.memory_space<hbm>>) dst(%arg5 : memref<256xi32, #tpu.memory_space<vmem>>)
      tpu.yield
    }) : () -> ()
    %dma_start3A = arith.constant 0 : i32
    %dma_start3A_3 = arith.constant 0 : i32
    %dma_start3A_4 = tpu.memref_slice %arg2[%dma_start3A, %dma_start3A_3] : memref<8192x256xf32, #tpu.memory_space<hbm>> -> memref<8192x256xf32, #tpu.memory_space<hbm>>
    tpu.enqueue_indirect_dma source(%dma_start3A_4 : memref<8192x256xf32, #tpu.memory_space<hbm>>) target(%arg6 : memref<256x256xf32, #tpu.memory_space<vmem>>) offsets(%arg5 : memref<256xi32, #tpu.memory_space<vmem>>) semaphore(%arg7 : memref<!tpu.dma_semaphore, #tpu.memory_space<semaphore_mem>>)
    %dma_wait3A = arith.constant 0 : i32
    %dma_wait3A_5 = arith.constant 0 : i32
    %dma_wait3A_6 = tpu.memref_slice %arg2[%dma_wait3A, %dma_wait3A_5] : memref<8192x256xf32, #tpu.memory_space<hbm>> -> memref<8192x256xf32, #tpu.memory_space<hbm>>
    tpu.wait_indirect_dma semaphore(%arg7 : memref<!tpu.dma_semaphore, #tpu.memory_space<semaphore_mem>>) src(%dma_wait3A_6 : memref<8192x256xf32, #tpu.memory_space<hbm>>) dst(%arg6 : memref<256x256xf32, #tpu.memory_space<vmem>>)
    "tpu.region"() ({
      %run_scoped3A = tpu.sem_alloc : memref<!tpu.dma_semaphore, #tpu.memory_space<semaphore_mem>>
      %dma_start3A_7 = arith.constant 0 : i32
      %dma_start3A_8 = tpu.memref_slice %arg4[%mul3A_2, %dma_start3A_7] : memref<8192x256xf32, #tpu.memory_space<hbm>> -> memref<256x256xf32, #tpu.memory_space<hbm>>
      %dma_start3A_9 = arith.constant 0 : i32
      %dma_start3A_10 = tpu.memref_slice %arg4[%mul3A_2, %dma_start3A_9] : memref<8192x256xf32, #tpu.memory_space<hbm>> -> memref<256x256xf32, #tpu.memory_space<hbm>>
      tpu.enqueue_dma source(%arg6 : memref<256x256xf32, #tpu.memory_space<vmem>>) target(%dma_start3A_10 : memref<256x256xf32, #tpu.memory_space<hbm>>) target_semaphore(%run_scoped3A : memref<!tpu.dma_semaphore, #tpu.memory_space<semaphore_mem>>)
      %dma_wait3A_11 = arith.constant 0 : i32
      %dma_wait3A_12 = tpu.memref_slice %arg4[%mul3A_2, %dma_wait3A_11] : memref<8192x256xf32, #tpu.memory_space<hbm>> -> memref<256x256xf32, #tpu.memory_space<hbm>>
      %dma_wait3A_13 = arith.constant 0 : i32
      %dma_wait3A_14 = tpu.memref_slice %arg4[%mul3A_2, %dma_wait3A_13] : memref<8192x256xf32, #tpu.memory_space<hbm>> -> memref<256x256xf32, #tpu.memory_space<hbm>>
      tpu.wait_dma2 semaphore(%run_scoped3A : memref<!tpu.dma_semaphore, #tpu.memory_space<semaphore_mem>>) src(%arg6 : memref<256x256xf32, #tpu.memory_space<vmem>>) dst(%dma_wait3A_14 : memref<256x256xf32, #tpu.memory_space<hbm>>)
      tpu.yield
    }) : () -> ()
    return
  }
}

module attributes {stable_mosaic.version = 14 : i64} {
  func.func @_cbnorm_body(%arg0: i32, %arg1: i32, %arg2: memref<1x2048x256xf32, #tpu.memory_space<vmem>>, %arg3: memref<1x256x256xf32, #tpu.memory_space<vmem>>, %arg4: memref<1x2048x256xf32, #tpu.memory_space<vmem>>, %arg5: memref<1x2048x256xbf16, #tpu.memory_space<vmem>>) attributes {dimension_semantics = [#tpu.dimension_semantics<arbitrary>, #tpu.dimension_semantics<arbitrary>], iteration_bounds = array<i64: 4, 4>, scalar_prefetch = 0 : i64, scratch_operands = 0 : i64, tpu.core_type = #tpu.core_type<tc>, window_params = [{transform_indices = @transform_0, window_bounds = array<i64: 1, 2048, 256>}, {transform_indices = @transform_1, window_bounds = array<i64: 1, 256, 256>}, {transform_indices = @transform_2, window_bounds = array<i64: 1, 2048, 256>}, {transform_indices = @transform_3, window_bounds = array<i64: 1, 2048, 256>}]} {
    %get3A = arith.constant 0 : index
    %get3A_0 = arith.constant 0 : index
    %get3A_1 = arith.constant 0 : index
    %get3A_2 = vector.load %arg2[%get3A, %get3A_0, %get3A_1] : memref<1x2048x256xf32, #tpu.memory_space<vmem>>, vector<1x2048x256xf32>
    %get3A_3 = vector.shape_cast %get3A_2 : vector<1x2048x256xf32> to vector<2048x256xf32>
    %get3A_4 = arith.constant 0 : index
    %get3A_5 = arith.constant 0 : index
    %get3A_6 = arith.constant 0 : index
    %get3A_7 = vector.load %arg3[%get3A_4, %get3A_5, %get3A_6] : memref<1x256x256xf32, #tpu.memory_space<vmem>>, vector<1x256x256xf32>
    %get3A_8 = vector.shape_cast %get3A_7 : vector<1x256x256xf32> to vector<256x256xf32>
    %dot_general3A = arith.constant dense<0.000000e+00> : vector<2048x256xf32>
    %dot_general3A_9 = tpu.matmul %get3A_3, %get3A_8, %dot_general3A {dimension_numbers = #tpu.dot_dimension_numbers<[1], [1], [0], [0], [0, 0, 1, 0], [], []>, transpose_lhs_hint = false} : vector<2048x256xf32>, vector<256x256xf32>, vector<2048x256xf32> -> vector<2048x256xf32>
    %mul3A = arith.mulf %dot_general3A_9, %dot_general3A_9 : vector<2048x256xf32>
    %reduce_sum3A = arith.constant dense<0.000000e+00> : vector<2048xf32>
    %reduce_sum3A_10 = vector.multi_reduction <add>, %mul3A, %reduce_sum3A [1] : vector<2048x256xf32> to vector<2048xf32>
    %broadcast_in_dim3A = vector.shape_cast %reduce_sum3A_10 : vector<2048xf32> to vector<2048x1xf32>
    %sqrt3A = math.sqrt %broadcast_in_dim3A : vector<2048x1xf32>
    %max3A = arith.constant 9.99999996E-13 : f32
    %max3A_11 = vector.broadcast %max3A : f32 to vector<2048x1xf32>
    %max3A_12 = arith.maximumf %sqrt3A, %max3A_11 : vector<2048x1xf32>
    %div3A = vector.broadcast %max3A_12 : vector<2048x1xf32> to vector<2048x256xf32>
    %div3A_13 = arith.divf %dot_general3A_9, %div3A : vector<2048x256xf32>
    %swap3A = arith.constant 0 : index
    %swap3A_14 = arith.constant 0 : index
    %swap3A_15 = arith.constant 0 : index
    %swap3A_16 = vector.load %arg4[%swap3A, %swap3A_14, %swap3A_15] : memref<1x2048x256xf32, #tpu.memory_space<vmem>>, vector<1x2048x256xf32>
    %swap3A_17 = vector.shape_cast %swap3A_16 : vector<1x2048x256xf32> to vector<2048x256xf32>
    %swap3A_18 = vector.shape_cast %div3A_13 : vector<2048x256xf32> to vector<1x2048x256xf32>
    tpu.vector_store %arg4[%swap3A, %swap3A_14, %swap3A_15], %swap3A_18 {strides = array<i32>} : memref<1x2048x256xf32, #tpu.memory_space<vmem>>, vector<1x2048x256xf32>,
    %convert_element_type3A = arith.truncf %div3A_13 : vector<2048x256xf32> to vector<2048x256xbf16>
    %swap3A_19 = arith.constant 0 : index
    %swap3A_20 = arith.constant 0 : index
    %swap3A_21 = arith.constant 0 : index
    %swap3A_22 = vector.load %arg5[%swap3A_19, %swap3A_20, %swap3A_21] : memref<1x2048x256xbf16, #tpu.memory_space<vmem>>, vector<1x2048x256xbf16>
    %swap3A_23 = vector.shape_cast %swap3A_22 : vector<1x2048x256xbf16> to vector<2048x256xbf16>
    %swap3A_24 = vector.shape_cast %convert_element_type3A : vector<2048x256xbf16> to vector<1x2048x256xbf16>
    tpu.vector_store %arg5[%swap3A_19, %swap3A_20, %swap3A_21], %swap3A_24 {strides = array<i32>} : memref<1x2048x256xbf16, #tpu.memory_space<vmem>>, vector<1x2048x256xbf16>,
    return
  }
  func.func @transform_0(%arg0: i32, %arg1: i32) -> (i32, i32, i32) {
    %c0_i32 = arith.constant 0 : i32
    %c0_i32_0 = arith.constant 0 : i32
    return %arg0, %arg1, %c0_i32 : i32, i32, i32
  }
  func.func @transform_1(%arg0: i32, %arg1: i32) -> (i32, i32, i32) {
    %c0_i32 = arith.constant 0 : i32
    %c0_i32_0 = arith.constant 0 : i32
    %c0_i32_1 = arith.constant 0 : i32
    return %arg0, %c0_i32, %c0_i32_0 : i32, i32, i32
  }
  func.func @transform_2(%arg0: i32, %arg1: i32) -> (i32, i32, i32) {
    %c0_i32 = arith.constant 0 : i32
    %c0_i32_0 = arith.constant 0 : i32
    return %arg0, %arg1, %c0_i32 : i32, i32, i32
  }
  func.func @transform_3(%arg0: i32, %arg1: i32) -> (i32, i32, i32) {
    %c0_i32 = arith.constant 0 : i32
    %c0_i32_0 = arith.constant 0 : i32
    return %arg0, %arg1, %c0_i32 : i32, i32, i32
  }
}

module attributes {stable_mosaic.version = 14 : i64} {
  func.func @_simargmax_body(%arg0: i32, %arg1: i32, %arg2: memref<4096x256xf32, #tpu.memory_space<vmem>>, %arg3: memref<1024x256xbf16, #tpu.memory_space<vmem>>, %arg4: memref<4096xi32, #tpu.memory_space<vmem>>, %arg5: memref<8x4096xf32, #tpu.memory_space<vmem>>, %arg6: memref<8x4096xi32, #tpu.memory_space<vmem>>, %arg7: memref<256x4096xbf16, #tpu.memory_space<vmem>>) attributes {dimension_semantics = [#tpu.dimension_semantics<arbitrary>, #tpu.dimension_semantics<arbitrary>], iteration_bounds = array<i64: 2, 8>, scalar_prefetch = 0 : i64, scratch_operands = 3 : i64, tpu.core_type = #tpu.core_type<tc>, window_params = [{transform_indices = @transform_0, window_bounds = array<i64: 4096, 256>}, {transform_indices = @transform_1, window_bounds = array<i64: 1024, 256>}, {transform_indices = @transform_2, window_bounds = array<i64: 4096>}]} {
    %eq3A = arith.constant 0 : i32
    %eq3A_0 = arith.cmpi eq, %arg1, %eq3A : i32
    %convert_element_type3A = arith.extui %eq3A_0 : i1 to i32
    %cond3A = arith.constant 0 : i32
    %cond3A_1 = arith.cmpi ne, %convert_element_type3A, %cond3A : i32
    scf.if %cond3A_1 {
      %get3A_1170 = arith.constant 0 : index
      %get3A_1171 = arith.constant 0 : index
      %get3A_1172 = vector.load %arg2[%get3A_1170, %get3A_1171] : memref<4096x256xf32, #tpu.memory_space<vmem>>, vector<4096x256xf32>
      %mul3A_1173 = arith.mulf %get3A_1172, %get3A_1172 : vector<4096x256xf32>
      %reduce_sum3A = arith.constant dense<0.000000e+00> : vector<4096xf32>
      %reduce_sum3A_1174 = vector.multi_reduction <add>, %mul3A_1173, %reduce_sum3A [1] : vector<4096x256xf32> to vector<4096xf32>
      %broadcast_in_dim3A_1175 = vector.shape_cast %reduce_sum3A_1174 : vector<4096xf32> to vector<4096x1xf32>
      %sqrt3A = math.sqrt %broadcast_in_dim3A_1175 : vector<4096x1xf32>
      %max3A = arith.constant 9.99999996E-13 : f32
      %max3A_1176 = vector.broadcast %max3A : f32 to vector<4096x1xf32>
      %max3A_1177 = arith.maximumf %sqrt3A, %max3A_1176 : vector<4096x1xf32>
      %div3A = vector.broadcast %max3A_1177 : vector<4096x1xf32> to vector<4096x256xf32>
      %div3A_1178 = arith.divf %get3A_1172, %div3A : vector<4096x256xf32>
      %transpose3A = tpu.transpose %div3A_1178, [1, 0] : vector<4096x256xf32> -> vector<256x4096xf32>
      %convert_element_type3A_1179 = arith.truncf %transpose3A : vector<256x4096xf32> to vector<256x4096xbf16>
      %swap3A_1180 = arith.constant 0 : index
      %swap3A_1181 = arith.constant 0 : index
      %swap3A_1182 = vector.load %arg7[%swap3A_1180, %swap3A_1181] : memref<256x4096xbf16, #tpu.memory_space<vmem>>, vector<256x4096xbf16>
      tpu.vector_store %arg7[%swap3A_1180, %swap3A_1181], %convert_element_type3A_1179 {strides = array<i32>} : memref<256x4096xbf16, #tpu.memory_space<vmem>>, vector<256x4096xbf16>,
      %broadcast_in_dim3A_1183 = arith.constant 0xFF800000 : f32
      %broadcast_in_dim3A_1184 = vector.broadcast %broadcast_in_dim3A_1183 : f32 to vector<8x4096xf32>
      %swap3A_1185 = arith.constant 0 : index
      %swap3A_1186 = arith.constant 0 : index
      %swap3A_1187 = vector.load %arg5[%swap3A_1185, %swap3A_1186] : memref<8x4096xf32, #tpu.memory_space<vmem>>, vector<8x4096xf32>
      tpu.vector_store %arg5[%swap3A_1185, %swap3A_1186], %broadcast_in_dim3A_1184 {strides = array<i32>} : memref<8x4096xf32, #tpu.memory_space<vmem>>, vector<8x4096xf32>,
      %broadcast_in_dim3A_1188 = arith.constant 0 : i32
      %broadcast_in_dim3A_1189 = vector.broadcast %broadcast_in_dim3A_1188 : i32 to vector<8x4096xi32>
      %swap3A_1190 = arith.constant 0 : index
      %swap3A_1191 = arith.constant 0 : index
      %swap3A_1192 = vector.load %arg6[%swap3A_1190, %swap3A_1191] : memref<8x4096xi32, #tpu.memory_space<vmem>>, vector<8x4096xi32>
      tpu.vector_store %arg6[%swap3A_1190, %swap3A_1191], %broadcast_in_dim3A_1189 {strides = array<i32>} : memref<8x4096xi32, #tpu.memory_space<vmem>>, vector<8x4096xi32>,
    } else {
    }
    %get3A = arith.constant 0 : index
    %get3A_2 = arith.constant 0 : index
    %get3A_3 = vector.load %arg3[%get3A, %get3A_2] : memref<1024x256xbf16, #tpu.memory_space<vmem>>, vector<1024x256xbf16>
    %get3A_4 = arith.constant 0 : index
    %get3A_5 = arith.constant 0 : index
    %get3A_6 = vector.load %arg7[%get3A_4, %get3A_5] : memref<256x4096xbf16, #tpu.memory_space<vmem>>, vector<256x4096xbf16>
    %dot_general3A = arith.constant dense<0.000000e+00> : vector<1024x4096xf32>
    %dot_general3A_7 = tpu.matmul %get3A_3, %get3A_6, %dot_general3A {dimension_numbers = #tpu.dot_dimension_numbers<[1], [0], [0], [1], [0, 0, 1, 1], [], []>, transpose_lhs_hint = false} : vector<1024x256xbf16>, vector<256x4096xbf16>, vector<1024x4096xf32> -> vector<1024x4096xf32>
    %get3A_8 = arith.constant 0 : index
    %get3A_9 = arith.constant 0 : index
    %get3A_10 = vector.load %arg5[%get3A_8, %get3A_9] : memref<8x4096xf32, #tpu.memory_space<vmem>>, vector<8x4096xf32>
    %get3A_11 = arith.constant 0 : index
    %get3A_12 = arith.constant 0 : index
    %get3A_13 = vector.load %arg6[%get3A_11, %get3A_12] : memref<8x4096xi32, #tpu.memory_space<vmem>>, vector<8x4096xi32>
    %slice3A = vector.extract_strided_slice %dot_general3A_7 {offsets = [0, 0], sizes = [8, 4096], strides = [1, 1]} : vector<1024x4096xf32> to vector<8x4096xf32>
    %gt3A = arith.cmpf ogt, %slice3A, %get3A_10 : vector<8x4096xf32>
    %select_n3A = arith.select %gt3A, %slice3A, %get3A_10 : vector<8x4096xi1>, vector<8x4096xf32>
    %mul3A = arith.constant 128 : i32
    %mul3A_14 = arith.muli %arg1, %mul3A : i32
    %add3A = arith.constant 0 : i32
    %add3A_15 = arith.addi %mul3A_14, %add3A : i32
    %broadcast_in_dim3A = vector.broadcast %add3A_15 : i32 to vector<8x4096xi32>
    %select_n3A_16 = arith.select %gt3A, %broadcast_in_dim3A, %get3A_13 : vector<8x4096xi1>, vector<8x4096xi32>
    %slice3A_17 = vector.extract_strided_slice %dot_general3A_7 {offsets = [8, 0], sizes = [8, 4096], strides = [1, 1]} : vector<1024x4096xf32> to vector<8x4096xf32>
    %gt3A_18 = arith.cmpf ogt, %slice3A_17, %select_n3A : vector<8x4096xf32>
    %select_n3A_19 = arith.select %gt3A_18, %slice3A_17, %select_n3A : vector<8x4096xi1>, vector<8x4096xf32>
    %mul3A_20 = arith.constant 128 : i32
    %mul3A_21 = arith.muli %arg1, %mul3A_20 : i32
    %add3A_22 = arith.constant 1 : i32
    %add3A_23 = arith.addi %mul3A_21, %add3A_22 : i32
    %broadcast_in_dim3A_24 = vector.broadcast %add3A_23 : i32 to vector<8x4096xi32>
    %select_n3A_25 = arith.select %gt3A_18, %broadcast_in_dim3A_24, %select_n3A_16 : vector<8x4096xi1>, vector<8x4096xi32>
    %slice3A_26 = vector.extract_strided_slice %dot_general3A_7 {offsets = [16, 0], sizes = [8, 4096], strides = [1, 1]} : vector<1024x4096xf32> to vector<8x4096xf32>
    %gt3A_27 = arith.cmpf ogt, %slice3A_26, %select_n3A_19 : vector<8x4096xf32>
    %select_n3A_28 = arith.select %gt3A_27, %slice3A_26, %select_n3A_19 : vector<8x4096xi1>, vector<8x4096xf32>
    %mul3A_29 = arith.constant 128 : i32
    %mul3A_30 = arith.muli %arg1, %mul3A_29 : i32
    %add3A_31 = arith.constant 2 : i32
    %add3A_32 = arith.addi %mul3A_30, %add3A_31 : i32
    %broadcast_in_dim3A_33 = vector.broadcast %add3A_32 : i32 to vector<8x4096xi32>
    %select_n3A_34 = arith.select %gt3A_27, %broadcast_in_dim3A_33, %select_n3A_25 : vector<8x4096xi1>, vector<8x4096xi32>
    %slice3A_35 = vector.extract_strided_slice %dot_general3A_7 {offsets = [24, 0], sizes = [8, 4096], strides = [1, 1]} : vector<1024x4096xf32> to vector<8x4096xf32>
    %gt3A_36 = arith.cmpf ogt, %slice3A_35, %select_n3A_28 : vector<8x4096xf32>
    %select_n3A_37 = arith.select %gt3A_36, %slice3A_35, %select_n3A_28 : vector<8x4096xi1>, vector<8x4096xf32>
    %mul3A_38 = arith.constant 128 : i32
    %mul3A_39 = arith.muli %arg1, %mul3A_38 : i32
    %add3A_40 = arith.constant 3 : i32
    %add3A_41 = arith.addi %mul3A_39, %add3A_40 : i32
    %broadcast_in_dim3A_42 = vector.broadcast %add3A_41 : i32 to vector<8x4096xi32>
    %select_n3A_43 = arith.select %gt3A_36, %broadcast_in_dim3A_42, %select_n3A_34 : vector<8x4096xi1>, vector<8x4096xi32>
    %slice3A_44 = vector.extract_strided_slice %dot_general3A_7 {offsets = [32, 0], sizes = [8, 4096], strides = [1, 1]} : vector<1024x4096xf32> to vector<8x4096xf32>
    %gt3A_45 = arith.cmpf ogt, %slice3A_44, %select_n3A_37 : vector<8x4096xf32>
    %select_n3A_46 = arith.select %gt3A_45, %slice3A_44, %select_n3A_37 : vector<8x4096xi1>, vector<8x4096xf32>
    %mul3A_47 = arith.constant 128 : i32
    %mul3A_48 = arith.muli %arg1, %mul3A_47 : i32
    %add3A_49 = arith.constant 4 : i32
    %add3A_50 = arith.addi %mul3A_48, %add3A_49 : i32
    %broadcast_in_dim3A_51 = vector.broadcast %add3A_50 : i32 to vector<8x4096xi32>
    %select_n3A_52 = arith.select %gt3A_45, %broadcast_in_dim3A_51, %select_n3A_43 : vector<8x4096xi1>, vector<8x4096xi32>
    %slice3A_53 = vector.extract_strided_slice %dot_general3A_7 {offsets = [40, 0], sizes = [8, 4096], strides = [1, 1]} : vector<1024x4096xf32> to vector<8x4096xf32>
    %gt3A_54 = arith.cmpf ogt, %slice3A_53, %select_n3A_46 : vector<8x4096xf32>
    %select_n3A_55 = arith.select %gt3A_54, %slice3A_53, %select_n3A_46 : vector<8x4096xi1>, vector<8x4096xf32>
    %mul3A_56 = arith.constant 128 : i32
    %mul3A_57 = arith.muli %arg1, %mul3A_56 : i32
    %add3A_58 = arith.constant 5 : i32
    %add3A_59 = arith.addi %mul3A_57, %add3A_58 : i32
    %broadcast_in_dim3A_60 = vector.broadcast %add3A_59 : i32 to vector<8x4096xi32>
    %select_n3A_61 = arith.select %gt3A_54, %broadcast_in_dim3A_60, %select_n3A_52 : vector<8x4096xi1>, vector<8x4096xi32>
    %slice3A_62 = vector.extract_strided_slice %dot_general3A_7 {offsets = [48, 0], sizes = [8, 4096], strides = [1, 1]} : vector<1024x4096xf32> to vector<8x4096xf32>
    %gt3A_63 = arith.cmpf ogt, %slice3A_62, %select_n3A_55 : vector<8x4096xf32>
    %select_n3A_64 = arith.select %gt3A_63, %slice3A_62, %select_n3A_55 : vector<8x4096xi1>, vector<8x4096xf32>
    %mul3A_65 = arith.constant 128 : i32
    %mul3A_66 = arith.muli %arg1, %mul3A_65 : i32
    %add3A_67 = arith.constant 6 : i32
    %add3A_68 = arith.addi %mul3A_66, %add3A_67 : i32
    %broadcast_in_dim3A_69 = vector.broadcast %add3A_68 : i32 to vector<8x4096xi32>
    %select_n3A_70 = arith.select %gt3A_63, %broadcast_in_dim3A_69, %select_n3A_61 : vector<8x4096xi1>, vector<8x4096xi32>
    %slice3A_71 = vector.extract_strided_slice %dot_general3A_7 {offsets = [56, 0], sizes = [8, 4096], strides = [1, 1]} : vector<1024x4096xf32> to vector<8x4096xf32>
    %gt3A_72 = arith.cmpf ogt, %slice3A_71, %select_n3A_64 : vector<8x4096xf32>
    %select_n3A_73 = arith.select %gt3A_72, %slice3A_71, %select_n3A_64 : vector<8x4096xi1>, vector<8x4096xf32>
    %mul3A_74 = arith.constant 128 : i32
    %mul3A_75 = arith.muli %arg1, %mul3A_74 : i32
    %add3A_76 = arith.constant 7 : i32
    %add3A_77 = arith.addi %mul3A_75, %add3A_76 : i32
    %broadcast_in_dim3A_78 = vector.broadcast %add3A_77 : i32 to vector<8x4096xi32>
    %select_n3A_79 = arith.select %gt3A_72, %broadcast_in_dim3A_78, %select_n3A_70 : vector<8x4096xi1>, vector<8x4096xi32>
    %slice3A_80 = vector.extract_strided_slice %dot_general3A_7 {offsets = [64, 0], sizes = [8, 4096], strides = [1, 1]} : vector<1024x4096xf32> to vector<8x4096xf32>
    %gt3A_81 = arith.cmpf ogt, %slice3A_80, %select_n3A_73 : vector<8x4096xf32>
    %select_n3A_82 = arith.select %gt3A_81, %slice3A_80, %select_n3A_73 : vector<8x4096xi1>, vector<8x4096xf32>
    %mul3A_83 = arith.constant 128 : i32
    %mul3A_84 = arith.muli %arg1, %mul3A_83 : i32
    %add3A_85 = arith.constant 8 : i32
    %add3A_86 = arith.addi %mul3A_84, %add3A_85 : i32
    %broadcast_in_dim3A_87 = vector.broadcast %add3A_86 : i32 to vector<8x4096xi32>
    %select_n3A_88 = arith.select %gt3A_81, %broadcast_in_dim3A_87, %select_n3A_79 : vector<8x4096xi1>, vector<8x4096xi32>
    %slice3A_89 = vector.extract_strided_slice %dot_general3A_7 {offsets = [72, 0], sizes = [8, 4096], strides = [1, 1]} : vector<1024x4096xf32> to vector<8x4096xf32>
    %gt3A_90 = arith.cmpf ogt, %slice3A_89, %select_n3A_82 : vector<8x4096xf32>
    %select_n3A_91 = arith.select %gt3A_90, %slice3A_89, %select_n3A_82 : vector<8x4096xi1>, vector<8x4096xf32>
    %mul3A_92 = arith.constant 128 : i32
    %mul3A_93 = arith.muli %arg1, %mul3A_92 : i32
    %add3A_94 = arith.constant 9 : i32
    %add3A_95 = arith.addi %mul3A_93, %add3A_94 : i32
    %broadcast_in_dim3A_96 = vector.broadcast %add3A_95 : i32 to vector<8x4096xi32>
    %select_n3A_97 = arith.select %gt3A_90, %broadcast_in_dim3A_96, %select_n3A_88 : vector<8x4096xi1>, vector<8x4096xi32>
    %slice3A_98 = vector.extract_strided_slice %dot_general3A_7 {offsets = [80, 0], sizes = [8, 4096], strides = [1, 1]} : vector<1024x4096xf32> to vector<8x4096xf32>
    %gt3A_99 = arith.cmpf ogt, %slice3A_98, %select_n3A_91 : vector<8x4096xf32>
    %select_n3A_100 = arith.select %gt3A_99, %slice3A_98, %select_n3A_91 : vector<8x4096xi1>, vector<8x4096xf32>
    %mul3A_101 = arith.constant 128 : i32
    %mul3A_102 = arith.muli %arg1, %mul3A_101 : i32
    %add3A_103 = arith.constant 10 : i32
    %add3A_104 = arith.addi %mul3A_102, %add3A_103 : i32
    %broadcast_in_dim3A_105 = vector.broadcast %add3A_104 : i32 to vector<8x4096xi32>
    %select_n3A_106 = arith.select %gt3A_99, %broadcast_in_dim3A_105, %select_n3A_97 : vector<8x4096xi1>, vector<8x4096xi32>
    %slice3A_107 = vector.extract_strided_slice %dot_general3A_7 {offsets = [88, 0], sizes = [8, 4096], strides = [1, 1]} : vector<1024x4096xf32> to vector<8x4096xf32>
    %gt3A_108 = arith.cmpf ogt, %slice3A_107, %select_n3A_100 : vector<8x4096xf32>
    %select_n3A_109 = arith.select %gt3A_108, %slice3A_107, %select_n3A_100 : vector<8x4096xi1>, vector<8x4096xf32>
    %mul3A_110 = arith.constant 128 : i32
    %mul3A_111 = arith.muli %arg1, %mul3A_110 : i32
    %add3A_112 = arith.constant 11 : i32
    %add3A_113 = arith.addi %mul3A_111, %add3A_112 : i32
    %broadcast_in_dim3A_114 = vector.broadcast %add3A_113 : i32 to vector<8x4096xi32>
    %select_n3A_115 = arith.select %gt3A_108, %broadcast_in_dim3A_114, %select_n3A_106 : vector<8x4096xi1>, vector<8x4096xi32>
    %slice3A_116 = vector.extract_strided_slice %dot_general3A_7 {offsets = [96, 0], sizes = [8, 4096], strides = [1, 1]} : vector<1024x4096xf32> to vector<8x4096xf32>
    %gt3A_117 = arith.cmpf ogt, %slice3A_116, %select_n3A_109 : vector<8x4096xf32>
    %select_n3A_118 = arith.select %gt3A_117, %slice3A_116, %select_n3A_109 : vector<8x4096xi1>, vector<8x4096xf32>
    %mul3A_119 = arith.constant 128 : i32
    %mul3A_120 = arith.muli %arg1, %mul3A_119 : i32
    %add3A_121 = arith.constant 12 : i32
    %add3A_122 = arith.addi %mul3A_120, %add3A_121 : i32
    %broadcast_in_dim3A_123 = vector.broadcast %add3A_122 : i32 to vector<8x4096xi32>
    %select_n3A_124 = arith.select %gt3A_117, %broadcast_in_dim3A_123, %select_n3A_115 : vector<8x4096xi1>, vector<8x4096xi32>
    %slice3A_125 = vector.extract_strided_slice %dot_general3A_7 {offsets = [104, 0], sizes = [8, 4096], strides = [1, 1]} : vector<1024x4096xf32> to vector<8x4096xf32>
    %gt3A_126 = arith.cmpf ogt, %slice3A_125, %select_n3A_118 : vector<8x4096xf32>
    %select_n3A_127 = arith.select %gt3A_126, %slice3A_125, %select_n3A_118 : vector<8x4096xi1>, vector<8x4096xf32>
    %mul3A_128 = arith.constant 128 : i32
    %mul3A_129 = arith.muli %arg1, %mul3A_128 : i32
    %add3A_130 = arith.constant 13 : i32
    %add3A_131 = arith.addi %mul3A_129, %add3A_130 : i32
    %broadcast_in_dim3A_132 = vector.broadcast %add3A_131 : i32 to vector<8x4096xi32>
    %select_n3A_133 = arith.select %gt3A_126, %broadcast_in_dim3A_132, %select_n3A_124 : vector<8x4096xi1>, vector<8x4096xi32>
    %slice3A_134 = vector.extract_strided_slice %dot_general3A_7 {offsets = [112, 0], sizes = [8, 4096], strides = [1, 1]} : vector<1024x4096xf32> to vector<8x4096xf32>
    %gt3A_135 = arith.cmpf ogt, %slice3A_134, %select_n3A_127 : vector<8x4096xf32>
    %select_n3A_136 = arith.select %gt3A_135, %slice3A_134, %select_n3A_127 : vector<8x4096xi1>, vector<8x4096xf32>
    %mul3A_137 = arith.constant 128 : i32
    %mul3A_138 = arith.muli %arg1, %mul3A_137 : i32
    %add3A_139 = arith.constant 14 : i32
    %add3A_140 = arith.addi %mul3A_138, %add3A_139 : i32
    %broadcast_in_dim3A_141 = vector.broadcast %add3A_140 : i32 to vector<8x4096xi32>
    %select_n3A_142 = arith.select %gt3A_135, %broadcast_in_dim3A_141, %select_n3A_133 : vector<8x4096xi1>, vector<8x4096xi32>
    %slice3A_143 = vector.extract_strided_slice %dot_general3A_7 {offsets = [120, 0], sizes = [8, 4096], strides = [1, 1]} : vector<1024x4096xf32> to vector<8x4096xf32>
    %gt3A_144 = arith.cmpf ogt, %slice3A_143, %select_n3A_136 : vector<8x4096xf32>
    %select_n3A_145 = arith.select %gt3A_144, %slice3A_143, %select_n3A_136 : vector<8x4096xi1>, vector<8x4096xf32>
    %mul3A_146 = arith.constant 128 : i32
    %mul3A_147 = arith.muli %arg1, %mul3A_146 : i32
    %add3A_148 = arith.constant 15 : i32
    %add3A_149 = arith.addi %mul3A_147, %add3A_148 : i32
    %broadcast_in_dim3A_150 = vector.broadcast %add3A_149 : i32 to vector<8x4096xi32>
    %select_n3A_151 = arith.select %gt3A_144, %broadcast_in_dim3A_150, %select_n3A_142 : vector<8x4096xi1>, vector<8x4096xi32>
    %slice3A_152 = vector.extract_strided_slice %dot_general3A_7 {offsets = [128, 0], sizes = [8, 4096], strides = [1, 1]} : vector<1024x4096xf32> to vector<8x4096xf32>
    %gt3A_153 = arith.cmpf ogt, %slice3A_152, %select_n3A_145 : vector<8x4096xf32>
    %select_n3A_154 = arith.select %gt3A_153, %slice3A_152, %select_n3A_145 : vector<8x4096xi1>, vector<8x4096xf32>
    %mul3A_155 = arith.constant 128 : i32
    %mul3A_156 = arith.muli %arg1, %mul3A_155 : i32
    %add3A_157 = arith.constant 16 : i32
    %add3A_158 = arith.addi %mul3A_156, %add3A_157 : i32
    %broadcast_in_dim3A_159 = vector.broadcast %add3A_158 : i32 to vector<8x4096xi32>
    %select_n3A_160 = arith.select %gt3A_153, %broadcast_in_dim3A_159, %select_n3A_151 : vector<8x4096xi1>, vector<8x4096xi32>
    %slice3A_161 = vector.extract_strided_slice %dot_general3A_7 {offsets = [136, 0], sizes = [8, 4096], strides = [1, 1]} : vector<1024x4096xf32> to vector<8x4096xf32>
    %gt3A_162 = arith.cmpf ogt, %slice3A_161, %select_n3A_154 : vector<8x4096xf32>
    %select_n3A_163 = arith.select %gt3A_162, %slice3A_161, %select_n3A_154 : vector<8x4096xi1>, vector<8x4096xf32>
    %mul3A_164 = arith.constant 128 : i32
    %mul3A_165 = arith.muli %arg1, %mul3A_164 : i32
    %add3A_166 = arith.constant 17 : i32
    %add3A_167 = arith.addi %mul3A_165, %add3A_166 : i32
    %broadcast_in_dim3A_168 = vector.broadcast %add3A_167 : i32 to vector<8x4096xi32>
    %select_n3A_169 = arith.select %gt3A_162, %broadcast_in_dim3A_168, %select_n3A_160 : vector<8x4096xi1>, vector<8x4096xi32>
    %slice3A_170 = vector.extract_strided_slice %dot_general3A_7 {offsets = [144, 0], sizes = [8, 4096], strides = [1, 1]} : vector<1024x4096xf32> to vector<8x4096xf32>
    %gt3A_171 = arith.cmpf ogt, %slice3A_170, %select_n3A_163 : vector<8x4096xf32>
    %select_n3A_172 = arith.select %gt3A_171, %slice3A_170, %select_n3A_163 : vector<8x4096xi1>, vector<8x4096xf32>
    %mul3A_173 = arith.constant 128 : i32
    %mul3A_174 = arith.muli %arg1, %mul3A_173 : i32
    %add3A_175 = arith.constant 18 : i32
    %add3A_176 = arith.addi %mul3A_174, %add3A_175 : i32
    %broadcast_in_dim3A_177 = vector.broadcast %add3A_176 : i32 to vector<8x4096xi32>
    %select_n3A_178 = arith.select %gt3A_171, %broadcast_in_dim3A_177, %select_n3A_169 : vector<8x4096xi1>, vector<8x4096xi32>
    %slice3A_179 = vector.extract_strided_slice %dot_general3A_7 {offsets = [152, 0], sizes = [8, 4096], strides = [1, 1]} : vector<1024x4096xf32> to vector<8x4096xf32>
    %gt3A_180 = arith.cmpf ogt, %slice3A_179, %select_n3A_172 : vector<8x4096xf32>
    %select_n3A_181 = arith.select %gt3A_180, %slice3A_179, %select_n3A_172 : vector<8x4096xi1>, vector<8x4096xf32>
    %mul3A_182 = arith.constant 128 : i32
    %mul3A_183 = arith.muli %arg1, %mul3A_182 : i32
    %add3A_184 = arith.constant 19 : i32
    %add3A_185 = arith.addi %mul3A_183, %add3A_184 : i32
    %broadcast_in_dim3A_186 = vector.broadcast %add3A_185 : i32 to vector<8x4096xi32>
    %select_n3A_187 = arith.select %gt3A_180, %broadcast_in_dim3A_186, %select_n3A_178 : vector<8x4096xi1>, vector<8x4096xi32>
    %slice3A_188 = vector.extract_strided_slice %dot_general3A_7 {offsets = [160, 0], sizes = [8, 4096], strides = [1, 1]} : vector<1024x4096xf32> to vector<8x4096xf32>
    %gt3A_189 = arith.cmpf ogt, %slice3A_188, %select_n3A_181 : vector<8x4096xf32>
    %select_n3A_190 = arith.select %gt3A_189, %slice3A_188, %select_n3A_181 : vector<8x4096xi1>, vector<8x4096xf32>
    %mul3A_191 = arith.constant 128 : i32
    %mul3A_192 = arith.muli %arg1, %mul3A_191 : i32
    %add3A_193 = arith.constant 20 : i32
    %add3A_194 = arith.addi %mul3A_192, %add3A_193 : i32
    %broadcast_in_dim3A_195 = vector.broadcast %add3A_194 : i32 to vector<8x4096xi32>
    %select_n3A_196 = arith.select %gt3A_189, %broadcast_in_dim3A_195, %select_n3A_187 : vector<8x4096xi1>, vector<8x4096xi32>
    %slice3A_197 = vector.extract_strided_slice %dot_general3A_7 {offsets = [168, 0], sizes = [8, 4096], strides = [1, 1]} : vector<1024x4096xf32> to vector<8x4096xf32>
    %gt3A_198 = arith.cmpf ogt, %slice3A_197, %select_n3A_190 : vector<8x4096xf32>
    %select_n3A_199 = arith.select %gt3A_198, %slice3A_197, %select_n3A_190 : vector<8x4096xi1>, vector<8x4096xf32>
    %mul3A_200 = arith.constant 128 : i32
    %mul3A_201 = arith.muli %arg1, %mul3A_200 : i32
    %add3A_202 = arith.constant 21 : i32
    %add3A_203 = arith.addi %mul3A_201, %add3A_202 : i32
    %broadcast_in_dim3A_204 = vector.broadcast %add3A_203 : i32 to vector<8x4096xi32>
    %select_n3A_205 = arith.select %gt3A_198, %broadcast_in_dim3A_204, %select_n3A_196 : vector<8x4096xi1>, vector<8x4096xi32>
    %slice3A_206 = vector.extract_strided_slice %dot_general3A_7 {offsets = [176, 0], sizes = [8, 4096], strides = [1, 1]} : vector<1024x4096xf32> to vector<8x4096xf32>
    %gt3A_207 = arith.cmpf ogt, %slice3A_206, %select_n3A_199 : vector<8x4096xf32>
    %select_n3A_208 = arith.select %gt3A_207, %slice3A_206, %select_n3A_199 : vector<8x4096xi1>, vector<8x4096xf32>
    %mul3A_209 = arith.constant 128 : i32
    %mul3A_210 = arith.muli %arg1, %mul3A_209 : i32
    %add3A_211 = arith.constant 22 : i32
    %add3A_212 = arith.addi %mul3A_210, %add3A_211 : i32
    %broadcast_in_dim3A_213 = vector.broadcast %add3A_212 : i32 to vector<8x4096xi32>
    %select_n3A_214 = arith.select %gt3A_207, %broadcast_in_dim3A_213, %select_n3A_205 : vector<8x4096xi1>, vector<8x4096xi32>
    %slice3A_215 = vector.extract_strided_slice %dot_general3A_7 {offsets = [184, 0], sizes = [8, 4096], strides = [1, 1]} : vector<1024x4096xf32> to vector<8x4096xf32>
    %gt3A_216 = arith.cmpf ogt, %slice3A_215, %select_n3A_208 : vector<8x4096xf32>
    %select_n3A_217 = arith.select %gt3A_216, %slice3A_215, %select_n3A_208 : vector<8x4096xi1>, vector<8x4096xf32>
    %mul3A_218 = arith.constant 128 : i32
    %mul3A_219 = arith.muli %arg1, %mul3A_218 : i32
    %add3A_220 = arith.constant 23 : i32
    %add3A_221 = arith.addi %mul3A_219, %add3A_220 : i32
    %broadcast_in_dim3A_222 = vector.broadcast %add3A_221 : i32 to vector<8x4096xi32>
    %select_n3A_223 = arith.select %gt3A_216, %broadcast_in_dim3A_222, %select_n3A_214 : vector<8x4096xi1>, vector<8x4096xi32>
    %slice3A_224 = vector.extract_strided_slice %dot_general3A_7 {offsets = [192, 0], sizes = [8, 4096], strides = [1, 1]} : vector<1024x4096xf32> to vector<8x4096xf32>
    %gt3A_225 = arith.cmpf ogt, %slice3A_224, %select_n3A_217 : vector<8x4096xf32>
    %select_n3A_226 = arith.select %gt3A_225, %slice3A_224, %select_n3A_217 : vector<8x4096xi1>, vector<8x4096xf32>
    %mul3A_227 = arith.constant 128 : i32
    %mul3A_228 = arith.muli %arg1, %mul3A_227 : i32
    %add3A_229 = arith.constant 24 : i32
    %add3A_230 = arith.addi %mul3A_228, %add3A_229 : i32
    %broadcast_in_dim3A_231 = vector.broadcast %add3A_230 : i32 to vector<8x4096xi32>
    %select_n3A_232 = arith.select %gt3A_225, %broadcast_in_dim3A_231, %select_n3A_223 : vector<8x4096xi1>, vector<8x4096xi32>
    %slice3A_233 = vector.extract_strided_slice %dot_general3A_7 {offsets = [200, 0], sizes = [8, 4096], strides = [1, 1]} : vector<1024x4096xf32> to vector<8x4096xf32>
    %gt3A_234 = arith.cmpf ogt, %slice3A_233, %select_n3A_226 : vector<8x4096xf32>
    %select_n3A_235 = arith.select %gt3A_234, %slice3A_233, %select_n3A_226 : vector<8x4096xi1>, vector<8x4096xf32>
    %mul3A_236 = arith.constant 128 : i32
    %mul3A_237 = arith.muli %arg1, %mul3A_236 : i32
    %add3A_238 = arith.constant 25 : i32
    %add3A_239 = arith.addi %mul3A_237, %add3A_238 : i32
    %broadcast_in_dim3A_240 = vector.broadcast %add3A_239 : i32 to vector<8x4096xi32>
    %select_n3A_241 = arith.select %gt3A_234, %broadcast_in_dim3A_240, %select_n3A_232 : vector<8x4096xi1>, vector<8x4096xi32>
    %slice3A_242 = vector.extract_strided_slice %dot_general3A_7 {offsets = [208, 0], sizes = [8, 4096], strides = [1, 1]} : vector<1024x4096xf32> to vector<8x4096xf32>
    %gt3A_243 = arith.cmpf ogt, %slice3A_242, %select_n3A_235 : vector<8x4096xf32>
    %select_n3A_244 = arith.select %gt3A_243, %slice3A_242, %select_n3A_235 : vector<8x4096xi1>, vector<8x4096xf32>
    %mul3A_245 = arith.constant 128 : i32
    %mul3A_246 = arith.muli %arg1, %mul3A_245 : i32
    %add3A_247 = arith.constant 26 : i32
    %add3A_248 = arith.addi %mul3A_246, %add3A_247 : i32
    %broadcast_in_dim3A_249 = vector.broadcast %add3A_248 : i32 to vector<8x4096xi32>
    %select_n3A_250 = arith.select %gt3A_243, %broadcast_in_dim3A_249, %select_n3A_241 : vector<8x4096xi1>, vector<8x4096xi32>
    %slice3A_251 = vector.extract_strided_slice %dot_general3A_7 {offsets = [216, 0], sizes = [8, 4096], strides = [1, 1]} : vector<1024x4096xf32> to vector<8x4096xf32>
    %gt3A_252 = arith.cmpf ogt, %slice3A_251, %select_n3A_244 : vector<8x4096xf32>
    %select_n3A_253 = arith.select %gt3A_252, %slice3A_251, %select_n3A_244 : vector<8x4096xi1>, vector<8x4096xf32>
    %mul3A_254 = arith.constant 128 : i32
    %mul3A_255 = arith.muli %arg1, %mul3A_254 : i32
    %add3A_256 = arith.constant 27 : i32
    %add3A_257 = arith.addi %mul3A_255, %add3A_256 : i32
    %broadcast_in_dim3A_258 = vector.broadcast %add3A_257 : i32 to vector<8x4096xi32>
    %select_n3A_259 = arith.select %gt3A_252, %broadcast_in_dim3A_258, %select_n3A_250 : vector<8x4096xi1>, vector<8x4096xi32>
    %slice3A_260 = vector.extract_strided_slice %dot_general3A_7 {offsets = [224, 0], sizes = [8, 4096], strides = [1, 1]} : vector<1024x4096xf32> to vector<8x4096xf32>
    %gt3A_261 = arith.cmpf ogt, %slice3A_260, %select_n3A_253 : vector<8x4096xf32>
    %select_n3A_262 = arith.select %gt3A_261, %slice3A_260, %select_n3A_253 : vector<8x4096xi1>, vector<8x4096xf32>
    %mul3A_263 = arith.constant 128 : i32
    %mul3A_264 = arith.muli %arg1, %mul3A_263 : i32
    %add3A_265 = arith.constant 28 : i32
    %add3A_266 = arith.addi %mul3A_264, %add3A_265 : i32
    %broadcast_in_dim3A_267 = vector.broadcast %add3A_266 : i32 to vector<8x4096xi32>
    %select_n3A_268 = arith.select %gt3A_261, %broadcast_in_dim3A_267, %select_n3A_259 : vector<8x4096xi1>, vector<8x4096xi32>
    %slice3A_269 = vector.extract_strided_slice %dot_general3A_7 {offsets = [232, 0], sizes = [8, 4096], strides = [1, 1]} : vector<1024x4096xf32> to vector<8x4096xf32>
    %gt3A_270 = arith.cmpf ogt, %slice3A_269, %select_n3A_262 : vector<8x4096xf32>
    %select_n3A_271 = arith.select %gt3A_270, %slice3A_269, %select_n3A_262 : vector<8x4096xi1>, vector<8x4096xf32>
    %mul3A_272 = arith.constant 128 : i32
    %mul3A_273 = arith.muli %arg1, %mul3A_272 : i32
    %add3A_274 = arith.constant 29 : i32
    %add3A_275 = arith.addi %mul3A_273, %add3A_274 : i32
    %broadcast_in_dim3A_276 = vector.broadcast %add3A_275 : i32 to vector<8x4096xi32>
    %select_n3A_277 = arith.select %gt3A_270, %broadcast_in_dim3A_276, %select_n3A_268 : vector<8x4096xi1>, vector<8x4096xi32>
    %slice3A_278 = vector.extract_strided_slice %dot_general3A_7 {offsets = [240, 0], sizes = [8, 4096], strides = [1, 1]} : vector<1024x4096xf32> to vector<8x4096xf32>
    %gt3A_279 = arith.cmpf ogt, %slice3A_278, %select_n3A_271 : vector<8x4096xf32>
    %select_n3A_280 = arith.select %gt3A_279, %slice3A_278, %select_n3A_271 : vector<8x4096xi1>, vector<8x4096xf32>
    %mul3A_281 = arith.constant 128 : i32
    %mul3A_282 = arith.muli %arg1, %mul3A_281 : i32
    %add3A_283 = arith.constant 30 : i32
    %add3A_284 = arith.addi %mul3A_282, %add3A_283 : i32
    %broadcast_in_dim3A_285 = vector.broadcast %add3A_284 : i32 to vector<8x4096xi32>
    %select_n3A_286 = arith.select %gt3A_279, %broadcast_in_dim3A_285, %select_n3A_277 : vector<8x4096xi1>, vector<8x4096xi32>
    %slice3A_287 = vector.extract_strided_slice %dot_general3A_7 {offsets = [248, 0], sizes = [8, 4096], strides = [1, 1]} : vector<1024x4096xf32> to vector<8x4096xf32>
    %gt3A_288 = arith.cmpf ogt, %slice3A_287, %select_n3A_280 : vector<8x4096xf32>
    %select_n3A_289 = arith.select %gt3A_288, %slice3A_287, %select_n3A_280 : vector<8x4096xi1>, vector<8x4096xf32>
    %mul3A_290 = arith.constant 128 : i32
    %mul3A_291 = arith.muli %arg1, %mul3A_290 : i32
    %add3A_292 = arith.constant 31 : i32
    %add3A_293 = arith.addi %mul3A_291, %add3A_292 : i32
    %broadcast_in_dim3A_294 = vector.broadcast %add3A_293 : i32 to vector<8x4096xi32>
    %select_n3A_295 = arith.select %gt3A_288, %broadcast_in_dim3A_294, %select_n3A_286 : vector<8x4096xi1>, vector<8x4096xi32>
    %slice3A_296 = vector.extract_strided_slice %dot_general3A_7 {offsets = [256, 0], sizes = [8, 4096], strides = [1, 1]} : vector<1024x4096xf32> to vector<8x4096xf32>
    %gt3A_297 = arith.cmpf ogt, %slice3A_296, %select_n3A_289 : vector<8x4096xf32>
    %select_n3A_298 = arith.select %gt3A_297, %slice3A_296, %select_n3A_289 : vector<8x4096xi1>, vector<8x4096xf32>
    %mul3A_299 = arith.constant 128 : i32
    %mul3A_300 = arith.muli %arg1, %mul3A_299 : i32
    %add3A_301 = arith.constant 32 : i32
    %add3A_302 = arith.addi %mul3A_300, %add3A_301 : i32
    %broadcast_in_dim3A_303 = vector.broadcast %add3A_302 : i32 to vector<8x4096xi32>
    %select_n3A_304 = arith.select %gt3A_297, %broadcast_in_dim3A_303, %select_n3A_295 : vector<8x4096xi1>, vector<8x4096xi32>
    %slice3A_305 = vector.extract_strided_slice %dot_general3A_7 {offsets = [264, 0], sizes = [8, 4096], strides = [1, 1]} : vector<1024x4096xf32> to vector<8x4096xf32>
    %gt3A_306 = arith.cmpf ogt, %slice3A_305, %select_n3A_298 : vector<8x4096xf32>
    %select_n3A_307 = arith.select %gt3A_306, %slice3A_305, %select_n3A_298 : vector<8x4096xi1>, vector<8x4096xf32>
    %mul3A_308 = arith.constant 128 : i32
    %mul3A_309 = arith.muli %arg1, %mul3A_308 : i32
    %add3A_310 = arith.constant 33 : i32
    %add3A_311 = arith.addi %mul3A_309, %add3A_310 : i32
    %broadcast_in_dim3A_312 = vector.broadcast %add3A_311 : i32 to vector<8x4096xi32>
    %select_n3A_313 = arith.select %gt3A_306, %broadcast_in_dim3A_312, %select_n3A_304 : vector<8x4096xi1>, vector<8x4096xi32>
    %slice3A_314 = vector.extract_strided_slice %dot_general3A_7 {offsets = [272, 0], sizes = [8, 4096], strides = [1, 1]} : vector<1024x4096xf32> to vector<8x4096xf32>
    %gt3A_315 = arith.cmpf ogt, %slice3A_314, %select_n3A_307 : vector<8x4096xf32>
    %select_n3A_316 = arith.select %gt3A_315, %slice3A_314, %select_n3A_307 : vector<8x4096xi1>, vector<8x4096xf32>
    %mul3A_317 = arith.constant 128 : i32
    %mul3A_318 = arith.muli %arg1, %mul3A_317 : i32
    %add3A_319 = arith.constant 34 : i32
    %add3A_320 = arith.addi %mul3A_318, %add3A_319 : i32
    %broadcast_in_dim3A_321 = vector.broadcast %add3A_320 : i32 to vector<8x4096xi32>
    %select_n3A_322 = arith.select %gt3A_315, %broadcast_in_dim3A_321, %select_n3A_313 : vector<8x4096xi1>, vector<8x4096xi32>
    %slice3A_323 = vector.extract_strided_slice %dot_general3A_7 {offsets = [280, 0], sizes = [8, 4096], strides = [1, 1]} : vector<1024x4096xf32> to vector<8x4096xf32>
    %gt3A_324 = arith.cmpf ogt, %slice3A_323, %select_n3A_316 : vector<8x4096xf32>
    %select_n3A_325 = arith.select %gt3A_324, %slice3A_323, %select_n3A_316 : vector<8x4096xi1>, vector<8x4096xf32>
    %mul3A_326 = arith.constant 128 : i32
    %mul3A_327 = arith.muli %arg1, %mul3A_326 : i32
    %add3A_328 = arith.constant 35 : i32
    %add3A_329 = arith.addi %mul3A_327, %add3A_328 : i32
    %broadcast_in_dim3A_330 = vector.broadcast %add3A_329 : i32 to vector<8x4096xi32>
    %select_n3A_331 = arith.select %gt3A_324, %broadcast_in_dim3A_330, %select_n3A_322 : vector<8x4096xi1>, vector<8x4096xi32>
    %slice3A_332 = vector.extract_strided_slice %dot_general3A_7 {offsets = [288, 0], sizes = [8, 4096], strides = [1, 1]} : vector<1024x4096xf32> to vector<8x4096xf32>
    %gt3A_333 = arith.cmpf ogt, %slice3A_332, %select_n3A_325 : vector<8x4096xf32>
    %select_n3A_334 = arith.select %gt3A_333, %slice3A_332, %select_n3A_325 : vector<8x4096xi1>, vector<8x4096xf32>
    %mul3A_335 = arith.constant 128 : i32
    %mul3A_336 = arith.muli %arg1, %mul3A_335 : i32
    %add3A_337 = arith.constant 36 : i32
    %add3A_338 = arith.addi %mul3A_336, %add3A_337 : i32
    %broadcast_in_dim3A_339 = vector.broadcast %add3A_338 : i32 to vector<8x4096xi32>
    %select_n3A_340 = arith.select %gt3A_333, %broadcast_in_dim3A_339, %select_n3A_331 : vector<8x4096xi1>, vector<8x4096xi32>
    %slice3A_341 = vector.extract_strided_slice %dot_general3A_7 {offsets = [296, 0], sizes = [8, 4096], strides = [1, 1]} : vector<1024x4096xf32> to vector<8x4096xf32>
    %gt3A_342 = arith.cmpf ogt, %slice3A_341, %select_n3A_334 : vector<8x4096xf32>
    %select_n3A_343 = arith.select %gt3A_342, %slice3A_341, %select_n3A_334 : vector<8x4096xi1>, vector<8x4096xf32>
    %mul3A_344 = arith.constant 128 : i32
    %mul3A_345 = arith.muli %arg1, %mul3A_344 : i32
    %add3A_346 = arith.constant 37 : i32
    %add3A_347 = arith.addi %mul3A_345, %add3A_346 : i32
    %broadcast_in_dim3A_348 = vector.broadcast %add3A_347 : i32 to vector<8x4096xi32>
    %select_n3A_349 = arith.select %gt3A_342, %broadcast_in_dim3A_348, %select_n3A_340 : vector<8x4096xi1>, vector<8x4096xi32>
    %slice3A_350 = vector.extract_strided_slice %dot_general3A_7 {offsets = [304, 0], sizes = [8, 4096], strides = [1, 1]} : vector<1024x4096xf32> to vector<8x4096xf32>
    %gt3A_351 = arith.cmpf ogt, %slice3A_350, %select_n3A_343 : vector<8x4096xf32>
    %select_n3A_352 = arith.select %gt3A_351, %slice3A_350, %select_n3A_343 : vector<8x4096xi1>, vector<8x4096xf32>
    %mul3A_353 = arith.constant 128 : i32
    %mul3A_354 = arith.muli %arg1, %mul3A_353 : i32
    %add3A_355 = arith.constant 38 : i32
    %add3A_356 = arith.addi %mul3A_354, %add3A_355 : i32
    %broadcast_in_dim3A_357 = vector.broadcast %add3A_356 : i32 to vector<8x4096xi32>
    %select_n3A_358 = arith.select %gt3A_351, %broadcast_in_dim3A_357, %select_n3A_349 : vector<8x4096xi1>, vector<8x4096xi32>
    %slice3A_359 = vector.extract_strided_slice %dot_general3A_7 {offsets = [312, 0], sizes = [8, 4096], strides = [1, 1]} : vector<1024x4096xf32> to vector<8x4096xf32>
    %gt3A_360 = arith.cmpf ogt, %slice3A_359, %select_n3A_352 : vector<8x4096xf32>
    %select_n3A_361 = arith.select %gt3A_360, %slice3A_359, %select_n3A_352 : vector<8x4096xi1>, vector<8x4096xf32>
    %mul3A_362 = arith.constant 128 : i32
    %mul3A_363 = arith.muli %arg1, %mul3A_362 : i32
    %add3A_364 = arith.constant 39 : i32
    %add3A_365 = arith.addi %mul3A_363, %add3A_364 : i32
    %broadcast_in_dim3A_366 = vector.broadcast %add3A_365 : i32 to vector<8x4096xi32>
    %select_n3A_367 = arith.select %gt3A_360, %broadcast_in_dim3A_366, %select_n3A_358 : vector<8x4096xi1>, vector<8x4096xi32>
    %slice3A_368 = vector.extract_strided_slice %dot_general3A_7 {offsets = [320, 0], sizes = [8, 4096], strides = [1, 1]} : vector<1024x4096xf32> to vector<8x4096xf32>
    %gt3A_369 = arith.cmpf ogt, %slice3A_368, %select_n3A_361 : vector<8x4096xf32>
    %select_n3A_370 = arith.select %gt3A_369, %slice3A_368, %select_n3A_361 : vector<8x4096xi1>, vector<8x4096xf32>
    %mul3A_371 = arith.constant 128 : i32
    %mul3A_372 = arith.muli %arg1, %mul3A_371 : i32
    %add3A_373 = arith.constant 40 : i32
    %add3A_374 = arith.addi %mul3A_372, %add3A_373 : i32
    %broadcast_in_dim3A_375 = vector.broadcast %add3A_374 : i32 to vector<8x4096xi32>
    %select_n3A_376 = arith.select %gt3A_369, %broadcast_in_dim3A_375, %select_n3A_367 : vector<8x4096xi1>, vector<8x4096xi32>
    %slice3A_377 = vector.extract_strided_slice %dot_general3A_7 {offsets = [328, 0], sizes = [8, 4096], strides = [1, 1]} : vector<1024x4096xf32> to vector<8x4096xf32>
    %gt3A_378 = arith.cmpf ogt, %slice3A_377, %select_n3A_370 : vector<8x4096xf32>
    %select_n3A_379 = arith.select %gt3A_378, %slice3A_377, %select_n3A_370 : vector<8x4096xi1>, vector<8x4096xf32>
    %mul3A_380 = arith.constant 128 : i32
    %mul3A_381 = arith.muli %arg1, %mul3A_380 : i32
    %add3A_382 = arith.constant 41 : i32
    %add3A_383 = arith.addi %mul3A_381, %add3A_382 : i32
    %broadcast_in_dim3A_384 = vector.broadcast %add3A_383 : i32 to vector<8x4096xi32>
    %select_n3A_385 = arith.select %gt3A_378, %broadcast_in_dim3A_384, %select_n3A_376 : vector<8x4096xi1>, vector<8x4096xi32>
    %slice3A_386 = vector.extract_strided_slice %dot_general3A_7 {offsets = [336, 0], sizes = [8, 4096], strides = [1, 1]} : vector<1024x4096xf32> to vector<8x4096xf32>
    %gt3A_387 = arith.cmpf ogt, %slice3A_386, %select_n3A_379 : vector<8x4096xf32>
    %select_n3A_388 = arith.select %gt3A_387, %slice3A_386, %select_n3A_379 : vector<8x4096xi1>, vector<8x4096xf32>
    %mul3A_389 = arith.constant 128 : i32
    %mul3A_390 = arith.muli %arg1, %mul3A_389 : i32
    %add3A_391 = arith.constant 42 : i32
    %add3A_392 = arith.addi %mul3A_390, %add3A_391 : i32
    %broadcast_in_dim3A_393 = vector.broadcast %add3A_392 : i32 to vector<8x4096xi32>
    %select_n3A_394 = arith.select %gt3A_387, %broadcast_in_dim3A_393, %select_n3A_385 : vector<8x4096xi1>, vector<8x4096xi32>
    %slice3A_395 = vector.extract_strided_slice %dot_general3A_7 {offsets = [344, 0], sizes = [8, 4096], strides = [1, 1]} : vector<1024x4096xf32> to vector<8x4096xf32>
    %gt3A_396 = arith.cmpf ogt, %slice3A_395, %select_n3A_388 : vector<8x4096xf32>
    %select_n3A_397 = arith.select %gt3A_396, %slice3A_395, %select_n3A_388 : vector<8x4096xi1>, vector<8x4096xf32>
    %mul3A_398 = arith.constant 128 : i32
    %mul3A_399 = arith.muli %arg1, %mul3A_398 : i32
    %add3A_400 = arith.constant 43 : i32
    %add3A_401 = arith.addi %mul3A_399, %add3A_400 : i32
    %broadcast_in_dim3A_402 = vector.broadcast %add3A_401 : i32 to vector<8x4096xi32>
    %select_n3A_403 = arith.select %gt3A_396, %broadcast_in_dim3A_402, %select_n3A_394 : vector<8x4096xi1>, vector<8x4096xi32>
    %slice3A_404 = vector.extract_strided_slice %dot_general3A_7 {offsets = [352, 0], sizes = [8, 4096], strides = [1, 1]} : vector<1024x4096xf32> to vector<8x4096xf32>
    %gt3A_405 = arith.cmpf ogt, %slice3A_404, %select_n3A_397 : vector<8x4096xf32>
    %select_n3A_406 = arith.select %gt3A_405, %slice3A_404, %select_n3A_397 : vector<8x4096xi1>, vector<8x4096xf32>
    %mul3A_407 = arith.constant 128 : i32
    %mul3A_408 = arith.muli %arg1, %mul3A_407 : i32
    %add3A_409 = arith.constant 44 : i32
    %add3A_410 = arith.addi %mul3A_408, %add3A_409 : i32
    %broadcast_in_dim3A_411 = vector.broadcast %add3A_410 : i32 to vector<8x4096xi32>
    %select_n3A_412 = arith.select %gt3A_405, %broadcast_in_dim3A_411, %select_n3A_403 : vector<8x4096xi1>, vector<8x4096xi32>
    %slice3A_413 = vector.extract_strided_slice %dot_general3A_7 {offsets = [360, 0], sizes = [8, 4096], strides = [1, 1]} : vector<1024x4096xf32> to vector<8x4096xf32>
    %gt3A_414 = arith.cmpf ogt, %slice3A_413, %select_n3A_406 : vector<8x4096xf32>
    %select_n3A_415 = arith.select %gt3A_414, %slice3A_413, %select_n3A_406 : vector<8x4096xi1>, vector<8x4096xf32>
    %mul3A_416 = arith.constant 128 : i32
    %mul3A_417 = arith.muli %arg1, %mul3A_416 : i32
    %add3A_418 = arith.constant 45 : i32
    %add3A_419 = arith.addi %mul3A_417, %add3A_418 : i32
    %broadcast_in_dim3A_420 = vector.broadcast %add3A_419 : i32 to vector<8x4096xi32>
    %select_n3A_421 = arith.select %gt3A_414, %broadcast_in_dim3A_420, %select_n3A_412 : vector<8x4096xi1>, vector<8x4096xi32>
    %slice3A_422 = vector.extract_strided_slice %dot_general3A_7 {offsets = [368, 0], sizes = [8, 4096], strides = [1, 1]} : vector<1024x4096xf32> to vector<8x4096xf32>
    %gt3A_423 = arith.cmpf ogt, %slice3A_422, %select_n3A_415 : vector<8x4096xf32>
    %select_n3A_424 = arith.select %gt3A_423, %slice3A_422, %select_n3A_415 : vector<8x4096xi1>, vector<8x4096xf32>
    %mul3A_425 = arith.constant 128 : i32
    %mul3A_426 = arith.muli %arg1, %mul3A_425 : i32
    %add3A_427 = arith.constant 46 : i32
    %add3A_428 = arith.addi %mul3A_426, %add3A_427 : i32
    %broadcast_in_dim3A_429 = vector.broadcast %add3A_428 : i32 to vector<8x4096xi32>
    %select_n3A_430 = arith.select %gt3A_423, %broadcast_in_dim3A_429, %select_n3A_421 : vector<8x4096xi1>, vector<8x4096xi32>
    %slice3A_431 = vector.extract_strided_slice %dot_general3A_7 {offsets = [376, 0], sizes = [8, 4096], strides = [1, 1]} : vector<1024x4096xf32> to vector<8x4096xf32>
    %gt3A_432 = arith.cmpf ogt, %slice3A_431, %select_n3A_424 : vector<8x4096xf32>
    %select_n3A_433 = arith.select %gt3A_432, %slice3A_431, %select_n3A_424 : vector<8x4096xi1>, vector<8x4096xf32>
    %mul3A_434 = arith.constant 128 : i32
    %mul3A_435 = arith.muli %arg1, %mul3A_434 : i32
    %add3A_436 = arith.constant 47 : i32
    %add3A_437 = arith.addi %mul3A_435, %add3A_436 : i32
    %broadcast_in_dim3A_438 = vector.broadcast %add3A_437 : i32 to vector<8x4096xi32>
    %select_n3A_439 = arith.select %gt3A_432, %broadcast_in_dim3A_438, %select_n3A_430 : vector<8x4096xi1>, vector<8x4096xi32>
    %slice3A_440 = vector.extract_strided_slice %dot_general3A_7 {offsets = [384, 0], sizes = [8, 4096], strides = [1, 1]} : vector<1024x4096xf32> to vector<8x4096xf32>
    %gt3A_441 = arith.cmpf ogt, %slice3A_440, %select_n3A_433 : vector<8x4096xf32>
    %select_n3A_442 = arith.select %gt3A_441, %slice3A_440, %select_n3A_433 : vector<8x4096xi1>, vector<8x4096xf32>
    %mul3A_443 = arith.constant 128 : i32
    %mul3A_444 = arith.muli %arg1, %mul3A_443 : i32
    %add3A_445 = arith.constant 48 : i32
    %add3A_446 = arith.addi %mul3A_444, %add3A_445 : i32
    %broadcast_in_dim3A_447 = vector.broadcast %add3A_446 : i32 to vector<8x4096xi32>
    %select_n3A_448 = arith.select %gt3A_441, %broadcast_in_dim3A_447, %select_n3A_439 : vector<8x4096xi1>, vector<8x4096xi32>
    %slice3A_449 = vector.extract_strided_slice %dot_general3A_7 {offsets = [392, 0], sizes = [8, 4096], strides = [1, 1]} : vector<1024x4096xf32> to vector<8x4096xf32>
    %gt3A_450 = arith.cmpf ogt, %slice3A_449, %select_n3A_442 : vector<8x4096xf32>
    %select_n3A_451 = arith.select %gt3A_450, %slice3A_449, %select_n3A_442 : vector<8x4096xi1>, vector<8x4096xf32>
    %mul3A_452 = arith.constant 128 : i32
    %mul3A_453 = arith.muli %arg1, %mul3A_452 : i32
    %add3A_454 = arith.constant 49 : i32
    %add3A_455 = arith.addi %mul3A_453, %add3A_454 : i32
    %broadcast_in_dim3A_456 = vector.broadcast %add3A_455 : i32 to vector<8x4096xi32>
    %select_n3A_457 = arith.select %gt3A_450, %broadcast_in_dim3A_456, %select_n3A_448 : vector<8x4096xi1>, vector<8x4096xi32>
    %slice3A_458 = vector.extract_strided_slice %dot_general3A_7 {offsets = [400, 0], sizes = [8, 4096], strides = [1, 1]} : vector<1024x4096xf32> to vector<8x4096xf32>
    %gt3A_459 = arith.cmpf ogt, %slice3A_458, %select_n3A_451 : vector<8x4096xf32>
    %select_n3A_460 = arith.select %gt3A_459, %slice3A_458, %select_n3A_451 : vector<8x4096xi1>, vector<8x4096xf32>
    %mul3A_461 = arith.constant 128 : i32
    %mul3A_462 = arith.muli %arg1, %mul3A_461 : i32
    %add3A_463 = arith.constant 50 : i32
    %add3A_464 = arith.addi %mul3A_462, %add3A_463 : i32
    %broadcast_in_dim3A_465 = vector.broadcast %add3A_464 : i32 to vector<8x4096xi32>
    %select_n3A_466 = arith.select %gt3A_459, %broadcast_in_dim3A_465, %select_n3A_457 : vector<8x4096xi1>, vector<8x4096xi32>
    %slice3A_467 = vector.extract_strided_slice %dot_general3A_7 {offsets = [408, 0], sizes = [8, 4096], strides = [1, 1]} : vector<1024x4096xf32> to vector<8x4096xf32>
    %gt3A_468 = arith.cmpf ogt, %slice3A_467, %select_n3A_460 : vector<8x4096xf32>
    %select_n3A_469 = arith.select %gt3A_468, %slice3A_467, %select_n3A_460 : vector<8x4096xi1>, vector<8x4096xf32>
    %mul3A_470 = arith.constant 128 : i32
    %mul3A_471 = arith.muli %arg1, %mul3A_470 : i32
    %add3A_472 = arith.constant 51 : i32
    %add3A_473 = arith.addi %mul3A_471, %add3A_472 : i32
    %broadcast_in_dim3A_474 = vector.broadcast %add3A_473 : i32 to vector<8x4096xi32>
    %select_n3A_475 = arith.select %gt3A_468, %broadcast_in_dim3A_474, %select_n3A_466 : vector<8x4096xi1>, vector<8x4096xi32>
    %slice3A_476 = vector.extract_strided_slice %dot_general3A_7 {offsets = [416, 0], sizes = [8, 4096], strides = [1, 1]} : vector<1024x4096xf32> to vector<8x4096xf32>
    %gt3A_477 = arith.cmpf ogt, %slice3A_476, %select_n3A_469 : vector<8x4096xf32>
    %select_n3A_478 = arith.select %gt3A_477, %slice3A_476, %select_n3A_469 : vector<8x4096xi1>, vector<8x4096xf32>
    %mul3A_479 = arith.constant 128 : i32
    %mul3A_480 = arith.muli %arg1, %mul3A_479 : i32
    %add3A_481 = arith.constant 52 : i32
    %add3A_482 = arith.addi %mul3A_480, %add3A_481 : i32
    %broadcast_in_dim3A_483 = vector.broadcast %add3A_482 : i32 to vector<8x4096xi32>
    %select_n3A_484 = arith.select %gt3A_477, %broadcast_in_dim3A_483, %select_n3A_475 : vector<8x4096xi1>, vector<8x4096xi32>
    %slice3A_485 = vector.extract_strided_slice %dot_general3A_7 {offsets = [424, 0], sizes = [8, 4096], strides = [1, 1]} : vector<1024x4096xf32> to vector<8x4096xf32>
    %gt3A_486 = arith.cmpf ogt, %slice3A_485, %select_n3A_478 : vector<8x4096xf32>
    %select_n3A_487 = arith.select %gt3A_486, %slice3A_485, %select_n3A_478 : vector<8x4096xi1>, vector<8x4096xf32>
    %mul3A_488 = arith.constant 128 : i32
    %mul3A_489 = arith.muli %arg1, %mul3A_488 : i32
    %add3A_490 = arith.constant 53 : i32
    %add3A_491 = arith.addi %mul3A_489, %add3A_490 : i32
    %broadcast_in_dim3A_492 = vector.broadcast %add3A_491 : i32 to vector<8x4096xi32>
    %select_n3A_493 = arith.select %gt3A_486, %broadcast_in_dim3A_492, %select_n3A_484 : vector<8x4096xi1>, vector<8x4096xi32>
    %slice3A_494 = vector.extract_strided_slice %dot_general3A_7 {offsets = [432, 0], sizes = [8, 4096], strides = [1, 1]} : vector<1024x4096xf32> to vector<8x4096xf32>
    %gt3A_495 = arith.cmpf ogt, %slice3A_494, %select_n3A_487 : vector<8x4096xf32>
    %select_n3A_496 = arith.select %gt3A_495, %slice3A_494, %select_n3A_487 : vector<8x4096xi1>, vector<8x4096xf32>
    %mul3A_497 = arith.constant 128 : i32
    %mul3A_498 = arith.muli %arg1, %mul3A_497 : i32
    %add3A_499 = arith.constant 54 : i32
    %add3A_500 = arith.addi %mul3A_498, %add3A_499 : i32
    %broadcast_in_dim3A_501 = vector.broadcast %add3A_500 : i32 to vector<8x4096xi32>
    %select_n3A_502 = arith.select %gt3A_495, %broadcast_in_dim3A_501, %select_n3A_493 : vector<8x4096xi1>, vector<8x4096xi32>
    %slice3A_503 = vector.extract_strided_slice %dot_general3A_7 {offsets = [440, 0], sizes = [8, 4096], strides = [1, 1]} : vector<1024x4096xf32> to vector<8x4096xf32>
    %gt3A_504 = arith.cmpf ogt, %slice3A_503, %select_n3A_496 : vector<8x4096xf32>
    %select_n3A_505 = arith.select %gt3A_504, %slice3A_503, %select_n3A_496 : vector<8x4096xi1>, vector<8x4096xf32>
    %mul3A_506 = arith.constant 128 : i32
    %mul3A_507 = arith.muli %arg1, %mul3A_506 : i32
    %add3A_508 = arith.constant 55 : i32
    %add3A_509 = arith.addi %mul3A_507, %add3A_508 : i32
    %broadcast_in_dim3A_510 = vector.broadcast %add3A_509 : i32 to vector<8x4096xi32>
    %select_n3A_511 = arith.select %gt3A_504, %broadcast_in_dim3A_510, %select_n3A_502 : vector<8x4096xi1>, vector<8x4096xi32>
    %slice3A_512 = vector.extract_strided_slice %dot_general3A_7 {offsets = [448, 0], sizes = [8, 4096], strides = [1, 1]} : vector<1024x4096xf32> to vector<8x4096xf32>
    %gt3A_513 = arith.cmpf ogt, %slice3A_512, %select_n3A_505 : vector<8x4096xf32>
    %select_n3A_514 = arith.select %gt3A_513, %slice3A_512, %select_n3A_505 : vector<8x4096xi1>, vector<8x4096xf32>
    %mul3A_515 = arith.constant 128 : i32
    %mul3A_516 = arith.muli %arg1, %mul3A_515 : i32
    %add3A_517 = arith.constant 56 : i32
    %add3A_518 = arith.addi %mul3A_516, %add3A_517 : i32
    %broadcast_in_dim3A_519 = vector.broadcast %add3A_518 : i32 to vector<8x4096xi32>
    %select_n3A_520 = arith.select %gt3A_513, %broadcast_in_dim3A_519, %select_n3A_511 : vector<8x4096xi1>, vector<8x4096xi32>
    %slice3A_521 = vector.extract_strided_slice %dot_general3A_7 {offsets = [456, 0], sizes = [8, 4096], strides = [1, 1]} : vector<1024x4096xf32> to vector<8x4096xf32>
    %gt3A_522 = arith.cmpf ogt, %slice3A_521, %select_n3A_514 : vector<8x4096xf32>
    %select_n3A_523 = arith.select %gt3A_522, %slice3A_521, %select_n3A_514 : vector<8x4096xi1>, vector<8x4096xf32>
    %mul3A_524 = arith.constant 128 : i32
    %mul3A_525 = arith.muli %arg1, %mul3A_524 : i32
    %add3A_526 = arith.constant 57 : i32
    %add3A_527 = arith.addi %mul3A_525, %add3A_526 : i32
    %broadcast_in_dim3A_528 = vector.broadcast %add3A_527 : i32 to vector<8x4096xi32>
    %select_n3A_529 = arith.select %gt3A_522, %broadcast_in_dim3A_528, %select_n3A_520 : vector<8x4096xi1>, vector<8x4096xi32>
    %slice3A_530 = vector.extract_strided_slice %dot_general3A_7 {offsets = [464, 0], sizes = [8, 4096], strides = [1, 1]} : vector<1024x4096xf32> to vector<8x4096xf32>
    %gt3A_531 = arith.cmpf ogt, %slice3A_530, %select_n3A_523 : vector<8x4096xf32>
    %select_n3A_532 = arith.select %gt3A_531, %slice3A_530, %select_n3A_523 : vector<8x4096xi1>, vector<8x4096xf32>
    %mul3A_533 = arith.constant 128 : i32
    %mul3A_534 = arith.muli %arg1, %mul3A_533 : i32
    %add3A_535 = arith.constant 58 : i32
    %add3A_536 = arith.addi %mul3A_534, %add3A_535 : i32
    %broadcast_in_dim3A_537 = vector.broadcast %add3A_536 : i32 to vector<8x4096xi32>
    %select_n3A_538 = arith.select %gt3A_531, %broadcast_in_dim3A_537, %select_n3A_529 : vector<8x4096xi1>, vector<8x4096xi32>
    %slice3A_539 = vector.extract_strided_slice %dot_general3A_7 {offsets = [472, 0], sizes = [8, 4096], strides = [1, 1]} : vector<1024x4096xf32> to vector<8x4096xf32>
    %gt3A_540 = arith.cmpf ogt, %slice3A_539, %select_n3A_532 : vector<8x4096xf32>
    %select_n3A_541 = arith.select %gt3A_540, %slice3A_539, %select_n3A_532 : vector<8x4096xi1>, vector<8x4096xf32>
    %mul3A_542 = arith.constant 128 : i32
    %mul3A_543 = arith.muli %arg1, %mul3A_542 : i32
    %add3A_544 = arith.constant 59 : i32
    %add3A_545 = arith.addi %mul3A_543, %add3A_544 : i32
    %broadcast_in_dim3A_546 = vector.broadcast %add3A_545 : i32 to vector<8x4096xi32>
    %select_n3A_547 = arith.select %gt3A_540, %broadcast_in_dim3A_546, %select_n3A_538 : vector<8x4096xi1>, vector<8x4096xi32>
    %slice3A_548 = vector.extract_strided_slice %dot_general3A_7 {offsets = [480, 0], sizes = [8, 4096], strides = [1, 1]} : vector<1024x4096xf32> to vector<8x4096xf32>
    %gt3A_549 = arith.cmpf ogt, %slice3A_548, %select_n3A_541 : vector<8x4096xf32>
    %select_n3A_550 = arith.select %gt3A_549, %slice3A_548, %select_n3A_541 : vector<8x4096xi1>, vector<8x4096xf32>
    %mul3A_551 = arith.constant 128 : i32
    %mul3A_552 = arith.muli %arg1, %mul3A_551 : i32
    %add3A_553 = arith.constant 60 : i32
    %add3A_554 = arith.addi %mul3A_552, %add3A_553 : i32
    %broadcast_in_dim3A_555 = vector.broadcast %add3A_554 : i32 to vector<8x4096xi32>
    %select_n3A_556 = arith.select %gt3A_549, %broadcast_in_dim3A_555, %select_n3A_547 : vector<8x4096xi1>, vector<8x4096xi32>
    %slice3A_557 = vector.extract_strided_slice %dot_general3A_7 {offsets = [488, 0], sizes = [8, 4096], strides = [1, 1]} : vector<1024x4096xf32> to vector<8x4096xf32>
    %gt3A_558 = arith.cmpf ogt, %slice3A_557, %select_n3A_550 : vector<8x4096xf32>
    %select_n3A_559 = arith.select %gt3A_558, %slice3A_557, %select_n3A_550 : vector<8x4096xi1>, vector<8x4096xf32>
    %mul3A_560 = arith.constant 128 : i32
    %mul3A_561 = arith.muli %arg1, %mul3A_560 : i32
    %add3A_562 = arith.constant 61 : i32
    %add3A_563 = arith.addi %mul3A_561, %add3A_562 : i32
    %broadcast_in_dim3A_564 = vector.broadcast %add3A_563 : i32 to vector<8x4096xi32>
    %select_n3A_565 = arith.select %gt3A_558, %broadcast_in_dim3A_564, %select_n3A_556 : vector<8x4096xi1>, vector<8x4096xi32>
    %slice3A_566 = vector.extract_strided_slice %dot_general3A_7 {offsets = [496, 0], sizes = [8, 4096], strides = [1, 1]} : vector<1024x4096xf32> to vector<8x4096xf32>
    %gt3A_567 = arith.cmpf ogt, %slice3A_566, %select_n3A_559 : vector<8x4096xf32>
    %select_n3A_568 = arith.select %gt3A_567, %slice3A_566, %select_n3A_559 : vector<8x4096xi1>, vector<8x4096xf32>
    %mul3A_569 = arith.constant 128 : i32
    %mul3A_570 = arith.muli %arg1, %mul3A_569 : i32
    %add3A_571 = arith.constant 62 : i32
    %add3A_572 = arith.addi %mul3A_570, %add3A_571 : i32
    %broadcast_in_dim3A_573 = vector.broadcast %add3A_572 : i32 to vector<8x4096xi32>
    %select_n3A_574 = arith.select %gt3A_567, %broadcast_in_dim3A_573, %select_n3A_565 : vector<8x4096xi1>, vector<8x4096xi32>
    %slice3A_575 = vector.extract_strided_slice %dot_general3A_7 {offsets = [504, 0], sizes = [8, 4096], strides = [1, 1]} : vector<1024x4096xf32> to vector<8x4096xf32>
    %gt3A_576 = arith.cmpf ogt, %slice3A_575, %select_n3A_568 : vector<8x4096xf32>
    %select_n3A_577 = arith.select %gt3A_576, %slice3A_575, %select_n3A_568 : vector<8x4096xi1>, vector<8x4096xf32>
    %mul3A_578 = arith.constant 128 : i32
    %mul3A_579 = arith.muli %arg1, %mul3A_578 : i32
    %add3A_580 = arith.constant 63 : i32
    %add3A_581 = arith.addi %mul3A_579, %add3A_580 : i32
    %broadcast_in_dim3A_582 = vector.broadcast %add3A_581 : i32 to vector<8x4096xi32>
    %select_n3A_583 = arith.select %gt3A_576, %broadcast_in_dim3A_582, %select_n3A_574 : vector<8x4096xi1>, vector<8x4096xi32>
    %slice3A_584 = vector.extract_strided_slice %dot_general3A_7 {offsets = [512, 0], sizes = [8, 4096], strides = [1, 1]} : vector<1024x4096xf32> to vector<8x4096xf32>
    %gt3A_585 = arith.cmpf ogt, %slice3A_584, %select_n3A_577 : vector<8x4096xf32>
    %select_n3A_586 = arith.select %gt3A_585, %slice3A_584, %select_n3A_577 : vector<8x4096xi1>, vector<8x4096xf32>
    %mul3A_587 = arith.constant 128 : i32
    %mul3A_588 = arith.muli %arg1, %mul3A_587 : i32
    %add3A_589 = arith.constant 64 : i32
    %add3A_590 = arith.addi %mul3A_588, %add3A_589 : i32
    %broadcast_in_dim3A_591 = vector.broadcast %add3A_590 : i32 to vector<8x4096xi32>
    %select_n3A_592 = arith.select %gt3A_585, %broadcast_in_dim3A_591, %select_n3A_583 : vector<8x4096xi1>, vector<8x4096xi32>
    %slice3A_593 = vector.extract_strided_slice %dot_general3A_7 {offsets = [520, 0], sizes = [8, 4096], strides = [1, 1]} : vector<1024x4096xf32> to vector<8x4096xf32>
    %gt3A_594 = arith.cmpf ogt, %slice3A_593, %select_n3A_586 : vector<8x4096xf32>
    %select_n3A_595 = arith.select %gt3A_594, %slice3A_593, %select_n3A_586 : vector<8x4096xi1>, vector<8x4096xf32>
    %mul3A_596 = arith.constant 128 : i32
    %mul3A_597 = arith.muli %arg1, %mul3A_596 : i32
    %add3A_598 = arith.constant 65 : i32
    %add3A_599 = arith.addi %mul3A_597, %add3A_598 : i32
    %broadcast_in_dim3A_600 = vector.broadcast %add3A_599 : i32 to vector<8x4096xi32>
    %select_n3A_601 = arith.select %gt3A_594, %broadcast_in_dim3A_600, %select_n3A_592 : vector<8x4096xi1>, vector<8x4096xi32>
    %slice3A_602 = vector.extract_strided_slice %dot_general3A_7 {offsets = [528, 0], sizes = [8, 4096], strides = [1, 1]} : vector<1024x4096xf32> to vector<8x4096xf32>
    %gt3A_603 = arith.cmpf ogt, %slice3A_602, %select_n3A_595 : vector<8x4096xf32>
    %select_n3A_604 = arith.select %gt3A_603, %slice3A_602, %select_n3A_595 : vector<8x4096xi1>, vector<8x4096xf32>
    %mul3A_605 = arith.constant 128 : i32
    %mul3A_606 = arith.muli %arg1, %mul3A_605 : i32
    %add3A_607 = arith.constant 66 : i32
    %add3A_608 = arith.addi %mul3A_606, %add3A_607 : i32
    %broadcast_in_dim3A_609 = vector.broadcast %add3A_608 : i32 to vector<8x4096xi32>
    %select_n3A_610 = arith.select %gt3A_603, %broadcast_in_dim3A_609, %select_n3A_601 : vector<8x4096xi1>, vector<8x4096xi32>
    %slice3A_611 = vector.extract_strided_slice %dot_general3A_7 {offsets = [536, 0], sizes = [8, 4096], strides = [1, 1]} : vector<1024x4096xf32> to vector<8x4096xf32>
    %gt3A_612 = arith.cmpf ogt, %slice3A_611, %select_n3A_604 : vector<8x4096xf32>
    %select_n3A_613 = arith.select %gt3A_612, %slice3A_611, %select_n3A_604 : vector<8x4096xi1>, vector<8x4096xf32>
    %mul3A_614 = arith.constant 128 : i32
    %mul3A_615 = arith.muli %arg1, %mul3A_614 : i32
    %add3A_616 = arith.constant 67 : i32
    %add3A_617 = arith.addi %mul3A_615, %add3A_616 : i32
    %broadcast_in_dim3A_618 = vector.broadcast %add3A_617 : i32 to vector<8x4096xi32>
    %select_n3A_619 = arith.select %gt3A_612, %broadcast_in_dim3A_618, %select_n3A_610 : vector<8x4096xi1>, vector<8x4096xi32>
    %slice3A_620 = vector.extract_strided_slice %dot_general3A_7 {offsets = [544, 0], sizes = [8, 4096], strides = [1, 1]} : vector<1024x4096xf32> to vector<8x4096xf32>
    %gt3A_621 = arith.cmpf ogt, %slice3A_620, %select_n3A_613 : vector<8x4096xf32>
    %select_n3A_622 = arith.select %gt3A_621, %slice3A_620, %select_n3A_613 : vector<8x4096xi1>, vector<8x4096xf32>
    %mul3A_623 = arith.constant 128 : i32
    %mul3A_624 = arith.muli %arg1, %mul3A_623 : i32
    %add3A_625 = arith.constant 68 : i32
    %add3A_626 = arith.addi %mul3A_624, %add3A_625 : i32
    %broadcast_in_dim3A_627 = vector.broadcast %add3A_626 : i32 to vector<8x4096xi32>
    %select_n3A_628 = arith.select %gt3A_621, %broadcast_in_dim3A_627, %select_n3A_619 : vector<8x4096xi1>, vector<8x4096xi32>
    %slice3A_629 = vector.extract_strided_slice %dot_general3A_7 {offsets = [552, 0], sizes = [8, 4096], strides = [1, 1]} : vector<1024x4096xf32> to vector<8x4096xf32>
    %gt3A_630 = arith.cmpf ogt, %slice3A_629, %select_n3A_622 : vector<8x4096xf32>
    %select_n3A_631 = arith.select %gt3A_630, %slice3A_629, %select_n3A_622 : vector<8x4096xi1>, vector<8x4096xf32>
    %mul3A_632 = arith.constant 128 : i32
    %mul3A_633 = arith.muli %arg1, %mul3A_632 : i32
    %add3A_634 = arith.constant 69 : i32
    %add3A_635 = arith.addi %mul3A_633, %add3A_634 : i32
    %broadcast_in_dim3A_636 = vector.broadcast %add3A_635 : i32 to vector<8x4096xi32>
    %select_n3A_637 = arith.select %gt3A_630, %broadcast_in_dim3A_636, %select_n3A_628 : vector<8x4096xi1>, vector<8x4096xi32>
    %slice3A_638 = vector.extract_strided_slice %dot_general3A_7 {offsets = [560, 0], sizes = [8, 4096], strides = [1, 1]} : vector<1024x4096xf32> to vector<8x4096xf32>
    %gt3A_639 = arith.cmpf ogt, %slice3A_638, %select_n3A_631 : vector<8x4096xf32>
    %select_n3A_640 = arith.select %gt3A_639, %slice3A_638, %select_n3A_631 : vector<8x4096xi1>, vector<8x4096xf32>
    %mul3A_641 = arith.constant 128 : i32
    %mul3A_642 = arith.muli %arg1, %mul3A_641 : i32
    %add3A_643 = arith.constant 70 : i32
    %add3A_644 = arith.addi %mul3A_642, %add3A_643 : i32
    %broadcast_in_dim3A_645 = vector.broadcast %add3A_644 : i32 to vector<8x4096xi32>
    %select_n3A_646 = arith.select %gt3A_639, %broadcast_in_dim3A_645, %select_n3A_637 : vector<8x4096xi1>, vector<8x4096xi32>
    %slice3A_647 = vector.extract_strided_slice %dot_general3A_7 {offsets = [568, 0], sizes = [8, 4096], strides = [1, 1]} : vector<1024x4096xf32> to vector<8x4096xf32>
    %gt3A_648 = arith.cmpf ogt, %slice3A_647, %select_n3A_640 : vector<8x4096xf32>
    %select_n3A_649 = arith.select %gt3A_648, %slice3A_647, %select_n3A_640 : vector<8x4096xi1>, vector<8x4096xf32>
    %mul3A_650 = arith.constant 128 : i32
    %mul3A_651 = arith.muli %arg1, %mul3A_650 : i32
    %add3A_652 = arith.constant 71 : i32
    %add3A_653 = arith.addi %mul3A_651, %add3A_652 : i32
    %broadcast_in_dim3A_654 = vector.broadcast %add3A_653 : i32 to vector<8x4096xi32>
    %select_n3A_655 = arith.select %gt3A_648, %broadcast_in_dim3A_654, %select_n3A_646 : vector<8x4096xi1>, vector<8x4096xi32>
    %slice3A_656 = vector.extract_strided_slice %dot_general3A_7 {offsets = [576, 0], sizes = [8, 4096], strides = [1, 1]} : vector<1024x4096xf32> to vector<8x4096xf32>
    %gt3A_657 = arith.cmpf ogt, %slice3A_656, %select_n3A_649 : vector<8x4096xf32>
    %select_n3A_658 = arith.select %gt3A_657, %slice3A_656, %select_n3A_649 : vector<8x4096xi1>, vector<8x4096xf32>
    %mul3A_659 = arith.constant 128 : i32
    %mul3A_660 = arith.muli %arg1, %mul3A_659 : i32
    %add3A_661 = arith.constant 72 : i32
    %add3A_662 = arith.addi %mul3A_660, %add3A_661 : i32
    %broadcast_in_dim3A_663 = vector.broadcast %add3A_662 : i32 to vector<8x4096xi32>
    %select_n3A_664 = arith.select %gt3A_657, %broadcast_in_dim3A_663, %select_n3A_655 : vector<8x4096xi1>, vector<8x4096xi32>
    %slice3A_665 = vector.extract_strided_slice %dot_general3A_7 {offsets = [584, 0], sizes = [8, 4096], strides = [1, 1]} : vector<1024x4096xf32> to vector<8x4096xf32>
    %gt3A_666 = arith.cmpf ogt, %slice3A_665, %select_n3A_658 : vector<8x4096xf32>
    %select_n3A_667 = arith.select %gt3A_666, %slice3A_665, %select_n3A_658 : vector<8x4096xi1>, vector<8x4096xf32>
    %mul3A_668 = arith.constant 128 : i32
    %mul3A_669 = arith.muli %arg1, %mul3A_668 : i32
    %add3A_670 = arith.constant 73 : i32
    %add3A_671 = arith.addi %mul3A_669, %add3A_670 : i32
    %broadcast_in_dim3A_672 = vector.broadcast %add3A_671 : i32 to vector<8x4096xi32>
    %select_n3A_673 = arith.select %gt3A_666, %broadcast_in_dim3A_672, %select_n3A_664 : vector<8x4096xi1>, vector<8x4096xi32>
    %slice3A_674 = vector.extract_strided_slice %dot_general3A_7 {offsets = [592, 0], sizes = [8, 4096], strides = [1, 1]} : vector<1024x4096xf32> to vector<8x4096xf32>
    %gt3A_675 = arith.cmpf ogt, %slice3A_674, %select_n3A_667 : vector<8x4096xf32>
    %select_n3A_676 = arith.select %gt3A_675, %slice3A_674, %select_n3A_667 : vector<8x4096xi1>, vector<8x4096xf32>
    %mul3A_677 = arith.constant 128 : i32
    %mul3A_678 = arith.muli %arg1, %mul3A_677 : i32
    %add3A_679 = arith.constant 74 : i32
    %add3A_680 = arith.addi %mul3A_678, %add3A_679 : i32
    %broadcast_in_dim3A_681 = vector.broadcast %add3A_680 : i32 to vector<8x4096xi32>
    %select_n3A_682 = arith.select %gt3A_675, %broadcast_in_dim3A_681, %select_n3A_673 : vector<8x4096xi1>, vector<8x4096xi32>
    %slice3A_683 = vector.extract_strided_slice %dot_general3A_7 {offsets = [600, 0], sizes = [8, 4096], strides = [1, 1]} : vector<1024x4096xf32> to vector<8x4096xf32>
    %gt3A_684 = arith.cmpf ogt, %slice3A_683, %select_n3A_676 : vector<8x4096xf32>
    %select_n3A_685 = arith.select %gt3A_684, %slice3A_683, %select_n3A_676 : vector<8x4096xi1>, vector<8x4096xf32>
    %mul3A_686 = arith.constant 128 : i32
    %mul3A_687 = arith.muli %arg1, %mul3A_686 : i32
    %add3A_688 = arith.constant 75 : i32
    %add3A_689 = arith.addi %mul3A_687, %add3A_688 : i32
    %broadcast_in_dim3A_690 = vector.broadcast %add3A_689 : i32 to vector<8x4096xi32>
    %select_n3A_691 = arith.select %gt3A_684, %broadcast_in_dim3A_690, %select_n3A_682 : vector<8x4096xi1>, vector<8x4096xi32>
    %slice3A_692 = vector.extract_strided_slice %dot_general3A_7 {offsets = [608, 0], sizes = [8, 4096], strides = [1, 1]} : vector<1024x4096xf32> to vector<8x4096xf32>
    %gt3A_693 = arith.cmpf ogt, %slice3A_692, %select_n3A_685 : vector<8x4096xf32>
    %select_n3A_694 = arith.select %gt3A_693, %slice3A_692, %select_n3A_685 : vector<8x4096xi1>, vector<8x4096xf32>
    %mul3A_695 = arith.constant 128 : i32
    %mul3A_696 = arith.muli %arg1, %mul3A_695 : i32
    %add3A_697 = arith.constant 76 : i32
    %add3A_698 = arith.addi %mul3A_696, %add3A_697 : i32
    %broadcast_in_dim3A_699 = vector.broadcast %add3A_698 : i32 to vector<8x4096xi32>
    %select_n3A_700 = arith.select %gt3A_693, %broadcast_in_dim3A_699, %select_n3A_691 : vector<8x4096xi1>, vector<8x4096xi32>
    %slice3A_701 = vector.extract_strided_slice %dot_general3A_7 {offsets = [616, 0], sizes = [8, 4096], strides = [1, 1]} : vector<1024x4096xf32> to vector<8x4096xf32>
    %gt3A_702 = arith.cmpf ogt, %slice3A_701, %select_n3A_694 : vector<8x4096xf32>
    %select_n3A_703 = arith.select %gt3A_702, %slice3A_701, %select_n3A_694 : vector<8x4096xi1>, vector<8x4096xf32>
    %mul3A_704 = arith.constant 128 : i32
    %mul3A_705 = arith.muli %arg1, %mul3A_704 : i32
    %add3A_706 = arith.constant 77 : i32
    %add3A_707 = arith.addi %mul3A_705, %add3A_706 : i32
    %broadcast_in_dim3A_708 = vector.broadcast %add3A_707 : i32 to vector<8x4096xi32>
    %select_n3A_709 = arith.select %gt3A_702, %broadcast_in_dim3A_708, %select_n3A_700 : vector<8x4096xi1>, vector<8x4096xi32>
    %slice3A_710 = vector.extract_strided_slice %dot_general3A_7 {offsets = [624, 0], sizes = [8, 4096], strides = [1, 1]} : vector<1024x4096xf32> to vector<8x4096xf32>
    %gt3A_711 = arith.cmpf ogt, %slice3A_710, %select_n3A_703 : vector<8x4096xf32>
    %select_n3A_712 = arith.select %gt3A_711, %slice3A_710, %select_n3A_703 : vector<8x4096xi1>, vector<8x4096xf32>
    %mul3A_713 = arith.constant 128 : i32
    %mul3A_714 = arith.muli %arg1, %mul3A_713 : i32
    %add3A_715 = arith.constant 78 : i32
    %add3A_716 = arith.addi %mul3A_714, %add3A_715 : i32
    %broadcast_in_dim3A_717 = vector.broadcast %add3A_716 : i32 to vector<8x4096xi32>
    %select_n3A_718 = arith.select %gt3A_711, %broadcast_in_dim3A_717, %select_n3A_709 : vector<8x4096xi1>, vector<8x4096xi32>
    %slice3A_719 = vector.extract_strided_slice %dot_general3A_7 {offsets = [632, 0], sizes = [8, 4096], strides = [1, 1]} : vector<1024x4096xf32> to vector<8x4096xf32>
    %gt3A_720 = arith.cmpf ogt, %slice3A_719, %select_n3A_712 : vector<8x4096xf32>
    %select_n3A_721 = arith.select %gt3A_720, %slice3A_719, %select_n3A_712 : vector<8x4096xi1>, vector<8x4096xf32>
    %mul3A_722 = arith.constant 128 : i32
    %mul3A_723 = arith.muli %arg1, %mul3A_722 : i32
    %add3A_724 = arith.constant 79 : i32
    %add3A_725 = arith.addi %mul3A_723, %add3A_724 : i32
    %broadcast_in_dim3A_726 = vector.broadcast %add3A_725 : i32 to vector<8x4096xi32>
    %select_n3A_727 = arith.select %gt3A_720, %broadcast_in_dim3A_726, %select_n3A_718 : vector<8x4096xi1>, vector<8x4096xi32>
    %slice3A_728 = vector.extract_strided_slice %dot_general3A_7 {offsets = [640, 0], sizes = [8, 4096], strides = [1, 1]} : vector<1024x4096xf32> to vector<8x4096xf32>
    %gt3A_729 = arith.cmpf ogt, %slice3A_728, %select_n3A_721 : vector<8x4096xf32>
    %select_n3A_730 = arith.select %gt3A_729, %slice3A_728, %select_n3A_721 : vector<8x4096xi1>, vector<8x4096xf32>
    %mul3A_731 = arith.constant 128 : i32
    %mul3A_732 = arith.muli %arg1, %mul3A_731 : i32
    %add3A_733 = arith.constant 80 : i32
    %add3A_734 = arith.addi %mul3A_732, %add3A_733 : i32
    %broadcast_in_dim3A_735 = vector.broadcast %add3A_734 : i32 to vector<8x4096xi32>
    %select_n3A_736 = arith.select %gt3A_729, %broadcast_in_dim3A_735, %select_n3A_727 : vector<8x4096xi1>, vector<8x4096xi32>
    %slice3A_737 = vector.extract_strided_slice %dot_general3A_7 {offsets = [648, 0], sizes = [8, 4096], strides = [1, 1]} : vector<1024x4096xf32> to vector<8x4096xf32>
    %gt3A_738 = arith.cmpf ogt, %slice3A_737, %select_n3A_730 : vector<8x4096xf32>
    %select_n3A_739 = arith.select %gt3A_738, %slice3A_737, %select_n3A_730 : vector<8x4096xi1>, vector<8x4096xf32>
    %mul3A_740 = arith.constant 128 : i32
    %mul3A_741 = arith.muli %arg1, %mul3A_740 : i32
    %add3A_742 = arith.constant 81 : i32
    %add3A_743 = arith.addi %mul3A_741, %add3A_742 : i32
    %broadcast_in_dim3A_744 = vector.broadcast %add3A_743 : i32 to vector<8x4096xi32>
    %select_n3A_745 = arith.select %gt3A_738, %broadcast_in_dim3A_744, %select_n3A_736 : vector<8x4096xi1>, vector<8x4096xi32>
    %slice3A_746 = vector.extract_strided_slice %dot_general3A_7 {offsets = [656, 0], sizes = [8, 4096], strides = [1, 1]} : vector<1024x4096xf32> to vector<8x4096xf32>
    %gt3A_747 = arith.cmpf ogt, %slice3A_746, %select_n3A_739 : vector<8x4096xf32>
    %select_n3A_748 = arith.select %gt3A_747, %slice3A_746, %select_n3A_739 : vector<8x4096xi1>, vector<8x4096xf32>
    %mul3A_749 = arith.constant 128 : i32
    %mul3A_750 = arith.muli %arg1, %mul3A_749 : i32
    %add3A_751 = arith.constant 82 : i32
    %add3A_752 = arith.addi %mul3A_750, %add3A_751 : i32
    %broadcast_in_dim3A_753 = vector.broadcast %add3A_752 : i32 to vector<8x4096xi32>
    %select_n3A_754 = arith.select %gt3A_747, %broadcast_in_dim3A_753, %select_n3A_745 : vector<8x4096xi1>, vector<8x4096xi32>
    %slice3A_755 = vector.extract_strided_slice %dot_general3A_7 {offsets = [664, 0], sizes = [8, 4096], strides = [1, 1]} : vector<1024x4096xf32> to vector<8x4096xf32>
    %gt3A_756 = arith.cmpf ogt, %slice3A_755, %select_n3A_748 : vector<8x4096xf32>
    %select_n3A_757 = arith.select %gt3A_756, %slice3A_755, %select_n3A_748 : vector<8x4096xi1>, vector<8x4096xf32>
    %mul3A_758 = arith.constant 128 : i32
    %mul3A_759 = arith.muli %arg1, %mul3A_758 : i32
    %add3A_760 = arith.constant 83 : i32
    %add3A_761 = arith.addi %mul3A_759, %add3A_760 : i32
    %broadcast_in_dim3A_762 = vector.broadcast %add3A_761 : i32 to vector<8x4096xi32>
    %select_n3A_763 = arith.select %gt3A_756, %broadcast_in_dim3A_762, %select_n3A_754 : vector<8x4096xi1>, vector<8x4096xi32>
    %slice3A_764 = vector.extract_strided_slice %dot_general3A_7 {offsets = [672, 0], sizes = [8, 4096], strides = [1, 1]} : vector<1024x4096xf32> to vector<8x4096xf32>
    %gt3A_765 = arith.cmpf ogt, %slice3A_764, %select_n3A_757 : vector<8x4096xf32>
    %select_n3A_766 = arith.select %gt3A_765, %slice3A_764, %select_n3A_757 : vector<8x4096xi1>, vector<8x4096xf32>
    %mul3A_767 = arith.constant 128 : i32
    %mul3A_768 = arith.muli %arg1, %mul3A_767 : i32
    %add3A_769 = arith.constant 84 : i32
    %add3A_770 = arith.addi %mul3A_768, %add3A_769 : i32
    %broadcast_in_dim3A_771 = vector.broadcast %add3A_770 : i32 to vector<8x4096xi32>
    %select_n3A_772 = arith.select %gt3A_765, %broadcast_in_dim3A_771, %select_n3A_763 : vector<8x4096xi1>, vector<8x4096xi32>
    %slice3A_773 = vector.extract_strided_slice %dot_general3A_7 {offsets = [680, 0], sizes = [8, 4096], strides = [1, 1]} : vector<1024x4096xf32> to vector<8x4096xf32>
    %gt3A_774 = arith.cmpf ogt, %slice3A_773, %select_n3A_766 : vector<8x4096xf32>
    %select_n3A_775 = arith.select %gt3A_774, %slice3A_773, %select_n3A_766 : vector<8x4096xi1>, vector<8x4096xf32>
    %mul3A_776 = arith.constant 128 : i32
    %mul3A_777 = arith.muli %arg1, %mul3A_776 : i32
    %add3A_778 = arith.constant 85 : i32
    %add3A_779 = arith.addi %mul3A_777, %add3A_778 : i32
    %broadcast_in_dim3A_780 = vector.broadcast %add3A_779 : i32 to vector<8x4096xi32>
    %select_n3A_781 = arith.select %gt3A_774, %broadcast_in_dim3A_780, %select_n3A_772 : vector<8x4096xi1>, vector<8x4096xi32>
    %slice3A_782 = vector.extract_strided_slice %dot_general3A_7 {offsets = [688, 0], sizes = [8, 4096], strides = [1, 1]} : vector<1024x4096xf32> to vector<8x4096xf32>
    %gt3A_783 = arith.cmpf ogt, %slice3A_782, %select_n3A_775 : vector<8x4096xf32>
    %select_n3A_784 = arith.select %gt3A_783, %slice3A_782, %select_n3A_775 : vector<8x4096xi1>, vector<8x4096xf32>
    %mul3A_785 = arith.constant 128 : i32
    %mul3A_786 = arith.muli %arg1, %mul3A_785 : i32
    %add3A_787 = arith.constant 86 : i32
    %add3A_788 = arith.addi %mul3A_786, %add3A_787 : i32
    %broadcast_in_dim3A_789 = vector.broadcast %add3A_788 : i32 to vector<8x4096xi32>
    %select_n3A_790 = arith.select %gt3A_783, %broadcast_in_dim3A_789, %select_n3A_781 : vector<8x4096xi1>, vector<8x4096xi32>
    %slice3A_791 = vector.extract_strided_slice %dot_general3A_7 {offsets = [696, 0], sizes = [8, 4096], strides = [1, 1]} : vector<1024x4096xf32> to vector<8x4096xf32>
    %gt3A_792 = arith.cmpf ogt, %slice3A_791, %select_n3A_784 : vector<8x4096xf32>
    %select_n3A_793 = arith.select %gt3A_792, %slice3A_791, %select_n3A_784 : vector<8x4096xi1>, vector<8x4096xf32>
    %mul3A_794 = arith.constant 128 : i32
    %mul3A_795 = arith.muli %arg1, %mul3A_794 : i32
    %add3A_796 = arith.constant 87 : i32
    %add3A_797 = arith.addi %mul3A_795, %add3A_796 : i32
    %broadcast_in_dim3A_798 = vector.broadcast %add3A_797 : i32 to vector<8x4096xi32>
    %select_n3A_799 = arith.select %gt3A_792, %broadcast_in_dim3A_798, %select_n3A_790 : vector<8x4096xi1>, vector<8x4096xi32>
    %slice3A_800 = vector.extract_strided_slice %dot_general3A_7 {offsets = [704, 0], sizes = [8, 4096], strides = [1, 1]} : vector<1024x4096xf32> to vector<8x4096xf32>
    %gt3A_801 = arith.cmpf ogt, %slice3A_800, %select_n3A_793 : vector<8x4096xf32>
    %select_n3A_802 = arith.select %gt3A_801, %slice3A_800, %select_n3A_793 : vector<8x4096xi1>, vector<8x4096xf32>
    %mul3A_803 = arith.constant 128 : i32
    %mul3A_804 = arith.muli %arg1, %mul3A_803 : i32
    %add3A_805 = arith.constant 88 : i32
    %add3A_806 = arith.addi %mul3A_804, %add3A_805 : i32
    %broadcast_in_dim3A_807 = vector.broadcast %add3A_806 : i32 to vector<8x4096xi32>
    %select_n3A_808 = arith.select %gt3A_801, %broadcast_in_dim3A_807, %select_n3A_799 : vector<8x4096xi1>, vector<8x4096xi32>
    %slice3A_809 = vector.extract_strided_slice %dot_general3A_7 {offsets = [712, 0], sizes = [8, 4096], strides = [1, 1]} : vector<1024x4096xf32> to vector<8x4096xf32>
    %gt3A_810 = arith.cmpf ogt, %slice3A_809, %select_n3A_802 : vector<8x4096xf32>
    %select_n3A_811 = arith.select %gt3A_810, %slice3A_809, %select_n3A_802 : vector<8x4096xi1>, vector<8x4096xf32>
    %mul3A_812 = arith.constant 128 : i32
    %mul3A_813 = arith.muli %arg1, %mul3A_812 : i32
    %add3A_814 = arith.constant 89 : i32
    %add3A_815 = arith.addi %mul3A_813, %add3A_814 : i32
    %broadcast_in_dim3A_816 = vector.broadcast %add3A_815 : i32 to vector<8x4096xi32>
    %select_n3A_817 = arith.select %gt3A_810, %broadcast_in_dim3A_816, %select_n3A_808 : vector<8x4096xi1>, vector<8x4096xi32>
    %slice3A_818 = vector.extract_strided_slice %dot_general3A_7 {offsets = [720, 0], sizes = [8, 4096], strides = [1, 1]} : vector<1024x4096xf32> to vector<8x4096xf32>
    %gt3A_819 = arith.cmpf ogt, %slice3A_818, %select_n3A_811 : vector<8x4096xf32>
    %select_n3A_820 = arith.select %gt3A_819, %slice3A_818, %select_n3A_811 : vector<8x4096xi1>, vector<8x4096xf32>
    %mul3A_821 = arith.constant 128 : i32
    %mul3A_822 = arith.muli %arg1, %mul3A_821 : i32
    %add3A_823 = arith.constant 90 : i32
    %add3A_824 = arith.addi %mul3A_822, %add3A_823 : i32
    %broadcast_in_dim3A_825 = vector.broadcast %add3A_824 : i32 to vector<8x4096xi32>
    %select_n3A_826 = arith.select %gt3A_819, %broadcast_in_dim3A_825, %select_n3A_817 : vector<8x4096xi1>, vector<8x4096xi32>
    %slice3A_827 = vector.extract_strided_slice %dot_general3A_7 {offsets = [728, 0], sizes = [8, 4096], strides = [1, 1]} : vector<1024x4096xf32> to vector<8x4096xf32>
    %gt3A_828 = arith.cmpf ogt, %slice3A_827, %select_n3A_820 : vector<8x4096xf32>
    %select_n3A_829 = arith.select %gt3A_828, %slice3A_827, %select_n3A_820 : vector<8x4096xi1>, vector<8x4096xf32>
    %mul3A_830 = arith.constant 128 : i32
    %mul3A_831 = arith.muli %arg1, %mul3A_830 : i32
    %add3A_832 = arith.constant 91 : i32
    %add3A_833 = arith.addi %mul3A_831, %add3A_832 : i32
    %broadcast_in_dim3A_834 = vector.broadcast %add3A_833 : i32 to vector<8x4096xi32>
    %select_n3A_835 = arith.select %gt3A_828, %broadcast_in_dim3A_834, %select_n3A_826 : vector<8x4096xi1>, vector<8x4096xi32>
    %slice3A_836 = vector.extract_strided_slice %dot_general3A_7 {offsets = [736, 0], sizes = [8, 4096], strides = [1, 1]} : vector<1024x4096xf32> to vector<8x4096xf32>
    %gt3A_837 = arith.cmpf ogt, %slice3A_836, %select_n3A_829 : vector<8x4096xf32>
    %select_n3A_838 = arith.select %gt3A_837, %slice3A_836, %select_n3A_829 : vector<8x4096xi1>, vector<8x4096xf32>
    %mul3A_839 = arith.constant 128 : i32
    %mul3A_840 = arith.muli %arg1, %mul3A_839 : i32
    %add3A_841 = arith.constant 92 : i32
    %add3A_842 = arith.addi %mul3A_840, %add3A_841 : i32
    %broadcast_in_dim3A_843 = vector.broadcast %add3A_842 : i32 to vector<8x4096xi32>
    %select_n3A_844 = arith.select %gt3A_837, %broadcast_in_dim3A_843, %select_n3A_835 : vector<8x4096xi1>, vector<8x4096xi32>
    %slice3A_845 = vector.extract_strided_slice %dot_general3A_7 {offsets = [744, 0], sizes = [8, 4096], strides = [1, 1]} : vector<1024x4096xf32> to vector<8x4096xf32>
    %gt3A_846 = arith.cmpf ogt, %slice3A_845, %select_n3A_838 : vector<8x4096xf32>
    %select_n3A_847 = arith.select %gt3A_846, %slice3A_845, %select_n3A_838 : vector<8x4096xi1>, vector<8x4096xf32>
    %mul3A_848 = arith.constant 128 : i32
    %mul3A_849 = arith.muli %arg1, %mul3A_848 : i32
    %add3A_850 = arith.constant 93 : i32
    %add3A_851 = arith.addi %mul3A_849, %add3A_850 : i32
    %broadcast_in_dim3A_852 = vector.broadcast %add3A_851 : i32 to vector<8x4096xi32>
    %select_n3A_853 = arith.select %gt3A_846, %broadcast_in_dim3A_852, %select_n3A_844 : vector<8x4096xi1>, vector<8x4096xi32>
    %slice3A_854 = vector.extract_strided_slice %dot_general3A_7 {offsets = [752, 0], sizes = [8, 4096], strides = [1, 1]} : vector<1024x4096xf32> to vector<8x4096xf32>
    %gt3A_855 = arith.cmpf ogt, %slice3A_854, %select_n3A_847 : vector<8x4096xf32>
    %select_n3A_856 = arith.select %gt3A_855, %slice3A_854, %select_n3A_847 : vector<8x4096xi1>, vector<8x4096xf32>
    %mul3A_857 = arith.constant 128 : i32
    %mul3A_858 = arith.muli %arg1, %mul3A_857 : i32
    %add3A_859 = arith.constant 94 : i32
    %add3A_860 = arith.addi %mul3A_858, %add3A_859 : i32
    %broadcast_in_dim3A_861 = vector.broadcast %add3A_860 : i32 to vector<8x4096xi32>
    %select_n3A_862 = arith.select %gt3A_855, %broadcast_in_dim3A_861, %select_n3A_853 : vector<8x4096xi1>, vector<8x4096xi32>
    %slice3A_863 = vector.extract_strided_slice %dot_general3A_7 {offsets = [760, 0], sizes = [8, 4096], strides = [1, 1]} : vector<1024x4096xf32> to vector<8x4096xf32>
    %gt3A_864 = arith.cmpf ogt, %slice3A_863, %select_n3A_856 : vector<8x4096xf32>
    %select_n3A_865 = arith.select %gt3A_864, %slice3A_863, %select_n3A_856 : vector<8x4096xi1>, vector<8x4096xf32>
    %mul3A_866 = arith.constant 128 : i32
    %mul3A_867 = arith.muli %arg1, %mul3A_866 : i32
    %add3A_868 = arith.constant 95 : i32
    %add3A_869 = arith.addi %mul3A_867, %add3A_868 : i32
    %broadcast_in_dim3A_870 = vector.broadcast %add3A_869 : i32 to vector<8x4096xi32>
    %select_n3A_871 = arith.select %gt3A_864, %broadcast_in_dim3A_870, %select_n3A_862 : vector<8x4096xi1>, vector<8x4096xi32>
    %slice3A_872 = vector.extract_strided_slice %dot_general3A_7 {offsets = [768, 0], sizes = [8, 4096], strides = [1, 1]} : vector<1024x4096xf32> to vector<8x4096xf32>
    %gt3A_873 = arith.cmpf ogt, %slice3A_872, %select_n3A_865 : vector<8x4096xf32>
    %select_n3A_874 = arith.select %gt3A_873, %slice3A_872, %select_n3A_865 : vector<8x4096xi1>, vector<8x4096xf32>
    %mul3A_875 = arith.constant 128 : i32
    %mul3A_876 = arith.muli %arg1, %mul3A_875 : i32
    %add3A_877 = arith.constant 96 : i32
    %add3A_878 = arith.addi %mul3A_876, %add3A_877 : i32
    %broadcast_in_dim3A_879 = vector.broadcast %add3A_878 : i32 to vector<8x4096xi32>
    %select_n3A_880 = arith.select %gt3A_873, %broadcast_in_dim3A_879, %select_n3A_871 : vector<8x4096xi1>, vector<8x4096xi32>
    %slice3A_881 = vector.extract_strided_slice %dot_general3A_7 {offsets = [776, 0], sizes = [8, 4096], strides = [1, 1]} : vector<1024x4096xf32> to vector<8x4096xf32>
    %gt3A_882 = arith.cmpf ogt, %slice3A_881, %select_n3A_874 : vector<8x4096xf32>
    %select_n3A_883 = arith.select %gt3A_882, %slice3A_881, %select_n3A_874 : vector<8x4096xi1>, vector<8x4096xf32>
    %mul3A_884 = arith.constant 128 : i32
    %mul3A_885 = arith.muli %arg1, %mul3A_884 : i32
    %add3A_886 = arith.constant 97 : i32
    %add3A_887 = arith.addi %mul3A_885, %add3A_886 : i32
    %broadcast_in_dim3A_888 = vector.broadcast %add3A_887 : i32 to vector<8x4096xi32>
    %select_n3A_889 = arith.select %gt3A_882, %broadcast_in_dim3A_888, %select_n3A_880 : vector<8x4096xi1>, vector<8x4096xi32>
    %slice3A_890 = vector.extract_strided_slice %dot_general3A_7 {offsets = [784, 0], sizes = [8, 4096], strides = [1, 1]} : vector<1024x4096xf32> to vector<8x4096xf32>
    %gt3A_891 = arith.cmpf ogt, %slice3A_890, %select_n3A_883 : vector<8x4096xf32>
    %select_n3A_892 = arith.select %gt3A_891, %slice3A_890, %select_n3A_883 : vector<8x4096xi1>, vector<8x4096xf32>
    %mul3A_893 = arith.constant 128 : i32
    %mul3A_894 = arith.muli %arg1, %mul3A_893 : i32
    %add3A_895 = arith.constant 98 : i32
    %add3A_896 = arith.addi %mul3A_894, %add3A_895 : i32
    %broadcast_in_dim3A_897 = vector.broadcast %add3A_896 : i32 to vector<8x4096xi32>
    %select_n3A_898 = arith.select %gt3A_891, %broadcast_in_dim3A_897, %select_n3A_889 : vector<8x4096xi1>, vector<8x4096xi32>
    %slice3A_899 = vector.extract_strided_slice %dot_general3A_7 {offsets = [792, 0], sizes = [8, 4096], strides = [1, 1]} : vector<1024x4096xf32> to vector<8x4096xf32>
    %gt3A_900 = arith.cmpf ogt, %slice3A_899, %select_n3A_892 : vector<8x4096xf32>
    %select_n3A_901 = arith.select %gt3A_900, %slice3A_899, %select_n3A_892 : vector<8x4096xi1>, vector<8x4096xf32>
    %mul3A_902 = arith.constant 128 : i32
    %mul3A_903 = arith.muli %arg1, %mul3A_902 : i32
    %add3A_904 = arith.constant 99 : i32
    %add3A_905 = arith.addi %mul3A_903, %add3A_904 : i32
    %broadcast_in_dim3A_906 = vector.broadcast %add3A_905 : i32 to vector<8x4096xi32>
    %select_n3A_907 = arith.select %gt3A_900, %broadcast_in_dim3A_906, %select_n3A_898 : vector<8x4096xi1>, vector<8x4096xi32>
    %slice3A_908 = vector.extract_strided_slice %dot_general3A_7 {offsets = [800, 0], sizes = [8, 4096], strides = [1, 1]} : vector<1024x4096xf32> to vector<8x4096xf32>
    %gt3A_909 = arith.cmpf ogt, %slice3A_908, %select_n3A_901 : vector<8x4096xf32>
    %select_n3A_910 = arith.select %gt3A_909, %slice3A_908, %select_n3A_901 : vector<8x4096xi1>, vector<8x4096xf32>
    %mul3A_911 = arith.constant 128 : i32
    %mul3A_912 = arith.muli %arg1, %mul3A_911 : i32
    %add3A_913 = arith.constant 100 : i32
    %add3A_914 = arith.addi %mul3A_912, %add3A_913 : i32
    %broadcast_in_dim3A_915 = vector.broadcast %add3A_914 : i32 to vector<8x4096xi32>
    %select_n3A_916 = arith.select %gt3A_909, %broadcast_in_dim3A_915, %select_n3A_907 : vector<8x4096xi1>, vector<8x4096xi32>
    %slice3A_917 = vector.extract_strided_slice %dot_general3A_7 {offsets = [808, 0], sizes = [8, 4096], strides = [1, 1]} : vector<1024x4096xf32> to vector<8x4096xf32>
    %gt3A_918 = arith.cmpf ogt, %slice3A_917, %select_n3A_910 : vector<8x4096xf32>
    %select_n3A_919 = arith.select %gt3A_918, %slice3A_917, %select_n3A_910 : vector<8x4096xi1>, vector<8x4096xf32>
    %mul3A_920 = arith.constant 128 : i32
    %mul3A_921 = arith.muli %arg1, %mul3A_920 : i32
    %add3A_922 = arith.constant 101 : i32
    %add3A_923 = arith.addi %mul3A_921, %add3A_922 : i32
    %broadcast_in_dim3A_924 = vector.broadcast %add3A_923 : i32 to vector<8x4096xi32>
    %select_n3A_925 = arith.select %gt3A_918, %broadcast_in_dim3A_924, %select_n3A_916 : vector<8x4096xi1>, vector<8x4096xi32>
    %slice3A_926 = vector.extract_strided_slice %dot_general3A_7 {offsets = [816, 0], sizes = [8, 4096], strides = [1, 1]} : vector<1024x4096xf32> to vector<8x4096xf32>
    %gt3A_927 = arith.cmpf ogt, %slice3A_926, %select_n3A_919 : vector<8x4096xf32>
    %select_n3A_928 = arith.select %gt3A_927, %slice3A_926, %select_n3A_919 : vector<8x4096xi1>, vector<8x4096xf32>
    %mul3A_929 = arith.constant 128 : i32
    %mul3A_930 = arith.muli %arg1, %mul3A_929 : i32
    %add3A_931 = arith.constant 102 : i32
    %add3A_932 = arith.addi %mul3A_930, %add3A_931 : i32
    %broadcast_in_dim3A_933 = vector.broadcast %add3A_932 : i32 to vector<8x4096xi32>
    %select_n3A_934 = arith.select %gt3A_927, %broadcast_in_dim3A_933, %select_n3A_925 : vector<8x4096xi1>, vector<8x4096xi32>
    %slice3A_935 = vector.extract_strided_slice %dot_general3A_7 {offsets = [824, 0], sizes = [8, 4096], strides = [1, 1]} : vector<1024x4096xf32> to vector<8x4096xf32>
    %gt3A_936 = arith.cmpf ogt, %slice3A_935, %select_n3A_928 : vector<8x4096xf32>
    %select_n3A_937 = arith.select %gt3A_936, %slice3A_935, %select_n3A_928 : vector<8x4096xi1>, vector<8x4096xf32>
    %mul3A_938 = arith.constant 128 : i32
    %mul3A_939 = arith.muli %arg1, %mul3A_938 : i32
    %add3A_940 = arith.constant 103 : i32
    %add3A_941 = arith.addi %mul3A_939, %add3A_940 : i32
    %broadcast_in_dim3A_942 = vector.broadcast %add3A_941 : i32 to vector<8x4096xi32>
    %select_n3A_943 = arith.select %gt3A_936, %broadcast_in_dim3A_942, %select_n3A_934 : vector<8x4096xi1>, vector<8x4096xi32>
    %slice3A_944 = vector.extract_strided_slice %dot_general3A_7 {offsets = [832, 0], sizes = [8, 4096], strides = [1, 1]} : vector<1024x4096xf32> to vector<8x4096xf32>
    %gt3A_945 = arith.cmpf ogt, %slice3A_944, %select_n3A_937 : vector<8x4096xf32>
    %select_n3A_946 = arith.select %gt3A_945, %slice3A_944, %select_n3A_937 : vector<8x4096xi1>, vector<8x4096xf32>
    %mul3A_947 = arith.constant 128 : i32
    %mul3A_948 = arith.muli %arg1, %mul3A_947 : i32
    %add3A_949 = arith.constant 104 : i32
    %add3A_950 = arith.addi %mul3A_948, %add3A_949 : i32
    %broadcast_in_dim3A_951 = vector.broadcast %add3A_950 : i32 to vector<8x4096xi32>
    %select_n3A_952 = arith.select %gt3A_945, %broadcast_in_dim3A_951, %select_n3A_943 : vector<8x4096xi1>, vector<8x4096xi32>
    %slice3A_953 = vector.extract_strided_slice %dot_general3A_7 {offsets = [840, 0], sizes = [8, 4096], strides = [1, 1]} : vector<1024x4096xf32> to vector<8x4096xf32>
    %gt3A_954 = arith.cmpf ogt, %slice3A_953, %select_n3A_946 : vector<8x4096xf32>
    %select_n3A_955 = arith.select %gt3A_954, %slice3A_953, %select_n3A_946 : vector<8x4096xi1>, vector<8x4096xf32>
    %mul3A_956 = arith.constant 128 : i32
    %mul3A_957 = arith.muli %arg1, %mul3A_956 : i32
    %add3A_958 = arith.constant 105 : i32
    %add3A_959 = arith.addi %mul3A_957, %add3A_958 : i32
    %broadcast_in_dim3A_960 = vector.broadcast %add3A_959 : i32 to vector<8x4096xi32>
    %select_n3A_961 = arith.select %gt3A_954, %broadcast_in_dim3A_960, %select_n3A_952 : vector<8x4096xi1>, vector<8x4096xi32>
    %slice3A_962 = vector.extract_strided_slice %dot_general3A_7 {offsets = [848, 0], sizes = [8, 4096], strides = [1, 1]} : vector<1024x4096xf32> to vector<8x4096xf32>
    %gt3A_963 = arith.cmpf ogt, %slice3A_962, %select_n3A_955 : vector<8x4096xf32>
    %select_n3A_964 = arith.select %gt3A_963, %slice3A_962, %select_n3A_955 : vector<8x4096xi1>, vector<8x4096xf32>
    %mul3A_965 = arith.constant 128 : i32
    %mul3A_966 = arith.muli %arg1, %mul3A_965 : i32
    %add3A_967 = arith.constant 106 : i32
    %add3A_968 = arith.addi %mul3A_966, %add3A_967 : i32
    %broadcast_in_dim3A_969 = vector.broadcast %add3A_968 : i32 to vector<8x4096xi32>
    %select_n3A_970 = arith.select %gt3A_963, %broadcast_in_dim3A_969, %select_n3A_961 : vector<8x4096xi1>, vector<8x4096xi32>
    %slice3A_971 = vector.extract_strided_slice %dot_general3A_7 {offsets = [856, 0], sizes = [8, 4096], strides = [1, 1]} : vector<1024x4096xf32> to vector<8x4096xf32>
    %gt3A_972 = arith.cmpf ogt, %slice3A_971, %select_n3A_964 : vector<8x4096xf32>
    %select_n3A_973 = arith.select %gt3A_972, %slice3A_971, %select_n3A_964 : vector<8x4096xi1>, vector<8x4096xf32>
    %mul3A_974 = arith.constant 128 : i32
    %mul3A_975 = arith.muli %arg1, %mul3A_974 : i32
    %add3A_976 = arith.constant 107 : i32
    %add3A_977 = arith.addi %mul3A_975, %add3A_976 : i32
    %broadcast_in_dim3A_978 = vector.broadcast %add3A_977 : i32 to vector<8x4096xi32>
    %select_n3A_979 = arith.select %gt3A_972, %broadcast_in_dim3A_978, %select_n3A_970 : vector<8x4096xi1>, vector<8x4096xi32>
    %slice3A_980 = vector.extract_strided_slice %dot_general3A_7 {offsets = [864, 0], sizes = [8, 4096], strides = [1, 1]} : vector<1024x4096xf32> to vector<8x4096xf32>
    %gt3A_981 = arith.cmpf ogt, %slice3A_980, %select_n3A_973 : vector<8x4096xf32>
    %select_n3A_982 = arith.select %gt3A_981, %slice3A_980, %select_n3A_973 : vector<8x4096xi1>, vector<8x4096xf32>
    %mul3A_983 = arith.constant 128 : i32
    %mul3A_984 = arith.muli %arg1, %mul3A_983 : i32
    %add3A_985 = arith.constant 108 : i32
    %add3A_986 = arith.addi %mul3A_984, %add3A_985 : i32
    %broadcast_in_dim3A_987 = vector.broadcast %add3A_986 : i32 to vector<8x4096xi32>
    %select_n3A_988 = arith.select %gt3A_981, %broadcast_in_dim3A_987, %select_n3A_979 : vector<8x4096xi1>, vector<8x4096xi32>
    %slice3A_989 = vector.extract_strided_slice %dot_general3A_7 {offsets = [872, 0], sizes = [8, 4096], strides = [1, 1]} : vector<1024x4096xf32> to vector<8x4096xf32>
    %gt3A_990 = arith.cmpf ogt, %slice3A_989, %select_n3A_982 : vector<8x4096xf32>
    %select_n3A_991 = arith.select %gt3A_990, %slice3A_989, %select_n3A_982 : vector<8x4096xi1>, vector<8x4096xf32>
    %mul3A_992 = arith.constant 128 : i32
    %mul3A_993 = arith.muli %arg1, %mul3A_992 : i32
    %add3A_994 = arith.constant 109 : i32
    %add3A_995 = arith.addi %mul3A_993, %add3A_994 : i32
    %broadcast_in_dim3A_996 = vector.broadcast %add3A_995 : i32 to vector<8x4096xi32>
    %select_n3A_997 = arith.select %gt3A_990, %broadcast_in_dim3A_996, %select_n3A_988 : vector<8x4096xi1>, vector<8x4096xi32>
    %slice3A_998 = vector.extract_strided_slice %dot_general3A_7 {offsets = [880, 0], sizes = [8, 4096], strides = [1, 1]} : vector<1024x4096xf32> to vector<8x4096xf32>
    %gt3A_999 = arith.cmpf ogt, %slice3A_998, %select_n3A_991 : vector<8x4096xf32>
    %select_n3A_1000 = arith.select %gt3A_999, %slice3A_998, %select_n3A_991 : vector<8x4096xi1>, vector<8x4096xf32>
    %mul3A_1001 = arith.constant 128 : i32
    %mul3A_1002 = arith.muli %arg1, %mul3A_1001 : i32
    %add3A_1003 = arith.constant 110 : i32
    %add3A_1004 = arith.addi %mul3A_1002, %add3A_1003 : i32
    %broadcast_in_dim3A_1005 = vector.broadcast %add3A_1004 : i32 to vector<8x4096xi32>
    %select_n3A_1006 = arith.select %gt3A_999, %broadcast_in_dim3A_1005, %select_n3A_997 : vector<8x4096xi1>, vector<8x4096xi32>
    %slice3A_1007 = vector.extract_strided_slice %dot_general3A_7 {offsets = [888, 0], sizes = [8, 4096], strides = [1, 1]} : vector<1024x4096xf32> to vector<8x4096xf32>
    %gt3A_1008 = arith.cmpf ogt, %slice3A_1007, %select_n3A_1000 : vector<8x4096xf32>
    %select_n3A_1009 = arith.select %gt3A_1008, %slice3A_1007, %select_n3A_1000 : vector<8x4096xi1>, vector<8x4096xf32>
    %mul3A_1010 = arith.constant 128 : i32
    %mul3A_1011 = arith.muli %arg1, %mul3A_1010 : i32
    %add3A_1012 = arith.constant 111 : i32
    %add3A_1013 = arith.addi %mul3A_1011, %add3A_1012 : i32
    %broadcast_in_dim3A_1014 = vector.broadcast %add3A_1013 : i32 to vector<8x4096xi32>
    %select_n3A_1015 = arith.select %gt3A_1008, %broadcast_in_dim3A_1014, %select_n3A_1006 : vector<8x4096xi1>, vector<8x4096xi32>
    %slice3A_1016 = vector.extract_strided_slice %dot_general3A_7 {offsets = [896, 0], sizes = [8, 4096], strides = [1, 1]} : vector<1024x4096xf32> to vector<8x4096xf32>
    %gt3A_1017 = arith.cmpf ogt, %slice3A_1016, %select_n3A_1009 : vector<8x4096xf32>
    %select_n3A_1018 = arith.select %gt3A_1017, %slice3A_1016, %select_n3A_1009 : vector<8x4096xi1>, vector<8x4096xf32>
    %mul3A_1019 = arith.constant 128 : i32
    %mul3A_1020 = arith.muli %arg1, %mul3A_1019 : i32
    %add3A_1021 = arith.constant 112 : i32
    %add3A_1022 = arith.addi %mul3A_1020, %add3A_1021 : i32
    %broadcast_in_dim3A_1023 = vector.broadcast %add3A_1022 : i32 to vector<8x4096xi32>
    %select_n3A_1024 = arith.select %gt3A_1017, %broadcast_in_dim3A_1023, %select_n3A_1015 : vector<8x4096xi1>, vector<8x4096xi32>
    %slice3A_1025 = vector.extract_strided_slice %dot_general3A_7 {offsets = [904, 0], sizes = [8, 4096], strides = [1, 1]} : vector<1024x4096xf32> to vector<8x4096xf32>
    %gt3A_1026 = arith.cmpf ogt, %slice3A_1025, %select_n3A_1018 : vector<8x4096xf32>
    %select_n3A_1027 = arith.select %gt3A_1026, %slice3A_1025, %select_n3A_1018 : vector<8x4096xi1>, vector<8x4096xf32>
    %mul3A_1028 = arith.constant 128 : i32
    %mul3A_1029 = arith.muli %arg1, %mul3A_1028 : i32
    %add3A_1030 = arith.constant 113 : i32
    %add3A_1031 = arith.addi %mul3A_1029, %add3A_1030 : i32
    %broadcast_in_dim3A_1032 = vector.broadcast %add3A_1031 : i32 to vector<8x4096xi32>
    %select_n3A_1033 = arith.select %gt3A_1026, %broadcast_in_dim3A_1032, %select_n3A_1024 : vector<8x4096xi1>, vector<8x4096xi32>
    %slice3A_1034 = vector.extract_strided_slice %dot_general3A_7 {offsets = [912, 0], sizes = [8, 4096], strides = [1, 1]} : vector<1024x4096xf32> to vector<8x4096xf32>
    %gt3A_1035 = arith.cmpf ogt, %slice3A_1034, %select_n3A_1027 : vector<8x4096xf32>
    %select_n3A_1036 = arith.select %gt3A_1035, %slice3A_1034, %select_n3A_1027 : vector<8x4096xi1>, vector<8x4096xf32>
    %mul3A_1037 = arith.constant 128 : i32
    %mul3A_1038 = arith.muli %arg1, %mul3A_1037 : i32
    %add3A_1039 = arith.constant 114 : i32
    %add3A_1040 = arith.addi %mul3A_1038, %add3A_1039 : i32
    %broadcast_in_dim3A_1041 = vector.broadcast %add3A_1040 : i32 to vector<8x4096xi32>
    %select_n3A_1042 = arith.select %gt3A_1035, %broadcast_in_dim3A_1041, %select_n3A_1033 : vector<8x4096xi1>, vector<8x4096xi32>
    %slice3A_1043 = vector.extract_strided_slice %dot_general3A_7 {offsets = [920, 0], sizes = [8, 4096], strides = [1, 1]} : vector<1024x4096xf32> to vector<8x4096xf32>
    %gt3A_1044 = arith.cmpf ogt, %slice3A_1043, %select_n3A_1036 : vector<8x4096xf32>
    %select_n3A_1045 = arith.select %gt3A_1044, %slice3A_1043, %select_n3A_1036 : vector<8x4096xi1>, vector<8x4096xf32>
    %mul3A_1046 = arith.constant 128 : i32
    %mul3A_1047 = arith.muli %arg1, %mul3A_1046 : i32
    %add3A_1048 = arith.constant 115 : i32
    %add3A_1049 = arith.addi %mul3A_1047, %add3A_1048 : i32
    %broadcast_in_dim3A_1050 = vector.broadcast %add3A_1049 : i32 to vector<8x4096xi32>
    %select_n3A_1051 = arith.select %gt3A_1044, %broadcast_in_dim3A_1050, %select_n3A_1042 : vector<8x4096xi1>, vector<8x4096xi32>
    %slice3A_1052 = vector.extract_strided_slice %dot_general3A_7 {offsets = [928, 0], sizes = [8, 4096], strides = [1, 1]} : vector<1024x4096xf32> to vector<8x4096xf32>
    %gt3A_1053 = arith.cmpf ogt, %slice3A_1052, %select_n3A_1045 : vector<8x4096xf32>
    %select_n3A_1054 = arith.select %gt3A_1053, %slice3A_1052, %select_n3A_1045 : vector<8x4096xi1>, vector<8x4096xf32>
    %mul3A_1055 = arith.constant 128 : i32
    %mul3A_1056 = arith.muli %arg1, %mul3A_1055 : i32
    %add3A_1057 = arith.constant 116 : i32
    %add3A_1058 = arith.addi %mul3A_1056, %add3A_1057 : i32
    %broadcast_in_dim3A_1059 = vector.broadcast %add3A_1058 : i32 to vector<8x4096xi32>
    %select_n3A_1060 = arith.select %gt3A_1053, %broadcast_in_dim3A_1059, %select_n3A_1051 : vector<8x4096xi1>, vector<8x4096xi32>
    %slice3A_1061 = vector.extract_strided_slice %dot_general3A_7 {offsets = [936, 0], sizes = [8, 4096], strides = [1, 1]} : vector<1024x4096xf32> to vector<8x4096xf32>
    %gt3A_1062 = arith.cmpf ogt, %slice3A_1061, %select_n3A_1054 : vector<8x4096xf32>
    %select_n3A_1063 = arith.select %gt3A_1062, %slice3A_1061, %select_n3A_1054 : vector<8x4096xi1>, vector<8x4096xf32>
    %mul3A_1064 = arith.constant 128 : i32
    %mul3A_1065 = arith.muli %arg1, %mul3A_1064 : i32
    %add3A_1066 = arith.constant 117 : i32
    %add3A_1067 = arith.addi %mul3A_1065, %add3A_1066 : i32
    %broadcast_in_dim3A_1068 = vector.broadcast %add3A_1067 : i32 to vector<8x4096xi32>
    %select_n3A_1069 = arith.select %gt3A_1062, %broadcast_in_dim3A_1068, %select_n3A_1060 : vector<8x4096xi1>, vector<8x4096xi32>
    %slice3A_1070 = vector.extract_strided_slice %dot_general3A_7 {offsets = [944, 0], sizes = [8, 4096], strides = [1, 1]} : vector<1024x4096xf32> to vector<8x4096xf32>
    %gt3A_1071 = arith.cmpf ogt, %slice3A_1070, %select_n3A_1063 : vector<8x4096xf32>
    %select_n3A_1072 = arith.select %gt3A_1071, %slice3A_1070, %select_n3A_1063 : vector<8x4096xi1>, vector<8x4096xf32>
    %mul3A_1073 = arith.constant 128 : i32
    %mul3A_1074 = arith.muli %arg1, %mul3A_1073 : i32
    %add3A_1075 = arith.constant 118 : i32
    %add3A_1076 = arith.addi %mul3A_1074, %add3A_1075 : i32
    %broadcast_in_dim3A_1077 = vector.broadcast %add3A_1076 : i32 to vector<8x4096xi32>
    %select_n3A_1078 = arith.select %gt3A_1071, %broadcast_in_dim3A_1077, %select_n3A_1069 : vector<8x4096xi1>, vector<8x4096xi32>
    %slice3A_1079 = vector.extract_strided_slice %dot_general3A_7 {offsets = [952, 0], sizes = [8, 4096], strides = [1, 1]} : vector<1024x4096xf32> to vector<8x4096xf32>
    %gt3A_1080 = arith.cmpf ogt, %slice3A_1079, %select_n3A_1072 : vector<8x4096xf32>
    %select_n3A_1081 = arith.select %gt3A_1080, %slice3A_1079, %select_n3A_1072 : vector<8x4096xi1>, vector<8x4096xf32>
    %mul3A_1082 = arith.constant 128 : i32
    %mul3A_1083 = arith.muli %arg1, %mul3A_1082 : i32
    %add3A_1084 = arith.constant 119 : i32
    %add3A_1085 = arith.addi %mul3A_1083, %add3A_1084 : i32
    %broadcast_in_dim3A_1086 = vector.broadcast %add3A_1085 : i32 to vector<8x4096xi32>
    %select_n3A_1087 = arith.select %gt3A_1080, %broadcast_in_dim3A_1086, %select_n3A_1078 : vector<8x4096xi1>, vector<8x4096xi32>
    %slice3A_1088 = vector.extract_strided_slice %dot_general3A_7 {offsets = [960, 0], sizes = [8, 4096], strides = [1, 1]} : vector<1024x4096xf32> to vector<8x4096xf32>
    %gt3A_1089 = arith.cmpf ogt, %slice3A_1088, %select_n3A_1081 : vector<8x4096xf32>
    %select_n3A_1090 = arith.select %gt3A_1089, %slice3A_1088, %select_n3A_1081 : vector<8x4096xi1>, vector<8x4096xf32>
    %mul3A_1091 = arith.constant 128 : i32
    %mul3A_1092 = arith.muli %arg1, %mul3A_1091 : i32
    %add3A_1093 = arith.constant 120 : i32
    %add3A_1094 = arith.addi %mul3A_1092, %add3A_1093 : i32
    %broadcast_in_dim3A_1095 = vector.broadcast %add3A_1094 : i32 to vector<8x4096xi32>
    %select_n3A_1096 = arith.select %gt3A_1089, %broadcast_in_dim3A_1095, %select_n3A_1087 : vector<8x4096xi1>, vector<8x4096xi32>
    %slice3A_1097 = vector.extract_strided_slice %dot_general3A_7 {offsets = [968, 0], sizes = [8, 4096], strides = [1, 1]} : vector<1024x4096xf32> to vector<8x4096xf32>
    %gt3A_1098 = arith.cmpf ogt, %slice3A_1097, %select_n3A_1090 : vector<8x4096xf32>
    %select_n3A_1099 = arith.select %gt3A_1098, %slice3A_1097, %select_n3A_1090 : vector<8x4096xi1>, vector<8x4096xf32>
    %mul3A_1100 = arith.constant 128 : i32
    %mul3A_1101 = arith.muli %arg1, %mul3A_1100 : i32
    %add3A_1102 = arith.constant 121 : i32
    %add3A_1103 = arith.addi %mul3A_1101, %add3A_1102 : i32
    %broadcast_in_dim3A_1104 = vector.broadcast %add3A_1103 : i32 to vector<8x4096xi32>
    %select_n3A_1105 = arith.select %gt3A_1098, %broadcast_in_dim3A_1104, %select_n3A_1096 : vector<8x4096xi1>, vector<8x4096xi32>
    %slice3A_1106 = vector.extract_strided_slice %dot_general3A_7 {offsets = [976, 0], sizes = [8, 4096], strides = [1, 1]} : vector<1024x4096xf32> to vector<8x4096xf32>
    %gt3A_1107 = arith.cmpf ogt, %slice3A_1106, %select_n3A_1099 : vector<8x4096xf32>
    %select_n3A_1108 = arith.select %gt3A_1107, %slice3A_1106, %select_n3A_1099 : vector<8x4096xi1>, vector<8x4096xf32>
    %mul3A_1109 = arith.constant 128 : i32
    %mul3A_1110 = arith.muli %arg1, %mul3A_1109 : i32
    %add3A_1111 = arith.constant 122 : i32
    %add3A_1112 = arith.addi %mul3A_1110, %add3A_1111 : i32
    %broadcast_in_dim3A_1113 = vector.broadcast %add3A_1112 : i32 to vector<8x4096xi32>
    %select_n3A_1114 = arith.select %gt3A_1107, %broadcast_in_dim3A_1113, %select_n3A_1105 : vector<8x4096xi1>, vector<8x4096xi32>
    %slice3A_1115 = vector.extract_strided_slice %dot_general3A_7 {offsets = [984, 0], sizes = [8, 4096], strides = [1, 1]} : vector<1024x4096xf32> to vector<8x4096xf32>
    %gt3A_1116 = arith.cmpf ogt, %slice3A_1115, %select_n3A_1108 : vector<8x4096xf32>
    %select_n3A_1117 = arith.select %gt3A_1116, %slice3A_1115, %select_n3A_1108 : vector<8x4096xi1>, vector<8x4096xf32>
    %mul3A_1118 = arith.constant 128 : i32
    %mul3A_1119 = arith.muli %arg1, %mul3A_1118 : i32
    %add3A_1120 = arith.constant 123 : i32
    %add3A_1121 = arith.addi %mul3A_1119, %add3A_1120 : i32
    %broadcast_in_dim3A_1122 = vector.broadcast %add3A_1121 : i32 to vector<8x4096xi32>
    %select_n3A_1123 = arith.select %gt3A_1116, %broadcast_in_dim3A_1122, %select_n3A_1114 : vector<8x4096xi1>, vector<8x4096xi32>
    %slice3A_1124 = vector.extract_strided_slice %dot_general3A_7 {offsets = [992, 0], sizes = [8, 4096], strides = [1, 1]} : vector<1024x4096xf32> to vector<8x4096xf32>
    %gt3A_1125 = arith.cmpf ogt, %slice3A_1124, %select_n3A_1117 : vector<8x4096xf32>
    %select_n3A_1126 = arith.select %gt3A_1125, %slice3A_1124, %select_n3A_1117 : vector<8x4096xi1>, vector<8x4096xf32>
    %mul3A_1127 = arith.constant 128 : i32
    %mul3A_1128 = arith.muli %arg1, %mul3A_1127 : i32
    %add3A_1129 = arith.constant 124 : i32
    %add3A_1130 = arith.addi %mul3A_1128, %add3A_1129 : i32
    %broadcast_in_dim3A_1131 = vector.broadcast %add3A_1130 : i32 to vector<8x4096xi32>
    %select_n3A_1132 = arith.select %gt3A_1125, %broadcast_in_dim3A_1131, %select_n3A_1123 : vector<8x4096xi1>, vector<8x4096xi32>
    %slice3A_1133 = vector.extract_strided_slice %dot_general3A_7 {offsets = [1000, 0], sizes = [8, 4096], strides = [1, 1]} : vector<1024x4096xf32> to vector<8x4096xf32>
    %gt3A_1134 = arith.cmpf ogt, %slice3A_1133, %select_n3A_1126 : vector<8x4096xf32>
    %select_n3A_1135 = arith.select %gt3A_1134, %slice3A_1133, %select_n3A_1126 : vector<8x4096xi1>, vector<8x4096xf32>
    %mul3A_1136 = arith.constant 128 : i32
    %mul3A_1137 = arith.muli %arg1, %mul3A_1136 : i32
    %add3A_1138 = arith.constant 125 : i32
    %add3A_1139 = arith.addi %mul3A_1137, %add3A_1138 : i32
    %broadcast_in_dim3A_1140 = vector.broadcast %add3A_1139 : i32 to vector<8x4096xi32>
    %select_n3A_1141 = arith.select %gt3A_1134, %broadcast_in_dim3A_1140, %select_n3A_1132 : vector<8x4096xi1>, vector<8x4096xi32>
    %slice3A_1142 = vector.extract_strided_slice %dot_general3A_7 {offsets = [1008, 0], sizes = [8, 4096], strides = [1, 1]} : vector<1024x4096xf32> to vector<8x4096xf32>
    %gt3A_1143 = arith.cmpf ogt, %slice3A_1142, %select_n3A_1135 : vector<8x4096xf32>
    %select_n3A_1144 = arith.select %gt3A_1143, %slice3A_1142, %select_n3A_1135 : vector<8x4096xi1>, vector<8x4096xf32>
    %mul3A_1145 = arith.constant 128 : i32
    %mul3A_1146 = arith.muli %arg1, %mul3A_1145 : i32
    %add3A_1147 = arith.constant 126 : i32
    %add3A_1148 = arith.addi %mul3A_1146, %add3A_1147 : i32
    %broadcast_in_dim3A_1149 = vector.broadcast %add3A_1148 : i32 to vector<8x4096xi32>
    %select_n3A_1150 = arith.select %gt3A_1143, %broadcast_in_dim3A_1149, %select_n3A_1141 : vector<8x4096xi1>, vector<8x4096xi32>
    %slice3A_1151 = vector.extract_strided_slice %dot_general3A_7 {offsets = [1016, 0], sizes = [8, 4096], strides = [1, 1]} : vector<1024x4096xf32> to vector<8x4096xf32>
    %gt3A_1152 = arith.cmpf ogt, %slice3A_1151, %select_n3A_1144 : vector<8x4096xf32>
    %select_n3A_1153 = arith.select %gt3A_1152, %slice3A_1151, %select_n3A_1144 : vector<8x4096xi1>, vector<8x4096xf32>
    %mul3A_1154 = arith.constant 128 : i32
    %mul3A_1155 = arith.muli %arg1, %mul3A_1154 : i32
    %add3A_1156 = arith.constant 127 : i32
    %add3A_1157 = arith.addi %mul3A_1155, %add3A_1156 : i32
    %broadcast_in_dim3A_1158 = vector.broadcast %add3A_1157 : i32 to vector<8x4096xi32>
    %select_n3A_1159 = arith.select %gt3A_1152, %broadcast_in_dim3A_1158, %select_n3A_1150 : vector<8x4096xi1>, vector<8x4096xi32>
    %swap3A = arith.constant 0 : index
    %swap3A_1160 = arith.constant 0 : index
    %swap3A_1161 = vector.load %arg5[%swap3A, %swap3A_1160] : memref<8x4096xf32, #tpu.memory_space<vmem>>, vector<8x4096xf32>
    tpu.vector_store %arg5[%swap3A, %swap3A_1160], %select_n3A_1153 {strides = array<i32>} : memref<8x4096xf32, #tpu.memory_space<vmem>>, vector<8x4096xf32>,
    %swap3A_1162 = arith.constant 0 : index
    %swap3A_1163 = arith.constant 0 : index
    %swap3A_1164 = vector.load %arg6[%swap3A_1162, %swap3A_1163] : memref<8x4096xi32, #tpu.memory_space<vmem>>, vector<8x4096xi32>
    tpu.vector_store %arg6[%swap3A_1162, %swap3A_1163], %select_n3A_1159 {strides = array<i32>} : memref<8x4096xi32, #tpu.memory_space<vmem>>, vector<8x4096xi32>,
    %eq3A_1165 = arith.constant 7 : i32
    %eq3A_1166 = arith.cmpi eq, %arg1, %eq3A_1165 : i32
    %convert_element_type3A_1167 = arith.extui %eq3A_1166 : i1 to i32
    %cond3A_1168 = arith.constant 0 : i32
    %cond3A_1169 = arith.cmpi ne, %convert_element_type3A_1167, %cond3A_1168 : i32
    scf.if %cond3A_1169 {
      %reduce_max3A = arith.constant dense<0xFF800000> : vector<4096xf32>
      %reduce_max3A_1170 = vector.multi_reduction <maximumf>, %select_n3A_1153, %reduce_max3A [0] : vector<8x4096xf32> to vector<4096xf32>
      %iota3A = tpu.iota {dimensions = array<i32: 0>} : vector<8x4096xi32>
      %mul3A_1171 = arith.constant 8 : i32
      %mul3A_1172 = vector.broadcast %mul3A_1171 : i32 to vector<8x4096xi32>
      %mul3A_1173 = arith.muli %select_n3A_1159, %mul3A_1172 : vector<8x4096xi32>
      %add3A_1174 = arith.addi %mul3A_1173, %iota3A : vector<8x4096xi32>
      %broadcast_in_dim3A_1175 = vector.shape_cast %reduce_max3A_1170 : vector<4096xf32> to vector<1x4096xf32>
      %eq3A_1176 = vector.broadcast %broadcast_in_dim3A_1175 : vector<1x4096xf32> to vector<8x4096xf32>
      %eq3A_1177 = arith.cmpf oeq, %select_n3A_1153, %eq3A_1176 : vector<8x4096xf32>
      %jit3A = arith.constant 32768 : i32
      %broadcast_in_dim3A_1178 = vector.broadcast %jit3A : i32 to vector<8x4096xi32>
      %select_n3A_1179 = arith.select %eq3A_1177, %add3A_1174, %broadcast_in_dim3A_1178 : vector<8x4096xi1>, vector<8x4096xi32>
      %reduce_min3A = arith.constant dense<2147483647> : vector<4096xi32>
      %reduce_min3A_1180 = vector.multi_reduction <minsi>, %select_n3A_1179, %reduce_min3A [0] : vector<8x4096xi32> to vector<4096xi32>
      %swap3A_1181 = arith.constant 0 : index
      %swap3A_1182 = vector.load %arg4[%swap3A_1181] : memref<4096xi32, #tpu.memory_space<vmem>>, vector<4096xi32>
      tpu.vector_store %arg4[%swap3A_1181], %reduce_min3A_1180 {strides = array<i32>} : memref<4096xi32, #tpu.memory_space<vmem>>, vector<4096xi32>,
    } else {
    }
    return
  }
  func.func @transform_0(%arg0: i32, %arg1: i32) -> (i32, i32) {
    %c0_i32 = arith.constant 0 : i32
    %c0_i32_0 = arith.constant 0 : i32
    return %arg0, %c0_i32 : i32, i32
  }
  func.func @transform_1(%arg0: i32, %arg1: i32) -> (i32, i32) {
    %c0_i32 = arith.constant 0 : i32
    %c0_i32_0 = arith.constant 0 : i32
    return %arg1, %c0_i32 : i32, i32
  }
  func.func @transform_2(%arg0: i32, %arg1: i32) -> i32 {
    %c0_i32 = arith.constant 0 : i32
    return %arg0 : i32
  }
}

module attributes {stable_mosaic.version = 14 : i64} {
  func.func @_fused_body(%arg0: i32, %arg1: i32, %arg2: memref<4096x256xf32, #tpu.memory_space<vmem>>, %arg3: memref<4096x256xf32, #tpu.memory_space<vmem>>, %arg4: memref<1024x256xbf16, #tpu.memory_space<vmem>>, %arg5: memref<4096xi32, #tpu.memory_space<vmem>>, %arg6: memref<4096x256xf32, #tpu.memory_space<vmem>>, %arg7: memref<1x1xf32, #tpu.memory_space<vmem>>, %arg8: memref<8x4096xf32, #tpu.memory_space<vmem>>, %arg9: memref<8x4096xi32, #tpu.memory_space<vmem>>, %arg10: memref<256x4096xbf16, #tpu.memory_space<vmem>>, %arg11: memref<1x1xf32, #tpu.memory_space<vmem>>) attributes {dimension_semantics = [#tpu.dimension_semantics<arbitrary>, #tpu.dimension_semantics<arbitrary>], iteration_bounds = array<i64: 2, 8>, scalar_prefetch = 0 : i64, scratch_operands = 4 : i64, tpu.core_type = #tpu.core_type<tc>, window_params = [{transform_indices = @transform_0, window_bounds = array<i64: 4096, 256>}, {transform_indices = @transform_1, window_bounds = array<i64: 4096, 256>}, {transform_indices = @transform_2, window_bounds = array<i64: 1024, 256>}, {transform_indices = @transform_3, window_bounds = array<i64: 4096>}, {transform_indices = @transform_4, window_bounds = array<i64: 4096, 256>}, {pipeline_mode = #tpu.pipeline_mode<synchronous>, transform_indices = @transform_5, window_bounds = array<i64: 1, 1>}]} {
    %eq3A = arith.constant 0 : i32
    %eq3A_0 = arith.cmpi eq, %arg1, %eq3A : i32
    %convert_element_type3A = arith.extui %eq3A_0 : i1 to i32
    %cond3A = arith.constant 0 : i32
    %cond3A_1 = arith.cmpi ne, %convert_element_type3A, %cond3A : i32
    scf.if %cond3A_1 {
      %get3A_1170 = arith.constant 0 : index
      %get3A_1171 = arith.constant 0 : index
      %get3A_1172 = vector.load %arg2[%get3A_1170, %get3A_1171] : memref<4096x256xf32, #tpu.memory_space<vmem>>, vector<4096x256xf32>
      %transpose3A = tpu.transpose %get3A_1172, [1, 0] : vector<4096x256xf32> -> vector<256x4096xf32>
      %get3A_1173 = arith.constant 0 : index
      %get3A_1174 = arith.constant 0 : index
      %get3A_1175 = vector.load %arg3[%get3A_1173, %get3A_1174] : memref<4096x256xf32, #tpu.memory_space<vmem>>, vector<4096x256xf32>
      %transpose3A_1176 = tpu.transpose %get3A_1175, [1, 0] : vector<4096x256xf32> -> vector<256x4096xf32>
      %mul3A_1177 = arith.mulf %transpose3A, %transpose3A : vector<256x4096xf32>
      %reduce_sum3A = arith.constant dense<0.000000e+00> : vector<4096xf32>
      %reduce_sum3A_1178 = vector.multi_reduction <add>, %mul3A_1177, %reduce_sum3A [0] : vector<256x4096xf32> to vector<4096xf32>
      %broadcast_in_dim3A_1179 = vector.shape_cast %reduce_sum3A_1178 : vector<4096xf32> to vector<1x4096xf32>
      %sqrt3A = math.sqrt %broadcast_in_dim3A_1179 : vector<1x4096xf32>
      %max3A = arith.constant 9.99999996E-13 : f32
      %max3A_1180 = vector.broadcast %max3A : f32 to vector<1x4096xf32>
      %max3A_1181 = arith.maximumf %sqrt3A, %max3A_1180 : vector<1x4096xf32>
      %div3A = vector.broadcast %max3A_1181 : vector<1x4096xf32> to vector<256x4096xf32>
      %div3A_1182 = arith.divf %transpose3A, %div3A : vector<256x4096xf32>
      %sub3A = arith.subf %div3A_1182, %transpose3A_1176 : vector<256x4096xf32>
      %mul3A_1183 = arith.mulf %sub3A, %sub3A : vector<256x4096xf32>
      %reduce_sum3A_1184 = vector.shape_cast %mul3A_1183 : vector<256x4096xf32> to vector<1x256x4096xf32>
      %reduce_sum3A_1185 = arith.constant dense<0.000000e+00> : vector<1xf32>
      %reduce_sum3A_1186 = vector.multi_reduction <add>, %reduce_sum3A_1184, %reduce_sum3A_1185 [1, 2] : vector<1x256x4096xf32> to vector<1xf32>
      %reduce_sum3A_1187 = vector.shape_cast %reduce_sum3A_1186 : vector<1xf32> to vector<1x1x1xf32>
      %reduce_sum3A_1188 = vector.extract %reduce_sum3A_1187[0, 0, 0] : f32 from vector<1x1x1xf32>
      %mul3A_1189 = arith.mulf %div3A_1182, %div3A_1182 : vector<256x4096xf32>
      %reduce_sum3A_1190 = arith.constant dense<0.000000e+00> : vector<4096xf32>
      %reduce_sum3A_1191 = vector.multi_reduction <add>, %mul3A_1189, %reduce_sum3A_1190 [0] : vector<256x4096xf32> to vector<4096xf32>
      %broadcast_in_dim3A_1192 = vector.shape_cast %reduce_sum3A_1191 : vector<4096xf32> to vector<1x4096xf32>
      %sqrt3A_1193 = math.sqrt %broadcast_in_dim3A_1192 : vector<1x4096xf32>
      %mul3A_1194 = arith.mulf %transpose3A_1176, %transpose3A_1176 : vector<256x4096xf32>
      %reduce_sum3A_1195 = arith.constant dense<0.000000e+00> : vector<4096xf32>
      %reduce_sum3A_1196 = vector.multi_reduction <add>, %mul3A_1194, %reduce_sum3A_1195 [0] : vector<256x4096xf32> to vector<4096xf32>
      %broadcast_in_dim3A_1197 = vector.shape_cast %reduce_sum3A_1196 : vector<4096xf32> to vector<1x4096xf32>
      %sqrt3A_1198 = math.sqrt %broadcast_in_dim3A_1197 : vector<1x4096xf32>
      %max3A_1199 = arith.constant 9.99999997E-7 : f32
      %max3A_1200 = vector.broadcast %max3A_1199 : f32 to vector<1x4096xf32>
      %max3A_1201 = arith.maximumf %sqrt3A_1193, %max3A_1200 : vector<1x4096xf32>
      %div3A_1202 = vector.broadcast %max3A_1201 : vector<1x4096xf32> to vector<256x4096xf32>
      %div3A_1203 = arith.divf %div3A_1182, %div3A_1202 : vector<256x4096xf32>
      %max3A_1204 = arith.constant 9.99999997E-7 : f32
      %max3A_1205 = vector.broadcast %max3A_1204 : f32 to vector<1x4096xf32>
      %max3A_1206 = arith.maximumf %sqrt3A_1198, %max3A_1205 : vector<1x4096xf32>
      %div3A_1207 = vector.broadcast %max3A_1206 : vector<1x4096xf32> to vector<256x4096xf32>
      %div3A_1208 = arith.divf %transpose3A_1176, %div3A_1207 : vector<256x4096xf32>
      %add3A_1209 = arith.addf %div3A_1203, %div3A_1208 : vector<256x4096xf32>
      %mul3A_1210 = arith.mulf %add3A_1209, %add3A_1209 : vector<256x4096xf32>
      %reduce_sum3A_1211 = arith.constant dense<0.000000e+00> : vector<4096xf32>
      %reduce_sum3A_1212 = vector.multi_reduction <add>, %mul3A_1210, %reduce_sum3A_1211 [0] : vector<256x4096xf32> to vector<4096xf32>
      %broadcast_in_dim3A_1213 = vector.shape_cast %reduce_sum3A_1212 : vector<4096xf32> to vector<1x4096xf32>
      %sqrt3A_1214 = math.sqrt %broadcast_in_dim3A_1213 : vector<1x4096xf32>
      %max3A_1215 = arith.constant 9.99999997E-7 : f32
      %max3A_1216 = vector.broadcast %max3A_1215 : f32 to vector<1x4096xf32>
      %max3A_1217 = arith.maximumf %sqrt3A_1214, %max3A_1216 : vector<1x4096xf32>
      %div3A_1218 = vector.broadcast %max3A_1217 : vector<1x4096xf32> to vector<256x4096xf32>
      %div3A_1219 = arith.divf %add3A_1209, %div3A_1218 : vector<256x4096xf32>
      %mul3A_1220 = arith.mulf %div3A_1182, %div3A_1219 : vector<256x4096xf32>
      %reduce_sum3A_1221 = arith.constant dense<0.000000e+00> : vector<4096xf32>
      %reduce_sum3A_1222 = vector.multi_reduction <add>, %mul3A_1220, %reduce_sum3A_1221 [0] : vector<256x4096xf32> to vector<4096xf32>
      %broadcast_in_dim3A_1223 = vector.shape_cast %reduce_sum3A_1222 : vector<4096xf32> to vector<1x4096xf32>
      %mul3A_1224 = arith.mulf %div3A_1182, %div3A_1203 : vector<256x4096xf32>
      %reduce_sum3A_1225 = arith.constant dense<0.000000e+00> : vector<4096xf32>
      %reduce_sum3A_1226 = vector.multi_reduction <add>, %mul3A_1224, %reduce_sum3A_1225 [0] : vector<256x4096xf32> to vector<4096xf32>
      %broadcast_in_dim3A_1227 = vector.shape_cast %reduce_sum3A_1226 : vector<4096xf32> to vector<1x4096xf32>
      %mul3A_1228 = arith.constant 2.000000e+00 : f32
      %mul3A_1229 = vector.broadcast %mul3A_1228 : f32 to vector<1x4096xf32>
      %mul3A_1230 = arith.mulf %mul3A_1229, %broadcast_in_dim3A_1223 : vector<1x4096xf32>
      %mul3A_1231 = vector.broadcast %mul3A_1230 : vector<1x4096xf32> to vector<256x4096xf32>
      %mul3A_1232 = arith.mulf %mul3A_1231, %div3A_1219 : vector<256x4096xf32>
      %sub3A_1233 = arith.subf %div3A_1182, %mul3A_1232 : vector<256x4096xf32>
      %mul3A_1234 = arith.constant 2.000000e+00 : f32
      %mul3A_1235 = vector.broadcast %mul3A_1234 : f32 to vector<1x4096xf32>
      %mul3A_1236 = arith.mulf %mul3A_1235, %broadcast_in_dim3A_1227 : vector<1x4096xf32>
      %mul3A_1237 = vector.broadcast %mul3A_1236 : vector<1x4096xf32> to vector<256x4096xf32>
      %mul3A_1238 = arith.mulf %mul3A_1237, %div3A_1208 : vector<256x4096xf32>
      %add3A_1239 = arith.addf %sub3A_1233, %mul3A_1238 : vector<256x4096xf32>
      %max3A_1240 = arith.constant 9.99999997E-7 : f32
      %max3A_1241 = vector.broadcast %max3A_1240 : f32 to vector<1x4096xf32>
      %max3A_1242 = arith.maximumf %sqrt3A_1193, %max3A_1241 : vector<1x4096xf32>
      %div3A_1243 = arith.divf %sqrt3A_1198, %max3A_1242 : vector<1x4096xf32>
      %mul3A_1244 = vector.broadcast %div3A_1243 : vector<1x4096xf32> to vector<256x4096xf32>
      %mul3A_1245 = arith.mulf %add3A_1239, %mul3A_1244 : vector<256x4096xf32>
      %sub3A_1246 = arith.subf %transpose3A, %mul3A_1245 : vector<256x4096xf32>
      %transpose3A_1247 = tpu.transpose %sub3A_1246, [1, 0] : vector<256x4096xf32> -> vector<4096x256xf32>
      %swap3A_1248 = arith.constant 0 : index
      %swap3A_1249 = arith.constant 0 : index
      %swap3A_1250 = vector.load %arg6[%swap3A_1248, %swap3A_1249] : memref<4096x256xf32, #tpu.memory_space<vmem>>, vector<4096x256xf32>
      tpu.vector_store %arg6[%swap3A_1248, %swap3A_1249], %transpose3A_1247 {strides = array<i32>} : memref<4096x256xf32, #tpu.memory_space<vmem>>, vector<4096x256xf32>,
      %mul3A_1251 = arith.mulf %sub3A_1246, %sub3A_1246 : vector<256x4096xf32>
      %reduce_sum3A_1252 = arith.constant dense<0.000000e+00> : vector<4096xf32>
      %reduce_sum3A_1253 = vector.multi_reduction <add>, %mul3A_1251, %reduce_sum3A_1252 [0] : vector<256x4096xf32> to vector<4096xf32>
      %broadcast_in_dim3A_1254 = vector.shape_cast %reduce_sum3A_1253 : vector<4096xf32> to vector<1x4096xf32>
      %sqrt3A_1255 = math.sqrt %broadcast_in_dim3A_1254 : vector<1x4096xf32>
      %max3A_1256 = arith.constant 9.99999996E-13 : f32
      %max3A_1257 = vector.broadcast %max3A_1256 : f32 to vector<1x4096xf32>
      %max3A_1258 = arith.maximumf %sqrt3A_1255, %max3A_1257 : vector<1x4096xf32>
      %div3A_1259 = vector.broadcast %max3A_1258 : vector<1x4096xf32> to vector<256x4096xf32>
      %div3A_1260 = arith.divf %sub3A_1246, %div3A_1259 : vector<256x4096xf32>
      %convert_element_type3A_1261 = arith.truncf %div3A_1260 : vector<256x4096xf32> to vector<256x4096xbf16>
      %swap3A_1262 = arith.constant 0 : index
      %swap3A_1263 = arith.constant 0 : index
      %swap3A_1264 = vector.load %arg10[%swap3A_1262, %swap3A_1263] : memref<256x4096xbf16, #tpu.memory_space<vmem>>, vector<256x4096xbf16>
      tpu.vector_store %arg10[%swap3A_1262, %swap3A_1263], %convert_element_type3A_1261 {strides = array<i32>} : memref<256x4096xbf16, #tpu.memory_space<vmem>>, vector<256x4096xbf16>,
      %broadcast_in_dim3A_1265 = arith.constant 0xFF800000 : f32
      %broadcast_in_dim3A_1266 = vector.broadcast %broadcast_in_dim3A_1265 : f32 to vector<8x4096xf32>
      %swap3A_1267 = arith.constant 0 : index
      %swap3A_1268 = arith.constant 0 : index
      %swap3A_1269 = vector.load %arg8[%swap3A_1267, %swap3A_1268] : memref<8x4096xf32, #tpu.memory_space<vmem>>, vector<8x4096xf32>
      tpu.vector_store %arg8[%swap3A_1267, %swap3A_1268], %broadcast_in_dim3A_1266 {strides = array<i32>} : memref<8x4096xf32, #tpu.memory_space<vmem>>, vector<8x4096xf32>,
      %broadcast_in_dim3A_1270 = arith.constant 0 : i32
      %broadcast_in_dim3A_1271 = vector.broadcast %broadcast_in_dim3A_1270 : i32 to vector<8x4096xi32>
      %swap3A_1272 = arith.constant 0 : index
      %swap3A_1273 = arith.constant 0 : index
      %swap3A_1274 = vector.load %arg9[%swap3A_1272, %swap3A_1273] : memref<8x4096xi32, #tpu.memory_space<vmem>>, vector<8x4096xi32>
      tpu.vector_store %arg9[%swap3A_1272, %swap3A_1273], %broadcast_in_dim3A_1271 {strides = array<i32>} : memref<8x4096xi32, #tpu.memory_space<vmem>>, vector<8x4096xi32>,
      %eq3A_1275 = arith.constant 0 : i32
      %eq3A_1276 = arith.cmpi eq, %arg0, %eq3A_1275 : i32
      %broadcast_in_dim3A_1277 = arith.constant 0.000000e+00 : f32
      %broadcast_in_dim3A_1278 = vector.broadcast %broadcast_in_dim3A_1277 : f32 to vector<1x1xf32>
      %get3A_1279 = arith.constant 0 : index
      %get3A_1280 = arith.constant 0 : index
      %get3A_1281 = vector.load %arg11[%get3A_1279, %get3A_1280] : memref<1x1xf32, #tpu.memory_space<vmem>>, vector<1x1xf32>
      %select_n3A_1282 = arith.select %eq3A_1276, %broadcast_in_dim3A_1278, %get3A_1281 : vector<1x1xf32>
      %add3A_1283 = vector.broadcast %reduce_sum3A_1188 : f32 to vector<1x1xf32>
      %add3A_1284 = arith.addf %select_n3A_1282, %add3A_1283 : vector<1x1xf32>
      %swap3A_1285 = arith.constant 0 : index
      %swap3A_1286 = arith.constant 0 : index
      %swap3A_1287 = vector.load %arg11[%swap3A_1285, %swap3A_1286] : memref<1x1xf32, #tpu.memory_space<vmem>>, vector<1x1xf32>
      tpu.vector_store %arg11[%swap3A_1285, %swap3A_1286], %add3A_1284 {strides = array<i32>} : memref<1x1xf32, #tpu.memory_space<vmem>>, vector<1x1xf32>,
      %eq3A_1288 = arith.constant 1 : i32
      %eq3A_1289 = arith.cmpi eq, %arg0, %eq3A_1288 : i32
      %convert_element_type3A_1290 = arith.extui %eq3A_1289 : i1 to i32
      %cond3A_1291 = arith.constant 0 : i32
      %cond3A_1292 = arith.cmpi ne, %convert_element_type3A_1290, %cond3A_1291 : i32
      scf.if %cond3A_1292 {
        %mul3A_1293 = arith.constant 5.96046448E-7 : f32
        %mul3A_1294 = vector.broadcast %mul3A_1293 : f32 to vector<1x1xf32>
        %mul3A_1295 = arith.mulf %add3A_1284, %mul3A_1294 : vector<1x1xf32>
        %swap3A_1296 = arith.constant 0 : index
        %swap3A_1297 = arith.constant 0 : index
        %swap3A_1298 = vector.load %arg7[%swap3A_1296, %swap3A_1297] : memref<1x1xf32, #tpu.memory_space<vmem>>, vector<1x1xf32>
        tpu.vector_store %arg7[%swap3A_1296, %swap3A_1297], %mul3A_1295 {strides = array<i32>} : memref<1x1xf32, #tpu.memory_space<vmem>>, vector<1x1xf32>,
      } else {
      }
    } else {
    }
    %get3A = arith.constant 0 : index
    %get3A_2 = arith.constant 0 : index
    %get3A_3 = vector.load %arg4[%get3A, %get3A_2] : memref<1024x256xbf16, #tpu.memory_space<vmem>>, vector<1024x256xbf16>
    %get3A_4 = arith.constant 0 : index
    %get3A_5 = arith.constant 0 : index
    %get3A_6 = vector.load %arg10[%get3A_4, %get3A_5] : memref<256x4096xbf16, #tpu.memory_space<vmem>>, vector<256x4096xbf16>
    %dot_general3A = arith.constant dense<0.000000e+00> : vector<1024x4096xf32>
    %dot_general3A_7 = tpu.matmul %get3A_3, %get3A_6, %dot_general3A {dimension_numbers = #tpu.dot_dimension_numbers<[1], [0], [0], [1], [0, 0, 1, 1], [], []>, transpose_lhs_hint = false} : vector<1024x256xbf16>, vector<256x4096xbf16>, vector<1024x4096xf32> -> vector<1024x4096xf32>
    %get3A_8 = arith.constant 0 : index
    %get3A_9 = arith.constant 0 : index
    %get3A_10 = vector.load %arg8[%get3A_8, %get3A_9] : memref<8x4096xf32, #tpu.memory_space<vmem>>, vector<8x4096xf32>
    %get3A_11 = arith.constant 0 : index
    %get3A_12 = arith.constant 0 : index
    %get3A_13 = vector.load %arg9[%get3A_11, %get3A_12] : memref<8x4096xi32, #tpu.memory_space<vmem>>, vector<8x4096xi32>
    %slice3A = vector.extract_strided_slice %dot_general3A_7 {offsets = [0, 0], sizes = [8, 4096], strides = [1, 1]} : vector<1024x4096xf32> to vector<8x4096xf32>
    %gt3A = arith.cmpf ogt, %slice3A, %get3A_10 : vector<8x4096xf32>
    %select_n3A = arith.select %gt3A, %slice3A, %get3A_10 : vector<8x4096xi1>, vector<8x4096xf32>
    %mul3A = arith.constant 128 : i32
    %mul3A_14 = arith.muli %arg1, %mul3A : i32
    %add3A = arith.constant 0 : i32
    %add3A_15 = arith.addi %mul3A_14, %add3A : i32
    %broadcast_in_dim3A = vector.broadcast %add3A_15 : i32 to vector<8x4096xi32>
    %select_n3A_16 = arith.select %gt3A, %broadcast_in_dim3A, %get3A_13 : vector<8x4096xi1>, vector<8x4096xi32>
    %slice3A_17 = vector.extract_strided_slice %dot_general3A_7 {offsets = [8, 0], sizes = [8, 4096], strides = [1, 1]} : vector<1024x4096xf32> to vector<8x4096xf32>
    %gt3A_18 = arith.cmpf ogt, %slice3A_17, %select_n3A : vector<8x4096xf32>
    %select_n3A_19 = arith.select %gt3A_18, %slice3A_17, %select_n3A : vector<8x4096xi1>, vector<8x4096xf32>
    %mul3A_20 = arith.constant 128 : i32
    %mul3A_21 = arith.muli %arg1, %mul3A_20 : i32
    %add3A_22 = arith.constant 1 : i32
    %add3A_23 = arith.addi %mul3A_21, %add3A_22 : i32
    %broadcast_in_dim3A_24 = vector.broadcast %add3A_23 : i32 to vector<8x4096xi32>
    %select_n3A_25 = arith.select %gt3A_18, %broadcast_in_dim3A_24, %select_n3A_16 : vector<8x4096xi1>, vector<8x4096xi32>
    %slice3A_26 = vector.extract_strided_slice %dot_general3A_7 {offsets = [16, 0], sizes = [8, 4096], strides = [1, 1]} : vector<1024x4096xf32> to vector<8x4096xf32>
    %gt3A_27 = arith.cmpf ogt, %slice3A_26, %select_n3A_19 : vector<8x4096xf32>
    %select_n3A_28 = arith.select %gt3A_27, %slice3A_26, %select_n3A_19 : vector<8x4096xi1>, vector<8x4096xf32>
    %mul3A_29 = arith.constant 128 : i32
    %mul3A_30 = arith.muli %arg1, %mul3A_29 : i32
    %add3A_31 = arith.constant 2 : i32
    %add3A_32 = arith.addi %mul3A_30, %add3A_31 : i32
    %broadcast_in_dim3A_33 = vector.broadcast %add3A_32 : i32 to vector<8x4096xi32>
    %select_n3A_34 = arith.select %gt3A_27, %broadcast_in_dim3A_33, %select_n3A_25 : vector<8x4096xi1>, vector<8x4096xi32>
    %slice3A_35 = vector.extract_strided_slice %dot_general3A_7 {offsets = [24, 0], sizes = [8, 4096], strides = [1, 1]} : vector<1024x4096xf32> to vector<8x4096xf32>
    %gt3A_36 = arith.cmpf ogt, %slice3A_35, %select_n3A_28 : vector<8x4096xf32>
    %select_n3A_37 = arith.select %gt3A_36, %slice3A_35, %select_n3A_28 : vector<8x4096xi1>, vector<8x4096xf32>
    %mul3A_38 = arith.constant 128 : i32
    %mul3A_39 = arith.muli %arg1, %mul3A_38 : i32
    %add3A_40 = arith.constant 3 : i32
    %add3A_41 = arith.addi %mul3A_39, %add3A_40 : i32
    %broadcast_in_dim3A_42 = vector.broadcast %add3A_41 : i32 to vector<8x4096xi32>
    %select_n3A_43 = arith.select %gt3A_36, %broadcast_in_dim3A_42, %select_n3A_34 : vector<8x4096xi1>, vector<8x4096xi32>
    %slice3A_44 = vector.extract_strided_slice %dot_general3A_7 {offsets = [32, 0], sizes = [8, 4096], strides = [1, 1]} : vector<1024x4096xf32> to vector<8x4096xf32>
    %gt3A_45 = arith.cmpf ogt, %slice3A_44, %select_n3A_37 : vector<8x4096xf32>
    %select_n3A_46 = arith.select %gt3A_45, %slice3A_44, %select_n3A_37 : vector<8x4096xi1>, vector<8x4096xf32>
    %mul3A_47 = arith.constant 128 : i32
    %mul3A_48 = arith.muli %arg1, %mul3A_47 : i32
    %add3A_49 = arith.constant 4 : i32
    %add3A_50 = arith.addi %mul3A_48, %add3A_49 : i32
    %broadcast_in_dim3A_51 = vector.broadcast %add3A_50 : i32 to vector<8x4096xi32>
    %select_n3A_52 = arith.select %gt3A_45, %broadcast_in_dim3A_51, %select_n3A_43 : vector<8x4096xi1>, vector<8x4096xi32>
    %slice3A_53 = vector.extract_strided_slice %dot_general3A_7 {offsets = [40, 0], sizes = [8, 4096], strides = [1, 1]} : vector<1024x4096xf32> to vector<8x4096xf32>
    %gt3A_54 = arith.cmpf ogt, %slice3A_53, %select_n3A_46 : vector<8x4096xf32>
    %select_n3A_55 = arith.select %gt3A_54, %slice3A_53, %select_n3A_46 : vector<8x4096xi1>, vector<8x4096xf32>
    %mul3A_56 = arith.constant 128 : i32
    %mul3A_57 = arith.muli %arg1, %mul3A_56 : i32
    %add3A_58 = arith.constant 5 : i32
    %add3A_59 = arith.addi %mul3A_57, %add3A_58 : i32
    %broadcast_in_dim3A_60 = vector.broadcast %add3A_59 : i32 to vector<8x4096xi32>
    %select_n3A_61 = arith.select %gt3A_54, %broadcast_in_dim3A_60, %select_n3A_52 : vector<8x4096xi1>, vector<8x4096xi32>
    %slice3A_62 = vector.extract_strided_slice %dot_general3A_7 {offsets = [48, 0], sizes = [8, 4096], strides = [1, 1]} : vector<1024x4096xf32> to vector<8x4096xf32>
    %gt3A_63 = arith.cmpf ogt, %slice3A_62, %select_n3A_55 : vector<8x4096xf32>
    %select_n3A_64 = arith.select %gt3A_63, %slice3A_62, %select_n3A_55 : vector<8x4096xi1>, vector<8x4096xf32>
    %mul3A_65 = arith.constant 128 : i32
    %mul3A_66 = arith.muli %arg1, %mul3A_65 : i32
    %add3A_67 = arith.constant 6 : i32
    %add3A_68 = arith.addi %mul3A_66, %add3A_67 : i32
    %broadcast_in_dim3A_69 = vector.broadcast %add3A_68 : i32 to vector<8x4096xi32>
    %select_n3A_70 = arith.select %gt3A_63, %broadcast_in_dim3A_69, %select_n3A_61 : vector<8x4096xi1>, vector<8x4096xi32>
    %slice3A_71 = vector.extract_strided_slice %dot_general3A_7 {offsets = [56, 0], sizes = [8, 4096], strides = [1, 1]} : vector<1024x4096xf32> to vector<8x4096xf32>
    %gt3A_72 = arith.cmpf ogt, %slice3A_71, %select_n3A_64 : vector<8x4096xf32>
    %select_n3A_73 = arith.select %gt3A_72, %slice3A_71, %select_n3A_64 : vector<8x4096xi1>, vector<8x4096xf32>
    %mul3A_74 = arith.constant 128 : i32
    %mul3A_75 = arith.muli %arg1, %mul3A_74 : i32
    %add3A_76 = arith.constant 7 : i32
    %add3A_77 = arith.addi %mul3A_75, %add3A_76 : i32
    %broadcast_in_dim3A_78 = vector.broadcast %add3A_77 : i32 to vector<8x4096xi32>
    %select_n3A_79 = arith.select %gt3A_72, %broadcast_in_dim3A_78, %select_n3A_70 : vector<8x4096xi1>, vector<8x4096xi32>
    %slice3A_80 = vector.extract_strided_slice %dot_general3A_7 {offsets = [64, 0], sizes = [8, 4096], strides = [1, 1]} : vector<1024x4096xf32> to vector<8x4096xf32>
    %gt3A_81 = arith.cmpf ogt, %slice3A_80, %select_n3A_73 : vector<8x4096xf32>
    %select_n3A_82 = arith.select %gt3A_81, %slice3A_80, %select_n3A_73 : vector<8x4096xi1>, vector<8x4096xf32>
    %mul3A_83 = arith.constant 128 : i32
    %mul3A_84 = arith.muli %arg1, %mul3A_83 : i32
    %add3A_85 = arith.constant 8 : i32
    %add3A_86 = arith.addi %mul3A_84, %add3A_85 : i32
    %broadcast_in_dim3A_87 = vector.broadcast %add3A_86 : i32 to vector<8x4096xi32>
    %select_n3A_88 = arith.select %gt3A_81, %broadcast_in_dim3A_87, %select_n3A_79 : vector<8x4096xi1>, vector<8x4096xi32>
    %slice3A_89 = vector.extract_strided_slice %dot_general3A_7 {offsets = [72, 0], sizes = [8, 4096], strides = [1, 1]} : vector<1024x4096xf32> to vector<8x4096xf32>
    %gt3A_90 = arith.cmpf ogt, %slice3A_89, %select_n3A_82 : vector<8x4096xf32>
    %select_n3A_91 = arith.select %gt3A_90, %slice3A_89, %select_n3A_82 : vector<8x4096xi1>, vector<8x4096xf32>
    %mul3A_92 = arith.constant 128 : i32
    %mul3A_93 = arith.muli %arg1, %mul3A_92 : i32
    %add3A_94 = arith.constant 9 : i32
    %add3A_95 = arith.addi %mul3A_93, %add3A_94 : i32
    %broadcast_in_dim3A_96 = vector.broadcast %add3A_95 : i32 to vector<8x4096xi32>
    %select_n3A_97 = arith.select %gt3A_90, %broadcast_in_dim3A_96, %select_n3A_88 : vector<8x4096xi1>, vector<8x4096xi32>
    %slice3A_98 = vector.extract_strided_slice %dot_general3A_7 {offsets = [80, 0], sizes = [8, 4096], strides = [1, 1]} : vector<1024x4096xf32> to vector<8x4096xf32>
    %gt3A_99 = arith.cmpf ogt, %slice3A_98, %select_n3A_91 : vector<8x4096xf32>
    %select_n3A_100 = arith.select %gt3A_99, %slice3A_98, %select_n3A_91 : vector<8x4096xi1>, vector<8x4096xf32>
    %mul3A_101 = arith.constant 128 : i32
    %mul3A_102 = arith.muli %arg1, %mul3A_101 : i32
    %add3A_103 = arith.constant 10 : i32
    %add3A_104 = arith.addi %mul3A_102, %add3A_103 : i32
    %broadcast_in_dim3A_105 = vector.broadcast %add3A_104 : i32 to vector<8x4096xi32>
    %select_n3A_106 = arith.select %gt3A_99, %broadcast_in_dim3A_105, %select_n3A_97 : vector<8x4096xi1>, vector<8x4096xi32>
    %slice3A_107 = vector.extract_strided_slice %dot_general3A_7 {offsets = [88, 0], sizes = [8, 4096], strides = [1, 1]} : vector<1024x4096xf32> to vector<8x4096xf32>
    %gt3A_108 = arith.cmpf ogt, %slice3A_107, %select_n3A_100 : vector<8x4096xf32>
    %select_n3A_109 = arith.select %gt3A_108, %slice3A_107, %select_n3A_100 : vector<8x4096xi1>, vector<8x4096xf32>
    %mul3A_110 = arith.constant 128 : i32
    %mul3A_111 = arith.muli %arg1, %mul3A_110 : i32
    %add3A_112 = arith.constant 11 : i32
    %add3A_113 = arith.addi %mul3A_111, %add3A_112 : i32
    %broadcast_in_dim3A_114 = vector.broadcast %add3A_113 : i32 to vector<8x4096xi32>
    %select_n3A_115 = arith.select %gt3A_108, %broadcast_in_dim3A_114, %select_n3A_106 : vector<8x4096xi1>, vector<8x4096xi32>
    %slice3A_116 = vector.extract_strided_slice %dot_general3A_7 {offsets = [96, 0], sizes = [8, 4096], strides = [1, 1]} : vector<1024x4096xf32> to vector<8x4096xf32>
    %gt3A_117 = arith.cmpf ogt, %slice3A_116, %select_n3A_109 : vector<8x4096xf32>
    %select_n3A_118 = arith.select %gt3A_117, %slice3A_116, %select_n3A_109 : vector<8x4096xi1>, vector<8x4096xf32>
    %mul3A_119 = arith.constant 128 : i32
    %mul3A_120 = arith.muli %arg1, %mul3A_119 : i32
    %add3A_121 = arith.constant 12 : i32
    %add3A_122 = arith.addi %mul3A_120, %add3A_121 : i32
    %broadcast_in_dim3A_123 = vector.broadcast %add3A_122 : i32 to vector<8x4096xi32>
    %select_n3A_124 = arith.select %gt3A_117, %broadcast_in_dim3A_123, %select_n3A_115 : vector<8x4096xi1>, vector<8x4096xi32>
    %slice3A_125 = vector.extract_strided_slice %dot_general3A_7 {offsets = [104, 0], sizes = [8, 4096], strides = [1, 1]} : vector<1024x4096xf32> to vector<8x4096xf32>
    %gt3A_126 = arith.cmpf ogt, %slice3A_125, %select_n3A_118 : vector<8x4096xf32>
    %select_n3A_127 = arith.select %gt3A_126, %slice3A_125, %select_n3A_118 : vector<8x4096xi1>, vector<8x4096xf32>
    %mul3A_128 = arith.constant 128 : i32
    %mul3A_129 = arith.muli %arg1, %mul3A_128 : i32
    %add3A_130 = arith.constant 13 : i32
    %add3A_131 = arith.addi %mul3A_129, %add3A_130 : i32
    %broadcast_in_dim3A_132 = vector.broadcast %add3A_131 : i32 to vector<8x4096xi32>
    %select_n3A_133 = arith.select %gt3A_126, %broadcast_in_dim3A_132, %select_n3A_124 : vector<8x4096xi1>, vector<8x4096xi32>
    %slice3A_134 = vector.extract_strided_slice %dot_general3A_7 {offsets = [112, 0], sizes = [8, 4096], strides = [1, 1]} : vector<1024x4096xf32> to vector<8x4096xf32>
    %gt3A_135 = arith.cmpf ogt, %slice3A_134, %select_n3A_127 : vector<8x4096xf32>
    %select_n3A_136 = arith.select %gt3A_135, %slice3A_134, %select_n3A_127 : vector<8x4096xi1>, vector<8x4096xf32>
    %mul3A_137 = arith.constant 128 : i32
    %mul3A_138 = arith.muli %arg1, %mul3A_137 : i32
    %add3A_139 = arith.constant 14 : i32
    %add3A_140 = arith.addi %mul3A_138, %add3A_139 : i32
    %broadcast_in_dim3A_141 = vector.broadcast %add3A_140 : i32 to vector<8x4096xi32>
    %select_n3A_142 = arith.select %gt3A_135, %broadcast_in_dim3A_141, %select_n3A_133 : vector<8x4096xi1>, vector<8x4096xi32>
    %slice3A_143 = vector.extract_strided_slice %dot_general3A_7 {offsets = [120, 0], sizes = [8, 4096], strides = [1, 1]} : vector<1024x4096xf32> to vector<8x4096xf32>
    %gt3A_144 = arith.cmpf ogt, %slice3A_143, %select_n3A_136 : vector<8x4096xf32>
    %select_n3A_145 = arith.select %gt3A_144, %slice3A_143, %select_n3A_136 : vector<8x4096xi1>, vector<8x4096xf32>
    %mul3A_146 = arith.constant 128 : i32
    %mul3A_147 = arith.muli %arg1, %mul3A_146 : i32
    %add3A_148 = arith.constant 15 : i32
    %add3A_149 = arith.addi %mul3A_147, %add3A_148 : i32
    %broadcast_in_dim3A_150 = vector.broadcast %add3A_149 : i32 to vector<8x4096xi32>
    %select_n3A_151 = arith.select %gt3A_144, %broadcast_in_dim3A_150, %select_n3A_142 : vector<8x4096xi1>, vector<8x4096xi32>
    %slice3A_152 = vector.extract_strided_slice %dot_general3A_7 {offsets = [128, 0], sizes = [8, 4096], strides = [1, 1]} : vector<1024x4096xf32> to vector<8x4096xf32>
    %gt3A_153 = arith.cmpf ogt, %slice3A_152, %select_n3A_145 : vector<8x4096xf32>
    %select_n3A_154 = arith.select %gt3A_153, %slice3A_152, %select_n3A_145 : vector<8x4096xi1>, vector<8x4096xf32>
    %mul3A_155 = arith.constant 128 : i32
    %mul3A_156 = arith.muli %arg1, %mul3A_155 : i32
    %add3A_157 = arith.constant 16 : i32
    %add3A_158 = arith.addi %mul3A_156, %add3A_157 : i32
    %broadcast_in_dim3A_159 = vector.broadcast %add3A_158 : i32 to vector<8x4096xi32>
    %select_n3A_160 = arith.select %gt3A_153, %broadcast_in_dim3A_159, %select_n3A_151 : vector<8x4096xi1>, vector<8x4096xi32>
    %slice3A_161 = vector.extract_strided_slice %dot_general3A_7 {offsets = [136, 0], sizes = [8, 4096], strides = [1, 1]} : vector<1024x4096xf32> to vector<8x4096xf32>
    %gt3A_162 = arith.cmpf ogt, %slice3A_161, %select_n3A_154 : vector<8x4096xf32>
    %select_n3A_163 = arith.select %gt3A_162, %slice3A_161, %select_n3A_154 : vector<8x4096xi1>, vector<8x4096xf32>
    %mul3A_164 = arith.constant 128 : i32
    %mul3A_165 = arith.muli %arg1, %mul3A_164 : i32
    %add3A_166 = arith.constant 17 : i32
    %add3A_167 = arith.addi %mul3A_165, %add3A_166 : i32
    %broadcast_in_dim3A_168 = vector.broadcast %add3A_167 : i32 to vector<8x4096xi32>
    %select_n3A_169 = arith.select %gt3A_162, %broadcast_in_dim3A_168, %select_n3A_160 : vector<8x4096xi1>, vector<8x4096xi32>
    %slice3A_170 = vector.extract_strided_slice %dot_general3A_7 {offsets = [144, 0], sizes = [8, 4096], strides = [1, 1]} : vector<1024x4096xf32> to vector<8x4096xf32>
    %gt3A_171 = arith.cmpf ogt, %slice3A_170, %select_n3A_163 : vector<8x4096xf32>
    %select_n3A_172 = arith.select %gt3A_171, %slice3A_170, %select_n3A_163 : vector<8x4096xi1>, vector<8x4096xf32>
    %mul3A_173 = arith.constant 128 : i32
    %mul3A_174 = arith.muli %arg1, %mul3A_173 : i32
    %add3A_175 = arith.constant 18 : i32
    %add3A_176 = arith.addi %mul3A_174, %add3A_175 : i32
    %broadcast_in_dim3A_177 = vector.broadcast %add3A_176 : i32 to vector<8x4096xi32>
    %select_n3A_178 = arith.select %gt3A_171, %broadcast_in_dim3A_177, %select_n3A_169 : vector<8x4096xi1>, vector<8x4096xi32>
    %slice3A_179 = vector.extract_strided_slice %dot_general3A_7 {offsets = [152, 0], sizes = [8, 4096], strides = [1, 1]} : vector<1024x4096xf32> to vector<8x4096xf32>
    %gt3A_180 = arith.cmpf ogt, %slice3A_179, %select_n3A_172 : vector<8x4096xf32>
    %select_n3A_181 = arith.select %gt3A_180, %slice3A_179, %select_n3A_172 : vector<8x4096xi1>, vector<8x4096xf32>
    %mul3A_182 = arith.constant 128 : i32
    %mul3A_183 = arith.muli %arg1, %mul3A_182 : i32
    %add3A_184 = arith.constant 19 : i32
    %add3A_185 = arith.addi %mul3A_183, %add3A_184 : i32
    %broadcast_in_dim3A_186 = vector.broadcast %add3A_185 : i32 to vector<8x4096xi32>
    %select_n3A_187 = arith.select %gt3A_180, %broadcast_in_dim3A_186, %select_n3A_178 : vector<8x4096xi1>, vector<8x4096xi32>
    %slice3A_188 = vector.extract_strided_slice %dot_general3A_7 {offsets = [160, 0], sizes = [8, 4096], strides = [1, 1]} : vector<1024x4096xf32> to vector<8x4096xf32>
    %gt3A_189 = arith.cmpf ogt, %slice3A_188, %select_n3A_181 : vector<8x4096xf32>
    %select_n3A_190 = arith.select %gt3A_189, %slice3A_188, %select_n3A_181 : vector<8x4096xi1>, vector<8x4096xf32>
    %mul3A_191 = arith.constant 128 : i32
    %mul3A_192 = arith.muli %arg1, %mul3A_191 : i32
    %add3A_193 = arith.constant 20 : i32
    %add3A_194 = arith.addi %mul3A_192, %add3A_193 : i32
    %broadcast_in_dim3A_195 = vector.broadcast %add3A_194 : i32 to vector<8x4096xi32>
    %select_n3A_196 = arith.select %gt3A_189, %broadcast_in_dim3A_195, %select_n3A_187 : vector<8x4096xi1>, vector<8x4096xi32>
    %slice3A_197 = vector.extract_strided_slice %dot_general3A_7 {offsets = [168, 0], sizes = [8, 4096], strides = [1, 1]} : vector<1024x4096xf32> to vector<8x4096xf32>
    %gt3A_198 = arith.cmpf ogt, %slice3A_197, %select_n3A_190 : vector<8x4096xf32>
    %select_n3A_199 = arith.select %gt3A_198, %slice3A_197, %select_n3A_190 : vector<8x4096xi1>, vector<8x4096xf32>
    %mul3A_200 = arith.constant 128 : i32
    %mul3A_201 = arith.muli %arg1, %mul3A_200 : i32
    %add3A_202 = arith.constant 21 : i32
    %add3A_203 = arith.addi %mul3A_201, %add3A_202 : i32
    %broadcast_in_dim3A_204 = vector.broadcast %add3A_203 : i32 to vector<8x4096xi32>
    %select_n3A_205 = arith.select %gt3A_198, %broadcast_in_dim3A_204, %select_n3A_196 : vector<8x4096xi1>, vector<8x4096xi32>
    %slice3A_206 = vector.extract_strided_slice %dot_general3A_7 {offsets = [176, 0], sizes = [8, 4096], strides = [1, 1]} : vector<1024x4096xf32> to vector<8x4096xf32>
    %gt3A_207 = arith.cmpf ogt, %slice3A_206, %select_n3A_199 : vector<8x4096xf32>
    %select_n3A_208 = arith.select %gt3A_207, %slice3A_206, %select_n3A_199 : vector<8x4096xi1>, vector<8x4096xf32>
    %mul3A_209 = arith.constant 128 : i32
    %mul3A_210 = arith.muli %arg1, %mul3A_209 : i32
    %add3A_211 = arith.constant 22 : i32
    %add3A_212 = arith.addi %mul3A_210, %add3A_211 : i32
    %broadcast_in_dim3A_213 = vector.broadcast %add3A_212 : i32 to vector<8x4096xi32>
    %select_n3A_214 = arith.select %gt3A_207, %broadcast_in_dim3A_213, %select_n3A_205 : vector<8x4096xi1>, vector<8x4096xi32>
    %slice3A_215 = vector.extract_strided_slice %dot_general3A_7 {offsets = [184, 0], sizes = [8, 4096], strides = [1, 1]} : vector<1024x4096xf32> to vector<8x4096xf32>
    %gt3A_216 = arith.cmpf ogt, %slice3A_215, %select_n3A_208 : vector<8x4096xf32>
    %select_n3A_217 = arith.select %gt3A_216, %slice3A_215, %select_n3A_208 : vector<8x4096xi1>, vector<8x4096xf32>
    %mul3A_218 = arith.constant 128 : i32
    %mul3A_219 = arith.muli %arg1, %mul3A_218 : i32
    %add3A_220 = arith.constant 23 : i32
    %add3A_221 = arith.addi %mul3A_219, %add3A_220 : i32
    %broadcast_in_dim3A_222 = vector.broadcast %add3A_221 : i32 to vector<8x4096xi32>
    %select_n3A_223 = arith.select %gt3A_216, %broadcast_in_dim3A_222, %select_n3A_214 : vector<8x4096xi1>, vector<8x4096xi32>
    %slice3A_224 = vector.extract_strided_slice %dot_general3A_7 {offsets = [192, 0], sizes = [8, 4096], strides = [1, 1]} : vector<1024x4096xf32> to vector<8x4096xf32>
    %gt3A_225 = arith.cmpf ogt, %slice3A_224, %select_n3A_217 : vector<8x4096xf32>
    %select_n3A_226 = arith.select %gt3A_225, %slice3A_224, %select_n3A_217 : vector<8x4096xi1>, vector<8x4096xf32>
    %mul3A_227 = arith.constant 128 : i32
    %mul3A_228 = arith.muli %arg1, %mul3A_227 : i32
    %add3A_229 = arith.constant 24 : i32
    %add3A_230 = arith.addi %mul3A_228, %add3A_229 : i32
    %broadcast_in_dim3A_231 = vector.broadcast %add3A_230 : i32 to vector<8x4096xi32>
    %select_n3A_232 = arith.select %gt3A_225, %broadcast_in_dim3A_231, %select_n3A_223 : vector<8x4096xi1>, vector<8x4096xi32>
    %slice3A_233 = vector.extract_strided_slice %dot_general3A_7 {offsets = [200, 0], sizes = [8, 4096], strides = [1, 1]} : vector<1024x4096xf32> to vector<8x4096xf32>
    %gt3A_234 = arith.cmpf ogt, %slice3A_233, %select_n3A_226 : vector<8x4096xf32>
    %select_n3A_235 = arith.select %gt3A_234, %slice3A_233, %select_n3A_226 : vector<8x4096xi1>, vector<8x4096xf32>
    %mul3A_236 = arith.constant 128 : i32
    %mul3A_237 = arith.muli %arg1, %mul3A_236 : i32
    %add3A_238 = arith.constant 25 : i32
    %add3A_239 = arith.addi %mul3A_237, %add3A_238 : i32
    %broadcast_in_dim3A_240 = vector.broadcast %add3A_239 : i32 to vector<8x4096xi32>
    %select_n3A_241 = arith.select %gt3A_234, %broadcast_in_dim3A_240, %select_n3A_232 : vector<8x4096xi1>, vector<8x4096xi32>
    %slice3A_242 = vector.extract_strided_slice %dot_general3A_7 {offsets = [208, 0], sizes = [8, 4096], strides = [1, 1]} : vector<1024x4096xf32> to vector<8x4096xf32>
    %gt3A_243 = arith.cmpf ogt, %slice3A_242, %select_n3A_235 : vector<8x4096xf32>
    %select_n3A_244 = arith.select %gt3A_243, %slice3A_242, %select_n3A_235 : vector<8x4096xi1>, vector<8x4096xf32>
    %mul3A_245 = arith.constant 128 : i32
    %mul3A_246 = arith.muli %arg1, %mul3A_245 : i32
    %add3A_247 = arith.constant 26 : i32
    %add3A_248 = arith.addi %mul3A_246, %add3A_247 : i32
    %broadcast_in_dim3A_249 = vector.broadcast %add3A_248 : i32 to vector<8x4096xi32>
    %select_n3A_250 = arith.select %gt3A_243, %broadcast_in_dim3A_249, %select_n3A_241 : vector<8x4096xi1>, vector<8x4096xi32>
    %slice3A_251 = vector.extract_strided_slice %dot_general3A_7 {offsets = [216, 0], sizes = [8, 4096], strides = [1, 1]} : vector<1024x4096xf32> to vector<8x4096xf32>
    %gt3A_252 = arith.cmpf ogt, %slice3A_251, %select_n3A_244 : vector<8x4096xf32>
    %select_n3A_253 = arith.select %gt3A_252, %slice3A_251, %select_n3A_244 : vector<8x4096xi1>, vector<8x4096xf32>
    %mul3A_254 = arith.constant 128 : i32
    %mul3A_255 = arith.muli %arg1, %mul3A_254 : i32
    %add3A_256 = arith.constant 27 : i32
    %add3A_257 = arith.addi %mul3A_255, %add3A_256 : i32
    %broadcast_in_dim3A_258 = vector.broadcast %add3A_257 : i32 to vector<8x4096xi32>
    %select_n3A_259 = arith.select %gt3A_252, %broadcast_in_dim3A_258, %select_n3A_250 : vector<8x4096xi1>, vector<8x4096xi32>
    %slice3A_260 = vector.extract_strided_slice %dot_general3A_7 {offsets = [224, 0], sizes = [8, 4096], strides = [1, 1]} : vector<1024x4096xf32> to vector<8x4096xf32>
    %gt3A_261 = arith.cmpf ogt, %slice3A_260, %select_n3A_253 : vector<8x4096xf32>
    %select_n3A_262 = arith.select %gt3A_261, %slice3A_260, %select_n3A_253 : vector<8x4096xi1>, vector<8x4096xf32>
    %mul3A_263 = arith.constant 128 : i32
    %mul3A_264 = arith.muli %arg1, %mul3A_263 : i32
    %add3A_265 = arith.constant 28 : i32
    %add3A_266 = arith.addi %mul3A_264, %add3A_265 : i32
    %broadcast_in_dim3A_267 = vector.broadcast %add3A_266 : i32 to vector<8x4096xi32>
    %select_n3A_268 = arith.select %gt3A_261, %broadcast_in_dim3A_267, %select_n3A_259 : vector<8x4096xi1>, vector<8x4096xi32>
    %slice3A_269 = vector.extract_strided_slice %dot_general3A_7 {offsets = [232, 0], sizes = [8, 4096], strides = [1, 1]} : vector<1024x4096xf32> to vector<8x4096xf32>
    %gt3A_270 = arith.cmpf ogt, %slice3A_269, %select_n3A_262 : vector<8x4096xf32>
    %select_n3A_271 = arith.select %gt3A_270, %slice3A_269, %select_n3A_262 : vector<8x4096xi1>, vector<8x4096xf32>
    %mul3A_272 = arith.constant 128 : i32
    %mul3A_273 = arith.muli %arg1, %mul3A_272 : i32
    %add3A_274 = arith.constant 29 : i32
    %add3A_275 = arith.addi %mul3A_273, %add3A_274 : i32
    %broadcast_in_dim3A_276 = vector.broadcast %add3A_275 : i32 to vector<8x4096xi32>
    %select_n3A_277 = arith.select %gt3A_270, %broadcast_in_dim3A_276, %select_n3A_268 : vector<8x4096xi1>, vector<8x4096xi32>
    %slice3A_278 = vector.extract_strided_slice %dot_general3A_7 {offsets = [240, 0], sizes = [8, 4096], strides = [1, 1]} : vector<1024x4096xf32> to vector<8x4096xf32>
    %gt3A_279 = arith.cmpf ogt, %slice3A_278, %select_n3A_271 : vector<8x4096xf32>
    %select_n3A_280 = arith.select %gt3A_279, %slice3A_278, %select_n3A_271 : vector<8x4096xi1>, vector<8x4096xf32>
    %mul3A_281 = arith.constant 128 : i32
    %mul3A_282 = arith.muli %arg1, %mul3A_281 : i32
    %add3A_283 = arith.constant 30 : i32
    %add3A_284 = arith.addi %mul3A_282, %add3A_283 : i32
    %broadcast_in_dim3A_285 = vector.broadcast %add3A_284 : i32 to vector<8x4096xi32>
    %select_n3A_286 = arith.select %gt3A_279, %broadcast_in_dim3A_285, %select_n3A_277 : vector<8x4096xi1>, vector<8x4096xi32>
    %slice3A_287 = vector.extract_strided_slice %dot_general3A_7 {offsets = [248, 0], sizes = [8, 4096], strides = [1, 1]} : vector<1024x4096xf32> to vector<8x4096xf32>
    %gt3A_288 = arith.cmpf ogt, %slice3A_287, %select_n3A_280 : vector<8x4096xf32>
    %select_n3A_289 = arith.select %gt3A_288, %slice3A_287, %select_n3A_280 : vector<8x4096xi1>, vector<8x4096xf32>
    %mul3A_290 = arith.constant 128 : i32
    %mul3A_291 = arith.muli %arg1, %mul3A_290 : i32
    %add3A_292 = arith.constant 31 : i32
    %add3A_293 = arith.addi %mul3A_291, %add3A_292 : i32
    %broadcast_in_dim3A_294 = vector.broadcast %add3A_293 : i32 to vector<8x4096xi32>
    %select_n3A_295 = arith.select %gt3A_288, %broadcast_in_dim3A_294, %select_n3A_286 : vector<8x4096xi1>, vector<8x4096xi32>
    %slice3A_296 = vector.extract_strided_slice %dot_general3A_7 {offsets = [256, 0], sizes = [8, 4096], strides = [1, 1]} : vector<1024x4096xf32> to vector<8x4096xf32>
    %gt3A_297 = arith.cmpf ogt, %slice3A_296, %select_n3A_289 : vector<8x4096xf32>
    %select_n3A_298 = arith.select %gt3A_297, %slice3A_296, %select_n3A_289 : vector<8x4096xi1>, vector<8x4096xf32>
    %mul3A_299 = arith.constant 128 : i32
    %mul3A_300 = arith.muli %arg1, %mul3A_299 : i32
    %add3A_301 = arith.constant 32 : i32
    %add3A_302 = arith.addi %mul3A_300, %add3A_301 : i32
    %broadcast_in_dim3A_303 = vector.broadcast %add3A_302 : i32 to vector<8x4096xi32>
    %select_n3A_304 = arith.select %gt3A_297, %broadcast_in_dim3A_303, %select_n3A_295 : vector<8x4096xi1>, vector<8x4096xi32>
    %slice3A_305 = vector.extract_strided_slice %dot_general3A_7 {offsets = [264, 0], sizes = [8, 4096], strides = [1, 1]} : vector<1024x4096xf32> to vector<8x4096xf32>
    %gt3A_306 = arith.cmpf ogt, %slice3A_305, %select_n3A_298 : vector<8x4096xf32>
    %select_n3A_307 = arith.select %gt3A_306, %slice3A_305, %select_n3A_298 : vector<8x4096xi1>, vector<8x4096xf32>
    %mul3A_308 = arith.constant 128 : i32
    %mul3A_309 = arith.muli %arg1, %mul3A_308 : i32
    %add3A_310 = arith.constant 33 : i32
    %add3A_311 = arith.addi %mul3A_309, %add3A_310 : i32
    %broadcast_in_dim3A_312 = vector.broadcast %add3A_311 : i32 to vector<8x4096xi32>
    %select_n3A_313 = arith.select %gt3A_306, %broadcast_in_dim3A_312, %select_n3A_304 : vector<8x4096xi1>, vector<8x4096xi32>
    %slice3A_314 = vector.extract_strided_slice %dot_general3A_7 {offsets = [272, 0], sizes = [8, 4096], strides = [1, 1]} : vector<1024x4096xf32> to vector<8x4096xf32>
    %gt3A_315 = arith.cmpf ogt, %slice3A_314, %select_n3A_307 : vector<8x4096xf32>
    %select_n3A_316 = arith.select %gt3A_315, %slice3A_314, %select_n3A_307 : vector<8x4096xi1>, vector<8x4096xf32>
    %mul3A_317 = arith.constant 128 : i32
    %mul3A_318 = arith.muli %arg1, %mul3A_317 : i32
    %add3A_319 = arith.constant 34 : i32
    %add3A_320 = arith.addi %mul3A_318, %add3A_319 : i32
    %broadcast_in_dim3A_321 = vector.broadcast %add3A_320 : i32 to vector<8x4096xi32>
    %select_n3A_322 = arith.select %gt3A_315, %broadcast_in_dim3A_321, %select_n3A_313 : vector<8x4096xi1>, vector<8x4096xi32>
    %slice3A_323 = vector.extract_strided_slice %dot_general3A_7 {offsets = [280, 0], sizes = [8, 4096], strides = [1, 1]} : vector<1024x4096xf32> to vector<8x4096xf32>
    %gt3A_324 = arith.cmpf ogt, %slice3A_323, %select_n3A_316 : vector<8x4096xf32>
    %select_n3A_325 = arith.select %gt3A_324, %slice3A_323, %select_n3A_316 : vector<8x4096xi1>, vector<8x4096xf32>
    %mul3A_326 = arith.constant 128 : i32
    %mul3A_327 = arith.muli %arg1, %mul3A_326 : i32
    %add3A_328 = arith.constant 35 : i32
    %add3A_329 = arith.addi %mul3A_327, %add3A_328 : i32
    %broadcast_in_dim3A_330 = vector.broadcast %add3A_329 : i32 to vector<8x4096xi32>
    %select_n3A_331 = arith.select %gt3A_324, %broadcast_in_dim3A_330, %select_n3A_322 : vector<8x4096xi1>, vector<8x4096xi32>
    %slice3A_332 = vector.extract_strided_slice %dot_general3A_7 {offsets = [288, 0], sizes = [8, 4096], strides = [1, 1]} : vector<1024x4096xf32> to vector<8x4096xf32>
    %gt3A_333 = arith.cmpf ogt, %slice3A_332, %select_n3A_325 : vector<8x4096xf32>
    %select_n3A_334 = arith.select %gt3A_333, %slice3A_332, %select_n3A_325 : vector<8x4096xi1>, vector<8x4096xf32>
    %mul3A_335 = arith.constant 128 : i32
    %mul3A_336 = arith.muli %arg1, %mul3A_335 : i32
    %add3A_337 = arith.constant 36 : i32
    %add3A_338 = arith.addi %mul3A_336, %add3A_337 : i32
    %broadcast_in_dim3A_339 = vector.broadcast %add3A_338 : i32 to vector<8x4096xi32>
    %select_n3A_340 = arith.select %gt3A_333, %broadcast_in_dim3A_339, %select_n3A_331 : vector<8x4096xi1>, vector<8x4096xi32>
    %slice3A_341 = vector.extract_strided_slice %dot_general3A_7 {offsets = [296, 0], sizes = [8, 4096], strides = [1, 1]} : vector<1024x4096xf32> to vector<8x4096xf32>
    %gt3A_342 = arith.cmpf ogt, %slice3A_341, %select_n3A_334 : vector<8x4096xf32>
    %select_n3A_343 = arith.select %gt3A_342, %slice3A_341, %select_n3A_334 : vector<8x4096xi1>, vector<8x4096xf32>
    %mul3A_344 = arith.constant 128 : i32
    %mul3A_345 = arith.muli %arg1, %mul3A_344 : i32
    %add3A_346 = arith.constant 37 : i32
    %add3A_347 = arith.addi %mul3A_345, %add3A_346 : i32
    %broadcast_in_dim3A_348 = vector.broadcast %add3A_347 : i32 to vector<8x4096xi32>
    %select_n3A_349 = arith.select %gt3A_342, %broadcast_in_dim3A_348, %select_n3A_340 : vector<8x4096xi1>, vector<8x4096xi32>
    %slice3A_350 = vector.extract_strided_slice %dot_general3A_7 {offsets = [304, 0], sizes = [8, 4096], strides = [1, 1]} : vector<1024x4096xf32> to vector<8x4096xf32>
    %gt3A_351 = arith.cmpf ogt, %slice3A_350, %select_n3A_343 : vector<8x4096xf32>
    %select_n3A_352 = arith.select %gt3A_351, %slice3A_350, %select_n3A_343 : vector<8x4096xi1>, vector<8x4096xf32>
    %mul3A_353 = arith.constant 128 : i32
    %mul3A_354 = arith.muli %arg1, %mul3A_353 : i32
    %add3A_355 = arith.constant 38 : i32
    %add3A_356 = arith.addi %mul3A_354, %add3A_355 : i32
    %broadcast_in_dim3A_357 = vector.broadcast %add3A_356 : i32 to vector<8x4096xi32>
    %select_n3A_358 = arith.select %gt3A_351, %broadcast_in_dim3A_357, %select_n3A_349 : vector<8x4096xi1>, vector<8x4096xi32>
    %slice3A_359 = vector.extract_strided_slice %dot_general3A_7 {offsets = [312, 0], sizes = [8, 4096], strides = [1, 1]} : vector<1024x4096xf32> to vector<8x4096xf32>
    %gt3A_360 = arith.cmpf ogt, %slice3A_359, %select_n3A_352 : vector<8x4096xf32>
    %select_n3A_361 = arith.select %gt3A_360, %slice3A_359, %select_n3A_352 : vector<8x4096xi1>, vector<8x4096xf32>
    %mul3A_362 = arith.constant 128 : i32
    %mul3A_363 = arith.muli %arg1, %mul3A_362 : i32
    %add3A_364 = arith.constant 39 : i32
    %add3A_365 = arith.addi %mul3A_363, %add3A_364 : i32
    %broadcast_in_dim3A_366 = vector.broadcast %add3A_365 : i32 to vector<8x4096xi32>
    %select_n3A_367 = arith.select %gt3A_360, %broadcast_in_dim3A_366, %select_n3A_358 : vector<8x4096xi1>, vector<8x4096xi32>
    %slice3A_368 = vector.extract_strided_slice %dot_general3A_7 {offsets = [320, 0], sizes = [8, 4096], strides = [1, 1]} : vector<1024x4096xf32> to vector<8x4096xf32>
    %gt3A_369 = arith.cmpf ogt, %slice3A_368, %select_n3A_361 : vector<8x4096xf32>
    %select_n3A_370 = arith.select %gt3A_369, %slice3A_368, %select_n3A_361 : vector<8x4096xi1>, vector<8x4096xf32>
    %mul3A_371 = arith.constant 128 : i32
    %mul3A_372 = arith.muli %arg1, %mul3A_371 : i32
    %add3A_373 = arith.constant 40 : i32
    %add3A_374 = arith.addi %mul3A_372, %add3A_373 : i32
    %broadcast_in_dim3A_375 = vector.broadcast %add3A_374 : i32 to vector<8x4096xi32>
    %select_n3A_376 = arith.select %gt3A_369, %broadcast_in_dim3A_375, %select_n3A_367 : vector<8x4096xi1>, vector<8x4096xi32>
    %slice3A_377 = vector.extract_strided_slice %dot_general3A_7 {offsets = [328, 0], sizes = [8, 4096], strides = [1, 1]} : vector<1024x4096xf32> to vector<8x4096xf32>
    %gt3A_378 = arith.cmpf ogt, %slice3A_377, %select_n3A_370 : vector<8x4096xf32>
    %select_n3A_379 = arith.select %gt3A_378, %slice3A_377, %select_n3A_370 : vector<8x4096xi1>, vector<8x4096xf32>
    %mul3A_380 = arith.constant 128 : i32
    %mul3A_381 = arith.muli %arg1, %mul3A_380 : i32
    %add3A_382 = arith.constant 41 : i32
    %add3A_383 = arith.addi %mul3A_381, %add3A_382 : i32
    %broadcast_in_dim3A_384 = vector.broadcast %add3A_383 : i32 to vector<8x4096xi32>
    %select_n3A_385 = arith.select %gt3A_378, %broadcast_in_dim3A_384, %select_n3A_376 : vector<8x4096xi1>, vector<8x4096xi32>
    %slice3A_386 = vector.extract_strided_slice %dot_general3A_7 {offsets = [336, 0], sizes = [8, 4096], strides = [1, 1]} : vector<1024x4096xf32> to vector<8x4096xf32>
    %gt3A_387 = arith.cmpf ogt, %slice3A_386, %select_n3A_379 : vector<8x4096xf32>
    %select_n3A_388 = arith.select %gt3A_387, %slice3A_386, %select_n3A_379 : vector<8x4096xi1>, vector<8x4096xf32>
    %mul3A_389 = arith.constant 128 : i32
    %mul3A_390 = arith.muli %arg1, %mul3A_389 : i32
    %add3A_391 = arith.constant 42 : i32
    %add3A_392 = arith.addi %mul3A_390, %add3A_391 : i32
    %broadcast_in_dim3A_393 = vector.broadcast %add3A_392 : i32 to vector<8x4096xi32>
    %select_n3A_394 = arith.select %gt3A_387, %broadcast_in_dim3A_393, %select_n3A_385 : vector<8x4096xi1>, vector<8x4096xi32>
    %slice3A_395 = vector.extract_strided_slice %dot_general3A_7 {offsets = [344, 0], sizes = [8, 4096], strides = [1, 1]} : vector<1024x4096xf32> to vector<8x4096xf32>
    %gt3A_396 = arith.cmpf ogt, %slice3A_395, %select_n3A_388 : vector<8x4096xf32>
    %select_n3A_397 = arith.select %gt3A_396, %slice3A_395, %select_n3A_388 : vector<8x4096xi1>, vector<8x4096xf32>
    %mul3A_398 = arith.constant 128 : i32
    %mul3A_399 = arith.muli %arg1, %mul3A_398 : i32
    %add3A_400 = arith.constant 43 : i32
    %add3A_401 = arith.addi %mul3A_399, %add3A_400 : i32
    %broadcast_in_dim3A_402 = vector.broadcast %add3A_401 : i32 to vector<8x4096xi32>
    %select_n3A_403 = arith.select %gt3A_396, %broadcast_in_dim3A_402, %select_n3A_394 : vector<8x4096xi1>, vector<8x4096xi32>
    %slice3A_404 = vector.extract_strided_slice %dot_general3A_7 {offsets = [352, 0], sizes = [8, 4096], strides = [1, 1]} : vector<1024x4096xf32> to vector<8x4096xf32>
    %gt3A_405 = arith.cmpf ogt, %slice3A_404, %select_n3A_397 : vector<8x4096xf32>
    %select_n3A_406 = arith.select %gt3A_405, %slice3A_404, %select_n3A_397 : vector<8x4096xi1>, vector<8x4096xf32>
    %mul3A_407 = arith.constant 128 : i32
    %mul3A_408 = arith.muli %arg1, %mul3A_407 : i32
    %add3A_409 = arith.constant 44 : i32
    %add3A_410 = arith.addi %mul3A_408, %add3A_409 : i32
    %broadcast_in_dim3A_411 = vector.broadcast %add3A_410 : i32 to vector<8x4096xi32>
    %select_n3A_412 = arith.select %gt3A_405, %broadcast_in_dim3A_411, %select_n3A_403 : vector<8x4096xi1>, vector<8x4096xi32>
    %slice3A_413 = vector.extract_strided_slice %dot_general3A_7 {offsets = [360, 0], sizes = [8, 4096], strides = [1, 1]} : vector<1024x4096xf32> to vector<8x4096xf32>
    %gt3A_414 = arith.cmpf ogt, %slice3A_413, %select_n3A_406 : vector<8x4096xf32>
    %select_n3A_415 = arith.select %gt3A_414, %slice3A_413, %select_n3A_406 : vector<8x4096xi1>, vector<8x4096xf32>
    %mul3A_416 = arith.constant 128 : i32
    %mul3A_417 = arith.muli %arg1, %mul3A_416 : i32
    %add3A_418 = arith.constant 45 : i32
    %add3A_419 = arith.addi %mul3A_417, %add3A_418 : i32
    %broadcast_in_dim3A_420 = vector.broadcast %add3A_419 : i32 to vector<8x4096xi32>
    %select_n3A_421 = arith.select %gt3A_414, %broadcast_in_dim3A_420, %select_n3A_412 : vector<8x4096xi1>, vector<8x4096xi32>
    %slice3A_422 = vector.extract_strided_slice %dot_general3A_7 {offsets = [368, 0], sizes = [8, 4096], strides = [1, 1]} : vector<1024x4096xf32> to vector<8x4096xf32>
    %gt3A_423 = arith.cmpf ogt, %slice3A_422, %select_n3A_415 : vector<8x4096xf32>
    %select_n3A_424 = arith.select %gt3A_423, %slice3A_422, %select_n3A_415 : vector<8x4096xi1>, vector<8x4096xf32>
    %mul3A_425 = arith.constant 128 : i32
    %mul3A_426 = arith.muli %arg1, %mul3A_425 : i32
    %add3A_427 = arith.constant 46 : i32
    %add3A_428 = arith.addi %mul3A_426, %add3A_427 : i32
    %broadcast_in_dim3A_429 = vector.broadcast %add3A_428 : i32 to vector<8x4096xi32>
    %select_n3A_430 = arith.select %gt3A_423, %broadcast_in_dim3A_429, %select_n3A_421 : vector<8x4096xi1>, vector<8x4096xi32>
    %slice3A_431 = vector.extract_strided_slice %dot_general3A_7 {offsets = [376, 0], sizes = [8, 4096], strides = [1, 1]} : vector<1024x4096xf32> to vector<8x4096xf32>
    %gt3A_432 = arith.cmpf ogt, %slice3A_431, %select_n3A_424 : vector<8x4096xf32>
    %select_n3A_433 = arith.select %gt3A_432, %slice3A_431, %select_n3A_424 : vector<8x4096xi1>, vector<8x4096xf32>
    %mul3A_434 = arith.constant 128 : i32
    %mul3A_435 = arith.muli %arg1, %mul3A_434 : i32
    %add3A_436 = arith.constant 47 : i32
    %add3A_437 = arith.addi %mul3A_435, %add3A_436 : i32
    %broadcast_in_dim3A_438 = vector.broadcast %add3A_437 : i32 to vector<8x4096xi32>
    %select_n3A_439 = arith.select %gt3A_432, %broadcast_in_dim3A_438, %select_n3A_430 : vector<8x4096xi1>, vector<8x4096xi32>
    %slice3A_440 = vector.extract_strided_slice %dot_general3A_7 {offsets = [384, 0], sizes = [8, 4096], strides = [1, 1]} : vector<1024x4096xf32> to vector<8x4096xf32>
    %gt3A_441 = arith.cmpf ogt, %slice3A_440, %select_n3A_433 : vector<8x4096xf32>
    %select_n3A_442 = arith.select %gt3A_441, %slice3A_440, %select_n3A_433 : vector<8x4096xi1>, vector<8x4096xf32>
    %mul3A_443 = arith.constant 128 : i32
    %mul3A_444 = arith.muli %arg1, %mul3A_443 : i32
    %add3A_445 = arith.constant 48 : i32
    %add3A_446 = arith.addi %mul3A_444, %add3A_445 : i32
    %broadcast_in_dim3A_447 = vector.broadcast %add3A_446 : i32 to vector<8x4096xi32>
    %select_n3A_448 = arith.select %gt3A_441, %broadcast_in_dim3A_447, %select_n3A_439 : vector<8x4096xi1>, vector<8x4096xi32>
    %slice3A_449 = vector.extract_strided_slice %dot_general3A_7 {offsets = [392, 0], sizes = [8, 4096], strides = [1, 1]} : vector<1024x4096xf32> to vector<8x4096xf32>
    %gt3A_450 = arith.cmpf ogt, %slice3A_449, %select_n3A_442 : vector<8x4096xf32>
    %select_n3A_451 = arith.select %gt3A_450, %slice3A_449, %select_n3A_442 : vector<8x4096xi1>, vector<8x4096xf32>
    %mul3A_452 = arith.constant 128 : i32
    %mul3A_453 = arith.muli %arg1, %mul3A_452 : i32
    %add3A_454 = arith.constant 49 : i32
    %add3A_455 = arith.addi %mul3A_453, %add3A_454 : i32
    %broadcast_in_dim3A_456 = vector.broadcast %add3A_455 : i32 to vector<8x4096xi32>
    %select_n3A_457 = arith.select %gt3A_450, %broadcast_in_dim3A_456, %select_n3A_448 : vector<8x4096xi1>, vector<8x4096xi32>
    %slice3A_458 = vector.extract_strided_slice %dot_general3A_7 {offsets = [400, 0], sizes = [8, 4096], strides = [1, 1]} : vector<1024x4096xf32> to vector<8x4096xf32>
    %gt3A_459 = arith.cmpf ogt, %slice3A_458, %select_n3A_451 : vector<8x4096xf32>
    %select_n3A_460 = arith.select %gt3A_459, %slice3A_458, %select_n3A_451 : vector<8x4096xi1>, vector<8x4096xf32>
    %mul3A_461 = arith.constant 128 : i32
    %mul3A_462 = arith.muli %arg1, %mul3A_461 : i32
    %add3A_463 = arith.constant 50 : i32
    %add3A_464 = arith.addi %mul3A_462, %add3A_463 : i32
    %broadcast_in_dim3A_465 = vector.broadcast %add3A_464 : i32 to vector<8x4096xi32>
    %select_n3A_466 = arith.select %gt3A_459, %broadcast_in_dim3A_465, %select_n3A_457 : vector<8x4096xi1>, vector<8x4096xi32>
    %slice3A_467 = vector.extract_strided_slice %dot_general3A_7 {offsets = [408, 0], sizes = [8, 4096], strides = [1, 1]} : vector<1024x4096xf32> to vector<8x4096xf32>
    %gt3A_468 = arith.cmpf ogt, %slice3A_467, %select_n3A_460 : vector<8x4096xf32>
    %select_n3A_469 = arith.select %gt3A_468, %slice3A_467, %select_n3A_460 : vector<8x4096xi1>, vector<8x4096xf32>
    %mul3A_470 = arith.constant 128 : i32
    %mul3A_471 = arith.muli %arg1, %mul3A_470 : i32
    %add3A_472 = arith.constant 51 : i32
    %add3A_473 = arith.addi %mul3A_471, %add3A_472 : i32
    %broadcast_in_dim3A_474 = vector.broadcast %add3A_473 : i32 to vector<8x4096xi32>
    %select_n3A_475 = arith.select %gt3A_468, %broadcast_in_dim3A_474, %select_n3A_466 : vector<8x4096xi1>, vector<8x4096xi32>
    %slice3A_476 = vector.extract_strided_slice %dot_general3A_7 {offsets = [416, 0], sizes = [8, 4096], strides = [1, 1]} : vector<1024x4096xf32> to vector<8x4096xf32>
    %gt3A_477 = arith.cmpf ogt, %slice3A_476, %select_n3A_469 : vector<8x4096xf32>
    %select_n3A_478 = arith.select %gt3A_477, %slice3A_476, %select_n3A_469 : vector<8x4096xi1>, vector<8x4096xf32>
    %mul3A_479 = arith.constant 128 : i32
    %mul3A_480 = arith.muli %arg1, %mul3A_479 : i32
    %add3A_481 = arith.constant 52 : i32
    %add3A_482 = arith.addi %mul3A_480, %add3A_481 : i32
    %broadcast_in_dim3A_483 = vector.broadcast %add3A_482 : i32 to vector<8x4096xi32>
    %select_n3A_484 = arith.select %gt3A_477, %broadcast_in_dim3A_483, %select_n3A_475 : vector<8x4096xi1>, vector<8x4096xi32>
    %slice3A_485 = vector.extract_strided_slice %dot_general3A_7 {offsets = [424, 0], sizes = [8, 4096], strides = [1, 1]} : vector<1024x4096xf32> to vector<8x4096xf32>
    %gt3A_486 = arith.cmpf ogt, %slice3A_485, %select_n3A_478 : vector<8x4096xf32>
    %select_n3A_487 = arith.select %gt3A_486, %slice3A_485, %select_n3A_478 : vector<8x4096xi1>, vector<8x4096xf32>
    %mul3A_488 = arith.constant 128 : i32
    %mul3A_489 = arith.muli %arg1, %mul3A_488 : i32
    %add3A_490 = arith.constant 53 : i32
    %add3A_491 = arith.addi %mul3A_489, %add3A_490 : i32
    %broadcast_in_dim3A_492 = vector.broadcast %add3A_491 : i32 to vector<8x4096xi32>
    %select_n3A_493 = arith.select %gt3A_486, %broadcast_in_dim3A_492, %select_n3A_484 : vector<8x4096xi1>, vector<8x4096xi32>
    %slice3A_494 = vector.extract_strided_slice %dot_general3A_7 {offsets = [432, 0], sizes = [8, 4096], strides = [1, 1]} : vector<1024x4096xf32> to vector<8x4096xf32>
    %gt3A_495 = arith.cmpf ogt, %slice3A_494, %select_n3A_487 : vector<8x4096xf32>
    %select_n3A_496 = arith.select %gt3A_495, %slice3A_494, %select_n3A_487 : vector<8x4096xi1>, vector<8x4096xf32>
    %mul3A_497 = arith.constant 128 : i32
    %mul3A_498 = arith.muli %arg1, %mul3A_497 : i32
    %add3A_499 = arith.constant 54 : i32
    %add3A_500 = arith.addi %mul3A_498, %add3A_499 : i32
    %broadcast_in_dim3A_501 = vector.broadcast %add3A_500 : i32 to vector<8x4096xi32>
    %select_n3A_502 = arith.select %gt3A_495, %broadcast_in_dim3A_501, %select_n3A_493 : vector<8x4096xi1>, vector<8x4096xi32>
    %slice3A_503 = vector.extract_strided_slice %dot_general3A_7 {offsets = [440, 0], sizes = [8, 4096], strides = [1, 1]} : vector<1024x4096xf32> to vector<8x4096xf32>
    %gt3A_504 = arith.cmpf ogt, %slice3A_503, %select_n3A_496 : vector<8x4096xf32>
    %select_n3A_505 = arith.select %gt3A_504, %slice3A_503, %select_n3A_496 : vector<8x4096xi1>, vector<8x4096xf32>
    %mul3A_506 = arith.constant 128 : i32
    %mul3A_507 = arith.muli %arg1, %mul3A_506 : i32
    %add3A_508 = arith.constant 55 : i32
    %add3A_509 = arith.addi %mul3A_507, %add3A_508 : i32
    %broadcast_in_dim3A_510 = vector.broadcast %add3A_509 : i32 to vector<8x4096xi32>
    %select_n3A_511 = arith.select %gt3A_504, %broadcast_in_dim3A_510, %select_n3A_502 : vector<8x4096xi1>, vector<8x4096xi32>
    %slice3A_512 = vector.extract_strided_slice %dot_general3A_7 {offsets = [448, 0], sizes = [8, 4096], strides = [1, 1]} : vector<1024x4096xf32> to vector<8x4096xf32>
    %gt3A_513 = arith.cmpf ogt, %slice3A_512, %select_n3A_505 : vector<8x4096xf32>
    %select_n3A_514 = arith.select %gt3A_513, %slice3A_512, %select_n3A_505 : vector<8x4096xi1>, vector<8x4096xf32>
    %mul3A_515 = arith.constant 128 : i32
    %mul3A_516 = arith.muli %arg1, %mul3A_515 : i32
    %add3A_517 = arith.constant 56 : i32
    %add3A_518 = arith.addi %mul3A_516, %add3A_517 : i32
    %broadcast_in_dim3A_519 = vector.broadcast %add3A_518 : i32 to vector<8x4096xi32>
    %select_n3A_520 = arith.select %gt3A_513, %broadcast_in_dim3A_519, %select_n3A_511 : vector<8x4096xi1>, vector<8x4096xi32>
    %slice3A_521 = vector.extract_strided_slice %dot_general3A_7 {offsets = [456, 0], sizes = [8, 4096], strides = [1, 1]} : vector<1024x4096xf32> to vector<8x4096xf32>
    %gt3A_522 = arith.cmpf ogt, %slice3A_521, %select_n3A_514 : vector<8x4096xf32>
    %select_n3A_523 = arith.select %gt3A_522, %slice3A_521, %select_n3A_514 : vector<8x4096xi1>, vector<8x4096xf32>
    %mul3A_524 = arith.constant 128 : i32
    %mul3A_525 = arith.muli %arg1, %mul3A_524 : i32
    %add3A_526 = arith.constant 57 : i32
    %add3A_527 = arith.addi %mul3A_525, %add3A_526 : i32
    %broadcast_in_dim3A_528 = vector.broadcast %add3A_527 : i32 to vector<8x4096xi32>
    %select_n3A_529 = arith.select %gt3A_522, %broadcast_in_dim3A_528, %select_n3A_520 : vector<8x4096xi1>, vector<8x4096xi32>
    %slice3A_530 = vector.extract_strided_slice %dot_general3A_7 {offsets = [464, 0], sizes = [8, 4096], strides = [1, 1]} : vector<1024x4096xf32> to vector<8x4096xf32>
    %gt3A_531 = arith.cmpf ogt, %slice3A_530, %select_n3A_523 : vector<8x4096xf32>
    %select_n3A_532 = arith.select %gt3A_531, %slice3A_530, %select_n3A_523 : vector<8x4096xi1>, vector<8x4096xf32>
    %mul3A_533 = arith.constant 128 : i32
    %mul3A_534 = arith.muli %arg1, %mul3A_533 : i32
    %add3A_535 = arith.constant 58 : i32
    %add3A_536 = arith.addi %mul3A_534, %add3A_535 : i32
    %broadcast_in_dim3A_537 = vector.broadcast %add3A_536 : i32 to vector<8x4096xi32>
    %select_n3A_538 = arith.select %gt3A_531, %broadcast_in_dim3A_537, %select_n3A_529 : vector<8x4096xi1>, vector<8x4096xi32>
    %slice3A_539 = vector.extract_strided_slice %dot_general3A_7 {offsets = [472, 0], sizes = [8, 4096], strides = [1, 1]} : vector<1024x4096xf32> to vector<8x4096xf32>
    %gt3A_540 = arith.cmpf ogt, %slice3A_539, %select_n3A_532 : vector<8x4096xf32>
    %select_n3A_541 = arith.select %gt3A_540, %slice3A_539, %select_n3A_532 : vector<8x4096xi1>, vector<8x4096xf32>
    %mul3A_542 = arith.constant 128 : i32
    %mul3A_543 = arith.muli %arg1, %mul3A_542 : i32
    %add3A_544 = arith.constant 59 : i32
    %add3A_545 = arith.addi %mul3A_543, %add3A_544 : i32
    %broadcast_in_dim3A_546 = vector.broadcast %add3A_545 : i32 to vector<8x4096xi32>
    %select_n3A_547 = arith.select %gt3A_540, %broadcast_in_dim3A_546, %select_n3A_538 : vector<8x4096xi1>, vector<8x4096xi32>
    %slice3A_548 = vector.extract_strided_slice %dot_general3A_7 {offsets = [480, 0], sizes = [8, 4096], strides = [1, 1]} : vector<1024x4096xf32> to vector<8x4096xf32>
    %gt3A_549 = arith.cmpf ogt, %slice3A_548, %select_n3A_541 : vector<8x4096xf32>
    %select_n3A_550 = arith.select %gt3A_549, %slice3A_548, %select_n3A_541 : vector<8x4096xi1>, vector<8x4096xf32>
    %mul3A_551 = arith.constant 128 : i32
    %mul3A_552 = arith.muli %arg1, %mul3A_551 : i32
    %add3A_553 = arith.constant 60 : i32
    %add3A_554 = arith.addi %mul3A_552, %add3A_553 : i32
    %broadcast_in_dim3A_555 = vector.broadcast %add3A_554 : i32 to vector<8x4096xi32>
    %select_n3A_556 = arith.select %gt3A_549, %broadcast_in_dim3A_555, %select_n3A_547 : vector<8x4096xi1>, vector<8x4096xi32>
    %slice3A_557 = vector.extract_strided_slice %dot_general3A_7 {offsets = [488, 0], sizes = [8, 4096], strides = [1, 1]} : vector<1024x4096xf32> to vector<8x4096xf32>
    %gt3A_558 = arith.cmpf ogt, %slice3A_557, %select_n3A_550 : vector<8x4096xf32>
    %select_n3A_559 = arith.select %gt3A_558, %slice3A_557, %select_n3A_550 : vector<8x4096xi1>, vector<8x4096xf32>
    %mul3A_560 = arith.constant 128 : i32
    %mul3A_561 = arith.muli %arg1, %mul3A_560 : i32
    %add3A_562 = arith.constant 61 : i32
    %add3A_563 = arith.addi %mul3A_561, %add3A_562 : i32
    %broadcast_in_dim3A_564 = vector.broadcast %add3A_563 : i32 to vector<8x4096xi32>
    %select_n3A_565 = arith.select %gt3A_558, %broadcast_in_dim3A_564, %select_n3A_556 : vector<8x4096xi1>, vector<8x4096xi32>
    %slice3A_566 = vector.extract_strided_slice %dot_general3A_7 {offsets = [496, 0], sizes = [8, 4096], strides = [1, 1]} : vector<1024x4096xf32> to vector<8x4096xf32>
    %gt3A_567 = arith.cmpf ogt, %slice3A_566, %select_n3A_559 : vector<8x4096xf32>
    %select_n3A_568 = arith.select %gt3A_567, %slice3A_566, %select_n3A_559 : vector<8x4096xi1>, vector<8x4096xf32>
    %mul3A_569 = arith.constant 128 : i32
    %mul3A_570 = arith.muli %arg1, %mul3A_569 : i32
    %add3A_571 = arith.constant 62 : i32
    %add3A_572 = arith.addi %mul3A_570, %add3A_571 : i32
    %broadcast_in_dim3A_573 = vector.broadcast %add3A_572 : i32 to vector<8x4096xi32>
    %select_n3A_574 = arith.select %gt3A_567, %broadcast_in_dim3A_573, %select_n3A_565 : vector<8x4096xi1>, vector<8x4096xi32>
    %slice3A_575 = vector.extract_strided_slice %dot_general3A_7 {offsets = [504, 0], sizes = [8, 4096], strides = [1, 1]} : vector<1024x4096xf32> to vector<8x4096xf32>
    %gt3A_576 = arith.cmpf ogt, %slice3A_575, %select_n3A_568 : vector<8x4096xf32>
    %select_n3A_577 = arith.select %gt3A_576, %slice3A_575, %select_n3A_568 : vector<8x4096xi1>, vector<8x4096xf32>
    %mul3A_578 = arith.constant 128 : i32
    %mul3A_579 = arith.muli %arg1, %mul3A_578 : i32
    %add3A_580 = arith.constant 63 : i32
    %add3A_581 = arith.addi %mul3A_579, %add3A_580 : i32
    %broadcast_in_dim3A_582 = vector.broadcast %add3A_581 : i32 to vector<8x4096xi32>
    %select_n3A_583 = arith.select %gt3A_576, %broadcast_in_dim3A_582, %select_n3A_574 : vector<8x4096xi1>, vector<8x4096xi32>
    %slice3A_584 = vector.extract_strided_slice %dot_general3A_7 {offsets = [512, 0], sizes = [8, 4096], strides = [1, 1]} : vector<1024x4096xf32> to vector<8x4096xf32>
    %gt3A_585 = arith.cmpf ogt, %slice3A_584, %select_n3A_577 : vector<8x4096xf32>
    %select_n3A_586 = arith.select %gt3A_585, %slice3A_584, %select_n3A_577 : vector<8x4096xi1>, vector<8x4096xf32>
    %mul3A_587 = arith.constant 128 : i32
    %mul3A_588 = arith.muli %arg1, %mul3A_587 : i32
    %add3A_589 = arith.constant 64 : i32
    %add3A_590 = arith.addi %mul3A_588, %add3A_589 : i32
    %broadcast_in_dim3A_591 = vector.broadcast %add3A_590 : i32 to vector<8x4096xi32>
    %select_n3A_592 = arith.select %gt3A_585, %broadcast_in_dim3A_591, %select_n3A_583 : vector<8x4096xi1>, vector<8x4096xi32>
    %slice3A_593 = vector.extract_strided_slice %dot_general3A_7 {offsets = [520, 0], sizes = [8, 4096], strides = [1, 1]} : vector<1024x4096xf32> to vector<8x4096xf32>
    %gt3A_594 = arith.cmpf ogt, %slice3A_593, %select_n3A_586 : vector<8x4096xf32>
    %select_n3A_595 = arith.select %gt3A_594, %slice3A_593, %select_n3A_586 : vector<8x4096xi1>, vector<8x4096xf32>
    %mul3A_596 = arith.constant 128 : i32
    %mul3A_597 = arith.muli %arg1, %mul3A_596 : i32
    %add3A_598 = arith.constant 65 : i32
    %add3A_599 = arith.addi %mul3A_597, %add3A_598 : i32
    %broadcast_in_dim3A_600 = vector.broadcast %add3A_599 : i32 to vector<8x4096xi32>
    %select_n3A_601 = arith.select %gt3A_594, %broadcast_in_dim3A_600, %select_n3A_592 : vector<8x4096xi1>, vector<8x4096xi32>
    %slice3A_602 = vector.extract_strided_slice %dot_general3A_7 {offsets = [528, 0], sizes = [8, 4096], strides = [1, 1]} : vector<1024x4096xf32> to vector<8x4096xf32>
    %gt3A_603 = arith.cmpf ogt, %slice3A_602, %select_n3A_595 : vector<8x4096xf32>
    %select_n3A_604 = arith.select %gt3A_603, %slice3A_602, %select_n3A_595 : vector<8x4096xi1>, vector<8x4096xf32>
    %mul3A_605 = arith.constant 128 : i32
    %mul3A_606 = arith.muli %arg1, %mul3A_605 : i32
    %add3A_607 = arith.constant 66 : i32
    %add3A_608 = arith.addi %mul3A_606, %add3A_607 : i32
    %broadcast_in_dim3A_609 = vector.broadcast %add3A_608 : i32 to vector<8x4096xi32>
    %select_n3A_610 = arith.select %gt3A_603, %broadcast_in_dim3A_609, %select_n3A_601 : vector<8x4096xi1>, vector<8x4096xi32>
    %slice3A_611 = vector.extract_strided_slice %dot_general3A_7 {offsets = [536, 0], sizes = [8, 4096], strides = [1, 1]} : vector<1024x4096xf32> to vector<8x4096xf32>
    %gt3A_612 = arith.cmpf ogt, %slice3A_611, %select_n3A_604 : vector<8x4096xf32>
    %select_n3A_613 = arith.select %gt3A_612, %slice3A_611, %select_n3A_604 : vector<8x4096xi1>, vector<8x4096xf32>
    %mul3A_614 = arith.constant 128 : i32
    %mul3A_615 = arith.muli %arg1, %mul3A_614 : i32
    %add3A_616 = arith.constant 67 : i32
    %add3A_617 = arith.addi %mul3A_615, %add3A_616 : i32
    %broadcast_in_dim3A_618 = vector.broadcast %add3A_617 : i32 to vector<8x4096xi32>
    %select_n3A_619 = arith.select %gt3A_612, %broadcast_in_dim3A_618, %select_n3A_610 : vector<8x4096xi1>, vector<8x4096xi32>
    %slice3A_620 = vector.extract_strided_slice %dot_general3A_7 {offsets = [544, 0], sizes = [8, 4096], strides = [1, 1]} : vector<1024x4096xf32> to vector<8x4096xf32>
    %gt3A_621 = arith.cmpf ogt, %slice3A_620, %select_n3A_613 : vector<8x4096xf32>
    %select_n3A_622 = arith.select %gt3A_621, %slice3A_620, %select_n3A_613 : vector<8x4096xi1>, vector<8x4096xf32>
    %mul3A_623 = arith.constant 128 : i32
    %mul3A_624 = arith.muli %arg1, %mul3A_623 : i32
    %add3A_625 = arith.constant 68 : i32
    %add3A_626 = arith.addi %mul3A_624, %add3A_625 : i32
    %broadcast_in_dim3A_627 = vector.broadcast %add3A_626 : i32 to vector<8x4096xi32>
    %select_n3A_628 = arith.select %gt3A_621, %broadcast_in_dim3A_627, %select_n3A_619 : vector<8x4096xi1>, vector<8x4096xi32>
    %slice3A_629 = vector.extract_strided_slice %dot_general3A_7 {offsets = [552, 0], sizes = [8, 4096], strides = [1, 1]} : vector<1024x4096xf32> to vector<8x4096xf32>
    %gt3A_630 = arith.cmpf ogt, %slice3A_629, %select_n3A_622 : vector<8x4096xf32>
    %select_n3A_631 = arith.select %gt3A_630, %slice3A_629, %select_n3A_622 : vector<8x4096xi1>, vector<8x4096xf32>
    %mul3A_632 = arith.constant 128 : i32
    %mul3A_633 = arith.muli %arg1, %mul3A_632 : i32
    %add3A_634 = arith.constant 69 : i32
    %add3A_635 = arith.addi %mul3A_633, %add3A_634 : i32
    %broadcast_in_dim3A_636 = vector.broadcast %add3A_635 : i32 to vector<8x4096xi32>
    %select_n3A_637 = arith.select %gt3A_630, %broadcast_in_dim3A_636, %select_n3A_628 : vector<8x4096xi1>, vector<8x4096xi32>
    %slice3A_638 = vector.extract_strided_slice %dot_general3A_7 {offsets = [560, 0], sizes = [8, 4096], strides = [1, 1]} : vector<1024x4096xf32> to vector<8x4096xf32>
    %gt3A_639 = arith.cmpf ogt, %slice3A_638, %select_n3A_631 : vector<8x4096xf32>
    %select_n3A_640 = arith.select %gt3A_639, %slice3A_638, %select_n3A_631 : vector<8x4096xi1>, vector<8x4096xf32>
    %mul3A_641 = arith.constant 128 : i32
    %mul3A_642 = arith.muli %arg1, %mul3A_641 : i32
    %add3A_643 = arith.constant 70 : i32
    %add3A_644 = arith.addi %mul3A_642, %add3A_643 : i32
    %broadcast_in_dim3A_645 = vector.broadcast %add3A_644 : i32 to vector<8x4096xi32>
    %select_n3A_646 = arith.select %gt3A_639, %broadcast_in_dim3A_645, %select_n3A_637 : vector<8x4096xi1>, vector<8x4096xi32>
    %slice3A_647 = vector.extract_strided_slice %dot_general3A_7 {offsets = [568, 0], sizes = [8, 4096], strides = [1, 1]} : vector<1024x4096xf32> to vector<8x4096xf32>
    %gt3A_648 = arith.cmpf ogt, %slice3A_647, %select_n3A_640 : vector<8x4096xf32>
    %select_n3A_649 = arith.select %gt3A_648, %slice3A_647, %select_n3A_640 : vector<8x4096xi1>, vector<8x4096xf32>
    %mul3A_650 = arith.constant 128 : i32
    %mul3A_651 = arith.muli %arg1, %mul3A_650 : i32
    %add3A_652 = arith.constant 71 : i32
    %add3A_653 = arith.addi %mul3A_651, %add3A_652 : i32
    %broadcast_in_dim3A_654 = vector.broadcast %add3A_653 : i32 to vector<8x4096xi32>
    %select_n3A_655 = arith.select %gt3A_648, %broadcast_in_dim3A_654, %select_n3A_646 : vector<8x4096xi1>, vector<8x4096xi32>
    %slice3A_656 = vector.extract_strided_slice %dot_general3A_7 {offsets = [576, 0], sizes = [8, 4096], strides = [1, 1]} : vector<1024x4096xf32> to vector<8x4096xf32>
    %gt3A_657 = arith.cmpf ogt, %slice3A_656, %select_n3A_649 : vector<8x4096xf32>
    %select_n3A_658 = arith.select %gt3A_657, %slice3A_656, %select_n3A_649 : vector<8x4096xi1>, vector<8x4096xf32>
    %mul3A_659 = arith.constant 128 : i32
    %mul3A_660 = arith.muli %arg1, %mul3A_659 : i32
    %add3A_661 = arith.constant 72 : i32
    %add3A_662 = arith.addi %mul3A_660, %add3A_661 : i32
    %broadcast_in_dim3A_663 = vector.broadcast %add3A_662 : i32 to vector<8x4096xi32>
    %select_n3A_664 = arith.select %gt3A_657, %broadcast_in_dim3A_663, %select_n3A_655 : vector<8x4096xi1>, vector<8x4096xi32>
    %slice3A_665 = vector.extract_strided_slice %dot_general3A_7 {offsets = [584, 0], sizes = [8, 4096], strides = [1, 1]} : vector<1024x4096xf32> to vector<8x4096xf32>
    %gt3A_666 = arith.cmpf ogt, %slice3A_665, %select_n3A_658 : vector<8x4096xf32>
    %select_n3A_667 = arith.select %gt3A_666, %slice3A_665, %select_n3A_658 : vector<8x4096xi1>, vector<8x4096xf32>
    %mul3A_668 = arith.constant 128 : i32
    %mul3A_669 = arith.muli %arg1, %mul3A_668 : i32
    %add3A_670 = arith.constant 73 : i32
    %add3A_671 = arith.addi %mul3A_669, %add3A_670 : i32
    %broadcast_in_dim3A_672 = vector.broadcast %add3A_671 : i32 to vector<8x4096xi32>
    %select_n3A_673 = arith.select %gt3A_666, %broadcast_in_dim3A_672, %select_n3A_664 : vector<8x4096xi1>, vector<8x4096xi32>
    %slice3A_674 = vector.extract_strided_slice %dot_general3A_7 {offsets = [592, 0], sizes = [8, 4096], strides = [1, 1]} : vector<1024x4096xf32> to vector<8x4096xf32>
    %gt3A_675 = arith.cmpf ogt, %slice3A_674, %select_n3A_667 : vector<8x4096xf32>
    %select_n3A_676 = arith.select %gt3A_675, %slice3A_674, %select_n3A_667 : vector<8x4096xi1>, vector<8x4096xf32>
    %mul3A_677 = arith.constant 128 : i32
    %mul3A_678 = arith.muli %arg1, %mul3A_677 : i32
    %add3A_679 = arith.constant 74 : i32
    %add3A_680 = arith.addi %mul3A_678, %add3A_679 : i32
    %broadcast_in_dim3A_681 = vector.broadcast %add3A_680 : i32 to vector<8x4096xi32>
    %select_n3A_682 = arith.select %gt3A_675, %broadcast_in_dim3A_681, %select_n3A_673 : vector<8x4096xi1>, vector<8x4096xi32>
    %slice3A_683 = vector.extract_strided_slice %dot_general3A_7 {offsets = [600, 0], sizes = [8, 4096], strides = [1, 1]} : vector<1024x4096xf32> to vector<8x4096xf32>
    %gt3A_684 = arith.cmpf ogt, %slice3A_683, %select_n3A_676 : vector<8x4096xf32>
    %select_n3A_685 = arith.select %gt3A_684, %slice3A_683, %select_n3A_676 : vector<8x4096xi1>, vector<8x4096xf32>
    %mul3A_686 = arith.constant 128 : i32
    %mul3A_687 = arith.muli %arg1, %mul3A_686 : i32
    %add3A_688 = arith.constant 75 : i32
    %add3A_689 = arith.addi %mul3A_687, %add3A_688 : i32
    %broadcast_in_dim3A_690 = vector.broadcast %add3A_689 : i32 to vector<8x4096xi32>
    %select_n3A_691 = arith.select %gt3A_684, %broadcast_in_dim3A_690, %select_n3A_682 : vector<8x4096xi1>, vector<8x4096xi32>
    %slice3A_692 = vector.extract_strided_slice %dot_general3A_7 {offsets = [608, 0], sizes = [8, 4096], strides = [1, 1]} : vector<1024x4096xf32> to vector<8x4096xf32>
    %gt3A_693 = arith.cmpf ogt, %slice3A_692, %select_n3A_685 : vector<8x4096xf32>
    %select_n3A_694 = arith.select %gt3A_693, %slice3A_692, %select_n3A_685 : vector<8x4096xi1>, vector<8x4096xf32>
    %mul3A_695 = arith.constant 128 : i32
    %mul3A_696 = arith.muli %arg1, %mul3A_695 : i32
    %add3A_697 = arith.constant 76 : i32
    %add3A_698 = arith.addi %mul3A_696, %add3A_697 : i32
    %broadcast_in_dim3A_699 = vector.broadcast %add3A_698 : i32 to vector<8x4096xi32>
    %select_n3A_700 = arith.select %gt3A_693, %broadcast_in_dim3A_699, %select_n3A_691 : vector<8x4096xi1>, vector<8x4096xi32>
    %slice3A_701 = vector.extract_strided_slice %dot_general3A_7 {offsets = [616, 0], sizes = [8, 4096], strides = [1, 1]} : vector<1024x4096xf32> to vector<8x4096xf32>
    %gt3A_702 = arith.cmpf ogt, %slice3A_701, %select_n3A_694 : vector<8x4096xf32>
    %select_n3A_703 = arith.select %gt3A_702, %slice3A_701, %select_n3A_694 : vector<8x4096xi1>, vector<8x4096xf32>
    %mul3A_704 = arith.constant 128 : i32
    %mul3A_705 = arith.muli %arg1, %mul3A_704 : i32
    %add3A_706 = arith.constant 77 : i32
    %add3A_707 = arith.addi %mul3A_705, %add3A_706 : i32
    %broadcast_in_dim3A_708 = vector.broadcast %add3A_707 : i32 to vector<8x4096xi32>
    %select_n3A_709 = arith.select %gt3A_702, %broadcast_in_dim3A_708, %select_n3A_700 : vector<8x4096xi1>, vector<8x4096xi32>
    %slice3A_710 = vector.extract_strided_slice %dot_general3A_7 {offsets = [624, 0], sizes = [8, 4096], strides = [1, 1]} : vector<1024x4096xf32> to vector<8x4096xf32>
    %gt3A_711 = arith.cmpf ogt, %slice3A_710, %select_n3A_703 : vector<8x4096xf32>
    %select_n3A_712 = arith.select %gt3A_711, %slice3A_710, %select_n3A_703 : vector<8x4096xi1>, vector<8x4096xf32>
    %mul3A_713 = arith.constant 128 : i32
    %mul3A_714 = arith.muli %arg1, %mul3A_713 : i32
    %add3A_715 = arith.constant 78 : i32
    %add3A_716 = arith.addi %mul3A_714, %add3A_715 : i32
    %broadcast_in_dim3A_717 = vector.broadcast %add3A_716 : i32 to vector<8x4096xi32>
    %select_n3A_718 = arith.select %gt3A_711, %broadcast_in_dim3A_717, %select_n3A_709 : vector<8x4096xi1>, vector<8x4096xi32>
    %slice3A_719 = vector.extract_strided_slice %dot_general3A_7 {offsets = [632, 0], sizes = [8, 4096], strides = [1, 1]} : vector<1024x4096xf32> to vector<8x4096xf32>
    %gt3A_720 = arith.cmpf ogt, %slice3A_719, %select_n3A_712 : vector<8x4096xf32>
    %select_n3A_721 = arith.select %gt3A_720, %slice3A_719, %select_n3A_712 : vector<8x4096xi1>, vector<8x4096xf32>
    %mul3A_722 = arith.constant 128 : i32
    %mul3A_723 = arith.muli %arg1, %mul3A_722 : i32
    %add3A_724 = arith.constant 79 : i32
    %add3A_725 = arith.addi %mul3A_723, %add3A_724 : i32
    %broadcast_in_dim3A_726 = vector.broadcast %add3A_725 : i32 to vector<8x4096xi32>
    %select_n3A_727 = arith.select %gt3A_720, %broadcast_in_dim3A_726, %select_n3A_718 : vector<8x4096xi1>, vector<8x4096xi32>
    %slice3A_728 = vector.extract_strided_slice %dot_general3A_7 {offsets = [640, 0], sizes = [8, 4096], strides = [1, 1]} : vector<1024x4096xf32> to vector<8x4096xf32>
    %gt3A_729 = arith.cmpf ogt, %slice3A_728, %select_n3A_721 : vector<8x4096xf32>
    %select_n3A_730 = arith.select %gt3A_729, %slice3A_728, %select_n3A_721 : vector<8x4096xi1>, vector<8x4096xf32>
    %mul3A_731 = arith.constant 128 : i32
    %mul3A_732 = arith.muli %arg1, %mul3A_731 : i32
    %add3A_733 = arith.constant 80 : i32
    %add3A_734 = arith.addi %mul3A_732, %add3A_733 : i32
    %broadcast_in_dim3A_735 = vector.broadcast %add3A_734 : i32 to vector<8x4096xi32>
    %select_n3A_736 = arith.select %gt3A_729, %broadcast_in_dim3A_735, %select_n3A_727 : vector<8x4096xi1>, vector<8x4096xi32>
    %slice3A_737 = vector.extract_strided_slice %dot_general3A_7 {offsets = [648, 0], sizes = [8, 4096], strides = [1, 1]} : vector<1024x4096xf32> to vector<8x4096xf32>
    %gt3A_738 = arith.cmpf ogt, %slice3A_737, %select_n3A_730 : vector<8x4096xf32>
    %select_n3A_739 = arith.select %gt3A_738, %slice3A_737, %select_n3A_730 : vector<8x4096xi1>, vector<8x4096xf32>
    %mul3A_740 = arith.constant 128 : i32
    %mul3A_741 = arith.muli %arg1, %mul3A_740 : i32
    %add3A_742 = arith.constant 81 : i32
    %add3A_743 = arith.addi %mul3A_741, %add3A_742 : i32
    %broadcast_in_dim3A_744 = vector.broadcast %add3A_743 : i32 to vector<8x4096xi32>
    %select_n3A_745 = arith.select %gt3A_738, %broadcast_in_dim3A_744, %select_n3A_736 : vector<8x4096xi1>, vector<8x4096xi32>
    %slice3A_746 = vector.extract_strided_slice %dot_general3A_7 {offsets = [656, 0], sizes = [8, 4096], strides = [1, 1]} : vector<1024x4096xf32> to vector<8x4096xf32>
    %gt3A_747 = arith.cmpf ogt, %slice3A_746, %select_n3A_739 : vector<8x4096xf32>
    %select_n3A_748 = arith.select %gt3A_747, %slice3A_746, %select_n3A_739 : vector<8x4096xi1>, vector<8x4096xf32>
    %mul3A_749 = arith.constant 128 : i32
    %mul3A_750 = arith.muli %arg1, %mul3A_749 : i32
    %add3A_751 = arith.constant 82 : i32
    %add3A_752 = arith.addi %mul3A_750, %add3A_751 : i32
    %broadcast_in_dim3A_753 = vector.broadcast %add3A_752 : i32 to vector<8x4096xi32>
    %select_n3A_754 = arith.select %gt3A_747, %broadcast_in_dim3A_753, %select_n3A_745 : vector<8x4096xi1>, vector<8x4096xi32>
    %slice3A_755 = vector.extract_strided_slice %dot_general3A_7 {offsets = [664, 0], sizes = [8, 4096], strides = [1, 1]} : vector<1024x4096xf32> to vector<8x4096xf32>
    %gt3A_756 = arith.cmpf ogt, %slice3A_755, %select_n3A_748 : vector<8x4096xf32>
    %select_n3A_757 = arith.select %gt3A_756, %slice3A_755, %select_n3A_748 : vector<8x4096xi1>, vector<8x4096xf32>
    %mul3A_758 = arith.constant 128 : i32
    %mul3A_759 = arith.muli %arg1, %mul3A_758 : i32
    %add3A_760 = arith.constant 83 : i32
    %add3A_761 = arith.addi %mul3A_759, %add3A_760 : i32
    %broadcast_in_dim3A_762 = vector.broadcast %add3A_761 : i32 to vector<8x4096xi32>
    %select_n3A_763 = arith.select %gt3A_756, %broadcast_in_dim3A_762, %select_n3A_754 : vector<8x4096xi1>, vector<8x4096xi32>
    %slice3A_764 = vector.extract_strided_slice %dot_general3A_7 {offsets = [672, 0], sizes = [8, 4096], strides = [1, 1]} : vector<1024x4096xf32> to vector<8x4096xf32>
    %gt3A_765 = arith.cmpf ogt, %slice3A_764, %select_n3A_757 : vector<8x4096xf32>
    %select_n3A_766 = arith.select %gt3A_765, %slice3A_764, %select_n3A_757 : vector<8x4096xi1>, vector<8x4096xf32>
    %mul3A_767 = arith.constant 128 : i32
    %mul3A_768 = arith.muli %arg1, %mul3A_767 : i32
    %add3A_769 = arith.constant 84 : i32
    %add3A_770 = arith.addi %mul3A_768, %add3A_769 : i32
    %broadcast_in_dim3A_771 = vector.broadcast %add3A_770 : i32 to vector<8x4096xi32>
    %select_n3A_772 = arith.select %gt3A_765, %broadcast_in_dim3A_771, %select_n3A_763 : vector<8x4096xi1>, vector<8x4096xi32>
    %slice3A_773 = vector.extract_strided_slice %dot_general3A_7 {offsets = [680, 0], sizes = [8, 4096], strides = [1, 1]} : vector<1024x4096xf32> to vector<8x4096xf32>
    %gt3A_774 = arith.cmpf ogt, %slice3A_773, %select_n3A_766 : vector<8x4096xf32>
    %select_n3A_775 = arith.select %gt3A_774, %slice3A_773, %select_n3A_766 : vector<8x4096xi1>, vector<8x4096xf32>
    %mul3A_776 = arith.constant 128 : i32
    %mul3A_777 = arith.muli %arg1, %mul3A_776 : i32
    %add3A_778 = arith.constant 85 : i32
    %add3A_779 = arith.addi %mul3A_777, %add3A_778 : i32
    %broadcast_in_dim3A_780 = vector.broadcast %add3A_779 : i32 to vector<8x4096xi32>
    %select_n3A_781 = arith.select %gt3A_774, %broadcast_in_dim3A_780, %select_n3A_772 : vector<8x4096xi1>, vector<8x4096xi32>
    %slice3A_782 = vector.extract_strided_slice %dot_general3A_7 {offsets = [688, 0], sizes = [8, 4096], strides = [1, 1]} : vector<1024x4096xf32> to vector<8x4096xf32>
    %gt3A_783 = arith.cmpf ogt, %slice3A_782, %select_n3A_775 : vector<8x4096xf32>
    %select_n3A_784 = arith.select %gt3A_783, %slice3A_782, %select_n3A_775 : vector<8x4096xi1>, vector<8x4096xf32>
    %mul3A_785 = arith.constant 128 : i32
    %mul3A_786 = arith.muli %arg1, %mul3A_785 : i32
    %add3A_787 = arith.constant 86 : i32
    %add3A_788 = arith.addi %mul3A_786, %add3A_787 : i32
    %broadcast_in_dim3A_789 = vector.broadcast %add3A_788 : i32 to vector<8x4096xi32>
    %select_n3A_790 = arith.select %gt3A_783, %broadcast_in_dim3A_789, %select_n3A_781 : vector<8x4096xi1>, vector<8x4096xi32>
    %slice3A_791 = vector.extract_strided_slice %dot_general3A_7 {offsets = [696, 0], sizes = [8, 4096], strides = [1, 1]} : vector<1024x4096xf32> to vector<8x4096xf32>
    %gt3A_792 = arith.cmpf ogt, %slice3A_791, %select_n3A_784 : vector<8x4096xf32>
    %select_n3A_793 = arith.select %gt3A_792, %slice3A_791, %select_n3A_784 : vector<8x4096xi1>, vector<8x4096xf32>
    %mul3A_794 = arith.constant 128 : i32
    %mul3A_795 = arith.muli %arg1, %mul3A_794 : i32
    %add3A_796 = arith.constant 87 : i32
    %add3A_797 = arith.addi %mul3A_795, %add3A_796 : i32
    %broadcast_in_dim3A_798 = vector.broadcast %add3A_797 : i32 to vector<8x4096xi32>
    %select_n3A_799 = arith.select %gt3A_792, %broadcast_in_dim3A_798, %select_n3A_790 : vector<8x4096xi1>, vector<8x4096xi32>
    %slice3A_800 = vector.extract_strided_slice %dot_general3A_7 {offsets = [704, 0], sizes = [8, 4096], strides = [1, 1]} : vector<1024x4096xf32> to vector<8x4096xf32>
    %gt3A_801 = arith.cmpf ogt, %slice3A_800, %select_n3A_793 : vector<8x4096xf32>
    %select_n3A_802 = arith.select %gt3A_801, %slice3A_800, %select_n3A_793 : vector<8x4096xi1>, vector<8x4096xf32>
    %mul3A_803 = arith.constant 128 : i32
    %mul3A_804 = arith.muli %arg1, %mul3A_803 : i32
    %add3A_805 = arith.constant 88 : i32
    %add3A_806 = arith.addi %mul3A_804, %add3A_805 : i32
    %broadcast_in_dim3A_807 = vector.broadcast %add3A_806 : i32 to vector<8x4096xi32>
    %select_n3A_808 = arith.select %gt3A_801, %broadcast_in_dim3A_807, %select_n3A_799 : vector<8x4096xi1>, vector<8x4096xi32>
    %slice3A_809 = vector.extract_strided_slice %dot_general3A_7 {offsets = [712, 0], sizes = [8, 4096], strides = [1, 1]} : vector<1024x4096xf32> to vector<8x4096xf32>
    %gt3A_810 = arith.cmpf ogt, %slice3A_809, %select_n3A_802 : vector<8x4096xf32>
    %select_n3A_811 = arith.select %gt3A_810, %slice3A_809, %select_n3A_802 : vector<8x4096xi1>, vector<8x4096xf32>
    %mul3A_812 = arith.constant 128 : i32
    %mul3A_813 = arith.muli %arg1, %mul3A_812 : i32
    %add3A_814 = arith.constant 89 : i32
    %add3A_815 = arith.addi %mul3A_813, %add3A_814 : i32
    %broadcast_in_dim3A_816 = vector.broadcast %add3A_815 : i32 to vector<8x4096xi32>
    %select_n3A_817 = arith.select %gt3A_810, %broadcast_in_dim3A_816, %select_n3A_808 : vector<8x4096xi1>, vector<8x4096xi32>
    %slice3A_818 = vector.extract_strided_slice %dot_general3A_7 {offsets = [720, 0], sizes = [8, 4096], strides = [1, 1]} : vector<1024x4096xf32> to vector<8x4096xf32>
    %gt3A_819 = arith.cmpf ogt, %slice3A_818, %select_n3A_811 : vector<8x4096xf32>
    %select_n3A_820 = arith.select %gt3A_819, %slice3A_818, %select_n3A_811 : vector<8x4096xi1>, vector<8x4096xf32>
    %mul3A_821 = arith.constant 128 : i32
    %mul3A_822 = arith.muli %arg1, %mul3A_821 : i32
    %add3A_823 = arith.constant 90 : i32
    %add3A_824 = arith.addi %mul3A_822, %add3A_823 : i32
    %broadcast_in_dim3A_825 = vector.broadcast %add3A_824 : i32 to vector<8x4096xi32>
    %select_n3A_826 = arith.select %gt3A_819, %broadcast_in_dim3A_825, %select_n3A_817 : vector<8x4096xi1>, vector<8x4096xi32>
    %slice3A_827 = vector.extract_strided_slice %dot_general3A_7 {offsets = [728, 0], sizes = [8, 4096], strides = [1, 1]} : vector<1024x4096xf32> to vector<8x4096xf32>
    %gt3A_828 = arith.cmpf ogt, %slice3A_827, %select_n3A_820 : vector<8x4096xf32>
    %select_n3A_829 = arith.select %gt3A_828, %slice3A_827, %select_n3A_820 : vector<8x4096xi1>, vector<8x4096xf32>
    %mul3A_830 = arith.constant 128 : i32
    %mul3A_831 = arith.muli %arg1, %mul3A_830 : i32
    %add3A_832 = arith.constant 91 : i32
    %add3A_833 = arith.addi %mul3A_831, %add3A_832 : i32
    %broadcast_in_dim3A_834 = vector.broadcast %add3A_833 : i32 to vector<8x4096xi32>
    %select_n3A_835 = arith.select %gt3A_828, %broadcast_in_dim3A_834, %select_n3A_826 : vector<8x4096xi1>, vector<8x4096xi32>
    %slice3A_836 = vector.extract_strided_slice %dot_general3A_7 {offsets = [736, 0], sizes = [8, 4096], strides = [1, 1]} : vector<1024x4096xf32> to vector<8x4096xf32>
    %gt3A_837 = arith.cmpf ogt, %slice3A_836, %select_n3A_829 : vector<8x4096xf32>
    %select_n3A_838 = arith.select %gt3A_837, %slice3A_836, %select_n3A_829 : vector<8x4096xi1>, vector<8x4096xf32>
    %mul3A_839 = arith.constant 128 : i32
    %mul3A_840 = arith.muli %arg1, %mul3A_839 : i32
    %add3A_841 = arith.constant 92 : i32
    %add3A_842 = arith.addi %mul3A_840, %add3A_841 : i32
    %broadcast_in_dim3A_843 = vector.broadcast %add3A_842 : i32 to vector<8x4096xi32>
    %select_n3A_844 = arith.select %gt3A_837, %broadcast_in_dim3A_843, %select_n3A_835 : vector<8x4096xi1>, vector<8x4096xi32>
    %slice3A_845 = vector.extract_strided_slice %dot_general3A_7 {offsets = [744, 0], sizes = [8, 4096], strides = [1, 1]} : vector<1024x4096xf32> to vector<8x4096xf32>
    %gt3A_846 = arith.cmpf ogt, %slice3A_845, %select_n3A_838 : vector<8x4096xf32>
    %select_n3A_847 = arith.select %gt3A_846, %slice3A_845, %select_n3A_838 : vector<8x4096xi1>, vector<8x4096xf32>
    %mul3A_848 = arith.constant 128 : i32
    %mul3A_849 = arith.muli %arg1, %mul3A_848 : i32
    %add3A_850 = arith.constant 93 : i32
    %add3A_851 = arith.addi %mul3A_849, %add3A_850 : i32
    %broadcast_in_dim3A_852 = vector.broadcast %add3A_851 : i32 to vector<8x4096xi32>
    %select_n3A_853 = arith.select %gt3A_846, %broadcast_in_dim3A_852, %select_n3A_844 : vector<8x4096xi1>, vector<8x4096xi32>
    %slice3A_854 = vector.extract_strided_slice %dot_general3A_7 {offsets = [752, 0], sizes = [8, 4096], strides = [1, 1]} : vector<1024x4096xf32> to vector<8x4096xf32>
    %gt3A_855 = arith.cmpf ogt, %slice3A_854, %select_n3A_847 : vector<8x4096xf32>
    %select_n3A_856 = arith.select %gt3A_855, %slice3A_854, %select_n3A_847 : vector<8x4096xi1>, vector<8x4096xf32>
    %mul3A_857 = arith.constant 128 : i32
    %mul3A_858 = arith.muli %arg1, %mul3A_857 : i32
    %add3A_859 = arith.constant 94 : i32
    %add3A_860 = arith.addi %mul3A_858, %add3A_859 : i32
    %broadcast_in_dim3A_861 = vector.broadcast %add3A_860 : i32 to vector<8x4096xi32>
    %select_n3A_862 = arith.select %gt3A_855, %broadcast_in_dim3A_861, %select_n3A_853 : vector<8x4096xi1>, vector<8x4096xi32>
    %slice3A_863 = vector.extract_strided_slice %dot_general3A_7 {offsets = [760, 0], sizes = [8, 4096], strides = [1, 1]} : vector<1024x4096xf32> to vector<8x4096xf32>
    %gt3A_864 = arith.cmpf ogt, %slice3A_863, %select_n3A_856 : vector<8x4096xf32>
    %select_n3A_865 = arith.select %gt3A_864, %slice3A_863, %select_n3A_856 : vector<8x4096xi1>, vector<8x4096xf32>
    %mul3A_866 = arith.constant 128 : i32
    %mul3A_867 = arith.muli %arg1, %mul3A_866 : i32
    %add3A_868 = arith.constant 95 : i32
    %add3A_869 = arith.addi %mul3A_867, %add3A_868 : i32
    %broadcast_in_dim3A_870 = vector.broadcast %add3A_869 : i32 to vector<8x4096xi32>
    %select_n3A_871 = arith.select %gt3A_864, %broadcast_in_dim3A_870, %select_n3A_862 : vector<8x4096xi1>, vector<8x4096xi32>
    %slice3A_872 = vector.extract_strided_slice %dot_general3A_7 {offsets = [768, 0], sizes = [8, 4096], strides = [1, 1]} : vector<1024x4096xf32> to vector<8x4096xf32>
    %gt3A_873 = arith.cmpf ogt, %slice3A_872, %select_n3A_865 : vector<8x4096xf32>
    %select_n3A_874 = arith.select %gt3A_873, %slice3A_872, %select_n3A_865 : vector<8x4096xi1>, vector<8x4096xf32>
    %mul3A_875 = arith.constant 128 : i32
    %mul3A_876 = arith.muli %arg1, %mul3A_875 : i32
    %add3A_877 = arith.constant 96 : i32
    %add3A_878 = arith.addi %mul3A_876, %add3A_877 : i32
    %broadcast_in_dim3A_879 = vector.broadcast %add3A_878 : i32 to vector<8x4096xi32>
    %select_n3A_880 = arith.select %gt3A_873, %broadcast_in_dim3A_879, %select_n3A_871 : vector<8x4096xi1>, vector<8x4096xi32>
    %slice3A_881 = vector.extract_strided_slice %dot_general3A_7 {offsets = [776, 0], sizes = [8, 4096], strides = [1, 1]} : vector<1024x4096xf32> to vector<8x4096xf32>
    %gt3A_882 = arith.cmpf ogt, %slice3A_881, %select_n3A_874 : vector<8x4096xf32>
    %select_n3A_883 = arith.select %gt3A_882, %slice3A_881, %select_n3A_874 : vector<8x4096xi1>, vector<8x4096xf32>
    %mul3A_884 = arith.constant 128 : i32
    %mul3A_885 = arith.muli %arg1, %mul3A_884 : i32
    %add3A_886 = arith.constant 97 : i32
    %add3A_887 = arith.addi %mul3A_885, %add3A_886 : i32
    %broadcast_in_dim3A_888 = vector.broadcast %add3A_887 : i32 to vector<8x4096xi32>
    %select_n3A_889 = arith.select %gt3A_882, %broadcast_in_dim3A_888, %select_n3A_880 : vector<8x4096xi1>, vector<8x4096xi32>
    %slice3A_890 = vector.extract_strided_slice %dot_general3A_7 {offsets = [784, 0], sizes = [8, 4096], strides = [1, 1]} : vector<1024x4096xf32> to vector<8x4096xf32>
    %gt3A_891 = arith.cmpf ogt, %slice3A_890, %select_n3A_883 : vector<8x4096xf32>
    %select_n3A_892 = arith.select %gt3A_891, %slice3A_890, %select_n3A_883 : vector<8x4096xi1>, vector<8x4096xf32>
    %mul3A_893 = arith.constant 128 : i32
    %mul3A_894 = arith.muli %arg1, %mul3A_893 : i32
    %add3A_895 = arith.constant 98 : i32
    %add3A_896 = arith.addi %mul3A_894, %add3A_895 : i32
    %broadcast_in_dim3A_897 = vector.broadcast %add3A_896 : i32 to vector<8x4096xi32>
    %select_n3A_898 = arith.select %gt3A_891, %broadcast_in_dim3A_897, %select_n3A_889 : vector<8x4096xi1>, vector<8x4096xi32>
    %slice3A_899 = vector.extract_strided_slice %dot_general3A_7 {offsets = [792, 0], sizes = [8, 4096], strides = [1, 1]} : vector<1024x4096xf32> to vector<8x4096xf32>
    %gt3A_900 = arith.cmpf ogt, %slice3A_899, %select_n3A_892 : vector<8x4096xf32>
    %select_n3A_901 = arith.select %gt3A_900, %slice3A_899, %select_n3A_892 : vector<8x4096xi1>, vector<8x4096xf32>
    %mul3A_902 = arith.constant 128 : i32
    %mul3A_903 = arith.muli %arg1, %mul3A_902 : i32
    %add3A_904 = arith.constant 99 : i32
    %add3A_905 = arith.addi %mul3A_903, %add3A_904 : i32
    %broadcast_in_dim3A_906 = vector.broadcast %add3A_905 : i32 to vector<8x4096xi32>
    %select_n3A_907 = arith.select %gt3A_900, %broadcast_in_dim3A_906, %select_n3A_898 : vector<8x4096xi1>, vector<8x4096xi32>
    %slice3A_908 = vector.extract_strided_slice %dot_general3A_7 {offsets = [800, 0], sizes = [8, 4096], strides = [1, 1]} : vector<1024x4096xf32> to vector<8x4096xf32>
    %gt3A_909 = arith.cmpf ogt, %slice3A_908, %select_n3A_901 : vector<8x4096xf32>
    %select_n3A_910 = arith.select %gt3A_909, %slice3A_908, %select_n3A_901 : vector<8x4096xi1>, vector<8x4096xf32>
    %mul3A_911 = arith.constant 128 : i32
    %mul3A_912 = arith.muli %arg1, %mul3A_911 : i32
    %add3A_913 = arith.constant 100 : i32
    %add3A_914 = arith.addi %mul3A_912, %add3A_913 : i32
    %broadcast_in_dim3A_915 = vector.broadcast %add3A_914 : i32 to vector<8x4096xi32>
    %select_n3A_916 = arith.select %gt3A_909, %broadcast_in_dim3A_915, %select_n3A_907 : vector<8x4096xi1>, vector<8x4096xi32>
    %slice3A_917 = vector.extract_strided_slice %dot_general3A_7 {offsets = [808, 0], sizes = [8, 4096], strides = [1, 1]} : vector<1024x4096xf32> to vector<8x4096xf32>
    %gt3A_918 = arith.cmpf ogt, %slice3A_917, %select_n3A_910 : vector<8x4096xf32>
    %select_n3A_919 = arith.select %gt3A_918, %slice3A_917, %select_n3A_910 : vector<8x4096xi1>, vector<8x4096xf32>
    %mul3A_920 = arith.constant 128 : i32
    %mul3A_921 = arith.muli %arg1, %mul3A_920 : i32
    %add3A_922 = arith.constant 101 : i32
    %add3A_923 = arith.addi %mul3A_921, %add3A_922 : i32
    %broadcast_in_dim3A_924 = vector.broadcast %add3A_923 : i32 to vector<8x4096xi32>
    %select_n3A_925 = arith.select %gt3A_918, %broadcast_in_dim3A_924, %select_n3A_916 : vector<8x4096xi1>, vector<8x4096xi32>
    %slice3A_926 = vector.extract_strided_slice %dot_general3A_7 {offsets = [816, 0], sizes = [8, 4096], strides = [1, 1]} : vector<1024x4096xf32> to vector<8x4096xf32>
    %gt3A_927 = arith.cmpf ogt, %slice3A_926, %select_n3A_919 : vector<8x4096xf32>
    %select_n3A_928 = arith.select %gt3A_927, %slice3A_926, %select_n3A_919 : vector<8x4096xi1>, vector<8x4096xf32>
    %mul3A_929 = arith.constant 128 : i32
    %mul3A_930 = arith.muli %arg1, %mul3A_929 : i32
    %add3A_931 = arith.constant 102 : i32
    %add3A_932 = arith.addi %mul3A_930, %add3A_931 : i32
    %broadcast_in_dim3A_933 = vector.broadcast %add3A_932 : i32 to vector<8x4096xi32>
    %select_n3A_934 = arith.select %gt3A_927, %broadcast_in_dim3A_933, %select_n3A_925 : vector<8x4096xi1>, vector<8x4096xi32>
    %slice3A_935 = vector.extract_strided_slice %dot_general3A_7 {offsets = [824, 0], sizes = [8, 4096], strides = [1, 1]} : vector<1024x4096xf32> to vector<8x4096xf32>
    %gt3A_936 = arith.cmpf ogt, %slice3A_935, %select_n3A_928 : vector<8x4096xf32>
    %select_n3A_937 = arith.select %gt3A_936, %slice3A_935, %select_n3A_928 : vector<8x4096xi1>, vector<8x4096xf32>
    %mul3A_938 = arith.constant 128 : i32
    %mul3A_939 = arith.muli %arg1, %mul3A_938 : i32
    %add3A_940 = arith.constant 103 : i32
    %add3A_941 = arith.addi %mul3A_939, %add3A_940 : i32
    %broadcast_in_dim3A_942 = vector.broadcast %add3A_941 : i32 to vector<8x4096xi32>
    %select_n3A_943 = arith.select %gt3A_936, %broadcast_in_dim3A_942, %select_n3A_934 : vector<8x4096xi1>, vector<8x4096xi32>
    %slice3A_944 = vector.extract_strided_slice %dot_general3A_7 {offsets = [832, 0], sizes = [8, 4096], strides = [1, 1]} : vector<1024x4096xf32> to vector<8x4096xf32>
    %gt3A_945 = arith.cmpf ogt, %slice3A_944, %select_n3A_937 : vector<8x4096xf32>
    %select_n3A_946 = arith.select %gt3A_945, %slice3A_944, %select_n3A_937 : vector<8x4096xi1>, vector<8x4096xf32>
    %mul3A_947 = arith.constant 128 : i32
    %mul3A_948 = arith.muli %arg1, %mul3A_947 : i32
    %add3A_949 = arith.constant 104 : i32
    %add3A_950 = arith.addi %mul3A_948, %add3A_949 : i32
    %broadcast_in_dim3A_951 = vector.broadcast %add3A_950 : i32 to vector<8x4096xi32>
    %select_n3A_952 = arith.select %gt3A_945, %broadcast_in_dim3A_951, %select_n3A_943 : vector<8x4096xi1>, vector<8x4096xi32>
    %slice3A_953 = vector.extract_strided_slice %dot_general3A_7 {offsets = [840, 0], sizes = [8, 4096], strides = [1, 1]} : vector<1024x4096xf32> to vector<8x4096xf32>
    %gt3A_954 = arith.cmpf ogt, %slice3A_953, %select_n3A_946 : vector<8x4096xf32>
    %select_n3A_955 = arith.select %gt3A_954, %slice3A_953, %select_n3A_946 : vector<8x4096xi1>, vector<8x4096xf32>
    %mul3A_956 = arith.constant 128 : i32
    %mul3A_957 = arith.muli %arg1, %mul3A_956 : i32
    %add3A_958 = arith.constant 105 : i32
    %add3A_959 = arith.addi %mul3A_957, %add3A_958 : i32
    %broadcast_in_dim3A_960 = vector.broadcast %add3A_959 : i32 to vector<8x4096xi32>
    %select_n3A_961 = arith.select %gt3A_954, %broadcast_in_dim3A_960, %select_n3A_952 : vector<8x4096xi1>, vector<8x4096xi32>
    %slice3A_962 = vector.extract_strided_slice %dot_general3A_7 {offsets = [848, 0], sizes = [8, 4096], strides = [1, 1]} : vector<1024x4096xf32> to vector<8x4096xf32>
    %gt3A_963 = arith.cmpf ogt, %slice3A_962, %select_n3A_955 : vector<8x4096xf32>
    %select_n3A_964 = arith.select %gt3A_963, %slice3A_962, %select_n3A_955 : vector<8x4096xi1>, vector<8x4096xf32>
    %mul3A_965 = arith.constant 128 : i32
    %mul3A_966 = arith.muli %arg1, %mul3A_965 : i32
    %add3A_967 = arith.constant 106 : i32
    %add3A_968 = arith.addi %mul3A_966, %add3A_967 : i32
    %broadcast_in_dim3A_969 = vector.broadcast %add3A_968 : i32 to vector<8x4096xi32>
    %select_n3A_970 = arith.select %gt3A_963, %broadcast_in_dim3A_969, %select_n3A_961 : vector<8x4096xi1>, vector<8x4096xi32>
    %slice3A_971 = vector.extract_strided_slice %dot_general3A_7 {offsets = [856, 0], sizes = [8, 4096], strides = [1, 1]} : vector<1024x4096xf32> to vector<8x4096xf32>
    %gt3A_972 = arith.cmpf ogt, %slice3A_971, %select_n3A_964 : vector<8x4096xf32>
    %select_n3A_973 = arith.select %gt3A_972, %slice3A_971, %select_n3A_964 : vector<8x4096xi1>, vector<8x4096xf32>
    %mul3A_974 = arith.constant 128 : i32
    %mul3A_975 = arith.muli %arg1, %mul3A_974 : i32
    %add3A_976 = arith.constant 107 : i32
    %add3A_977 = arith.addi %mul3A_975, %add3A_976 : i32
    %broadcast_in_dim3A_978 = vector.broadcast %add3A_977 : i32 to vector<8x4096xi32>
    %select_n3A_979 = arith.select %gt3A_972, %broadcast_in_dim3A_978, %select_n3A_970 : vector<8x4096xi1>, vector<8x4096xi32>
    %slice3A_980 = vector.extract_strided_slice %dot_general3A_7 {offsets = [864, 0], sizes = [8, 4096], strides = [1, 1]} : vector<1024x4096xf32> to vector<8x4096xf32>
    %gt3A_981 = arith.cmpf ogt, %slice3A_980, %select_n3A_973 : vector<8x4096xf32>
    %select_n3A_982 = arith.select %gt3A_981, %slice3A_980, %select_n3A_973 : vector<8x4096xi1>, vector<8x4096xf32>
    %mul3A_983 = arith.constant 128 : i32
    %mul3A_984 = arith.muli %arg1, %mul3A_983 : i32
    %add3A_985 = arith.constant 108 : i32
    %add3A_986 = arith.addi %mul3A_984, %add3A_985 : i32
    %broadcast_in_dim3A_987 = vector.broadcast %add3A_986 : i32 to vector<8x4096xi32>
    %select_n3A_988 = arith.select %gt3A_981, %broadcast_in_dim3A_987, %select_n3A_979 : vector<8x4096xi1>, vector<8x4096xi32>
    %slice3A_989 = vector.extract_strided_slice %dot_general3A_7 {offsets = [872, 0], sizes = [8, 4096], strides = [1, 1]} : vector<1024x4096xf32> to vector<8x4096xf32>
    %gt3A_990 = arith.cmpf ogt, %slice3A_989, %select_n3A_982 : vector<8x4096xf32>
    %select_n3A_991 = arith.select %gt3A_990, %slice3A_989, %select_n3A_982 : vector<8x4096xi1>, vector<8x4096xf32>
    %mul3A_992 = arith.constant 128 : i32
    %mul3A_993 = arith.muli %arg1, %mul3A_992 : i32
    %add3A_994 = arith.constant 109 : i32
    %add3A_995 = arith.addi %mul3A_993, %add3A_994 : i32
    %broadcast_in_dim3A_996 = vector.broadcast %add3A_995 : i32 to vector<8x4096xi32>
    %select_n3A_997 = arith.select %gt3A_990, %broadcast_in_dim3A_996, %select_n3A_988 : vector<8x4096xi1>, vector<8x4096xi32>
    %slice3A_998 = vector.extract_strided_slice %dot_general3A_7 {offsets = [880, 0], sizes = [8, 4096], strides = [1, 1]} : vector<1024x4096xf32> to vector<8x4096xf32>
    %gt3A_999 = arith.cmpf ogt, %slice3A_998, %select_n3A_991 : vector<8x4096xf32>
    %select_n3A_1000 = arith.select %gt3A_999, %slice3A_998, %select_n3A_991 : vector<8x4096xi1>, vector<8x4096xf32>
    %mul3A_1001 = arith.constant 128 : i32
    %mul3A_1002 = arith.muli %arg1, %mul3A_1001 : i32
    %add3A_1003 = arith.constant 110 : i32
    %add3A_1004 = arith.addi %mul3A_1002, %add3A_1003 : i32
    %broadcast_in_dim3A_1005 = vector.broadcast %add3A_1004 : i32 to vector<8x4096xi32>
    %select_n3A_1006 = arith.select %gt3A_999, %broadcast_in_dim3A_1005, %select_n3A_997 : vector<8x4096xi1>, vector<8x4096xi32>
    %slice3A_1007 = vector.extract_strided_slice %dot_general3A_7 {offsets = [888, 0], sizes = [8, 4096], strides = [1, 1]} : vector<1024x4096xf32> to vector<8x4096xf32>
    %gt3A_1008 = arith.cmpf ogt, %slice3A_1007, %select_n3A_1000 : vector<8x4096xf32>
    %select_n3A_1009 = arith.select %gt3A_1008, %slice3A_1007, %select_n3A_1000 : vector<8x4096xi1>, vector<8x4096xf32>
    %mul3A_1010 = arith.constant 128 : i32
    %mul3A_1011 = arith.muli %arg1, %mul3A_1010 : i32
    %add3A_1012 = arith.constant 111 : i32
    %add3A_1013 = arith.addi %mul3A_1011, %add3A_1012 : i32
    %broadcast_in_dim3A_1014 = vector.broadcast %add3A_1013 : i32 to vector<8x4096xi32>
    %select_n3A_1015 = arith.select %gt3A_1008, %broadcast_in_dim3A_1014, %select_n3A_1006 : vector<8x4096xi1>, vector<8x4096xi32>
    %slice3A_1016 = vector.extract_strided_slice %dot_general3A_7 {offsets = [896, 0], sizes = [8, 4096], strides = [1, 1]} : vector<1024x4096xf32> to vector<8x4096xf32>
    %gt3A_1017 = arith.cmpf ogt, %slice3A_1016, %select_n3A_1009 : vector<8x4096xf32>
    %select_n3A_1018 = arith.select %gt3A_1017, %slice3A_1016, %select_n3A_1009 : vector<8x4096xi1>, vector<8x4096xf32>
    %mul3A_1019 = arith.constant 128 : i32
    %mul3A_1020 = arith.muli %arg1, %mul3A_1019 : i32
    %add3A_1021 = arith.constant 112 : i32
    %add3A_1022 = arith.addi %mul3A_1020, %add3A_1021 : i32
    %broadcast_in_dim3A_1023 = vector.broadcast %add3A_1022 : i32 to vector<8x4096xi32>
    %select_n3A_1024 = arith.select %gt3A_1017, %broadcast_in_dim3A_1023, %select_n3A_1015 : vector<8x4096xi1>, vector<8x4096xi32>
    %slice3A_1025 = vector.extract_strided_slice %dot_general3A_7 {offsets = [904, 0], sizes = [8, 4096], strides = [1, 1]} : vector<1024x4096xf32> to vector<8x4096xf32>
    %gt3A_1026 = arith.cmpf ogt, %slice3A_1025, %select_n3A_1018 : vector<8x4096xf32>
    %select_n3A_1027 = arith.select %gt3A_1026, %slice3A_1025, %select_n3A_1018 : vector<8x4096xi1>, vector<8x4096xf32>
    %mul3A_1028 = arith.constant 128 : i32
    %mul3A_1029 = arith.muli %arg1, %mul3A_1028 : i32
    %add3A_1030 = arith.constant 113 : i32
    %add3A_1031 = arith.addi %mul3A_1029, %add3A_1030 : i32
    %broadcast_in_dim3A_1032 = vector.broadcast %add3A_1031 : i32 to vector<8x4096xi32>
    %select_n3A_1033 = arith.select %gt3A_1026, %broadcast_in_dim3A_1032, %select_n3A_1024 : vector<8x4096xi1>, vector<8x4096xi32>
    %slice3A_1034 = vector.extract_strided_slice %dot_general3A_7 {offsets = [912, 0], sizes = [8, 4096], strides = [1, 1]} : vector<1024x4096xf32> to vector<8x4096xf32>
    %gt3A_1035 = arith.cmpf ogt, %slice3A_1034, %select_n3A_1027 : vector<8x4096xf32>
    %select_n3A_1036 = arith.select %gt3A_1035, %slice3A_1034, %select_n3A_1027 : vector<8x4096xi1>, vector<8x4096xf32>
    %mul3A_1037 = arith.constant 128 : i32
    %mul3A_1038 = arith.muli %arg1, %mul3A_1037 : i32
    %add3A_1039 = arith.constant 114 : i32
    %add3A_1040 = arith.addi %mul3A_1038, %add3A_1039 : i32
    %broadcast_in_dim3A_1041 = vector.broadcast %add3A_1040 : i32 to vector<8x4096xi32>
    %select_n3A_1042 = arith.select %gt3A_1035, %broadcast_in_dim3A_1041, %select_n3A_1033 : vector<8x4096xi1>, vector<8x4096xi32>
    %slice3A_1043 = vector.extract_strided_slice %dot_general3A_7 {offsets = [920, 0], sizes = [8, 4096], strides = [1, 1]} : vector<1024x4096xf32> to vector<8x4096xf32>
    %gt3A_1044 = arith.cmpf ogt, %slice3A_1043, %select_n3A_1036 : vector<8x4096xf32>
    %select_n3A_1045 = arith.select %gt3A_1044, %slice3A_1043, %select_n3A_1036 : vector<8x4096xi1>, vector<8x4096xf32>
    %mul3A_1046 = arith.constant 128 : i32
    %mul3A_1047 = arith.muli %arg1, %mul3A_1046 : i32
    %add3A_1048 = arith.constant 115 : i32
    %add3A_1049 = arith.addi %mul3A_1047, %add3A_1048 : i32
    %broadcast_in_dim3A_1050 = vector.broadcast %add3A_1049 : i32 to vector<8x4096xi32>
    %select_n3A_1051 = arith.select %gt3A_1044, %broadcast_in_dim3A_1050, %select_n3A_1042 : vector<8x4096xi1>, vector<8x4096xi32>
    %slice3A_1052 = vector.extract_strided_slice %dot_general3A_7 {offsets = [928, 0], sizes = [8, 4096], strides = [1, 1]} : vector<1024x4096xf32> to vector<8x4096xf32>
    %gt3A_1053 = arith.cmpf ogt, %slice3A_1052, %select_n3A_1045 : vector<8x4096xf32>
    %select_n3A_1054 = arith.select %gt3A_1053, %slice3A_1052, %select_n3A_1045 : vector<8x4096xi1>, vector<8x4096xf32>
    %mul3A_1055 = arith.constant 128 : i32
    %mul3A_1056 = arith.muli %arg1, %mul3A_1055 : i32
    %add3A_1057 = arith.constant 116 : i32
    %add3A_1058 = arith.addi %mul3A_1056, %add3A_1057 : i32
    %broadcast_in_dim3A_1059 = vector.broadcast %add3A_1058 : i32 to vector<8x4096xi32>
    %select_n3A_1060 = arith.select %gt3A_1053, %broadcast_in_dim3A_1059, %select_n3A_1051 : vector<8x4096xi1>, vector<8x4096xi32>
    %slice3A_1061 = vector.extract_strided_slice %dot_general3A_7 {offsets = [936, 0], sizes = [8, 4096], strides = [1, 1]} : vector<1024x4096xf32> to vector<8x4096xf32>
    %gt3A_1062 = arith.cmpf ogt, %slice3A_1061, %select_n3A_1054 : vector<8x4096xf32>
    %select_n3A_1063 = arith.select %gt3A_1062, %slice3A_1061, %select_n3A_1054 : vector<8x4096xi1>, vector<8x4096xf32>
    %mul3A_1064 = arith.constant 128 : i32
    %mul3A_1065 = arith.muli %arg1, %mul3A_1064 : i32
    %add3A_1066 = arith.constant 117 : i32
    %add3A_1067 = arith.addi %mul3A_1065, %add3A_1066 : i32
    %broadcast_in_dim3A_1068 = vector.broadcast %add3A_1067 : i32 to vector<8x4096xi32>
    %select_n3A_1069 = arith.select %gt3A_1062, %broadcast_in_dim3A_1068, %select_n3A_1060 : vector<8x4096xi1>, vector<8x4096xi32>
    %slice3A_1070 = vector.extract_strided_slice %dot_general3A_7 {offsets = [944, 0], sizes = [8, 4096], strides = [1, 1]} : vector<1024x4096xf32> to vector<8x4096xf32>
    %gt3A_1071 = arith.cmpf ogt, %slice3A_1070, %select_n3A_1063 : vector<8x4096xf32>
    %select_n3A_1072 = arith.select %gt3A_1071, %slice3A_1070, %select_n3A_1063 : vector<8x4096xi1>, vector<8x4096xf32>
    %mul3A_1073 = arith.constant 128 : i32
    %mul3A_1074 = arith.muli %arg1, %mul3A_1073 : i32
    %add3A_1075 = arith.constant 118 : i32
    %add3A_1076 = arith.addi %mul3A_1074, %add3A_1075 : i32
    %broadcast_in_dim3A_1077 = vector.broadcast %add3A_1076 : i32 to vector<8x4096xi32>
    %select_n3A_1078 = arith.select %gt3A_1071, %broadcast_in_dim3A_1077, %select_n3A_1069 : vector<8x4096xi1>, vector<8x4096xi32>
    %slice3A_1079 = vector.extract_strided_slice %dot_general3A_7 {offsets = [952, 0], sizes = [8, 4096], strides = [1, 1]} : vector<1024x4096xf32> to vector<8x4096xf32>
    %gt3A_1080 = arith.cmpf ogt, %slice3A_1079, %select_n3A_1072 : vector<8x4096xf32>
    %select_n3A_1081 = arith.select %gt3A_1080, %slice3A_1079, %select_n3A_1072 : vector<8x4096xi1>, vector<8x4096xf32>
    %mul3A_1082 = arith.constant 128 : i32
    %mul3A_1083 = arith.muli %arg1, %mul3A_1082 : i32
    %add3A_1084 = arith.constant 119 : i32
    %add3A_1085 = arith.addi %mul3A_1083, %add3A_1084 : i32
    %broadcast_in_dim3A_1086 = vector.broadcast %add3A_1085 : i32 to vector<8x4096xi32>
    %select_n3A_1087 = arith.select %gt3A_1080, %broadcast_in_dim3A_1086, %select_n3A_1078 : vector<8x4096xi1>, vector<8x4096xi32>
    %slice3A_1088 = vector.extract_strided_slice %dot_general3A_7 {offsets = [960, 0], sizes = [8, 4096], strides = [1, 1]} : vector<1024x4096xf32> to vector<8x4096xf32>
    %gt3A_1089 = arith.cmpf ogt, %slice3A_1088, %select_n3A_1081 : vector<8x4096xf32>
    %select_n3A_1090 = arith.select %gt3A_1089, %slice3A_1088, %select_n3A_1081 : vector<8x4096xi1>, vector<8x4096xf32>
    %mul3A_1091 = arith.constant 128 : i32
    %mul3A_1092 = arith.muli %arg1, %mul3A_1091 : i32
    %add3A_1093 = arith.constant 120 : i32
    %add3A_1094 = arith.addi %mul3A_1092, %add3A_1093 : i32
    %broadcast_in_dim3A_1095 = vector.broadcast %add3A_1094 : i32 to vector<8x4096xi32>
    %select_n3A_1096 = arith.select %gt3A_1089, %broadcast_in_dim3A_1095, %select_n3A_1087 : vector<8x4096xi1>, vector<8x4096xi32>
    %slice3A_1097 = vector.extract_strided_slice %dot_general3A_7 {offsets = [968, 0], sizes = [8, 4096], strides = [1, 1]} : vector<1024x4096xf32> to vector<8x4096xf32>
    %gt3A_1098 = arith.cmpf ogt, %slice3A_1097, %select_n3A_1090 : vector<8x4096xf32>
    %select_n3A_1099 = arith.select %gt3A_1098, %slice3A_1097, %select_n3A_1090 : vector<8x4096xi1>, vector<8x4096xf32>
    %mul3A_1100 = arith.constant 128 : i32
    %mul3A_1101 = arith.muli %arg1, %mul3A_1100 : i32
    %add3A_1102 = arith.constant 121 : i32
    %add3A_1103 = arith.addi %mul3A_1101, %add3A_1102 : i32
    %broadcast_in_dim3A_1104 = vector.broadcast %add3A_1103 : i32 to vector<8x4096xi32>
    %select_n3A_1105 = arith.select %gt3A_1098, %broadcast_in_dim3A_1104, %select_n3A_1096 : vector<8x4096xi1>, vector<8x4096xi32>
    %slice3A_1106 = vector.extract_strided_slice %dot_general3A_7 {offsets = [976, 0], sizes = [8, 4096], strides = [1, 1]} : vector<1024x4096xf32> to vector<8x4096xf32>
    %gt3A_1107 = arith.cmpf ogt, %slice3A_1106, %select_n3A_1099 : vector<8x4096xf32>
    %select_n3A_1108 = arith.select %gt3A_1107, %slice3A_1106, %select_n3A_1099 : vector<8x4096xi1>, vector<8x4096xf32>
    %mul3A_1109 = arith.constant 128 : i32
    %mul3A_1110 = arith.muli %arg1, %mul3A_1109 : i32
    %add3A_1111 = arith.constant 122 : i32
    %add3A_1112 = arith.addi %mul3A_1110, %add3A_1111 : i32
    %broadcast_in_dim3A_1113 = vector.broadcast %add3A_1112 : i32 to vector<8x4096xi32>
    %select_n3A_1114 = arith.select %gt3A_1107, %broadcast_in_dim3A_1113, %select_n3A_1105 : vector<8x4096xi1>, vector<8x4096xi32>
    %slice3A_1115 = vector.extract_strided_slice %dot_general3A_7 {offsets = [984, 0], sizes = [8, 4096], strides = [1, 1]} : vector<1024x4096xf32> to vector<8x4096xf32>
    %gt3A_1116 = arith.cmpf ogt, %slice3A_1115, %select_n3A_1108 : vector<8x4096xf32>
    %select_n3A_1117 = arith.select %gt3A_1116, %slice3A_1115, %select_n3A_1108 : vector<8x4096xi1>, vector<8x4096xf32>
    %mul3A_1118 = arith.constant 128 : i32
    %mul3A_1119 = arith.muli %arg1, %mul3A_1118 : i32
    %add3A_1120 = arith.constant 123 : i32
    %add3A_1121 = arith.addi %mul3A_1119, %add3A_1120 : i32
    %broadcast_in_dim3A_1122 = vector.broadcast %add3A_1121 : i32 to vector<8x4096xi32>
    %select_n3A_1123 = arith.select %gt3A_1116, %broadcast_in_dim3A_1122, %select_n3A_1114 : vector<8x4096xi1>, vector<8x4096xi32>
    %slice3A_1124 = vector.extract_strided_slice %dot_general3A_7 {offsets = [992, 0], sizes = [8, 4096], strides = [1, 1]} : vector<1024x4096xf32> to vector<8x4096xf32>
    %gt3A_1125 = arith.cmpf ogt, %slice3A_1124, %select_n3A_1117 : vector<8x4096xf32>
    %select_n3A_1126 = arith.select %gt3A_1125, %slice3A_1124, %select_n3A_1117 : vector<8x4096xi1>, vector<8x4096xf32>
    %mul3A_1127 = arith.constant 128 : i32
    %mul3A_1128 = arith.muli %arg1, %mul3A_1127 : i32
    %add3A_1129 = arith.constant 124 : i32
    %add3A_1130 = arith.addi %mul3A_1128, %add3A_1129 : i32
    %broadcast_in_dim3A_1131 = vector.broadcast %add3A_1130 : i32 to vector<8x4096xi32>
    %select_n3A_1132 = arith.select %gt3A_1125, %broadcast_in_dim3A_1131, %select_n3A_1123 : vector<8x4096xi1>, vector<8x4096xi32>
    %slice3A_1133 = vector.extract_strided_slice %dot_general3A_7 {offsets = [1000, 0], sizes = [8, 4096], strides = [1, 1]} : vector<1024x4096xf32> to vector<8x4096xf32>
    %gt3A_1134 = arith.cmpf ogt, %slice3A_1133, %select_n3A_1126 : vector<8x4096xf32>
    %select_n3A_1135 = arith.select %gt3A_1134, %slice3A_1133, %select_n3A_1126 : vector<8x4096xi1>, vector<8x4096xf32>
    %mul3A_1136 = arith.constant 128 : i32
    %mul3A_1137 = arith.muli %arg1, %mul3A_1136 : i32
    %add3A_1138 = arith.constant 125 : i32
    %add3A_1139 = arith.addi %mul3A_1137, %add3A_1138 : i32
    %broadcast_in_dim3A_1140 = vector.broadcast %add3A_1139 : i32 to vector<8x4096xi32>
    %select_n3A_1141 = arith.select %gt3A_1134, %broadcast_in_dim3A_1140, %select_n3A_1132 : vector<8x4096xi1>, vector<8x4096xi32>
    %slice3A_1142 = vector.extract_strided_slice %dot_general3A_7 {offsets = [1008, 0], sizes = [8, 4096], strides = [1, 1]} : vector<1024x4096xf32> to vector<8x4096xf32>
    %gt3A_1143 = arith.cmpf ogt, %slice3A_1142, %select_n3A_1135 : vector<8x4096xf32>
    %select_n3A_1144 = arith.select %gt3A_1143, %slice3A_1142, %select_n3A_1135 : vector<8x4096xi1>, vector<8x4096xf32>
    %mul3A_1145 = arith.constant 128 : i32
    %mul3A_1146 = arith.muli %arg1, %mul3A_1145 : i32
    %add3A_1147 = arith.constant 126 : i32
    %add3A_1148 = arith.addi %mul3A_1146, %add3A_1147 : i32
    %broadcast_in_dim3A_1149 = vector.broadcast %add3A_1148 : i32 to vector<8x4096xi32>
    %select_n3A_1150 = arith.select %gt3A_1143, %broadcast_in_dim3A_1149, %select_n3A_1141 : vector<8x4096xi1>, vector<8x4096xi32>
    %slice3A_1151 = vector.extract_strided_slice %dot_general3A_7 {offsets = [1016, 0], sizes = [8, 4096], strides = [1, 1]} : vector<1024x4096xf32> to vector<8x4096xf32>
    %gt3A_1152 = arith.cmpf ogt, %slice3A_1151, %select_n3A_1144 : vector<8x4096xf32>
    %select_n3A_1153 = arith.select %gt3A_1152, %slice3A_1151, %select_n3A_1144 : vector<8x4096xi1>, vector<8x4096xf32>
    %mul3A_1154 = arith.constant 128 : i32
    %mul3A_1155 = arith.muli %arg1, %mul3A_1154 : i32
    %add3A_1156 = arith.constant 127 : i32
    %add3A_1157 = arith.addi %mul3A_1155, %add3A_1156 : i32
    %broadcast_in_dim3A_1158 = vector.broadcast %add3A_1157 : i32 to vector<8x4096xi32>
    %select_n3A_1159 = arith.select %gt3A_1152, %broadcast_in_dim3A_1158, %select_n3A_1150 : vector<8x4096xi1>, vector<8x4096xi32>
    %swap3A = arith.constant 0 : index
    %swap3A_1160 = arith.constant 0 : index
    %swap3A_1161 = vector.load %arg8[%swap3A, %swap3A_1160] : memref<8x4096xf32, #tpu.memory_space<vmem>>, vector<8x4096xf32>
    tpu.vector_store %arg8[%swap3A, %swap3A_1160], %select_n3A_1153 {strides = array<i32>} : memref<8x4096xf32, #tpu.memory_space<vmem>>, vector<8x4096xf32>,
    %swap3A_1162 = arith.constant 0 : index
    %swap3A_1163 = arith.constant 0 : index
    %swap3A_1164 = vector.load %arg9[%swap3A_1162, %swap3A_1163] : memref<8x4096xi32, #tpu.memory_space<vmem>>, vector<8x4096xi32>
    tpu.vector_store %arg9[%swap3A_1162, %swap3A_1163], %select_n3A_1159 {strides = array<i32>} : memref<8x4096xi32, #tpu.memory_space<vmem>>, vector<8x4096xi32>,
    %eq3A_1165 = arith.constant 7 : i32
    %eq3A_1166 = arith.cmpi eq, %arg1, %eq3A_1165 : i32
    %convert_element_type3A_1167 = arith.extui %eq3A_1166 : i1 to i32
    %cond3A_1168 = arith.constant 0 : i32
    %cond3A_1169 = arith.cmpi ne, %convert_element_type3A_1167, %cond3A_1168 : i32
    scf.if %cond3A_1169 {
      %reduce_max3A = arith.constant dense<0xFF800000> : vector<4096xf32>
      %reduce_max3A_1170 = vector.multi_reduction <maximumf>, %select_n3A_1153, %reduce_max3A [0] : vector<8x4096xf32> to vector<4096xf32>
      %iota3A = tpu.iota {dimensions = array<i32: 0>} : vector<8x4096xi32>
      %mul3A_1171 = arith.constant 8 : i32
      %mul3A_1172 = vector.broadcast %mul3A_1171 : i32 to vector<8x4096xi32>
      %mul3A_1173 = arith.muli %select_n3A_1159, %mul3A_1172 : vector<8x4096xi32>
      %add3A_1174 = arith.addi %mul3A_1173, %iota3A : vector<8x4096xi32>
      %broadcast_in_dim3A_1175 = vector.shape_cast %reduce_max3A_1170 : vector<4096xf32> to vector<1x4096xf32>
      %eq3A_1176 = vector.broadcast %broadcast_in_dim3A_1175 : vector<1x4096xf32> to vector<8x4096xf32>
      %eq3A_1177 = arith.cmpf oeq, %select_n3A_1153, %eq3A_1176 : vector<8x4096xf32>
      %jit3A = arith.constant 32768 : i32
      %broadcast_in_dim3A_1178 = vector.broadcast %jit3A : i32 to vector<8x4096xi32>
      %select_n3A_1179 = arith.select %eq3A_1177, %add3A_1174, %broadcast_in_dim3A_1178 : vector<8x4096xi1>, vector<8x4096xi32>
      %reduce_min3A = arith.constant dense<2147483647> : vector<4096xi32>
      %reduce_min3A_1180 = vector.multi_reduction <minsi>, %select_n3A_1179, %reduce_min3A [0] : vector<8x4096xi32> to vector<4096xi32>
      %swap3A_1181 = arith.constant 0 : index
      %swap3A_1182 = vector.load %arg5[%swap3A_1181] : memref<4096xi32, #tpu.memory_space<vmem>>, vector<4096xi32>
      tpu.vector_store %arg5[%swap3A_1181], %reduce_min3A_1180 {strides = array<i32>} : memref<4096xi32, #tpu.memory_space<vmem>>, vector<4096xi32>,
    } else {
    }
    return
  }
  func.func @transform_0(%arg0: i32, %arg1: i32) -> (i32, i32) {
    %c0_i32 = arith.constant 0 : i32
    %c0_i32_0 = arith.constant 0 : i32
    return %arg0, %c0_i32 : i32, i32
  }
  func.func @transform_1(%arg0: i32, %arg1: i32) -> (i32, i32) {
    %c0_i32 = arith.constant 0 : i32
    %c0_i32_0 = arith.constant 0 : i32
    return %arg0, %c0_i32 : i32, i32
  }
  func.func @transform_2(%arg0: i32, %arg1: i32) -> (i32, i32) {
    %c0_i32 = arith.constant 0 : i32
    %c0_i32_0 = arith.constant 0 : i32
    return %arg1, %c0_i32 : i32, i32
  }
  func.func @transform_3(%arg0: i32, %arg1: i32) -> i32 {
    %c0_i32 = arith.constant 0 : i32
    return %arg0 : i32
  }
  func.func @transform_4(%arg0: i32, %arg1: i32) -> (i32, i32) {
    %c0_i32 = arith.constant 0 : i32
    %c0_i32_0 = arith.constant 0 : i32
    return %arg0, %c0_i32 : i32, i32
  }
  func.func @transform_5(%arg0: i32, %arg1: i32) -> (i32, i32) {
    %c0_i32 = arith.constant 0 : i32
    %c0_i32_0 = arith.constant 0 : i32
    %c0_i32_1 = arith.constant 0 : i32
    return %c0_i32, %c0_i32_0 : i32, i32
  }
}

module attributes {stable_mosaic.version = 14 : i64} {
  func.func @_tail_body(%arg0: i32, %arg1: memref<2048x256xf32, #tpu.memory_space<vmem>>, %arg2: memref<2048x256xf32, #tpu.memory_space<vmem>>, %arg3: memref<2048x256xf32, #tpu.memory_space<vmem>>, %arg4: memref<2048x256xf32, #tpu.memory_space<vmem>>, %arg5: memref<1x1xf32, #tpu.memory_space<vmem>>, %arg6: memref<1x1xf32, #tpu.memory_space<vmem>>) attributes {dimension_semantics = [#tpu.dimension_semantics<arbitrary>], iteration_bounds = array<i64: 4>, scalar_prefetch = 0 : i64, scratch_operands = 1 : i64, tpu.core_type = #tpu.core_type<tc>, window_params = [{transform_indices = @transform_0, window_bounds = array<i64: 2048, 256>}, {transform_indices = @transform_1, window_bounds = array<i64: 2048, 256>}, {transform_indices = @transform_2, window_bounds = array<i64: 2048, 256>}, {transform_indices = @transform_3, window_bounds = array<i64: 2048, 256>}, {pipeline_mode = #tpu.pipeline_mode<synchronous>, transform_indices = @transform_4, window_bounds = array<i64: 1, 1>}]} {
    %get3A = arith.constant 0 : index
    %get3A_0 = arith.constant 0 : index
    %get3A_1 = vector.load %arg2[%get3A, %get3A_0] : memref<2048x256xf32, #tpu.memory_space<vmem>>, vector<2048x256xf32>
    %transpose3A = tpu.transpose %get3A_1, [1, 0] : vector<2048x256xf32> -> vector<256x2048xf32>
    %get3A_2 = arith.constant 0 : index
    %get3A_3 = arith.constant 0 : index
    %get3A_4 = vector.load %arg3[%get3A_2, %get3A_3] : memref<2048x256xf32, #tpu.memory_space<vmem>>, vector<2048x256xf32>
    %transpose3A_5 = tpu.transpose %get3A_4, [1, 0] : vector<2048x256xf32> -> vector<256x2048xf32>
    %mul3A = arith.mulf %transpose3A, %transpose3A : vector<256x2048xf32>
    %reduce_sum3A = arith.constant dense<0.000000e+00> : vector<2048xf32>
    %reduce_sum3A_6 = vector.multi_reduction <add>, %mul3A, %reduce_sum3A [0] : vector<256x2048xf32> to vector<2048xf32>
    %broadcast_in_dim3A = vector.shape_cast %reduce_sum3A_6 : vector<2048xf32> to vector<1x2048xf32>
    %sqrt3A = math.sqrt %broadcast_in_dim3A : vector<1x2048xf32>
    %max3A = arith.constant 9.99999996E-13 : f32
    %max3A_7 = vector.broadcast %max3A : f32 to vector<1x2048xf32>
    %max3A_8 = arith.maximumf %sqrt3A, %max3A_7 : vector<1x2048xf32>
    %div3A = vector.broadcast %max3A_8 : vector<1x2048xf32> to vector<256x2048xf32>
    %div3A_9 = arith.divf %transpose3A, %div3A : vector<256x2048xf32>
    %sub3A = arith.subf %div3A_9, %transpose3A_5 : vector<256x2048xf32>
    %mul3A_10 = arith.mulf %sub3A, %sub3A : vector<256x2048xf32>
    %reduce_sum3A_11 = vector.shape_cast %mul3A_10 : vector<256x2048xf32> to vector<1x256x2048xf32>
    %reduce_sum3A_12 = arith.constant dense<0.000000e+00> : vector<1xf32>
    %reduce_sum3A_13 = vector.multi_reduction <add>, %reduce_sum3A_11, %reduce_sum3A_12 [1, 2] : vector<1x256x2048xf32> to vector<1xf32>
    %reduce_sum3A_14 = vector.shape_cast %reduce_sum3A_13 : vector<1xf32> to vector<1x1x1xf32>
    %reduce_sum3A_15 = vector.extract %reduce_sum3A_14[0, 0, 0] : f32 from vector<1x1x1xf32>
    %mul3A_16 = arith.mulf %div3A_9, %div3A_9 : vector<256x2048xf32>
    %reduce_sum3A_17 = arith.constant dense<0.000000e+00> : vector<2048xf32>
    %reduce_sum3A_18 = vector.multi_reduction <add>, %mul3A_16, %reduce_sum3A_17 [0] : vector<256x2048xf32> to vector<2048xf32>
    %broadcast_in_dim3A_19 = vector.shape_cast %reduce_sum3A_18 : vector<2048xf32> to vector<1x2048xf32>
    %sqrt3A_20 = math.sqrt %broadcast_in_dim3A_19 : vector<1x2048xf32>
    %mul3A_21 = arith.mulf %transpose3A_5, %transpose3A_5 : vector<256x2048xf32>
    %reduce_sum3A_22 = arith.constant dense<0.000000e+00> : vector<2048xf32>
    %reduce_sum3A_23 = vector.multi_reduction <add>, %mul3A_21, %reduce_sum3A_22 [0] : vector<256x2048xf32> to vector<2048xf32>
    %broadcast_in_dim3A_24 = vector.shape_cast %reduce_sum3A_23 : vector<2048xf32> to vector<1x2048xf32>
    %sqrt3A_25 = math.sqrt %broadcast_in_dim3A_24 : vector<1x2048xf32>
    %max3A_26 = arith.constant 9.99999997E-7 : f32
    %max3A_27 = vector.broadcast %max3A_26 : f32 to vector<1x2048xf32>
    %max3A_28 = arith.maximumf %sqrt3A_20, %max3A_27 : vector<1x2048xf32>
    %div3A_29 = vector.broadcast %max3A_28 : vector<1x2048xf32> to vector<256x2048xf32>
    %div3A_30 = arith.divf %div3A_9, %div3A_29 : vector<256x2048xf32>
    %max3A_31 = arith.constant 9.99999997E-7 : f32
    %max3A_32 = vector.broadcast %max3A_31 : f32 to vector<1x2048xf32>
    %max3A_33 = arith.maximumf %sqrt3A_25, %max3A_32 : vector<1x2048xf32>
    %div3A_34 = vector.broadcast %max3A_33 : vector<1x2048xf32> to vector<256x2048xf32>
    %div3A_35 = arith.divf %transpose3A_5, %div3A_34 : vector<256x2048xf32>
    %add3A = arith.addf %div3A_30, %div3A_35 : vector<256x2048xf32>
    %mul3A_36 = arith.mulf %add3A, %add3A : vector<256x2048xf32>
    %reduce_sum3A_37 = arith.constant dense<0.000000e+00> : vector<2048xf32>
    %reduce_sum3A_38 = vector.multi_reduction <add>, %mul3A_36, %reduce_sum3A_37 [0] : vector<256x2048xf32> to vector<2048xf32>
    %broadcast_in_dim3A_39 = vector.shape_cast %reduce_sum3A_38 : vector<2048xf32> to vector<1x2048xf32>
    %sqrt3A_40 = math.sqrt %broadcast_in_dim3A_39 : vector<1x2048xf32>
    %max3A_41 = arith.constant 9.99999997E-7 : f32
    %max3A_42 = vector.broadcast %max3A_41 : f32 to vector<1x2048xf32>
    %max3A_43 = arith.maximumf %sqrt3A_40, %max3A_42 : vector<1x2048xf32>
    %div3A_44 = vector.broadcast %max3A_43 : vector<1x2048xf32> to vector<256x2048xf32>
    %div3A_45 = arith.divf %add3A, %div3A_44 : vector<256x2048xf32>
    %mul3A_46 = arith.mulf %div3A_9, %div3A_45 : vector<256x2048xf32>
    %reduce_sum3A_47 = arith.constant dense<0.000000e+00> : vector<2048xf32>
    %reduce_sum3A_48 = vector.multi_reduction <add>, %mul3A_46, %reduce_sum3A_47 [0] : vector<256x2048xf32> to vector<2048xf32>
    %broadcast_in_dim3A_49 = vector.shape_cast %reduce_sum3A_48 : vector<2048xf32> to vector<1x2048xf32>
    %mul3A_50 = arith.mulf %div3A_9, %div3A_30 : vector<256x2048xf32>
    %reduce_sum3A_51 = arith.constant dense<0.000000e+00> : vector<2048xf32>
    %reduce_sum3A_52 = vector.multi_reduction <add>, %mul3A_50, %reduce_sum3A_51 [0] : vector<256x2048xf32> to vector<2048xf32>
    %broadcast_in_dim3A_53 = vector.shape_cast %reduce_sum3A_52 : vector<2048xf32> to vector<1x2048xf32>
    %mul3A_54 = arith.constant 2.000000e+00 : f32
    %mul3A_55 = vector.broadcast %mul3A_54 : f32 to vector<1x2048xf32>
    %mul3A_56 = arith.mulf %mul3A_55, %broadcast_in_dim3A_49 : vector<1x2048xf32>
    %mul3A_57 = vector.broadcast %mul3A_56 : vector<1x2048xf32> to vector<256x2048xf32>
    %mul3A_58 = arith.mulf %mul3A_57, %div3A_45 : vector<256x2048xf32>
    %sub3A_59 = arith.subf %div3A_9, %mul3A_58 : vector<256x2048xf32>
    %mul3A_60 = arith.constant 2.000000e+00 : f32
    %mul3A_61 = vector.broadcast %mul3A_60 : f32 to vector<1x2048xf32>
    %mul3A_62 = arith.mulf %mul3A_61, %broadcast_in_dim3A_53 : vector<1x2048xf32>
    %mul3A_63 = vector.broadcast %mul3A_62 : vector<1x2048xf32> to vector<256x2048xf32>
    %mul3A_64 = arith.mulf %mul3A_63, %div3A_35 : vector<256x2048xf32>
    %add3A_65 = arith.addf %sub3A_59, %mul3A_64 : vector<256x2048xf32>
    %max3A_66 = arith.constant 9.99999997E-7 : f32
    %max3A_67 = vector.broadcast %max3A_66 : f32 to vector<1x2048xf32>
    %max3A_68 = arith.maximumf %sqrt3A_20, %max3A_67 : vector<1x2048xf32>
    %div3A_69 = arith.divf %sqrt3A_25, %max3A_68 : vector<1x2048xf32>
    %mul3A_70 = vector.broadcast %div3A_69 : vector<1x2048xf32> to vector<256x2048xf32>
    %mul3A_71 = arith.mulf %add3A_65, %mul3A_70 : vector<256x2048xf32>
    %sub3A_72 = arith.subf %transpose3A, %mul3A_71 : vector<256x2048xf32>
    %get3A_73 = arith.constant 0 : index
    %get3A_74 = arith.constant 0 : index
    %get3A_75 = vector.load %arg1[%get3A_73, %get3A_74] : memref<2048x256xf32, #tpu.memory_space<vmem>>, vector<2048x256xf32>
    %transpose3A_76 = tpu.transpose %sub3A_72, [1, 0] : vector<256x2048xf32> -> vector<2048x256xf32>
    %sub3A_77 = arith.subf %get3A_75, %transpose3A_76 : vector<2048x256xf32>
    %swap3A = arith.constant 0 : index
    %swap3A_78 = arith.constant 0 : index
    %swap3A_79 = vector.load %arg4[%swap3A, %swap3A_78] : memref<2048x256xf32, #tpu.memory_space<vmem>>, vector<2048x256xf32>
    tpu.vector_store %arg4[%swap3A, %swap3A_78], %sub3A_77 {strides = array<i32>} : memref<2048x256xf32, #tpu.memory_space<vmem>>, vector<2048x256xf32>,
    %eq3A = arith.constant 0 : i32
    %eq3A_80 = arith.cmpi eq, %arg0, %eq3A : i32
    %broadcast_in_dim3A_81 = arith.constant 0.000000e+00 : f32
    %broadcast_in_dim3A_82 = vector.broadcast %broadcast_in_dim3A_81 : f32 to vector<1x1xf32>
    %get3A_83 = arith.constant 0 : index
    %get3A_84 = arith.constant 0 : index
    %get3A_85 = vector.load %arg6[%get3A_83, %get3A_84] : memref<1x1xf32, #tpu.memory_space<vmem>>, vector<1x1xf32>
    %select_n3A = arith.select %eq3A_80, %broadcast_in_dim3A_82, %get3A_85 : vector<1x1xf32>
    %add3A_86 = vector.broadcast %reduce_sum3A_15 : f32 to vector<1x1xf32>
    %add3A_87 = arith.addf %select_n3A, %add3A_86 : vector<1x1xf32>
    %swap3A_88 = arith.constant 0 : index
    %swap3A_89 = arith.constant 0 : index
    %swap3A_90 = vector.load %arg6[%swap3A_88, %swap3A_89] : memref<1x1xf32, #tpu.memory_space<vmem>>, vector<1x1xf32>
    tpu.vector_store %arg6[%swap3A_88, %swap3A_89], %add3A_87 {strides = array<i32>} : memref<1x1xf32, #tpu.memory_space<vmem>>, vector<1x1xf32>,
    %eq3A_91 = arith.constant 3 : i32
    %eq3A_92 = arith.cmpi eq, %arg0, %eq3A_91 : i32
    %convert_element_type3A = arith.extui %eq3A_92 : i1 to i32
    %cond3A = arith.constant 0 : i32
    %cond3A_93 = arith.cmpi ne, %convert_element_type3A, %cond3A : i32
    scf.if %cond3A_93 {
      %mul3A_94 = arith.constant 5.96046448E-7 : f32
      %mul3A_95 = vector.broadcast %mul3A_94 : f32 to vector<1x1xf32>
      %mul3A_96 = arith.mulf %add3A_87, %mul3A_95 : vector<1x1xf32>
      %swap3A_97 = arith.constant 0 : index
      %swap3A_98 = arith.constant 0 : index
      %swap3A_99 = vector.load %arg5[%swap3A_97, %swap3A_98] : memref<1x1xf32, #tpu.memory_space<vmem>>, vector<1x1xf32>
      tpu.vector_store %arg5[%swap3A_97, %swap3A_98], %mul3A_96 {strides = array<i32>} : memref<1x1xf32, #tpu.memory_space<vmem>>, vector<1x1xf32>,
    } else {
    }
    return
  }
  func.func @transform_0(%arg0: i32) -> (i32, i32) {
    %c0_i32 = arith.constant 0 : i32
    %c0_i32_0 = arith.constant 0 : i32
    return %arg0, %c0_i32 : i32, i32
  }
  func.func @transform_1(%arg0: i32) -> (i32, i32) {
    %c0_i32 = arith.constant 0 : i32
    %c0_i32_0 = arith.constant 0 : i32
    return %arg0, %c0_i32 : i32, i32
  }
  func.func @transform_2(%arg0: i32) -> (i32, i32) {
    %c0_i32 = arith.constant 0 : i32
    %c0_i32_0 = arith.constant 0 : i32
    return %arg0, %c0_i32 : i32, i32
  }
  func.func @transform_3(%arg0: i32) -> (i32, i32) {
    %c0_i32 = arith.constant 0 : i32
    %c0_i32_0 = arith.constant 0 : i32
    return %arg0, %c0_i32 : i32, i32
  }
  func.func @transform_4(%arg0: i32) -> (i32, i32) {
    %c0_i32 = arith.constant 0 : i32
    %c0_i32_0 = arith.constant 0 : i32
    %c0_i32_1 = arith.constant 0 : i32
    return %c0_i32, %c0_i32_0 : i32, i32
  }
}

</mosaic_0001>

<sc_bundles>
// kernel: kernel.12.cloned.1.call-start
scs
__scs_entry_jumppad:
0x0: {  	(pc) =	sbr.rel $0x88, $3  }
0x1: {  	(tag) =	ssettag $0x0;
	lr =	simm.s32 $0x1  }
0x2: {  	[smem:$0x3F9E] =	sst lr;
	_ =	strace $0xD0000000  }
0x3: {  	_ = 	snop  }
0x4: {  	_ = 	snop  }
0x5: {  	_ = 	snop  }
0x6: {  	_ = 	snop  }
0x7: {  	_ = 	snop  }
__scs_overlays_trampoline_lowered:
0x8: {  	[smem:$0x3FAD] =	sst s0  }
0x9: {  	[smem:$0x3FAE] =	sst s1  }
0xa: {  	[smem:$0x3FAF] =	sst s2  }
0xb: {  	[smem:$0x3FB0] =	sst s3  }
0xc: {  	[smem:$0x3FB1] =	sst s4  }
0xd: {  	[smem:$0x3FB2] =	sst s5  }
0xe: {  	[smem:$0x3FB3] =	sst s6  }
0xf: {  	[smem:$0x3FB4] =	sst s7  }
0x10: {  	[smem:$0x3FB5] =	sst s8  }
0x11: {  	[smem:$0x3FB6] =	sst s9;
	s0 =	simm.s32 @!p0 $0x0  }
0x12: {  	s1 =	sld [smem:$0x3F9C];
	s0 =	simm.s32 @p0 $0x1  }
0x13: {  	[smem:$0x3FB7] =	sst s0;
	s0 =	simm.s32 @!p1 $0x0  }
0x14: {  	s2 =	sld [smem:$0x3F9B];
	s0 =	simm.s32 @p1 $0x1  }
0x15: {  	[smem:$0x3FB8] =	sst s0;
	s0 =	simm.s32 @!p2 $0x0  }
0x16: {  	s3 =	sld [smem:$0x3FDB];
	s0 =	simm.s32 @p2 $0x1  }
0x17: {  	s4 =	simm.s32 $0x1BF5;
	[smem:$0x3FBA] =	sst s0  }
0x18: {  	s0 =	sld [smem:$0x3F9D];
	_ =	swait.ge [sflag:s4], $0x0  }
0x19: {  	s7 =	sld [smem:$0x3F9E]  }
0x1a: {  	s8 =	sadd.s32 $0xFFFFE003, lr  }
0x1b: {  	s9 =	sadd.s32 $0xFFFFFEF7, lr;
	s5 =	simm.s32 $0xFFFFFFFF;
	p2 =	slt.u32 s8, $0xFFFFF086  }
0x1c: {  	p1 =	slt.u32 s9, $0xF7A;
	s5 =	simm.s32 @!p2 $0x0  }
0x1d: {  	s5 =	simm.s32 @p1 $0x1;
	p0 =	seq.s32 s7, s2  }
0x1e: {  	s7 =	smul.u32 @!p0 $0xF7A, s2;
	p2 =	seq.s32 @!p0 s5, $0x0  }
0x1f: {  	s9 =	smul.u32 $0xF7A, s1;
	s8 =	simm.s32 @!p0 $0x1BF5;
	p2 =	por !p2, p0  }
0x20: {  	[sflag:s8] =	ssyncset.s32 @!p0 $0xFFFFF086;
	s6 =	sadd.s32 @!p0 s3, s7;
	s7 =	simm.s32 @!p0 $0x108  }
0x21: {  	s3 =	sadd.s32 s3, s9;
	s6 =	sadd.s32 @!p0 $0x88, s6;
	s7 =	simm.s32 @p2 $0x1082  }
0x22: {  	[simem:s7], [sflag:s8] =	dma.local @!p0 [hbm:s6], $0xF7A  }
0x23: {  	s9 =	sor.u32 $0xD0000000, s2;
	s6 =	simm.s32 $0x108;
	_ =	swait.ge @!p0 [sflag:s8], $0x0  }
0x24: {  	s3 =	sadd.s32 $0x88, s3;
	s6 =	simm.s32 @!p1 $0x1082;
	[sflag:s4] =	ssyncset.s32 $0xFFFFF086  }
0x25: {  	[simem:s6], [sflag:s4] =	dma.local [hbm:s3], $0xF7A  }
0x26: {  	[smem:$0x3F9E] =	sst s1;
	(tag) =	ssettag s2;
	_ =	strace s9  }
0x27: {  	s1 =	sld [smem:$0x3FAE]  }
0x28: {  	s2 =	sld [smem:$0x3FAF]  }
0x29: {  	s4 =	sld [smem:$0x3FB1]  }
0x2a: {  	p0 =	seq.s32 s5, $0x0;
	s5 =	sld [smem:$0x3FB2]  }
0x2b: {  	s6 =	sld [smem:$0x3FB3]  }
0x2c: {  	s7 =	sld [smem:$0x3FB4]  }
0x2d: {  	s3 =	simm.s32 $0x108;
	s8 =	sld [smem:$0x3FB5]  }
0x2e: {  	s3 =	simm.s32 @!p0 $0x1082;
	s9 =	sld [smem:$0x3FB6]  }
0x2f: {  	lr =	sadd.s32 s0, s3;
	s0 =	sld [smem:$0x3FAD]  }
0x30: {  	s3 =	sld [smem:$0x3FB0]  }
0x31: {  	[smem:$0x3FB9] =	sst s10  }
0x32: {  	s10 =	sld [smem:$0x3FB7];
	_ =	sdelay $0x3  }
0x33: {  	p0 =	seq.s32 s10, $0x1;
	s10 =	sld [smem:$0x3FB9];
	_ =	sdelay $0x3  }
0x34: {  	[smem:$0x3FB9] =	sst s10  }
0x35: {  	s10 =	sld [smem:$0x3FB8];
	_ =	sdelay $0x3  }
0x36: {  	p1 =	seq.s32 s10, $0x1;
	s10 =	sld [smem:$0x3FB9];
	_ =	sdelay $0x3  }
0x37: {  	[smem:$0x3FB9] =	sst s10  }
0x38: {  	s10 =	sld [smem:$0x3FBA]  }
0x39: {  	_ = 	snop;
	(pc) =	sbr.ind lr, $3  }
0x3a: {  	_ = 	snop  }
0x3b: {  	_ = 	snop  }
0x3c: {  	p2 =	seq.s32 s10, $0x1;
	s10 =	sld [smem:$0x3FB9]  }
0x3d: {  	_ =	shalt  }
0x3e: {  	_ =	shalt  }
0x3f: {  	_ =	shalt  }
0x40: {  	_ =	shalt  }
0x41: {  	_ =	shalt  }
0x42: {  	_ =	shalt  }
0x43: {  	_ =	shalt  }
0x44: {  	_ =	shalt  }
0x45: {  	_ =	shalt  }
0x46: {  	_ =	shalt  }
0x47: {  	_ =	shalt  }
0x48: {  	_ =	shalt  }
0x49: {  	_ =	shalt  }
0x4a: {  	_ =	shalt  }
0x4b: {  	_ =	shalt  }
0x4c: {  	_ =	shalt  }
0x4d: {  	_ =	shalt  }
0x4e: {  	_ =	shalt  }
0x4f: {  	_ =	shalt  }
0x50: {  	_ =	shalt  }
0x51: {  	_ =	shalt  }
0x52: {  	_ =	shalt  }
0x53: {  	_ =	shalt  }
0x54: {  	_ =	shalt  }
0x55: {  	_ =	shalt  }
0x56: {  	_ =	shalt  }
0x57: {  	_ =	shalt  }
0x58: {  	_ =	shalt  }
0x59: {  	_ =	shalt  }
0x5a: {  	_ =	shalt  }
0x5b: {  	_ =	shalt  }
0x5c: {  	_ =	shalt  }
0x5d: {  	_ =	shalt  }
0x5e: {  	_ =	shalt  }
0x5f: {  	_ =	shalt  }
0x60: {  	_ =	shalt  }
0x61: {  	_ =	shalt  }
0x62: {  	_ =	shalt  }
0x63: {  	_ =	shalt  }
0x64: {  	_ =	shalt  }
0x65: {  	_ =	shalt  }
0x66: {  	_ =	shalt  }
0x67: {  	_ =	shalt  }
0x68: {  	_ =	shalt  }
0x69: {  	_ =	shalt  }
0x6a: {  	_ =	shalt  }
0x6b: {  	_ =	shalt  }
0x6c: {  	_ =	shalt  }
0x6d: {  	_ =	shalt  }
0x6e: {  	_ =	shalt  }
0x6f: {  	_ =	shalt  }
0x70: {  	_ =	shalt  }
0x71: {  	_ =	shalt  }
0x72: {  	_ =	shalt  }
0x73: {  	_ =	shalt  }
0x74: {  	_ =	shalt  }
0x75: {  	_ =	shalt  }
0x76: {  	_ =	shalt  }
0x77: {  	_ =	shalt  }
0x78: {  	_ =	shalt  }
0x79: {  	_ =	shalt  }
0x7a: {  	_ =	shalt  }
0x7b: {  	_ =	shalt  }
0x7c: {  	_ =	shalt  }
0x7d: {  	_ =	shalt  }
0x7e: {  	_ =	shalt  }
0x7f: {  	_ =	shalt  }
0x80: {  	_ =	shalt  }
0x81: {  	_ =	shalt  }
0x82: {  	_ =	shalt  }
0x83: {  	_ =	shalt  }
0x84: {  	_ =	shalt  }
0x85: {  	_ =	shalt  }
0x86: {  	_ =	shalt  }
0x87: {  	_ =	shalt  }
.Lfunc_end0:
.L_simem_size_0:
called_computation_lowered:
.L_overlay_start_0:
0x88: {  	s2 =	sld [smem:$0x3FD9]  }
0x89: {  	s3 =	sld [smem:$0x3FFE];
	_ =	sdelay $0x1  }
0x8a: {  	s1 =	srdreg.scid  }
0x8b: {  	s0 =	sand.u32 $0x1, s1  }
0x8c: {  	s14 =	sshll.u32 s0, $0xA;
	s2 =	sadd.s32 s3, s2  }
0x8d: {  	s2 =	sadd.s32 s2, s14  }
0x8e: {  	[smem:$0x3FC5] =	sst s2  }
0x8f: {  	_ = 	snop  }
0x90: {  	s2 =	sld [smem:$0x3FD0];
	_ =	sdelay $0x2  }
0x91: {  	s15 =	simm.s32 $0xA;
	s4 =	simm.s32 $0x10  }
0x92: {  	[smem:s4], [sflag:s15] =	dma.local [hbm:s2], $0x1  }
0x93: {  	_ =	swait.eq [sflag:s15], $0x1  }
0x94: {  	[sflag:s15] =	ssyncset.done $0x0  }
0x95: {  	[sflag:s15] =	ssyncadd.s32 $0xFFFFFFFF  }
0x96: {  	s16 =	sld [smem:$0x11];
	(tm) =	ssettm $0x1  }
0x97: {  	s17 =	sld [smem:$0x3FFB];
	_ =	sdelay $0x3  }
0x98: {  	_ =	strace s17  }
0x99: {  	s3 =	sld [smem:$0x3FFC];
	_ =	sdelay $0x3  }
0x9a: {  	_ =	strace s3  }
0x9b: {  	s3 =	sld [smem:$0x3FFD];
	_ =	sdelay $0x3  }
0x9c: {  	_ =	strace s3  }
0x9d: {  	_ =	strace $0x8FFFFFFF  }
0x9e: {  	s18 =	sld [smem:$0x3FDB];
	_ =	sdelay $0x1  }
0x9f: {  	s19 =	simm.s32 $_scs_section_size  }
0xa0: {  	s5 =	simm.s32 $_size__tile_overlayer_lowered;
	s6 =	simm.s32 $_tile_overlayer_lowered  }
0xa1: {  	s22 =	simm.s32 $0x1BFF;
	s21 =	sshll.u32 s6, $0x1;
	s3 =	sadd.s32 s19, s18  }
0xa2: {  	s7 =	simm.s32 $0x0;
	s20 =	sshll.u32 s5, $0x1;
	s5 =	sadd.s32 s21, s3  }
0xa3: {  	[timem:s7], [sflag:s22] =	dma.local [hbm:s5], s20  }
0xa4: {  	_ =	swait.ge [sflag:s22], s20  }
0xa5: {  	s4 =	ssub.s32 $0x0, s20;
	[sflag:s22] =	ssyncset.done $0x0  }
0xa6: {  	[sflag:s22] =	ssyncadd.s32 s4;
	_ =	sdelay $0x1  }
0xa7: {  	s23 =	simm.s32 $0x1B8B  }
0xa8: {  	_ =	swait.ge [sflag:s23], $0x1  }
0xa9: {  	[sflag:s23] =	ssyncset.done $0x0  }
0xaa: {  	s25 =	simm.s32 $0x1B8E;
	s24 =	sld [smem:$0x3FFE];
	[sflag:s23] =	ssyncadd.s32 $0xFFFFFFFF  }
0xab: {  	s26 =	simm.s32 $execute0_lowered;
	[smem:$0x3FD2] =	sst s25  }
0xac: {  	s5 =	sshll.u32 s26, $0x1;
	_ =	strace $0x80000046;
	[dreg:$0x1] =	wrdreg $0xFFFFFFFF  }
0xad: {  	s28 =	simm.s32 $_size_execute0_lowered;
	s3 =	sadd.s32 s3, s5;
	[dreg:$0x0] =	wrdreg $0x0  }
0xae: {  	s5 =	sshll.u32 s28, $0x1;
	[dreg:$0x2] =	wrdreg s3  }
0xaf: {  	[dreg:$0x3] =	wrdreg s5  }
0xb0: {  	[dreg:$0x4] =	wrdreg $0xC0  }
0xb1: {  	_ =	task [dreg:s7], $0x5FFFF  }
0xb2: {  	[dreg:$0x1] =	wrdreg $0xFFFFFFFF  }
0xb3: {  	[dreg:$0x0] =	wrdreg $0x60  }
0xb4: {  	[dreg:$0x2] =	wrdreg s24  }
0xb5: {  	[dreg:$0x3] =	wrdreg s16  }
0xb6: {  	[dreg:$0x4] =	wrdreg $0x9  }
0xb7: {  	_ =	task.clear_ibuf [dreg:s7], $0x5FFFF;
	_ =	strace $0x90000046  }
0xb8: {  	s29 =	simm.s32 $0x9;
	_ =	strace $0x80000048  }
0xb9: {  	_ =	swait.ge [sflag:s29], $0x1  }
0xba: {  	[sflag:s29] =	ssyncadd.s32 $0xFFFFFFFF  }
0xbb: {  	_ =	strace $0x90000048  }
0xbc: {  	_ =	sfence  }
0xbd: {  	s30 =	sld [smem:$0x0];
	_ =	sdelay $0x2  }
0xbe: {  	s31 =	sshll.u32 s1, $0xD;
	s1 =	sshrl.u32 s1, $0x2  }
0xbf: {  	s3 =	sand.u32 $0x4000, s31;
	s1 =	sadd.s32 s1, s30  }
0xc0: {  	s0 =	sor.u32 s3, s0;
	s1 =	sshll.u32 s1, $0x11  }
0xc1: {  	s0 =	sor.u32 s1, s0  }
0xc2: {  	s0 =	sadd.s32 $0x8F2B, s0  }
0xc3: {  	[sflag:s0] =	ssyncadd.remote.s32 $0x1  }
0xc4: {  	_ =	sfence.sel $0xFFFF  }
0xc5: {  	[dreg:$0x0] =	wrdreg $0xFFFFFFFF;
	(pc) =	sbr.abs _section_cstart, $3  }
0xc6: {  	[dreg:$0x1] =	wrdreg $0xFFFFFFFF  }
0xc7: {  	_ =	task.clear_ibuf [dreg:s7], $0x2FFFF;
	_ =	strace $0x9FFFFFFF  }
0xc8: {  	(tm) =	ssettm $0x7FFFFFFF  }
0xc9: {  	_ =	shalt  }
tec
execute0_lowered:
.L_overlay_start_1:
0x0: {  	(tag) =	ssettag $0x1  }
0x1: {  	s1 =	srdreg.scid  }
0x2: {  	s3 =	rddreg [dreg:$0x0];
	s0 =	stileid.u32  }
0x3: {  	s4 =	rddreg [dreg:$0x1];
	s2 =	simm.s32 $0x0;
	s19 =	simm.s32 $0x900  }
0x4: {  	s20 =	simm.s32 $0x1100;
	s21 =	simm.s32 $0x1900;
	s23 =	simm.s32 $0x2100  }
0x5: {  	s24 =	simm.s32 $0x2900;
	s25 =	simm.s32 $0x3100;
	s26 =	simm.s32 $0x3900  }
0x6: {  	s8 =	simm.s32 $0x4900;
	s9 =	simm.s32 $0x5100;
	s10 =	simm.s32 $0x5900  }
0x7: {  	s11 =	simm.s32 $0x6100;
	s12 =	simm.s32 $0x6900;
	[smem:$0x7FF] =	sst s2  }
0x8: {  	s13 =	simm.s32 $0x7100;
	_ =	strace $0x80000047;
	[dreg:$0x5] =	wrdreg s19  }
0x9: {  	s14 =	simm.s32 $0x7900;
	s15 =	simm.s32 $0x8100;
	[dreg:$0x6] =	wrdreg s20  }
0xa: {  	s16 =	simm.s32 $0x8900;
	s17 =	simm.s32 $0x9100;
	[dreg:$0x7] =	wrdreg s21  }
0xb: {  	s28 =	simm.s32 $0xE100;
	s29 =	simm.s32 $0xE900;
	[dreg:$0x8] =	wrdreg s23  }
0xc: {  	s30 =	simm.s32 $0xF100;
	s31 =	simm.s32 $0xF900;
	[dreg:$0x9] =	wrdreg s24  }
0xd: {  	s1 =	sand.u32 $0x1, s1;
	s5 =	sshll.u32 s0, $0x9;
	[dreg:$0xa] =	wrdreg s25  }
0xe: {  	s6 =	sshll.u32 s1, $0x8;
	s1 =	ssub.s32 $0x2, s1;
	[dreg:$0xb] =	wrdreg s26  }
0xf: {  	s19 =	simm.s32 $0xA100;
	s20 =	simm.s32 $0xA900;
	s21 =	simm.s32 $0xB100  }
0x10: {  	s23 =	simm.s32 $0xC100;
	s24 =	simm.s32 $0xC900;
	s25 =	simm.s32 $0xD100  }
0x11: {  	s26 =	simm.s32 $0xD900;
	s5 =	sor.u32 s6, s5;
	s22 =	sshrl.u32 s1, $0x1  }
0x12: {  	s6 =	sshll.u32 s5, $0x5;
	s5 =	sshrl.u32 s5, $0x3;
	s1 =	ssub.s32 s1, s22  }
0x13: {  	s22 =	simm.s32 $0xB900;
	s6 =	sadd.s32 s6, s3;
	s4 =	sadd.s32 s4, s5  }
0x14: {  	v2 =	vlaneseq.u32;
	s3 =	sadd.s32 $0x184C00, s3;
	s5 =	simm.s32 $0x2;
	[dreg:$0x3] =	wrdreg s4  }
0x15: {  	vm0 =	vmmov $0xffff;
	v1 =	vshrl.u32 v2, $0x3;
	s18 =	sadd.s32 $0x4C00, s6;
	s4 =	smax.u32 s1, $0x1;
	s6 =	simm.s32 $0x100  }
0x16: {  	v0 =	vand.u32 $0x7, v2;
	v2 =	vor.u32 $0x8, v2;
	v1 =	vmul.u32 $0x8, v1;
	s1 =	simm.s32 $0x1;
	[dreg:$0x4] =	wrdreg s18;
	s18 =	simm.s32 $0x9900  }
.LBB2_1:
0x17: {  	s0 =	rddreg [dreg:$0x3]  }
0x18: {  	[tilespmem:s2], [sflag:$0x2] =	stream.linear.gather [hbm4b:s0+s2], $0x100, $0x38;
	[tilespmem:$0x10100] =	vst v63  }
0x19: {  	_ =	swait.ge [sflag:s5], $0x100  }
0x1a: {  	[sflag:s5] =	ssyncset.done $0x0  }
0x1b: {  	[sflag:s5] =	ssyncadd.s32 $0xFFFFFF00  }
0x1c: {  	v3 =	vld [tilespmem:$0x0];
	_ =	sdelay $0x4  }
0x1d: {  	v4 =	vshll.u32 v3, $0x1  }
0x1e: {  	v3 =	vand.u32 $0x7, v3;
	v4 =	vand.u32 $0xFFFFFFF0, v4  }
0x1f: {  	v3 =	vor.u32 v3, v4  }
0x20: {  	v4 =	vperm.xlane v3, v0;
	_ =	sdelay $0x1  }
0x21: {  	v3 =	vperm.xlane v3, v2;
	v4 =	vadd.s32 v1, v4;
	_ =	sdelay $0x1  }
0x22: {  	v3 =	vadd.s32 v1, v3;
	_ =	sdelay $0x2  }
0x23: {  	[tilespmem:s6], [sflag:$0x1] =	stream.indirect_vreg.gather [hbm4b:s3+s2], $0x80, v4, vm0, $0xb8;
	[tilespmem:$0x10100] =	vst v63  }
0x24: {  	s7 =	rddreg [dreg:$0x5]  }
0x25: {  	[tilespmem:s7], [sflag:$0x1] =	stream.indirect_vreg.gather [hbm4b:s3+s2], $0x80, v3, vm0, $0xb8;
	[tilespmem:$0x10100] =	vst v63  }
0x26: {  	v3 =	vld [tilespmem:$0x10];
	_ =	sdelay $0x4  }
0x27: {  	v49 =	vshll.u32 v3, $0x1  }
0x28: {  	v3 =	vand.u32 $0x7, v3;
	v4 =	vand.u32 $0xFFFFFFF0, v49  }
0x29: {  	v3 =	vor.u32 v3, v4  }
0x2a: {  	v4 =	vperm.xlane v3, v0;
	_ =	sdelay $0x1  }
0x2b: {  	v3 =	vperm.xlane v3, v2;
	v4 =	vadd.s32 v1, v4;
	_ =	sdelay $0x1  }
0x2c: {  	v3 =	vadd.s32 v1, v3;
	_ =	sdelay $0x1  }
0x2d: {  	s0 =	rddreg [dreg:$0x6]  }
0x2e: {  	[tilespmem:s0], [sflag:$0x1] =	stream.indirect_vreg.gather [hbm4b:s3+s2], $0x80, v4, vm0, $0xb8;
	[tilespmem:$0x10100] =	vst v63  }
0x2f: {  	s7 =	rddreg [dreg:$0x7]  }
0x30: {  	[tilespmem:s7], [sflag:$0x1] =	stream.indirect_vreg.gather [hbm4b:s3+s2], $0x80, v3, vm0, $0xb8;
	[tilespmem:$0x10100] =	vst v63  }
0x31: {  	v3 =	vld [tilespmem:$0x20];
	_ =	sdelay $0x4  }
0x32: {  	v50 =	vshll.u32 v3, $0x1  }
0x33: {  	v3 =	vand.u32 $0x7, v3;
	v4 =	vand.u32 $0xFFFFFFF0, v50  }
0x34: {  	v3 =	vor.u32 v3, v4  }
0x35: {  	v4 =	vperm.xlane v3, v0;
	_ =	sdelay $0x1  }
0x36: {  	v3 =	vperm.xlane v3, v2;
	v4 =	vadd.s32 v1, v4;
	_ =	sdelay $0x1  }
0x37: {  	v3 =	vadd.s32 v1, v3;
	_ =	sdelay $0x1  }
0x38: {  	s0 =	rddreg [dreg:$0x8]  }
0x39: {  	[tilespmem:s0], [sflag:$0x1] =	stream.indirect_vreg.gather [hbm4b:s3+s2], $0x80, v4, vm0, $0xb8;
	[tilespmem:$0x10100] =	vst v63  }
0x3a: {  	s7 =	rddreg [dreg:$0x9]  }
0x3b: {  	[tilespmem:s7], [sflag:$0x1] =	stream.indirect_vreg.gather [hbm4b:s3+s2], $0x80, v3, vm0, $0xb8;
	[tilespmem:$0x10100] =	vst v63  }
0x3c: {  	v3 =	vld [tilespmem:$0x30];
	_ =	sdelay $0x4  }
0x3d: {  	v51 =	vshll.u32 v3, $0x1  }
0x3e: {  	v3 =	vand.u32 $0x7, v3;
	v4 =	vand.u32 $0xFFFFFFF0, v51  }
0x3f: {  	v3 =	vor.u32 v3, v4  }
0x40: {  	v4 =	vperm.xlane v3, v0;
	_ =	sdelay $0x1  }
0x41: {  	v3 =	vperm.xlane v3, v2;
	v4 =	vadd.s32 v1, v4;
	_ =	sdelay $0x1  }
0x42: {  	v3 =	vadd.s32 v1, v3;
	_ =	sdelay $0x1  }
0x43: {  	s0 =	rddreg [dreg:$0xa]  }
0x44: {  	[tilespmem:s0], [sflag:$0x1] =	stream.indirect_vreg.gather [hbm4b:s3+s2], $0x80, v4, vm0, $0xb8;
	[tilespmem:$0x10100] =	vst v63  }
0x45: {  	s7 =	rddreg [dreg:$0xb]  }
0x46: {  	[tilespmem:s7], [sflag:$0x1] =	stream.indirect_vreg.gather [hbm4b:s3+s2], $0x80, v3, vm0, $0xb8;
	[tilespmem:$0x10100] =	vst v63  }
0x47: {  	v3 =	vld [tilespmem:$0x40];
	_ =	sdelay $0x4  }
0x48: {  	v52 =	vshll.u32 v3, $0x1  }
0x49: {  	v3 =	vand.u32 $0x7, v3;
	v4 =	vand.u32 $0xFFFFFFF0, v52  }
0x4a: {  	v3 =	vor.u32 v3, v4  }
0x4b: {  	v4 =	vperm.xlane v3, v0;
	_ =	sdelay $0x1  }
0x4c: {  	v3 =	vperm.xlane v3, v2;
	v4 =	vadd.s32 v1, v4;
	_ =	sdelay $0x1  }
0x4d: {  	v3 =	vadd.s32 v1, v3;
	_ =	sdelay $0x1  }
0x4e: {  	s7 =	simm.s32 $0x4100  }
0x4f: {  	[tilespmem:s7], [sflag:$0x1] =	stream.indirect_vreg.gather [hbm4b:s3+s2], $0x80, v4, vm0, $0xb8;
	[tilespmem:$0x10100] =	vst v63  }
0x50: {  	_ = 	snop  }
0x51: {  	[tilespmem:s8], [sflag:$0x1] =	stream.indirect_vreg.gather [hbm4b:s3+s2], $0x80, v3, vm0, $0xb8;
	[tilespmem:$0x10100] =	vst v63  }
0x52: {  	v3 =	vld [tilespmem:$0x50];
	_ =	sdelay $0x4  }
0x53: {  	v53 =	vshll.u32 v3, $0x1  }
0x54: {  	v3 =	vand.u32 $0x7, v3;
	v4 =	vand.u32 $0xFFFFFFF0, v53  }
0x55: {  	v3 =	vor.u32 v3, v4  }
0x56: {  	v4 =	vperm.xlane v3, v0;
	_ =	sdelay $0x1  }
0x57: {  	v3 =	vperm.xlane v3, v2;
	v4 =	vadd.s32 v1, v4;
	_ =	sdelay $0x1  }
0x58: {  	v3 =	vadd.s32 v1, v3;
	_ =	sdelay $0x2  }
0x59: {  	[tilespmem:s9], [sflag:$0x1] =	stream.indirect_vreg.gather [hbm4b:s3+s2], $0x80, v4, vm0, $0xb8;
	[tilespmem:$0x10100] =	vst v63  }
0x5a: {  	_ = 	snop  }
0x5b: {  	[tilespmem:s10], [sflag:$0x1] =	stream.indirect_vreg.gather [hbm4b:s3+s2], $0x80, v3, vm0, $0xb8;
	[tilespmem:$0x10100] =	vst v63  }
0x5c: {  	v3 =	vld [tilespmem:$0x60];
	_ =	sdelay $0x4  }
0x5d: {  	v54 =	vshll.u32 v3, $0x1  }
0x5e: {  	v3 =	vand.u32 $0x7, v3;
	v4 =	vand.u32 $0xFFFFFFF0, v54  }
0x5f: {  	v3 =	vor.u32 v3, v4  }
0x60: {  	v4 =	vperm.xlane v3, v0;
	_ =	sdelay $0x1  }
0x61: {  	v3 =	vperm.xlane v3, v2;
	v4 =	vadd.s32 v1, v4;
	_ =	sdelay $0x1  }
0x62: {  	v3 =	vadd.s32 v1, v3;
	_ =	sdelay $0x2  }
0x63: {  	[tilespmem:s11], [sflag:$0x1] =	stream.indirect_vreg.gather [hbm4b:s3+s2], $0x80, v4, vm0, $0xb8;
	[tilespmem:$0x10100] =	vst v63  }
0x64: {  	_ = 	snop  }
0x65: {  	[tilespmem:s12], [sflag:$0x1] =	stream.indirect_vreg.gather [hbm4b:s3+s2], $0x80, v3, vm0, $0xb8;
	[tilespmem:$0x10100] =	vst v63  }
0x66: {  	v3 =	vld [tilespmem:$0x70];
	_ =	sdelay $0x4  }
0x67: {  	v55 =	vshll.u32 v3, $0x1  }
0x68: {  	v3 =	vand.u32 $0x7, v3;
	v4 =	vand.u32 $0xFFFFFFF0, v55  }
0x69: {  	v3 =	vor.u32 v3, v4  }
0x6a: {  	v4 =	vperm.xlane v3, v0;
	_ =	sdelay $0x1  }
0x6b: {  	v3 =	vperm.xlane v3, v2;
	v4 =	vadd.s32 v1, v4;
	_ =	sdelay $0x1  }
0x6c: {  	v3 =	vadd.s32 v1, v3;
	_ =	sdelay $0x2  }
0x6d: {  	[tilespmem:s13], [sflag:$0x1] =	stream.indirect_vreg.gather [hbm4b:s3+s2], $0x80, v4, vm0, $0xb8;
	[tilespmem:$0x10100] =	vst v63  }
0x6e: {  	_ = 	snop  }
0x6f: {  	[tilespmem:s14], [sflag:$0x1] =	stream.indirect_vreg.gather [hbm4b:s3+s2], $0x80, v3, vm0, $0xb8;
	[tilespmem:$0x10100] =	vst v63  }
0x70: {  	v3 =	vld [tilespmem:$0x80];
	_ =	sdelay $0x4  }
0x71: {  	v56 =	vshll.u32 v3, $0x1  }
0x72: {  	v3 =	vand.u32 $0x7, v3;
	v4 =	vand.u32 $0xFFFFFFF0, v56  }
0x73: {  	v3 =	vor.u32 v3, v4  }
0x74: {  	v4 =	vperm.xlane v3, v0;
	_ =	sdelay $0x1  }
0x75: {  	v3 =	vperm.xlane v3, v2;
	v4 =	vadd.s32 v1, v4;
	_ =	sdelay $0x1  }
0x76: {  	v3 =	vadd.s32 v1, v3;
	_ =	sdelay $0x2  }
0x77: {  	[tilespmem:s15], [sflag:$0x1] =	stream.indirect_vreg.gather [hbm4b:s3+s2], $0x80, v4, vm0, $0xb8;
	[tilespmem:$0x10100] =	vst v63  }
0x78: {  	_ = 	snop  }
0x79: {  	[tilespmem:s16], [sflag:$0x1] =	stream.indirect_vreg.gather [hbm4b:s3+s2], $0x80, v3, vm0, $0xb8;
	[tilespmem:$0x10100] =	vst v63  }
0x7a: {  	v3 =	vld [tilespmem:$0x90];
	_ =	sdelay $0x4  }
0x7b: {  	v57 =	vshll.u32 v3, $0x1  }
0x7c: {  	v3 =	vand.u32 $0x7, v3;
	v4 =	vand.u32 $0xFFFFFFF0, v57  }
0x7d: {  	v3 =	vor.u32 v3, v4  }
0x7e: {  	v4 =	vperm.xlane v3, v0;
	_ =	sdelay $0x1  }
0x7f: {  	v3 =	vperm.xlane v3, v2;
	v4 =	vadd.s32 v1, v4;
	_ =	sdelay $0x1  }
0x80: {  	v3 =	vadd.s32 v1, v3;
	_ =	sdelay $0x2  }
0x81: {  	[tilespmem:s17], [sflag:$0x1] =	stream.indirect_vreg.gather [hbm4b:s3+s2], $0x80, v4, vm0, $0xb8;
	[tilespmem:$0x10100] =	vst v63  }
0x82: {  	_ = 	snop  }
0x83: {  	[tilespmem:s18], [sflag:$0x1] =	stream.indirect_vreg.gather [hbm4b:s3+s2], $0x80, v3, vm0, $0xb8;
	[tilespmem:$0x10100] =	vst v63  }
0x84: {  	v3 =	vld [tilespmem:$0xA0];
	_ =	sdelay $0x4  }
0x85: {  	v58 =	vshll.u32 v3, $0x1  }
0x86: {  	v3 =	vand.u32 $0x7, v3;
	v4 =	vand.u32 $0xFFFFFFF0, v58  }
0x87: {  	v3 =	vor.u32 v3, v4  }
0x88: {  	v4 =	vperm.xlane v3, v0;
	_ =	sdelay $0x1  }
0x89: {  	v3 =	vperm.xlane v3, v2;
	v4 =	vadd.s32 v1, v4;
	_ =	sdelay $0x1  }
0x8a: {  	v3 =	vadd.s32 v1, v3;
	_ =	sdelay $0x2  }
0x8b: {  	[tilespmem:s19], [sflag:$0x1] =	stream.indirect_vreg.gather [hbm4b:s3+s2], $0x80, v4, vm0, $0xb8;
	[tilespmem:$0x10100] =	vst v63  }
0x8c: {  	_ = 	snop  }
0x8d: {  	[tilespmem:s20], [sflag:$0x1] =	stream.indirect_vreg.gather [hbm4b:s3+s2], $0x80, v3, vm0, $0xb8;
	[tilespmem:$0x10100] =	vst v63  }
0x8e: {  	v3 =	vld [tilespmem:$0xB0];
	_ =	sdelay $0x4  }
0x8f: {  	v59 =	vshll.u32 v3, $0x1  }
0x90: {  	v3 =	vand.u32 $0x7, v3;
	v4 =	vand.u32 $0xFFFFFFF0, v59  }
0x91: {  	v3 =	vor.u32 v3, v4  }
0x92: {  	v4 =	vperm.xlane v3, v0;
	_ =	sdelay $0x1  }
0x93: {  	v3 =	vperm.xlane v3, v2;
	v4 =	vadd.s32 v1, v4;
	_ =	sdelay $0x1  }
0x94: {  	v3 =	vadd.s32 v1, v3;
	_ =	sdelay $0x2  }
0x95: {  	[tilespmem:s21], [sflag:$0x1] =	stream.indirect_vreg.gather [hbm4b:s3+s2], $0x80, v4, vm0, $0xb8;
	[tilespmem:$0x10100] =	vst v63  }
0x96: {  	_ = 	snop  }
0x97: {  	[tilespmem:s22], [sflag:$0x1] =	stream.indirect_vreg.gather [hbm4b:s3+s2], $0x80, v3, vm0, $0xb8;
	[tilespmem:$0x10100] =	vst v63  }
0x98: {  	v3 =	vld [tilespmem:$0xC0];
	_ =	sdelay $0x4  }
0x99: {  	v60 =	vshll.u32 v3, $0x1  }
0x9a: {  	v3 =	vand.u32 $0x7, v3;
	v4 =	vand.u32 $0xFFFFFFF0, v60  }
0x9b: {  	v3 =	vor.u32 v3, v4  }
0x9c: {  	v4 =	vperm.xlane v3, v0;
	_ =	sdelay $0x1  }
0x9d: {  	v3 =	vperm.xlane v3, v2;
	v4 =	vadd.s32 v1, v4;
	_ =	sdelay $0x1  }
0x9e: {  	v3 =	vadd.s32 v1, v3;
	_ =	sdelay $0x2  }
0x9f: {  	[tilespmem:s23], [sflag:$0x1] =	stream.indirect_vreg.gather [hbm4b:s3+s2], $0x80, v4, vm0, $0xb8;
	[tilespmem:$0x10100] =	vst v63  }
0xa0: {  	_ = 	snop  }
0xa1: {  	[tilespmem:s24], [sflag:$0x1] =	stream.indirect_vreg.gather [hbm4b:s3+s2], $0x80, v3, vm0, $0xb8;
	[tilespmem:$0x10100] =	vst v63  }
0xa2: {  	v3 =	vld [tilespmem:$0xD0];
	_ =	sdelay $0x4  }
0xa3: {  	v61 =	vshll.u32 v3, $0x1  }
0xa4: {  	v3 =	vand.u32 $0x7, v3;
	v4 =	vand.u32 $0xFFFFFFF0, v61  }
0xa5: {  	v3 =	vor.u32 v3, v4  }
0xa6: {  	v4 =	vperm.xlane v3, v0;
	_ =	sdelay $0x1  }
0xa7: {  	v3 =	vperm.xlane v3, v2;
	v4 =	vadd.s32 v1, v4;
	_ =	sdelay $0x1  }
0xa8: {  	v3 =	vadd.s32 v1, v3;
	_ =	sdelay $0x2  }
0xa9: {  	[tilespmem:s25], [sflag:$0x1] =	stream.indirect_vreg.gather [hbm4b:s3+s2], $0x80, v4, vm0, $0xb8;
	[tilespmem:$0x10100] =	vst v63  }
0xaa: {  	_ = 	snop  }
0xab: {  	[tilespmem:s26], [sflag:$0x1] =	stream.indirect_vreg.gather [hbm4b:s3+s2], $0x80, v3, vm0, $0xb8;
	[tilespmem:$0x10100] =	vst v63  }
0xac: {  	v3 =	vld [tilespmem:$0xE0];
	_ =	sdelay $0x4  }
0xad: {  	v62 =	vshll.u32 v3, $0x1  }
0xae: {  	v3 =	vand.u32 $0x7, v3;
	v4 =	vand.u32 $0xFFFFFFF0, v62  }
0xaf: {  	v3 =	vor.u32 v3, v4  }
0xb0: {  	v4 =	vperm.xlane v3, v0;
	_ =	sdelay $0x1  }
0xb1: {  	v3 =	vperm.xlane v3, v2;
	v4 =	vadd.s32 v1, v4;
	_ =	sdelay $0x1  }
0xb2: {  	v3 =	vadd.s32 v1, v3;
	_ =	sdelay $0x2  }
0xb3: {  	[tilespmem:s28], [sflag:$0x1] =	stream.indirect_vreg.gather [hbm4b:s3+s2], $0x80, v4, vm0, $0xb8;
	[tilespmem:$0x10100] =	vst v63  }
0xb4: {  	_ = 	snop  }
0xb5: {  	[tilespmem:s29], [sflag:$0x1] =	stream.indirect_vreg.gather [hbm4b:s3+s2], $0x80, v3, vm0, $0xb8;
	[tilespmem:$0x10100] =	vst v63  }
0xb6: {  	v3 =	vld [tilespmem:$0xF0];
	_ =	sdelay $0x4  }
0xb7: {  	v63 =	vshll.u32 v3, $0x1  }
0xb8: {  	v3 =	vand.u32 $0x7, v3;
	v4 =	vand.u32 $0xFFFFFFF0, v63  }
0xb9: {  	v3 =	vor.u32 v3, v4  }
0xba: {  	v4 =	vperm.xlane v3, v0;
	_ =	sdelay $0x1  }
0xbb: {  	v3 =	vperm.xlane v3, v2;
	v4 =	vadd.s32 v1, v4;
	_ =	sdelay $0x1  }
0xbc: {  	v3 =	vadd.s32 v1, v3;
	_ =	sdelay $0x2  }
0xbd: {  	[tilespmem:s30], [sflag:$0x1] =	stream.indirect_vreg.gather [hbm4b:s3+s2], $0x80, v4, vm0, $0xb8;
	[tilespmem:$0x10100] =	vst v63  }
0xbe: {  	_ = 	snop  }
0xbf: {  	[tilespmem:s31], [sflag:$0x1] =	stream.indirect_vreg.gather [hbm4b:s3+s2], $0x80, v3, vm0, $0xb8;
	[tilespmem:$0x10100] =	vst v63  }
0xc0: {  	_ =	swait.ge [sflag:s1], $0x10000  }
0xc1: {  	p0 =	sne.s32 s4, $0x1;
	[sflag:s1] =	ssyncset.done $0x0  }
.Ltmp0:
0xc2: {  	s7 =	rddreg [dreg:$0x4];
	[sflag:s1] =	ssyncadd.s32 $0xFFFF0000;
	(pc) =	sbr.rel @p0 .LBB2_1-.Ltmp0, $4  }
0xc3: {  	[hbm4b:s7+s2] =	stream.linear.scatter [tilespmem:s6], [sflag:$0x2], $0x10000, $0x38;
	[tilespmem:$0x10100] =	vst v63  }
0xc4: {  	_ =	swait.ge [sflag:s5], $0x10000  }
0xc5: {  	[sflag:s5] =	ssyncset.done $0x0  }
0xc6: {  	s4 =	sadd.s32 $0xFFFFFFFF, s4;
	[sflag:s5] =	ssyncadd.s32 $0xFFFF0000  }
0xc7: {  	_ =	sfence.sel $0x180000  }
0xc8: {  	[bflag:$0x0] =	sbarrier.arrive $0xFFFF  }
0xc9: {  	_ =	strace $0x90000047  }
0xca: {  	s0 =	stileid.u32;
	[bflag:$0x2] =	sbarrier.arrive $0xFFFF  }
0xcb: {  	p0 =	sne.s32 s0, $0x0;
	s0 =	rddreg [dreg:$0x2]  }
0xcc: {  	s0 =	sadd.s32 @!p0 $0x100000, s0  }
0xcd: {  	[sflag:s0] =	ssyncadd.tile.s32 @!p0 $0x1;
	_ =	shalt  }
.Lfunc_end2:
_tile_overlayer_lowered:
.L_overlay_start_2:
0xce: {  	(tag) =	ssettag $0x2  }
0xcf: {  	s0 =	rddreg [dreg:$0x0];
	s2 =	stileid.u32  }
0xd0: {  	s1 =	rddreg [dreg:$0x1];
	p0 =	sne.s32 s2, $0x0  }
0xd1: {  	s3 =	rddreg [dreg:$0x2];
	[bflag:$0x3] =	sbarrier.arrive $0xFFFF;
	s2 =	simm.s32 @!p0 $0x1C02  }
0xd2: {  	[timem:s3], [sflag:s2] =	dma.local @!p0 [hbm:s0], s1  }
0xd3: {  	s0 =	simm.s32 @!p0 $0x2  }
0xd4: {  	_ =	swait.ge @!p0 [sflag:s0], s1  }
0xd5: {  	s1 =	ssub.s32 @!p0 $0x0, s1;
	[sflag:s0] =	ssyncset.done @!p0 $0x0  }
0xd6: {  	[sflag:s0] =	ssyncadd.s32 @!p0 s1  }
0xd7: {  	[bflag:$0x3] =	sbarrier.arrive $0xFFFF  }
0xd8: {  	_ =	shalt  }

// kernel: kernel.15.cloned.1.call-start
scs
__scs_entry_jumppad:
0x0: {  	(pc) =	sbr.rel $0x88, $3  }
0x1: {  	(tag) =	ssettag $0x0;
	lr =	simm.s32 $0x1  }
0x2: {  	[smem:$0x3F9E] =	sst lr;
	_ =	strace $0xD0000000  }
0x3: {  	_ = 	snop  }
0x4: {  	_ = 	snop  }
0x5: {  	_ = 	snop  }
0x6: {  	_ = 	snop  }
0x7: {  	_ = 	snop  }
__scs_overlays_trampoline_lowered:
0x8: {  	[smem:$0x3FAD] =	sst s0  }
0x9: {  	[smem:$0x3FAE] =	sst s1  }
0xa: {  	[smem:$0x3FAF] =	sst s2  }
0xb: {  	[smem:$0x3FB0] =	sst s3  }
0xc: {  	[smem:$0x3FB1] =	sst s4  }
0xd: {  	[smem:$0x3FB2] =	sst s5  }
0xe: {  	[smem:$0x3FB3] =	sst s6  }
0xf: {  	[smem:$0x3FB4] =	sst s7  }
0x10: {  	[smem:$0x3FB5] =	sst s8  }
0x11: {  	[smem:$0x3FB6] =	sst s9;
	s0 =	simm.s32 @!p0 $0x0  }
0x12: {  	s1 =	sld [smem:$0x3F9C];
	s0 =	simm.s32 @p0 $0x1  }
0x13: {  	[smem:$0x3FB7] =	sst s0;
	s0 =	simm.s32 @!p1 $0x0  }
0x14: {  	s2 =	sld [smem:$0x3F9B];
	s0 =	simm.s32 @p1 $0x1  }
0x15: {  	[smem:$0x3FB8] =	sst s0;
	s0 =	simm.s32 @!p2 $0x0  }
0x16: {  	s3 =	sld [smem:$0x3FDB];
	s0 =	simm.s32 @p2 $0x1  }
0x17: {  	s4 =	simm.s32 $0x1BF5;
	[smem:$0x3FBA] =	sst s0  }
0x18: {  	s0 =	sld [smem:$0x3F9D];
	_ =	swait.ge [sflag:s4], $0x0  }
0x19: {  	s7 =	sld [smem:$0x3F9E]  }
0x1a: {  	s8 =	sadd.s32 $0xFFFFE003, lr  }
0x1b: {  	s9 =	sadd.s32 $0xFFFFFEF7, lr;
	s5 =	simm.s32 $0xFFFFFFFF;
	p2 =	slt.u32 s8, $0xFFFFF086  }
0x1c: {  	p1 =	slt.u32 s9, $0xF7A;
	s5 =	simm.s32 @!p2 $0x0  }
0x1d: {  	s5 =	simm.s32 @p1 $0x1;
	p0 =	seq.s32 s7, s2  }
0x1e: {  	s7 =	smul.u32 @!p0 $0xF7A, s2;
	p2 =	seq.s32 @!p0 s5, $0x0  }
0x1f: {  	s9 =	smul.u32 $0xF7A, s1;
	s8 =	simm.s32 @!p0 $0x1BF5;
	p2 =	por !p2, p0  }
0x20: {  	[sflag:s8] =	ssyncset.s32 @!p0 $0xFFFFF086;
	s6 =	sadd.s32 @!p0 s3, s7;
	s7 =	simm.s32 @!p0 $0x108  }
0x21: {  	s3 =	sadd.s32 s3, s9;
	s6 =	sadd.s32 @!p0 $0x88, s6;
	s7 =	simm.s32 @p2 $0x1082  }
0x22: {  	[simem:s7], [sflag:s8] =	dma.local @!p0 [hbm:s6], $0xF7A  }
0x23: {  	s9 =	sor.u32 $0xD0000000, s2;
	s6 =	simm.s32 $0x108;
	_ =	swait.ge @!p0 [sflag:s8], $0x0  }
0x24: {  	s3 =	sadd.s32 $0x88, s3;
	s6 =	simm.s32 @!p1 $0x1082;
	[sflag:s4] =	ssyncset.s32 $0xFFFFF086  }
0x25: {  	[simem:s6], [sflag:s4] =	dma.local [hbm:s3], $0xF7A  }
0x26: {  	[smem:$0x3F9E] =	sst s1;
	(tag) =	ssettag s2;
	_ =	strace s9  }
0x27: {  	s1 =	sld [smem:$0x3FAE]  }
0x28: {  	s2 =	sld [smem:$0x3FAF]  }
0x29: {  	s4 =	sld [smem:$0x3FB1]  }
0x2a: {  	p0 =	seq.s32 s5, $0x0;
	s5 =	sld [smem:$0x3FB2]  }
0x2b: {  	s6 =	sld [smem:$0x3FB3]  }
0x2c: {  	s7 =	sld [smem:$0x3FB4]  }
0x2d: {  	s3 =	simm.s32 $0x108;
	s8 =	sld [smem:$0x3FB5]  }
0x2e: {  	s3 =	simm.s32 @!p0 $0x1082;
	s9 =	sld [smem:$0x3FB6]  }
0x2f: {  	lr =	sadd.s32 s0, s3;
	s0 =	sld [smem:$0x3FAD]  }
0x30: {  	s3 =	sld [smem:$0x3FB0]  }
0x31: {  	[smem:$0x3FB9] =	sst s10  }
0x32: {  	s10 =	sld [smem:$0x3FB7];
	_ =	sdelay $0x3  }
0x33: {  	p0 =	seq.s32 s10, $0x1;
	s10 =	sld [smem:$0x3FB9];
	_ =	sdelay $0x3  }
0x34: {  	[smem:$0x3FB9] =	sst s10  }
0x35: {  	s10 =	sld [smem:$0x3FB8];
	_ =	sdelay $0x3  }
0x36: {  	p1 =	seq.s32 s10, $0x1;
	s10 =	sld [smem:$0x3FB9];
	_ =	sdelay $0x3  }
0x37: {  	[smem:$0x3FB9] =	sst s10  }
0x38: {  	s10 =	sld [smem:$0x3FBA]  }
0x39: {  	_ = 	snop;
	(pc) =	sbr.ind lr, $3  }
0x3a: {  	_ = 	snop  }
0x3b: {  	_ = 	snop  }
0x3c: {  	p2 =	seq.s32 s10, $0x1;
	s10 =	sld [smem:$0x3FB9]  }
0x3d: {  	_ =	shalt  }
0x3e: {  	_ =	shalt  }
0x3f: {  	_ =	shalt  }
0x40: {  	_ =	shalt  }
0x41: {  	_ =	shalt  }
0x42: {  	_ =	shalt  }
0x43: {  	_ =	shalt  }
0x44: {  	_ =	shalt  }
0x45: {  	_ =	shalt  }
0x46: {  	_ =	shalt  }
0x47: {  	_ =	shalt  }
0x48: {  	_ =	shalt  }
0x49: {  	_ =	shalt  }
0x4a: {  	_ =	shalt  }
0x4b: {  	_ =	shalt  }
0x4c: {  	_ =	shalt  }
0x4d: {  	_ =	shalt  }
0x4e: {  	_ =	shalt  }
0x4f: {  	_ =	shalt  }
0x50: {  	_ =	shalt  }
0x51: {  	_ =	shalt  }
0x52: {  	_ =	shalt  }
0x53: {  	_ =	shalt  }
0x54: {  	_ =	shalt  }
0x55: {  	_ =	shalt  }
0x56: {  	_ =	shalt  }
0x57: {  	_ =	shalt  }
0x58: {  	_ =	shalt  }
0x59: {  	_ =	shalt  }
0x5a: {  	_ =	shalt  }
0x5b: {  	_ =	shalt  }
0x5c: {  	_ =	shalt  }
0x5d: {  	_ =	shalt  }
0x5e: {  	_ =	shalt  }
0x5f: {  	_ =	shalt  }
0x60: {  	_ =	shalt  }
0x61: {  	_ =	shalt  }
0x62: {  	_ =	shalt  }
0x63: {  	_ =	shalt  }
0x64: {  	_ =	shalt  }
0x65: {  	_ =	shalt  }
0x66: {  	_ =	shalt  }
0x67: {  	_ =	shalt  }
0x68: {  	_ =	shalt  }
0x69: {  	_ =	shalt  }
0x6a: {  	_ =	shalt  }
0x6b: {  	_ =	shalt  }
0x6c: {  	_ =	shalt  }
0x6d: {  	_ =	shalt  }
0x6e: {  	_ =	shalt  }
0x6f: {  	_ =	shalt  }
0x70: {  	_ =	shalt  }
0x71: {  	_ =	shalt  }
0x72: {  	_ =	shalt  }
0x73: {  	_ =	shalt  }
0x74: {  	_ =	shalt  }
0x75: {  	_ =	shalt  }
0x76: {  	_ =	shalt  }
0x77: {  	_ =	shalt  }
0x78: {  	_ =	shalt  }
0x79: {  	_ =	shalt  }
0x7a: {  	_ =	shalt  }
0x7b: {  	_ =	shalt  }
0x7c: {  	_ =	shalt  }
0x7d: {  	_ =	shalt  }
0x7e: {  	_ =	shalt  }
0x7f: {  	_ =	shalt  }
0x80: {  	_ =	shalt  }
0x81: {  	_ =	shalt  }
0x82: {  	_ =	shalt  }
0x83: {  	_ =	shalt  }
0x84: {  	_ =	shalt  }
0x85: {  	_ =	shalt  }
0x86: {  	_ =	shalt  }
0x87: {  	_ =	shalt  }
.Lfunc_end0:
.L_simem_size_0:
called_computation.1_lowered:
.L_overlay_start_0:
0x88: {  	s2 =	sld [smem:$0x3FD9]  }
0x89: {  	s3 =	sld [smem:$0x3FFE];
	_ =	sdelay $0x1  }
0x8a: {  	s1 =	srdreg.scid  }
0x8b: {  	s0 =	sand.u32 $0x1, s1  }
0x8c: {  	s16 =	sshll.u32 s0, $0xA;
	s2 =	sadd.s32 s3, s2  }
0x8d: {  	s2 =	sadd.s32 s2, s16  }
0x8e: {  	[smem:$0x3FC5] =	sst s2  }
0x8f: {  	_ = 	snop  }
0x90: {  	(tm) =	ssettm $0x1  }
0x91: {  	s17 =	sld [smem:$0x3FFB];
	_ =	sdelay $0x3  }
0x92: {  	_ =	strace s17  }
0x93: {  	s2 =	sld [smem:$0x3FFC];
	_ =	sdelay $0x3  }
0x94: {  	_ =	strace s2  }
0x95: {  	s2 =	sld [smem:$0x3FFD];
	_ =	sdelay $0x3  }
0x96: {  	_ =	strace s2  }
0x97: {  	_ =	strace $0x8FFFFFFF  }
0x98: {  	s18 =	sld [smem:$0x3FDB];
	_ =	sdelay $0x1  }
0x99: {  	s19 =	simm.s32 $_scs_section_size  }
0x9a: {  	s4 =	simm.s32 $_size__tile_overlayer_lowered;
	s5 =	simm.s32 $_tile_overlayer_lowered  }
0x9b: {  	s22 =	simm.s32 $0x1BFF;
	s21 =	sshll.u32 s5, $0x1;
	s2 =	sadd.s32 s19, s18  }
0x9c: {  	s6 =	simm.s32 $0x0;
	s20 =	sshll.u32 s4, $0x1;
	s4 =	sadd.s32 s21, s2  }
0x9d: {  	[timem:s6], [sflag:s22] =	dma.local [hbm:s4], s20  }
0x9e: {  	_ =	swait.ge [sflag:s22], s20  }
0x9f: {  	s3 =	ssub.s32 $0x0, s20;
	[sflag:s22] =	ssyncset.done $0x0  }
0xa0: {  	[sflag:s22] =	ssyncadd.s32 s3;
	_ =	sdelay $0x1  }
0xa1: {  	s23 =	simm.s32 $0x1B8B  }
0xa2: {  	_ =	swait.ge [sflag:s23], $0x1  }
0xa3: {  	[sflag:s23] =	ssyncset.done $0x0  }
0xa4: {  	s25 =	simm.s32 $0x1B8E;
	s24 =	sld [smem:$0x3FFE];
	[sflag:s23] =	ssyncadd.s32 $0xFFFFFFFF  }
0xa5: {  	s26 =	simm.s32 $execute0_lowered;
	[smem:$0x3FD2] =	sst s25  }
0xa6: {  	s4 =	sshll.u32 s26, $0x1;
	_ =	strace $0x80000049;
	[dreg:$0x1] =	wrdreg $0xFFFFFFFF  }
0xa7: {  	s28 =	simm.s32 $_size_execute0_lowered;
	s2 =	sadd.s32 s2, s4;
	[dreg:$0x0] =	wrdreg $0x0  }
0xa8: {  	s4 =	sshll.u32 s28, $0x1;
	[dreg:$0x2] =	wrdreg s2  }
0xa9: {  	[dreg:$0x3] =	wrdreg s4  }
0xaa: {  	[dreg:$0x4] =	wrdreg $0xC0  }
0xab: {  	_ =	task [dreg:s6], $0x5FFFF  }
0xac: {  	[dreg:$0x1] =	wrdreg $0xFFFFFFFF  }
0xad: {  	[dreg:$0x0] =	wrdreg $0x60  }
0xae: {  	[dreg:$0x2] =	wrdreg s24  }
0xaf: {  	[dreg:$0x3] =	wrdreg $0x9  }
0xb0: {  	_ =	task.clear_ibuf [dreg:s6], $0x4FFFF;
	_ =	strace $0x90000049  }
0xb1: {  	s29 =	simm.s32 $0x9;
	_ =	strace $0x8000004B  }
0xb2: {  	_ =	swait.ge [sflag:s29], $0x1  }
0xb3: {  	[sflag:s29] =	ssyncadd.s32 $0xFFFFFFFF  }
0xb4: {  	_ =	strace $0x9000004B  }
0xb5: {  	_ =	sfence  }
0xb6: {  	s30 =	sld [smem:$0x0];
	_ =	sdelay $0x2  }
0xb7: {  	s31 =	sshll.u32 s1, $0xD;
	s1 =	sshrl.u32 s1, $0x2  }
0xb8: {  	s3 =	sand.u32 $0x4000, s31;
	s1 =	sadd.s32 s1, s30  }
0xb9: {  	s0 =	sor.u32 s3, s0;
	s1 =	sshll.u32 s1, $0x11  }
0xba: {  	s0 =	sor.u32 s1, s0  }
0xbb: {  	s0 =	sadd.s32 $0x8F2B, s0  }
0xbc: {  	[sflag:s0] =	ssyncadd.remote.s32 $0x1  }
0xbd: {  	_ =	sfence.sel $0xFFFF  }
0xbe: {  	[dreg:$0x0] =	wrdreg $0xFFFFFFFF;
	(pc) =	sbr.abs _section_cstart, $3  }
0xbf: {  	[dreg:$0x1] =	wrdreg $0xFFFFFFFF  }
0xc0: {  	_ =	task.clear_ibuf [dreg:s6], $0x2FFFF;
	_ =	strace $0x9FFFFFFF  }
0xc1: {  	(tm) =	ssettm $0x7FFFFFFF  }
tec
execute0_lowered:
.L_overlay_start_1:
0x0: {  	(tag) =	ssettag $0x1  }
0x1: {  	s1 =	srdreg.scid  }
0x2: {  	s0 =	stileid.u32;
	s4 =	rddreg [dreg:$0x0]  }
0x3: {  	s19 =	simm.s32 $0x900;
	s20 =	simm.s32 $0x1100;
	s21 =	simm.s32 $0x1900  }
0x4: {  	s23 =	simm.s32 $0x2100;
	s24 =	simm.s32 $0x2900;
	s25 =	simm.s32 $0x3100  }
0x5: {  	s26 =	simm.s32 $0x3900;
	s6 =	simm.s32 $0x100;
	s8 =	simm.s32 $0x4900  }
0x6: {  	s9 =	simm.s32 $0x5100;
	s10 =	simm.s32 $0x5900;
	s11 =	simm.s32 $0x6100  }
0x7: {  	s12 =	simm.s32 $0x6900;
	s13 =	simm.s32 $0x7100;
	s1 =	sand.u32 $0x1, s1  }
0x8: {  	s14 =	simm.s32 $0x7900;
	s2 =	sshll.u32 s0, $0x9;
	s3 =	sshll.u32 s1, $0x8  }
0x9: {  	s15 =	simm.s32 $0x8100;
	s3 =	sor.u32 s3, s2;
	s2 =	simm.s32 $0x0  }
0xa: {  	s16 =	simm.s32 $0x8900;
	s17 =	simm.s32 $0x9100;
	[smem:$0x7FF] =	sst s2  }
0xb: {  	s18 =	simm.s32 $0x9900;
	_ =	strace $0x8000004A;
	[dreg:$0x4] =	wrdreg s19  }
0xc: {  	s28 =	simm.s32 $0xE100;
	s29 =	simm.s32 $0xE900;
	[dreg:$0x5] =	wrdreg s20  }
0xd: {  	s30 =	simm.s32 $0xF100;
	s1 =	ssub.s32 $0x2, s1;
	[dreg:$0x6] =	wrdreg s21  }
0xe: {  	s31 =	simm.s32 $0xF900;
	s22 =	sshrl.u32 s1, $0x1;
	[dreg:$0x7] =	wrdreg s23  }
0xf: {  	s5 =	sshrl.u32 s3, $0x3;
	s3 =	sshll.u32 s3, $0x5;
	[dreg:$0x8] =	wrdreg s24  }
0x10: {  	s1 =	ssub.s32 s1, s22;
	s22 =	simm.s32 $0xB900;
	[dreg:$0x9] =	wrdreg s25  }
0x11: {  	s5 =	sadd.s32 s5, s4;
	s3 =	sadd.s32 s3, s4;
	[dreg:$0xa] =	wrdreg s26  }
0x12: {  	s19 =	simm.s32 $0xA100;
	s20 =	simm.s32 $0xA900;
	s21 =	simm.s32 $0xB100  }
0x13: {  	s23 =	simm.s32 $0xC100;
	s24 =	simm.s32 $0xC900;
	s5 =	sadd.s32 $0x184E00, s5  }
0x14: {  	v2 =	vlaneseq.u32;
	s25 =	simm.s32 $0xD100;
	s3 =	sadd.s32 $0x44C00, s3;
	[dreg:$0x2] =	wrdreg s5  }
0x15: {  	vm0 =	vmmov $0xffff;
	v1 =	vshrl.u32 v2, $0x3;
	s26 =	simm.s32 $0xD900;
	[dreg:$0x3] =	wrdreg s3;
	s3 =	sadd.s32 $0x1C4C00, s4  }
0x16: {  	v0 =	vand.u32 $0x7, v2;
	v2 =	vor.u32 $0x8, v2;
	v1 =	vmul.u32 $0x8, v1;
	s4 =	smax.u32 s1, $0x1;
	s5 =	simm.s32 $0x2;
	s1 =	simm.s32 $0x1  }
.LBB2_1:
0x17: {  	s0 =	rddreg [dreg:$0x2]  }
0x18: {  	[tilespmem:s2], [sflag:$0x2] =	stream.linear.gather [hbm4b:s0+s2], $0x100, $0x38;
	[tilespmem:$0x10100] =	vst v63  }
0x19: {  	_ =	swait.ge [sflag:s5], $0x100  }
0x1a: {  	[sflag:s5] =	ssyncset.done $0x0  }
0x1b: {  	[sflag:s5] =	ssyncadd.s32 $0xFFFFFF00  }
0x1c: {  	v3 =	vld [tilespmem:$0x0];
	_ =	sdelay $0x4  }
0x1d: {  	v4 =	vshll.u32 v3, $0x1  }
0x1e: {  	v3 =	vand.u32 $0x7, v3;
	v4 =	vand.u32 $0xFFFFFFF0, v4  }
0x1f: {  	v3 =	vor.u32 v3, v4  }
0x20: {  	v4 =	vperm.xlane v3, v0;
	_ =	sdelay $0x1  }
0x21: {  	v3 =	vperm.xlane v3, v2;
	v4 =	vadd.s32 v1, v4;
	_ =	sdelay $0x1  }
0x22: {  	v3 =	vadd.s32 v1, v3;
	_ =	sdelay $0x2  }
0x23: {  	[tilespmem:s6], [sflag:$0x1] =	stream.indirect_vreg.gather [hbm4b:s3+s2], $0x80, v4, vm0, $0xb8;
	[tilespmem:$0x10100] =	vst v63  }
0x24: {  	s7 =	rddreg [dreg:$0x4]  }
0x25: {  	[tilespmem:s7], [sflag:$0x1] =	stream.indirect_vreg.gather [hbm4b:s3+s2], $0x80, v3, vm0, $0xb8;
	[tilespmem:$0x10100] =	vst v63  }
0x26: {  	v3 =	vld [tilespmem:$0x10];
	_ =	sdelay $0x4  }
0x27: {  	v49 =	vshll.u32 v3, $0x1  }
0x28: {  	v3 =	vand.u32 $0x7, v3;
	v4 =	vand.u32 $0xFFFFFFF0, v49  }
0x29: {  	v3 =	vor.u32 v3, v4  }
0x2a: {  	v4 =	vperm.xlane v3, v0;
	_ =	sdelay $0x1  }
0x2b: {  	v3 =	vperm.xlane v3, v2;
	v4 =	vadd.s32 v1, v4;
	_ =	sdelay $0x1  }
0x2c: {  	v3 =	vadd.s32 v1, v3;
	_ =	sdelay $0x1  }
0x2d: {  	s0 =	rddreg [dreg:$0x5]  }
0x2e: {  	[tilespmem:s0], [sflag:$0x1] =	stream.indirect_vreg.gather [hbm4b:s3+s2], $0x80, v4, vm0, $0xb8;
	[tilespmem:$0x10100] =	vst v63  }
0x2f: {  	s7 =	rddreg [dreg:$0x6]  }
0x30: {  	[tilespmem:s7], [sflag:$0x1] =	stream.indirect_vreg.gather [hbm4b:s3+s2], $0x80, v3, vm0, $0xb8;
	[tilespmem:$0x10100] =	vst v63  }
0x31: {  	v3 =	vld [tilespmem:$0x20];
	_ =	sdelay $0x4  }
0x32: {  	v50 =	vshll.u32 v3, $0x1  }
0x33: {  	v3 =	vand.u32 $0x7, v3;
	v4 =	vand.u32 $0xFFFFFFF0, v50  }
0x34: {  	v3 =	vor.u32 v3, v4  }
0x35: {  	v4 =	vperm.xlane v3, v0;
	_ =	sdelay $0x1  }
0x36: {  	v3 =	vperm.xlane v3, v2;
	v4 =	vadd.s32 v1, v4;
	_ =	sdelay $0x1  }
0x37: {  	v3 =	vadd.s32 v1, v3;
	_ =	sdelay $0x1  }
0x38: {  	s0 =	rddreg [dreg:$0x7]  }
0x39: {  	[tilespmem:s0], [sflag:$0x1] =	stream.indirect_vreg.gather [hbm4b:s3+s2], $0x80, v4, vm0, $0xb8;
	[tilespmem:$0x10100] =	vst v63  }
0x3a: {  	s7 =	rddreg [dreg:$0x8]  }
0x3b: {  	[tilespmem:s7], [sflag:$0x1] =	stream.indirect_vreg.gather [hbm4b:s3+s2], $0x80, v3, vm0, $0xb8;
	[tilespmem:$0x10100] =	vst v63  }
0x3c: {  	v3 =	vld [tilespmem:$0x30];
	_ =	sdelay $0x4  }
0x3d: {  	v51 =	vshll.u32 v3, $0x1  }
0x3e: {  	v3 =	vand.u32 $0x7, v3;
	v4 =	vand.u32 $0xFFFFFFF0, v51  }
0x3f: {  	v3 =	vor.u32 v3, v4  }
0x40: {  	v4 =	vperm.xlane v3, v0;
	_ =	sdelay $0x1  }
0x41: {  	v3 =	vperm.xlane v3, v2;
	v4 =	vadd.s32 v1, v4;
	_ =	sdelay $0x1  }
0x42: {  	v3 =	vadd.s32 v1, v3;
	_ =	sdelay $0x1  }
0x43: {  	s0 =	rddreg [dreg:$0x9]  }
0x44: {  	[tilespmem:s0], [sflag:$0x1] =	stream.indirect_vreg.gather [hbm4b:s3+s2], $0x80, v4, vm0, $0xb8;
	[tilespmem:$0x10100] =	vst v63  }
0x45: {  	s7 =	rddreg [dreg:$0xa]  }
0x46: {  	[tilespmem:s7], [sflag:$0x1] =	stream.indirect_vreg.gather [hbm4b:s3+s2], $0x80, v3, vm0, $0xb8;
	[tilespmem:$0x10100] =	vst v63  }
0x47: {  	v3 =	vld [tilespmem:$0x40];
	_ =	sdelay $0x4  }
0x48: {  	v52 =	vshll.u32 v3, $0x1  }
0x49: {  	v3 =	vand.u32 $0x7, v3;
	v4 =	vand.u32 $0xFFFFFFF0, v52  }
0x4a: {  	v3 =	vor.u32 v3, v4  }
0x4b: {  	v4 =	vperm.xlane v3, v0;
	_ =	sdelay $0x1  }
0x4c: {  	v3 =	vperm.xlane v3, v2;
	v4 =	vadd.s32 v1, v4;
	_ =	sdelay $0x1  }
0x4d: {  	v3 =	vadd.s32 v1, v3;
	_ =	sdelay $0x1  }
0x4e: {  	s7 =	simm.s32 $0x4100  }
0x4f: {  	[tilespmem:s7], [sflag:$0x1] =	stream.indirect_vreg.gather [hbm4b:s3+s2], $0x80, v4, vm0, $0xb8;
	[tilespmem:$0x10100] =	vst v63  }
0x50: {  	_ = 	snop  }
0x51: {  	[tilespmem:s8], [sflag:$0x1] =	stream.indirect_vreg.gather [hbm4b:s3+s2], $0x80, v3, vm0, $0xb8;
	[tilespmem:$0x10100] =	vst v63  }
0x52: {  	v3 =	vld [tilespmem:$0x50];
	_ =	sdelay $0x4  }
0x53: {  	v53 =	vshll.u32 v3, $0x1  }
0x54: {  	v3 =	vand.u32 $0x7, v3;
	v4 =	vand.u32 $0xFFFFFFF0, v53  }
0x55: {  	v3 =	vor.u32 v3, v4  }
0x56: {  	v4 =	vperm.xlane v3, v0;
	_ =	sdelay $0x1  }
0x57: {  	v3 =	vperm.xlane v3, v2;
	v4 =	vadd.s32 v1, v4;
	_ =	sdelay $0x1  }
0x58: {  	v3 =	vadd.s32 v1, v3;
	_ =	sdelay $0x2  }
0x59: {  	[tilespmem:s9], [sflag:$0x1] =	stream.indirect_vreg.gather [hbm4b:s3+s2], $0x80, v4, vm0, $0xb8;
	[tilespmem:$0x10100] =	vst v63  }
0x5a: {  	_ = 	snop  }
0x5b: {  	[tilespmem:s10], [sflag:$0x1] =	stream.indirect_vreg.gather [hbm4b:s3+s2], $0x80, v3, vm0, $0xb8;
	[tilespmem:$0x10100] =	vst v63  }
0x5c: {  	v3 =	vld [tilespmem:$0x60];
	_ =	sdelay $0x4  }
0x5d: {  	v54 =	vshll.u32 v3, $0x1  }
0x5e: {  	v3 =	vand.u32 $0x7, v3;
	v4 =	vand.u32 $0xFFFFFFF0, v54  }
0x5f: {  	v3 =	vor.u32 v3, v4  }
0x60: {  	v4 =	vperm.xlane v3, v0;
	_ =	sdelay $0x1  }
0x61: {  	v3 =	vperm.xlane v3, v2;
	v4 =	vadd.s32 v1, v4;
	_ =	sdelay $0x1  }
0x62: {  	v3 =	vadd.s32 v1, v3;
	_ =	sdelay $0x2  }
0x63: {  	[tilespmem:s11], [sflag:$0x1] =	stream.indirect_vreg.gather [hbm4b:s3+s2], $0x80, v4, vm0, $0xb8;
	[tilespmem:$0x10100] =	vst v63  }
0x64: {  	_ = 	snop  }
0x65: {  	[tilespmem:s12], [sflag:$0x1] =	stream.indirect_vreg.gather [hbm4b:s3+s2], $0x80, v3, vm0, $0xb8;
	[tilespmem:$0x10100] =	vst v63  }
0x66: {  	v3 =	vld [tilespmem:$0x70];
	_ =	sdelay $0x4  }
0x67: {  	v55 =	vshll.u32 v3, $0x1  }
0x68: {  	v3 =	vand.u32 $0x7, v3;
	v4 =	vand.u32 $0xFFFFFFF0, v55  }
0x69: {  	v3 =	vor.u32 v3, v4  }
0x6a: {  	v4 =	vperm.xlane v3, v0;
	_ =	sdelay $0x1  }
0x6b: {  	v3 =	vperm.xlane v3, v2;
	v4 =	vadd.s32 v1, v4;
	_ =	sdelay $0x1  }
0x6c: {  	v3 =	vadd.s32 v1, v3;
	_ =	sdelay $0x2  }
0x6d: {  	[tilespmem:s13], [sflag:$0x1] =	stream.indirect_vreg.gather [hbm4b:s3+s2], $0x80, v4, vm0, $0xb8;
	[tilespmem:$0x10100] =	vst v63  }
0x6e: {  	_ = 	snop  }
0x6f: {  	[tilespmem:s14], [sflag:$0x1] =	stream.indirect_vreg.gather [hbm4b:s3+s2], $0x80, v3, vm0, $0xb8;
	[tilespmem:$0x10100] =	vst v63  }
0x70: {  	v3 =	vld [tilespmem:$0x80];
	_ =	sdelay $0x4  }
0x71: {  	v56 =	vshll.u32 v3, $0x1  }
0x72: {  	v3 =	vand.u32 $0x7, v3;
	v4 =	vand.u32 $0xFFFFFFF0, v56  }
0x73: {  	v3 =	vor.u32 v3, v4  }
0x74: {  	v4 =	vperm.xlane v3, v0;
	_ =	sdelay $0x1  }
0x75: {  	v3 =	vperm.xlane v3, v2;
	v4 =	vadd.s32 v1, v4;
	_ =	sdelay $0x1  }
0x76: {  	v3 =	vadd.s32 v1, v3;
	_ =	sdelay $0x2  }
0x77: {  	[tilespmem:s15], [sflag:$0x1] =	stream.indirect_vreg.gather [hbm4b:s3+s2], $0x80, v4, vm0, $0xb8;
	[tilespmem:$0x10100] =	vst v63  }
0x78: {  	_ = 	snop  }
0x79: {  	[tilespmem:s16], [sflag:$0x1] =	stream.indirect_vreg.gather [hbm4b:s3+s2], $0x80, v3, vm0, $0xb8;
	[tilespmem:$0x10100] =	vst v63  }
0x7a: {  	v3 =	vld [tilespmem:$0x90];
	_ =	sdelay $0x4  }
0x7b: {  	v57 =	vshll.u32 v3, $0x1  }
0x7c: {  	v3 =	vand.u32 $0x7, v3;
	v4 =	vand.u32 $0xFFFFFFF0, v57  }
0x7d: {  	v3 =	vor.u32 v3, v4  }
0x7e: {  	v4 =	vperm.xlane v3, v0;
	_ =	sdelay $0x1  }
0x7f: {  	v3 =	vperm.xlane v3, v2;
	v4 =	vadd.s32 v1, v4;
	_ =	sdelay $0x1  }
0x80: {  	v3 =	vadd.s32 v1, v3;
	_ =	sdelay $0x2  }
0x81: {  	[tilespmem:s17], [sflag:$0x1] =	stream.indirect_vreg.gather [hbm4b:s3+s2], $0x80, v4, vm0, $0xb8;
	[tilespmem:$0x10100] =	vst v63  }
0x82: {  	_ = 	snop  }
0x83: {  	[tilespmem:s18], [sflag:$0x1] =	stream.indirect_vreg.gather [hbm4b:s3+s2], $0x80, v3, vm0, $0xb8;
	[tilespmem:$0x10100] =	vst v63  }
0x84: {  	v3 =	vld [tilespmem:$0xA0];
	_ =	sdelay $0x4  }
0x85: {  	v58 =	vshll.u32 v3, $0x1  }
0x86: {  	v3 =	vand.u32 $0x7, v3;
	v4 =	vand.u32 $0xFFFFFFF0, v58  }
0x87: {  	v3 =	vor.u32 v3, v4  }
0x88: {  	v4 =	vperm.xlane v3, v0;
	_ =	sdelay $0x1  }
0x89: {  	v3 =	vperm.xlane v3, v2;
	v4 =	vadd.s32 v1, v4;
	_ =	sdelay $0x1  }
0x8a: {  	v3 =	vadd.s32 v1, v3;
	_ =	sdelay $0x2  }
0x8b: {  	[tilespmem:s19], [sflag:$0x1] =	stream.indirect_vreg.gather [hbm4b:s3+s2], $0x80, v4, vm0, $0xb8;
	[tilespmem:$0x10100] =	vst v63  }
0x8c: {  	_ = 	snop  }
0x8d: {  	[tilespmem:s20], [sflag:$0x1] =	stream.indirect_vreg.gather [hbm4b:s3+s2], $0x80, v3, vm0, $0xb8;
	[tilespmem:$0x10100] =	vst v63  }
0x8e: {  	v3 =	vld [tilespmem:$0xB0];
	_ =	sdelay $0x4  }
0x8f: {  	v59 =	vshll.u32 v3, $0x1  }
0x90: {  	v3 =	vand.u32 $0x7, v3;
	v4 =	vand.u32 $0xFFFFFFF0, v59  }
0x91: {  	v3 =	vor.u32 v3, v4  }
0x92: {  	v4 =	vperm.xlane v3, v0;
	_ =	sdelay $0x1  }
0x93: {  	v3 =	vperm.xlane v3, v2;
	v4 =	vadd.s32 v1, v4;
	_ =	sdelay $0x1  }
0x94: {  	v3 =	vadd.s32 v1, v3;
	_ =	sdelay $0x2  }
0x95: {  	[tilespmem:s21], [sflag:$0x1] =	stream.indirect_vreg.gather [hbm4b:s3+s2], $0x80, v4, vm0, $0xb8;
	[tilespmem:$0x10100] =	vst v63  }
0x96: {  	_ = 	snop  }
0x97: {  	[tilespmem:s22], [sflag:$0x1] =	stream.indirect_vreg.gather [hbm4b:s3+s2], $0x80, v3, vm0, $0xb8;
	[tilespmem:$0x10100] =	vst v63  }
0x98: {  	v3 =	vld [tilespmem:$0xC0];
	_ =	sdelay $0x4  }
0x99: {  	v60 =	vshll.u32 v3, $0x1  }
0x9a: {  	v3 =	vand.u32 $0x7, v3;
	v4 =	vand.u32 $0xFFFFFFF0, v60  }
0x9b: {  	v3 =	vor.u32 v3, v4  }
0x9c: {  	v4 =	vperm.xlane v3, v0;
	_ =	sdelay $0x1  }
0x9d: {  	v3 =	vperm.xlane v3, v2;
	v4 =	vadd.s32 v1, v4;
	_ =	sdelay $0x1  }
0x9e: {  	v3 =	vadd.s32 v1, v3;
	_ =	sdelay $0x2  }
0x9f: {  	[tilespmem:s23], [sflag:$0x1] =	stream.indirect_vreg.gather [hbm4b:s3+s2], $0x80, v4, vm0, $0xb8;
	[tilespmem:$0x10100] =	vst v63  }
0xa0: {  	_ = 	snop  }
0xa1: {  	[tilespmem:s24], [sflag:$0x1] =	stream.indirect_vreg.gather [hbm4b:s3+s2], $0x80, v3, vm0, $0xb8;
	[tilespmem:$0x10100] =	vst v63  }
0xa2: {  	v3 =	vld [tilespmem:$0xD0];
	_ =	sdelay $0x4  }
0xa3: {  	v61 =	vshll.u32 v3, $0x1  }
0xa4: {  	v3 =	vand.u32 $0x7, v3;
	v4 =	vand.u32 $0xFFFFFFF0, v61  }
0xa5: {  	v3 =	vor.u32 v3, v4  }
0xa6: {  	v4 =	vperm.xlane v3, v0;
	_ =	sdelay $0x1  }
0xa7: {  	v3 =	vperm.xlane v3, v2;
	v4 =	vadd.s32 v1, v4;
	_ =	sdelay $0x1  }
0xa8: {  	v3 =	vadd.s32 v1, v3;
	_ =	sdelay $0x2  }
0xa9: {  	[tilespmem:s25], [sflag:$0x1] =	stream.indirect_vreg.gather [hbm4b:s3+s2], $0x80, v4, vm0, $0xb8;
	[tilespmem:$0x10100] =	vst v63  }
0xaa: {  	_ = 	snop  }
0xab: {  	[tilespmem:s26], [sflag:$0x1] =	stream.indirect_vreg.gather [hbm4b:s3+s2], $0x80, v3, vm0, $0xb8;
	[tilespmem:$0x10100] =	vst v63  }
0xac: {  	v3 =	vld [tilespmem:$0xE0];
	_ =	sdelay $0x4  }
0xad: {  	v62 =	vshll.u32 v3, $0x1  }
0xae: {  	v3 =	vand.u32 $0x7, v3;
	v4 =	vand.u32 $0xFFFFFFF0, v62  }
0xaf: {  	v3 =	vor.u32 v3, v4  }
0xb0: {  	v4 =	vperm.xlane v3, v0;
	_ =	sdelay $0x1  }
0xb1: {  	v3 =	vperm.xlane v3, v2;
	v4 =	vadd.s32 v1, v4;
	_ =	sdelay $0x1  }
0xb2: {  	v3 =	vadd.s32 v1, v3;
	_ =	sdelay $0x2  }
0xb3: {  	[tilespmem:s28], [sflag:$0x1] =	stream.indirect_vreg.gather [hbm4b:s3+s2], $0x80, v4, vm0, $0xb8;
	[tilespmem:$0x10100] =	vst v63  }
0xb4: {  	_ = 	snop  }
0xb5: {  	[tilespmem:s29], [sflag:$0x1] =	stream.indirect_vreg.gather [hbm4b:s3+s2], $0x80, v3, vm0, $0xb8;
	[tilespmem:$0x10100] =	vst v63  }
0xb6: {  	v3 =	vld [tilespmem:$0xF0];
	_ =	sdelay $0x4  }
0xb7: {  	v63 =	vshll.u32 v3, $0x1  }
0xb8: {  	v3 =	vand.u32 $0x7, v3;
	v4 =	vand.u32 $0xFFFFFFF0, v63  }
0xb9: {  	v3 =	vor.u32 v3, v4  }
0xba: {  	v4 =	vperm.xlane v3, v0;
	_ =	sdelay $0x1  }
0xbb: {  	v3 =	vperm.xlane v3, v2;
	v4 =	vadd.s32 v1, v4;
	_ =	sdelay $0x1  }
0xbc: {  	v3 =	vadd.s32 v1, v3;
	_ =	sdelay $0x2  }
0xbd: {  	[tilespmem:s30], [sflag:$0x1] =	stream.indirect_vreg.gather [hbm4b:s3+s2], $0x80, v4, vm0, $0xb8;
	[tilespmem:$0x10100] =	vst v63  }
0xbe: {  	_ = 	snop  }
0xbf: {  	[tilespmem:s31], [sflag:$0x1] =	stream.indirect_vreg.gather [hbm4b:s3+s2], $0x80, v3, vm0, $0xb8;
	[tilespmem:$0x10100] =	vst v63  }
0xc0: {  	_ =	swait.ge [sflag:s1], $0x10000  }
0xc1: {  	p0 =	sne.s32 s4, $0x1;
	[sflag:s1] =	ssyncset.done $0x0  }
.Ltmp0:
0xc2: {  	s7 =	rddreg [dreg:$0x3];
	[sflag:s1] =	ssyncadd.s32 $0xFFFF0000;
	(pc) =	sbr.rel @p0 .LBB2_1-.Ltmp0, $4  }
0xc3: {  	[hbm4b:s7+s2] =	stream.linear.scatter [tilespmem:s6], [sflag:$0x2], $0x10000, $0x38;
	[tilespmem:$0x10100] =	vst v63  }
0xc4: {  	_ =	swait.ge [sflag:s5], $0x10000  }
0xc5: {  	[sflag:s5] =	ssyncset.done $0x0  }
0xc6: {  	s4 =	sadd.s32 $0xFFFFFFFF, s4;
	[sflag:s5] =	ssyncadd.s32 $0xFFFF0000  }
0xc7: {  	_ =	sfence.sel $0x180000  }
0xc8: {  	[bflag:$0x0] =	sbarrier.arrive $0xFFFF  }
0xc9: {  	_ =	strace $0x9000004A  }
0xca: {  	s0 =	stileid.u32;
	[bflag:$0x2] =	sbarrier.arrive $0xFFFF  }
0xcb: {  	p0 =	sne.s32 s0, $0x0;
	s0 =	rddreg [dreg:$0x1]  }
0xcc: {  	s0 =	sadd.s32 @!p0 $0x100000, s0  }
0xcd: {  	[sflag:s0] =	ssyncadd.tile.s32 @!p0 $0x1;
	_ =	shalt  }
.Lfunc_end2:
_tile_overlayer_lowered:
.L_overlay_start_2:
0xce: {  	(tag) =	ssettag $0x2  }
0xcf: {  	s0 =	rddreg [dreg:$0x0];
	s2 =	stileid.u32  }
0xd0: {  	s1 =	rddreg [dreg:$0x1];
	p0 =	sne.s32 s2, $0x0  }
0xd1: {  	s3 =	rddreg [dreg:$0x2];
	[bflag:$0x3] =	sbarrier.arrive $0xFFFF;
	s2 =	simm.s32 @!p0 $0x1C02  }
0xd2: {  	[timem:s3], [sflag:s2] =	dma.local @!p0 [hbm:s0], s1  }
0xd3: {  	s0 =	simm.s32 @!p0 $0x2  }
0xd4: {  	_ =	swait.ge @!p0 [sflag:s0], s1  }
0xd5: {  	s1 =	ssub.s32 @!p0 $0x0, s1;
	[sflag:s0] =	ssyncset.done @!p0 $0x0  }
0xd6: {  	[sflag:s0] =	ssyncadd.s32 @!p0 s1  }
0xd7: {  	[bflag:$0x3] =	sbarrier.arrive $0xFFFF  }
0xd8: {  	_ =	shalt  }

// kernel: kernel.18.cloned.1.call-start
scs
__scs_entry_jumppad:
0x0: {  	(pc) =	sbr.rel $0x88, $3  }
0x1: {  	(tag) =	ssettag $0x0;
	lr =	simm.s32 $0x1  }
0x2: {  	[smem:$0x3F9E] =	sst lr;
	_ =	strace $0xD0000000  }
0x3: {  	_ = 	snop  }
0x4: {  	_ = 	snop  }
0x5: {  	_ = 	snop  }
0x6: {  	_ = 	snop  }
0x7: {  	_ = 	snop  }
__scs_overlays_trampoline_lowered:
0x8: {  	[smem:$0x3FAD] =	sst s0  }
0x9: {  	[smem:$0x3FAE] =	sst s1  }
0xa: {  	[smem:$0x3FAF] =	sst s2  }
0xb: {  	[smem:$0x3FB0] =	sst s3  }
0xc: {  	[smem:$0x3FB1] =	sst s4  }
0xd: {  	[smem:$0x3FB2] =	sst s5  }
0xe: {  	[smem:$0x3FB3] =	sst s6  }
0xf: {  	[smem:$0x3FB4] =	sst s7  }
0x10: {  	[smem:$0x3FB5] =	sst s8  }
0x11: {  	[smem:$0x3FB6] =	sst s9;
	s0 =	simm.s32 @!p0 $0x0  }
0x12: {  	s1 =	sld [smem:$0x3F9C];
	s0 =	simm.s32 @p0 $0x1  }
0x13: {  	[smem:$0x3FB7] =	sst s0;
	s0 =	simm.s32 @!p1 $0x0  }
0x14: {  	s2 =	sld [smem:$0x3F9B];
	s0 =	simm.s32 @p1 $0x1  }
0x15: {  	[smem:$0x3FB8] =	sst s0;
	s0 =	simm.s32 @!p2 $0x0  }
0x16: {  	s3 =	sld [smem:$0x3FDB];
	s0 =	simm.s32 @p2 $0x1  }
0x17: {  	s4 =	simm.s32 $0x1BF5;
	[smem:$0x3FBA] =	sst s0  }
0x18: {  	s0 =	sld [smem:$0x3F9D];
	_ =	swait.ge [sflag:s4], $0x0  }
0x19: {  	s7 =	sld [smem:$0x3F9E]  }
0x1a: {  	s8 =	sadd.s32 $0xFFFFE003, lr  }
0x1b: {  	s9 =	sadd.s32 $0xFFFFFEF7, lr;
	s5 =	simm.s32 $0xFFFFFFFF;
	p2 =	slt.u32 s8, $0xFFFFF086  }
0x1c: {  	p1 =	slt.u32 s9, $0xF7A;
	s5 =	simm.s32 @!p2 $0x0  }
0x1d: {  	s5 =	simm.s32 @p1 $0x1;
	p0 =	seq.s32 s7, s2  }
0x1e: {  	s7 =	smul.u32 @!p0 $0xF7A, s2;
	p2 =	seq.s32 @!p0 s5, $0x0  }
0x1f: {  	s9 =	smul.u32 $0xF7A, s1;
	s8 =	simm.s32 @!p0 $0x1BF5;
	p2 =	por !p2, p0  }
0x20: {  	[sflag:s8] =	ssyncset.s32 @!p0 $0xFFFFF086;
	s6 =	sadd.s32 @!p0 s3, s7;
	s7 =	simm.s32 @!p0 $0x108  }
0x21: {  	s3 =	sadd.s32 s3, s9;
	s6 =	sadd.s32 @!p0 $0x88, s6;
	s7 =	simm.s32 @p2 $0x1082  }
0x22: {  	[simem:s7], [sflag:s8] =	dma.local @!p0 [hbm:s6], $0xF7A  }
0x23: {  	s9 =	sor.u32 $0xD0000000, s2;
	s6 =	simm.s32 $0x108;
	_ =	swait.ge @!p0 [sflag:s8], $0x0  }
0x24: {  	s3 =	sadd.s32 $0x88, s3;
	s6 =	simm.s32 @!p1 $0x1082;
	[sflag:s4] =	ssyncset.s32 $0xFFFFF086  }
0x25: {  	[simem:s6], [sflag:s4] =	dma.local [hbm:s3], $0xF7A  }
0x26: {  	[smem:$0x3F9E] =	sst s1;
	(tag) =	ssettag s2;
	_ =	strace s9  }
0x27: {  	s1 =	sld [smem:$0x3FAE]  }
0x28: {  	s2 =	sld [smem:$0x3FAF]  }
0x29: {  	s4 =	sld [smem:$0x3FB1]  }
0x2a: {  	p0 =	seq.s32 s5, $0x0;
	s5 =	sld [smem:$0x3FB2]  }
0x2b: {  	s6 =	sld [smem:$0x3FB3]  }
0x2c: {  	s7 =	sld [smem:$0x3FB4]  }
0x2d: {  	s3 =	simm.s32 $0x108;
	s8 =	sld [smem:$0x3FB5]  }
0x2e: {  	s3 =	simm.s32 @!p0 $0x1082;
	s9 =	sld [smem:$0x3FB6]  }
0x2f: {  	lr =	sadd.s32 s0, s3;
	s0 =	sld [smem:$0x3FAD]  }
0x30: {  	s3 =	sld [smem:$0x3FB0]  }
0x31: {  	[smem:$0x3FB9] =	sst s10  }
0x32: {  	s10 =	sld [smem:$0x3FB7];
	_ =	sdelay $0x3  }
0x33: {  	p0 =	seq.s32 s10, $0x1;
	s10 =	sld [smem:$0x3FB9];
	_ =	sdelay $0x3  }
0x34: {  	[smem:$0x3FB9] =	sst s10  }
0x35: {  	s10 =	sld [smem:$0x3FB8];
	_ =	sdelay $0x3  }
0x36: {  	p1 =	seq.s32 s10, $0x1;
	s10 =	sld [smem:$0x3FB9];
	_ =	sdelay $0x3  }
0x37: {  	[smem:$0x3FB9] =	sst s10  }
0x38: {  	s10 =	sld [smem:$0x3FBA]  }
0x39: {  	_ = 	snop;
	(pc) =	sbr.ind lr, $3  }
0x3a: {  	_ = 	snop  }
0x3b: {  	_ = 	snop  }
0x3c: {  	p2 =	seq.s32 s10, $0x1;
	s10 =	sld [smem:$0x3FB9]  }
0x3d: {  	_ =	shalt  }
0x3e: {  	_ =	shalt  }
0x3f: {  	_ =	shalt  }
0x40: {  	_ =	shalt  }
0x41: {  	_ =	shalt  }
0x42: {  	_ =	shalt  }
0x43: {  	_ =	shalt  }
0x44: {  	_ =	shalt  }
0x45: {  	_ =	shalt  }
0x46: {  	_ =	shalt  }
0x47: {  	_ =	shalt  }
0x48: {  	_ =	shalt  }
0x49: {  	_ =	shalt  }
0x4a: {  	_ =	shalt  }
0x4b: {  	_ =	shalt  }
0x4c: {  	_ =	shalt  }
0x4d: {  	_ =	shalt  }
0x4e: {  	_ =	shalt  }
0x4f: {  	_ =	shalt  }
0x50: {  	_ =	shalt  }
0x51: {  	_ =	shalt  }
0x52: {  	_ =	shalt  }
0x53: {  	_ =	shalt  }
0x54: {  	_ =	shalt  }
0x55: {  	_ =	shalt  }
0x56: {  	_ =	shalt  }
0x57: {  	_ =	shalt  }
0x58: {  	_ =	shalt  }
0x59: {  	_ =	shalt  }
0x5a: {  	_ =	shalt  }
0x5b: {  	_ =	shalt  }
0x5c: {  	_ =	shalt  }
0x5d: {  	_ =	shalt  }
0x5e: {  	_ =	shalt  }
0x5f: {  	_ =	shalt  }
0x60: {  	_ =	shalt  }
0x61: {  	_ =	shalt  }
0x62: {  	_ =	shalt  }
0x63: {  	_ =	shalt  }
0x64: {  	_ =	shalt  }
0x65: {  	_ =	shalt  }
0x66: {  	_ =	shalt  }
0x67: {  	_ =	shalt  }
0x68: {  	_ =	shalt  }
0x69: {  	_ =	shalt  }
0x6a: {  	_ =	shalt  }
0x6b: {  	_ =	shalt  }
0x6c: {  	_ =	shalt  }
0x6d: {  	_ =	shalt  }
0x6e: {  	_ =	shalt  }
0x6f: {  	_ =	shalt  }
0x70: {  	_ =	shalt  }
0x71: {  	_ =	shalt  }
0x72: {  	_ =	shalt  }
0x73: {  	_ =	shalt  }
0x74: {  	_ =	shalt  }
0x75: {  	_ =	shalt  }
0x76: {  	_ =	shalt  }
0x77: {  	_ =	shalt  }
0x78: {  	_ =	shalt  }
0x79: {  	_ =	shalt  }
0x7a: {  	_ =	shalt  }
0x7b: {  	_ =	shalt  }
0x7c: {  	_ =	shalt  }
0x7d: {  	_ =	shalt  }
0x7e: {  	_ =	shalt  }
0x7f: {  	_ =	shalt  }
0x80: {  	_ =	shalt  }
0x81: {  	_ =	shalt  }
0x82: {  	_ =	shalt  }
0x83: {  	_ =	shalt  }
0x84: {  	_ =	shalt  }
0x85: {  	_ =	shalt  }
0x86: {  	_ =	shalt  }
0x87: {  	_ =	shalt  }
.Lfunc_end0:
.L_simem_size_0:
called_computation.2_lowered:
.L_overlay_start_0:
0x88: {  	s2 =	sld [smem:$0x3FD9]  }
0x89: {  	s3 =	sld [smem:$0x3FFE];
	_ =	sdelay $0x1  }
0x8a: {  	s1 =	srdreg.scid  }
0x8b: {  	s0 =	sand.u32 $0x1, s1  }
0x8c: {  	s16 =	sshll.u32 s0, $0xA;
	s2 =	sadd.s32 s3, s2  }
0x8d: {  	s2 =	sadd.s32 s2, s16  }
0x8e: {  	[smem:$0x3FC5] =	sst s2  }
0x8f: {  	_ = 	snop  }
0x90: {  	(tm) =	ssettm $0x1  }
0x91: {  	s17 =	sld [smem:$0x3FFB];
	_ =	sdelay $0x3  }
0x92: {  	_ =	strace s17  }
0x93: {  	s2 =	sld [smem:$0x3FFC];
	_ =	sdelay $0x3  }
0x94: {  	_ =	strace s2  }
0x95: {  	s2 =	sld [smem:$0x3FFD];
	_ =	sdelay $0x3  }
0x96: {  	_ =	strace s2  }
0x97: {  	_ =	strace $0x8FFFFFFF  }
0x98: {  	s18 =	sld [smem:$0x3FDB];
	_ =	sdelay $0x1  }
0x99: {  	s19 =	simm.s32 $_scs_section_size  }
0x9a: {  	s4 =	simm.s32 $_size__tile_overlayer_lowered;
	s5 =	simm.s32 $_tile_overlayer_lowered  }
0x9b: {  	s22 =	simm.s32 $0x1BFF;
	s21 =	sshll.u32 s5, $0x1;
	s2 =	sadd.s32 s19, s18  }
0x9c: {  	s6 =	simm.s32 $0x0;
	s20 =	sshll.u32 s4, $0x1;
	s4 =	sadd.s32 s21, s2  }
0x9d: {  	[timem:s6], [sflag:s22] =	dma.local [hbm:s4], s20  }
0x9e: {  	_ =	swait.ge [sflag:s22], s20  }
0x9f: {  	s3 =	ssub.s32 $0x0, s20;
	[sflag:s22] =	ssyncset.done $0x0  }
0xa0: {  	[sflag:s22] =	ssyncadd.s32 s3;
	_ =	sdelay $0x1  }
0xa1: {  	s23 =	simm.s32 $0x1B8B  }
0xa2: {  	_ =	swait.ge [sflag:s23], $0x1  }
0xa3: {  	[sflag:s23] =	ssyncset.done $0x0  }
0xa4: {  	s25 =	simm.s32 $0x1B8E;
	s24 =	sld [smem:$0x3FFE];
	[sflag:s23] =	ssyncadd.s32 $0xFFFFFFFF  }
0xa5: {  	s26 =	simm.s32 $execute0_lowered;
	[smem:$0x3FD2] =	sst s25  }
0xa6: {  	s4 =	sshll.u32 s26, $0x1;
	_ =	strace $0x8000004C;
	[dreg:$0x1] =	wrdreg $0xFFFFFFFF  }
0xa7: {  	s28 =	simm.s32 $_size_execute0_lowered;
	s2 =	sadd.s32 s2, s4;
	[dreg:$0x0] =	wrdreg $0x0  }
0xa8: {  	s4 =	sshll.u32 s28, $0x1;
	[dreg:$0x2] =	wrdreg s2  }
0xa9: {  	[dreg:$0x3] =	wrdreg s4  }
0xaa: {  	[dreg:$0x4] =	wrdreg $0xC0  }
0xab: {  	_ =	task [dreg:s6], $0x5FFFF  }
0xac: {  	[dreg:$0x1] =	wrdreg $0xFFFFFFFF  }
0xad: {  	[dreg:$0x0] =	wrdreg $0x60  }
0xae: {  	[dreg:$0x2] =	wrdreg s24  }
0xaf: {  	[dreg:$0x3] =	wrdreg $0x9  }
0xb0: {  	_ =	task.clear_ibuf [dreg:s6], $0x4FFFF;
	_ =	strace $0x9000004C  }
0xb1: {  	s29 =	simm.s32 $0x9;
	_ =	strace $0x8000004E  }
0xb2: {  	_ =	swait.ge [sflag:s29], $0x1  }
0xb3: {  	[sflag:s29] =	ssyncadd.s32 $0xFFFFFFFF  }
0xb4: {  	_ =	strace $0x9000004E  }
0xb5: {  	_ =	sfence  }
0xb6: {  	s30 =	sld [smem:$0x0];
	_ =	sdelay $0x2  }
0xb7: {  	s31 =	sshll.u32 s1, $0xD;
	s1 =	sshrl.u32 s1, $0x2  }
0xb8: {  	s3 =	sand.u32 $0x4000, s31;
	s1 =	sadd.s32 s1, s30  }
0xb9: {  	s0 =	sor.u32 s3, s0;
	s1 =	sshll.u32 s1, $0x11  }
0xba: {  	s0 =	sor.u32 s1, s0  }
0xbb: {  	s0 =	sadd.s32 $0x8F2B, s0  }
0xbc: {  	[sflag:s0] =	ssyncadd.remote.s32 $0x1  }
0xbd: {  	_ =	sfence.sel $0xFFFF  }
0xbe: {  	[dreg:$0x0] =	wrdreg $0xFFFFFFFF;
	(pc) =	sbr.abs _section_cstart, $3  }
0xbf: {  	[dreg:$0x1] =	wrdreg $0xFFFFFFFF  }
0xc0: {  	_ =	task.clear_ibuf [dreg:s6], $0x2FFFF;
	_ =	strace $0x9FFFFFFF  }
0xc1: {  	(tm) =	ssettm $0x7FFFFFFF  }
tec
execute0_lowered:
.L_overlay_start_1:
0x0: {  	(tag) =	ssettag $0x1  }
0x1: {  	s1 =	srdreg.scid  }
0x2: {  	s0 =	stileid.u32;
	s4 =	rddreg [dreg:$0x0]  }
0x3: {  	s19 =	simm.s32 $0x900;
	s20 =	simm.s32 $0x1100;
	s21 =	simm.s32 $0x1900  }
0x4: {  	s23 =	simm.s32 $0x2100;
	s24 =	simm.s32 $0x2900;
	s25 =	simm.s32 $0x3100  }
0x5: {  	s26 =	simm.s32 $0x3900;
	s6 =	simm.s32 $0x100;
	s8 =	simm.s32 $0x4900  }
0x6: {  	s9 =	simm.s32 $0x5100;
	s10 =	simm.s32 $0x5900;
	s11 =	simm.s32 $0x6100  }
0x7: {  	s12 =	simm.s32 $0x6900;
	s13 =	simm.s32 $0x7100;
	s1 =	sand.u32 $0x1, s1  }
0x8: {  	s14 =	simm.s32 $0x7900;
	s2 =	sshll.u32 s0, $0x9;
	s3 =	sshll.u32 s1, $0x8  }
0x9: {  	s15 =	simm.s32 $0x8100;
	s3 =	sor.u32 s3, s2;
	s2 =	simm.s32 $0x0  }
0xa: {  	s16 =	simm.s32 $0x8900;
	s17 =	simm.s32 $0x9100;
	[smem:$0x7FF] =	sst s2  }
0xb: {  	s18 =	simm.s32 $0x9900;
	_ =	strace $0x8000004D;
	[dreg:$0x4] =	wrdreg s19  }
0xc: {  	s28 =	simm.s32 $0xE100;
	s29 =	simm.s32 $0xE900;
	[dreg:$0x5] =	wrdreg s20  }
0xd: {  	s30 =	simm.s32 $0xF100;
	s1 =	ssub.s32 $0x2, s1;
	[dreg:$0x6] =	wrdreg s21  }
0xe: {  	s31 =	simm.s32 $0xF900;
	s22 =	sshrl.u32 s1, $0x1;
	[dreg:$0x7] =	wrdreg s23  }
0xf: {  	s5 =	sshrl.u32 s3, $0x3;
	s3 =	sshll.u32 s3, $0x5;
	[dreg:$0x8] =	wrdreg s24  }
0x10: {  	s1 =	ssub.s32 s1, s22;
	s22 =	simm.s32 $0xB900;
	[dreg:$0x9] =	wrdreg s25  }
0x11: {  	s5 =	sadd.s32 s5, s4;
	s3 =	sadd.s32 s3, s4;
	[dreg:$0xa] =	wrdreg s26  }
0x12: {  	s19 =	simm.s32 $0xA100;
	s20 =	simm.s32 $0xA900;
	s21 =	simm.s32 $0xB100  }
0x13: {  	s23 =	simm.s32 $0xC100;
	s24 =	simm.s32 $0xC900;
	s5 =	sadd.s32 $0x185200, s5  }
0x14: {  	v2 =	vlaneseq.u32;
	s25 =	simm.s32 $0xD100;
	s3 =	sadd.s32 $0x4E00, s3;
	[dreg:$0x2] =	wrdreg s5  }
0x15: {  	vm0 =	vmmov $0xffff;
	v1 =	vshrl.u32 v2, $0x3;
	s26 =	simm.s32 $0xD900;
	[dreg:$0x3] =	wrdreg s3;
	s3 =	sadd.s32 $0x204C00, s4  }
0x16: {  	v0 =	vand.u32 $0x7, v2;
	v2 =	vor.u32 $0x8, v2;
	v1 =	vmul.u32 $0x8, v1;
	s4 =	smax.u32 s1, $0x1;
	s5 =	simm.s32 $0x2;
	s1 =	simm.s32 $0x1  }
.LBB2_1:
0x17: {  	s0 =	rddreg [dreg:$0x2]  }
0x18: {  	[tilespmem:s2], [sflag:$0x2] =	stream.linear.gather [hbm4b:s0+s2], $0x100, $0x38;
	[tilespmem:$0x10100] =	vst v63  }
0x19: {  	_ =	swait.ge [sflag:s5], $0x100  }
0x1a: {  	[sflag:s5] =	ssyncset.done $0x0  }
0x1b: {  	[sflag:s5] =	ssyncadd.s32 $0xFFFFFF00  }
0x1c: {  	v3 =	vld [tilespmem:$0x0];
	_ =	sdelay $0x4  }
0x1d: {  	v4 =	vshll.u32 v3, $0x1  }
0x1e: {  	v3 =	vand.u32 $0x7, v3;
	v4 =	vand.u32 $0xFFFFFFF0, v4  }
0x1f: {  	v3 =	vor.u32 v3, v4  }
0x20: {  	v4 =	vperm.xlane v3, v0;
	_ =	sdelay $0x1  }
0x21: {  	v3 =	vperm.xlane v3, v2;
	v4 =	vadd.s32 v1, v4;
	_ =	sdelay $0x1  }
0x22: {  	v3 =	vadd.s32 v1, v3;
	_ =	sdelay $0x2  }
0x23: {  	[tilespmem:s6], [sflag:$0x1] =	stream.indirect_vreg.gather [hbm4b:s3+s2], $0x80, v4, vm0, $0xb8;
	[tilespmem:$0x10100] =	vst v63  }
0x24: {  	s7 =	rddreg [dreg:$0x4]  }
0x25: {  	[tilespmem:s7], [sflag:$0x1] =	stream.indirect_vreg.gather [hbm4b:s3+s2], $0x80, v3, vm0, $0xb8;
	[tilespmem:$0x10100] =	vst v63  }
0x26: {  	v3 =	vld [tilespmem:$0x10];
	_ =	sdelay $0x4  }
0x27: {  	v49 =	vshll.u32 v3, $0x1  }
0x28: {  	v3 =	vand.u32 $0x7, v3;
	v4 =	vand.u32 $0xFFFFFFF0, v49  }
0x29: {  	v3 =	vor.u32 v3, v4  }
0x2a: {  	v4 =	vperm.xlane v3, v0;
	_ =	sdelay $0x1  }
0x2b: {  	v3 =	vperm.xlane v3, v2;
	v4 =	vadd.s32 v1, v4;
	_ =	sdelay $0x1  }
0x2c: {  	v3 =	vadd.s32 v1, v3;
	_ =	sdelay $0x1  }
0x2d: {  	s0 =	rddreg [dreg:$0x5]  }
0x2e: {  	[tilespmem:s0], [sflag:$0x1] =	stream.indirect_vreg.gather [hbm4b:s3+s2], $0x80, v4, vm0, $0xb8;
	[tilespmem:$0x10100] =	vst v63  }
0x2f: {  	s7 =	rddreg [dreg:$0x6]  }
0x30: {  	[tilespmem:s7], [sflag:$0x1] =	stream.indirect_vreg.gather [hbm4b:s3+s2], $0x80, v3, vm0, $0xb8;
	[tilespmem:$0x10100] =	vst v63  }
0x31: {  	v3 =	vld [tilespmem:$0x20];
	_ =	sdelay $0x4  }
0x32: {  	v50 =	vshll.u32 v3, $0x1  }
0x33: {  	v3 =	vand.u32 $0x7, v3;
	v4 =	vand.u32 $0xFFFFFFF0, v50  }
0x34: {  	v3 =	vor.u32 v3, v4  }
0x35: {  	v4 =	vperm.xlane v3, v0;
	_ =	sdelay $0x1  }
0x36: {  	v3 =	vperm.xlane v3, v2;
	v4 =	vadd.s32 v1, v4;
	_ =	sdelay $0x1  }
0x37: {  	v3 =	vadd.s32 v1, v3;
	_ =	sdelay $0x1  }
0x38: {  	s0 =	rddreg [dreg:$0x7]  }
0x39: {  	[tilespmem:s0], [sflag:$0x1] =	stream.indirect_vreg.gather [hbm4b:s3+s2], $0x80, v4, vm0, $0xb8;
	[tilespmem:$0x10100] =	vst v63  }
0x3a: {  	s7 =	rddreg [dreg:$0x8]  }
0x3b: {  	[tilespmem:s7], [sflag:$0x1] =	stream.indirect_vreg.gather [hbm4b:s3+s2], $0x80, v3, vm0, $0xb8;
	[tilespmem:$0x10100] =	vst v63  }
0x3c: {  	v3 =	vld [tilespmem:$0x30];
	_ =	sdelay $0x4  }
0x3d: {  	v51 =	vshll.u32 v3, $0x1  }
0x3e: {  	v3 =	vand.u32 $0x7, v3;
	v4 =	vand.u32 $0xFFFFFFF0, v51  }
0x3f: {  	v3 =	vor.u32 v3, v4  }
0x40: {  	v4 =	vperm.xlane v3, v0;
	_ =	sdelay $0x1  }
0x41: {  	v3 =	vperm.xlane v3, v2;
	v4 =	vadd.s32 v1, v4;
	_ =	sdelay $0x1  }
0x42: {  	v3 =	vadd.s32 v1, v3;
	_ =	sdelay $0x1  }
0x43: {  	s0 =	rddreg [dreg:$0x9]  }
0x44: {  	[tilespmem:s0], [sflag:$0x1] =	stream.indirect_vreg.gather [hbm4b:s3+s2], $0x80, v4, vm0, $0xb8;
	[tilespmem:$0x10100] =	vst v63  }
0x45: {  	s7 =	rddreg [dreg:$0xa]  }
0x46: {  	[tilespmem:s7], [sflag:$0x1] =	stream.indirect_vreg.gather [hbm4b:s3+s2], $0x80, v3, vm0, $0xb8;
	[tilespmem:$0x10100] =	vst v63  }
0x47: {  	v3 =	vld [tilespmem:$0x40];
	_ =	sdelay $0x4  }
0x48: {  	v52 =	vshll.u32 v3, $0x1  }
0x49: {  	v3 =	vand.u32 $0x7, v3;
	v4 =	vand.u32 $0xFFFFFFF0, v52  }
0x4a: {  	v3 =	vor.u32 v3, v4  }
0x4b: {  	v4 =	vperm.xlane v3, v0;
	_ =	sdelay $0x1  }
0x4c: {  	v3 =	vperm.xlane v3, v2;
	v4 =	vadd.s32 v1, v4;
	_ =	sdelay $0x1  }
0x4d: {  	v3 =	vadd.s32 v1, v3;
	_ =	sdelay $0x1  }
0x4e: {  	s7 =	simm.s32 $0x4100  }
0x4f: {  	[tilespmem:s7], [sflag:$0x1] =	stream.indirect_vreg.gather [hbm4b:s3+s2], $0x80, v4, vm0, $0xb8;
	[tilespmem:$0x10100] =	vst v63  }
0x50: {  	_ = 	snop  }
0x51: {  	[tilespmem:s8], [sflag:$0x1] =	stream.indirect_vreg.gather [hbm4b:s3+s2], $0x80, v3, vm0, $0xb8;
	[tilespmem:$0x10100] =	vst v63  }
0x52: {  	v3 =	vld [tilespmem:$0x50];
	_ =	sdelay $0x4  }
0x53: {  	v53 =	vshll.u32 v3, $0x1  }
0x54: {  	v3 =	vand.u32 $0x7, v3;
	v4 =	vand.u32 $0xFFFFFFF0, v53  }
0x55: {  	v3 =	vor.u32 v3, v4  }
0x56: {  	v4 =	vperm.xlane v3, v0;
	_ =	sdelay $0x1  }
0x57: {  	v3 =	vperm.xlane v3, v2;
	v4 =	vadd.s32 v1, v4;
	_ =	sdelay $0x1  }
0x58: {  	v3 =	vadd.s32 v1, v3;
	_ =	sdelay $0x2  }
0x59: {  	[tilespmem:s9], [sflag:$0x1] =	stream.indirect_vreg.gather [hbm4b:s3+s2], $0x80, v4, vm0, $0xb8;
	[tilespmem:$0x10100] =	vst v63  }
0x5a: {  	_ = 	snop  }
0x5b: {  	[tilespmem:s10], [sflag:$0x1] =	stream.indirect_vreg.gather [hbm4b:s3+s2], $0x80, v3, vm0, $0xb8;
	[tilespmem:$0x10100] =	vst v63  }
0x5c: {  	v3 =	vld [tilespmem:$0x60];
	_ =	sdelay $0x4  }
0x5d: {  	v54 =	vshll.u32 v3, $0x1  }
0x5e: {  	v3 =	vand.u32 $0x7, v3;
	v4 =	vand.u32 $0xFFFFFFF0, v54  }
0x5f: {  	v3 =	vor.u32 v3, v4  }
0x60: {  	v4 =	vperm.xlane v3, v0;
	_ =	sdelay $0x1  }
0x61: {  	v3 =	vperm.xlane v3, v2;
	v4 =	vadd.s32 v1, v4;
	_ =	sdelay $0x1  }
0x62: {  	v3 =	vadd.s32 v1, v3;
	_ =	sdelay $0x2  }
0x63: {  	[tilespmem:s11], [sflag:$0x1] =	stream.indirect_vreg.gather [hbm4b:s3+s2], $0x80, v4, vm0, $0xb8;
	[tilespmem:$0x10100] =	vst v63  }
0x64: {  	_ = 	snop  }
0x65: {  	[tilespmem:s12], [sflag:$0x1] =	stream.indirect_vreg.gather [hbm4b:s3+s2], $0x80, v3, vm0, $0xb8;
	[tilespmem:$0x10100] =	vst v63  }
0x66: {  	v3 =	vld [tilespmem:$0x70];
	_ =	sdelay $0x4  }
0x67: {  	v55 =	vshll.u32 v3, $0x1  }
0x68: {  	v3 =	vand.u32 $0x7, v3;
	v4 =	vand.u32 $0xFFFFFFF0, v55  }
0x69: {  	v3 =	vor.u32 v3, v4  }
0x6a: {  	v4 =	vperm.xlane v3, v0;
	_ =	sdelay $0x1  }
0x6b: {  	v3 =	vperm.xlane v3, v2;
	v4 =	vadd.s32 v1, v4;
	_ =	sdelay $0x1  }
0x6c: {  	v3 =	vadd.s32 v1, v3;
	_ =	sdelay $0x2  }
0x6d: {  	[tilespmem:s13], [sflag:$0x1] =	stream.indirect_vreg.gather [hbm4b:s3+s2], $0x80, v4, vm0, $0xb8;
	[tilespmem:$0x10100] =	vst v63  }
0x6e: {  	_ = 	snop  }
0x6f: {  	[tilespmem:s14], [sflag:$0x1] =	stream.indirect_vreg.gather [hbm4b:s3+s2], $0x80, v3, vm0, $0xb8;
	[tilespmem:$0x10100] =	vst v63  }
0x70: {  	v3 =	vld [tilespmem:$0x80];
	_ =	sdelay $0x4  }
0x71: {  	v56 =	vshll.u32 v3, $0x1  }
0x72: {  	v3 =	vand.u32 $0x7, v3;
	v4 =	vand.u32 $0xFFFFFFF0, v56  }
0x73: {  	v3 =	vor.u32 v3, v4  }
0x74: {  	v4 =	vperm.xlane v3, v0;
	_ =	sdelay $0x1  }
0x75: {  	v3 =	vperm.xlane v3, v2;
	v4 =	vadd.s32 v1, v4;
	_ =	sdelay $0x1  }
0x76: {  	v3 =	vadd.s32 v1, v3;
	_ =	sdelay $0x2  }
0x77: {  	[tilespmem:s15], [sflag:$0x1] =	stream.indirect_vreg.gather [hbm4b:s3+s2], $0x80, v4, vm0, $0xb8;
	[tilespmem:$0x10100] =	vst v63  }
0x78: {  	_ = 	snop  }
0x79: {  	[tilespmem:s16], [sflag:$0x1] =	stream.indirect_vreg.gather [hbm4b:s3+s2], $0x80, v3, vm0, $0xb8;
	[tilespmem:$0x10100] =	vst v63  }
0x7a: {  	v3 =	vld [tilespmem:$0x90];
	_ =	sdelay $0x4  }
0x7b: {  	v57 =	vshll.u32 v3, $0x1  }
0x7c: {  	v3 =	vand.u32 $0x7, v3;
	v4 =	vand.u32 $0xFFFFFFF0, v57  }
0x7d: {  	v3 =	vor.u32 v3, v4  }
0x7e: {  	v4 =	vperm.xlane v3, v0;
	_ =	sdelay $0x1  }
0x7f: {  	v3 =	vperm.xlane v3, v2;
	v4 =	vadd.s32 v1, v4;
	_ =	sdelay $0x1  }
0x80: {  	v3 =	vadd.s32 v1, v3;
	_ =	sdelay $0x2  }
0x81: {  	[tilespmem:s17], [sflag:$0x1] =	stream.indirect_vreg.gather [hbm4b:s3+s2], $0x80, v4, vm0, $0xb8;
	[tilespmem:$0x10100] =	vst v63  }
0x82: {  	_ = 	snop  }
0x83: {  	[tilespmem:s18], [sflag:$0x1] =	stream.indirect_vreg.gather [hbm4b:s3+s2], $0x80, v3, vm0, $0xb8;
	[tilespmem:$0x10100] =	vst v63  }
0x84: {  	v3 =	vld [tilespmem:$0xA0];
	_ =	sdelay $0x4  }
0x85: {  	v58 =	vshll.u32 v3, $0x1  }
0x86: {  	v3 =	vand.u32 $0x7, v3;
	v4 =	vand.u32 $0xFFFFFFF0, v58  }
0x87: {  	v3 =	vor.u32 v3, v4  }
0x88: {  	v4 =	vperm.xlane v3, v0;
	_ =	sdelay $0x1  }
0x89: {  	v3 =	vperm.xlane v3, v2;
	v4 =	vadd.s32 v1, v4;
	_ =	sdelay $0x1  }
0x8a: {  	v3 =	vadd.s32 v1, v3;
	_ =	sdelay $0x2  }
0x8b: {  	[tilespmem:s19], [sflag:$0x1] =	stream.indirect_vreg.gather [hbm4b:s3+s2], $0x80, v4, vm0, $0xb8;
	[tilespmem:$0x10100] =	vst v63  }
0x8c: {  	_ = 	snop  }
0x8d: {  	[tilespmem:s20], [sflag:$0x1] =	stream.indirect_vreg.gather [hbm4b:s3+s2], $0x80, v3, vm0, $0xb8;
	[tilespmem:$0x10100] =	vst v63  }
0x8e: {  	v3 =	vld [tilespmem:$0xB0];
	_ =	sdelay $0x4  }
0x8f: {  	v59 =	vshll.u32 v3, $0x1  }
0x90: {  	v3 =	vand.u32 $0x7, v3;
	v4 =	vand.u32 $0xFFFFFFF0, v59  }
0x91: {  	v3 =	vor.u32 v3, v4  }
0x92: {  	v4 =	vperm.xlane v3, v0;
	_ =	sdelay $0x1  }
0x93: {  	v3 =	vperm.xlane v3, v2;
	v4 =	vadd.s32 v1, v4;
	_ =	sdelay $0x1  }
0x94: {  	v3 =	vadd.s32 v1, v3;
	_ =	sdelay $0x2  }
0x95: {  	[tilespmem:s21], [sflag:$0x1] =	stream.indirect_vreg.gather [hbm4b:s3+s2], $0x80, v4, vm0, $0xb8;
	[tilespmem:$0x10100] =	vst v63  }
0x96: {  	_ = 	snop  }
0x97: {  	[tilespmem:s22], [sflag:$0x1] =	stream.indirect_vreg.gather [hbm4b:s3+s2], $0x80, v3, vm0, $0xb8;
	[tilespmem:$0x10100] =	vst v63  }
0x98: {  	v3 =	vld [tilespmem:$0xC0];
	_ =	sdelay $0x4  }
0x99: {  	v60 =	vshll.u32 v3, $0x1  }
0x9a: {  	v3 =	vand.u32 $0x7, v3;
	v4 =	vand.u32 $0xFFFFFFF0, v60  }
0x9b: {  	v3 =	vor.u32 v3, v4  }
0x9c: {  	v4 =	vperm.xlane v3, v0;
	_ =	sdelay $0x1  }
0x9d: {  	v3 =	vperm.xlane v3, v2;
	v4 =	vadd.s32 v1, v4;
	_ =	sdelay $0x1  }
0x9e: {  	v3 =	vadd.s32 v1, v3;
	_ =	sdelay $0x2  }
0x9f: {  	[tilespmem:s23], [sflag:$0x1] =	stream.indirect_vreg.gather [hbm4b:s3+s2], $0x80, v4, vm0, $0xb8;
	[tilespmem:$0x10100] =	vst v63  }
0xa0: {  	_ = 	snop  }
0xa1: {  	[tilespmem:s24], [sflag:$0x1] =	stream.indirect_vreg.gather [hbm4b:s3+s2], $0x80, v3, vm0, $0xb8;
	[tilespmem:$0x10100] =	vst v63  }
0xa2: {  	v3 =	vld [tilespmem:$0xD0];
	_ =	sdelay $0x4  }
0xa3: {  	v61 =	vshll.u32 v3, $0x1  }
0xa4: {  	v3 =	vand.u32 $0x7, v3;
	v4 =	vand.u32 $0xFFFFFFF0, v61  }
0xa5: {  	v3 =	vor.u32 v3, v4  }
0xa6: {  	v4 =	vperm.xlane v3, v0;
	_ =	sdelay $0x1  }
0xa7: {  	v3 =	vperm.xlane v3, v2;
	v4 =	vadd.s32 v1, v4;
	_ =	sdelay $0x1  }
0xa8: {  	v3 =	vadd.s32 v1, v3;
	_ =	sdelay $0x2  }
0xa9: {  	[tilespmem:s25], [sflag:$0x1] =	stream.indirect_vreg.gather [hbm4b:s3+s2], $0x80, v4, vm0, $0xb8;
	[tilespmem:$0x10100] =	vst v63  }
0xaa: {  	_ = 	snop  }
0xab: {  	[tilespmem:s26], [sflag:$0x1] =	stream.indirect_vreg.gather [hbm4b:s3+s2], $0x80, v3, vm0, $0xb8;
	[tilespmem:$0x10100] =	vst v63  }
0xac: {  	v3 =	vld [tilespmem:$0xE0];
	_ =	sdelay $0x4  }
0xad: {  	v62 =	vshll.u32 v3, $0x1  }
0xae: {  	v3 =	vand.u32 $0x7, v3;
	v4 =	vand.u32 $0xFFFFFFF0, v62  }
0xaf: {  	v3 =	vor.u32 v3, v4  }
0xb0: {  	v4 =	vperm.xlane v3, v0;
	_ =	sdelay $0x1  }
0xb1: {  	v3 =	vperm.xlane v3, v2;
	v4 =	vadd.s32 v1, v4;
	_ =	sdelay $0x1  }
0xb2: {  	v3 =	vadd.s32 v1, v3;
	_ =	sdelay $0x2  }
0xb3: {  	[tilespmem:s28], [sflag:$0x1] =	stream.indirect_vreg.gather [hbm4b:s3+s2], $0x80, v4, vm0, $0xb8;
	[tilespmem:$0x10100] =	vst v63  }
0xb4: {  	_ = 	snop  }
0xb5: {  	[tilespmem:s29], [sflag:$0x1] =	stream.indirect_vreg.gather [hbm4b:s3+s2], $0x80, v3, vm0, $0xb8;
	[tilespmem:$0x10100] =	vst v63  }
0xb6: {  	v3 =	vld [tilespmem:$0xF0];
	_ =	sdelay $0x4  }
0xb7: {  	v63 =	vshll.u32 v3, $0x1  }
0xb8: {  	v3 =	vand.u32 $0x7, v3;
	v4 =	vand.u32 $0xFFFFFFF0, v63  }
0xb9: {  	v3 =	vor.u32 v3, v4  }
0xba: {  	v4 =	vperm.xlane v3, v0;
	_ =	sdelay $0x1  }
0xbb: {  	v3 =	vperm.xlane v3, v2;
	v4 =	vadd.s32 v1, v4;
	_ =	sdelay $0x1  }
0xbc: {  	v3 =	vadd.s32 v1, v3;
	_ =	sdelay $0x2  }
0xbd: {  	[tilespmem:s30], [sflag:$0x1] =	stream.indirect_vreg.gather [hbm4b:s3+s2], $0x80, v4, vm0, $0xb8;
	[tilespmem:$0x10100] =	vst v63  }
0xbe: {  	_ = 	snop  }
0xbf: {  	[tilespmem:s31], [sflag:$0x1] =	stream.indirect_vreg.gather [hbm4b:s3+s2], $0x80, v3, vm0, $0xb8;
	[tilespmem:$0x10100] =	vst v63  }
0xc0: {  	_ =	swait.ge [sflag:s1], $0x10000  }
0xc1: {  	p0 =	sne.s32 s4, $0x1;
	[sflag:s1] =	ssyncset.done $0x0  }
.Ltmp0:
0xc2: {  	s7 =	rddreg [dreg:$0x3];
	[sflag:s1] =	ssyncadd.s32 $0xFFFF0000;
	(pc) =	sbr.rel @p0 .LBB2_1-.Ltmp0, $4  }
0xc3: {  	[hbm4b:s7+s2] =	stream.linear.scatter [tilespmem:s6], [sflag:$0x2], $0x10000, $0x38;
	[tilespmem:$0x10100] =	vst v63  }
0xc4: {  	_ =	swait.ge [sflag:s5], $0x10000  }
0xc5: {  	[sflag:s5] =	ssyncset.done $0x0  }
0xc6: {  	s4 =	sadd.s32 $0xFFFFFFFF, s4;
	[sflag:s5] =	ssyncadd.s32 $0xFFFF0000  }
0xc7: {  	_ =	sfence.sel $0x180000  }
0xc8: {  	[bflag:$0x0] =	sbarrier.arrive $0xFFFF  }
0xc9: {  	_ =	strace $0x9000004D  }
0xca: {  	s0 =	stileid.u32;
	[bflag:$0x2] =	sbarrier.arrive $0xFFFF  }
0xcb: {  	p0 =	sne.s32 s0, $0x0;
	s0 =	rddreg [dreg:$0x1]  }
0xcc: {  	s0 =	sadd.s32 @!p0 $0x100000, s0  }
0xcd: {  	[sflag:s0] =	ssyncadd.tile.s32 @!p0 $0x1;
	_ =	shalt  }
.Lfunc_end2:
_tile_overlayer_lowered:
.L_overlay_start_2:
0xce: {  	(tag) =	ssettag $0x2  }
0xcf: {  	s0 =	rddreg [dreg:$0x0];
	s2 =	stileid.u32  }
0xd0: {  	s1 =	rddreg [dreg:$0x1];
	p0 =	sne.s32 s2, $0x0  }
0xd1: {  	s3 =	rddreg [dreg:$0x2];
	[bflag:$0x3] =	sbarrier.arrive $0xFFFF;
	s2 =	simm.s32 @!p0 $0x1C02  }
0xd2: {  	[timem:s3], [sflag:s2] =	dma.local @!p0 [hbm:s0], s1  }
0xd3: {  	s0 =	simm.s32 @!p0 $0x2  }
0xd4: {  	_ =	swait.ge @!p0 [sflag:s0], s1  }
0xd5: {  	s1 =	ssub.s32 @!p0 $0x0, s1;
	[sflag:s0] =	ssyncset.done @!p0 $0x0  }
0xd6: {  	[sflag:s0] =	ssyncadd.s32 @!p0 s1  }
0xd7: {  	[bflag:$0x3] =	sbarrier.arrive $0xFFFF  }
0xd8: {  	_ =	shalt  }

// kernel: kernel.21.cloned.1.call-start
scs
__scs_entry_jumppad:
0x0: {  	(pc) =	sbr.rel $0x88, $3  }
0x1: {  	(tag) =	ssettag $0x0;
	lr =	simm.s32 $0x1  }
0x2: {  	[smem:$0x3F9E] =	sst lr;
	_ =	strace $0xD0000000  }
0x3: {  	_ = 	snop  }
0x4: {  	_ = 	snop  }
0x5: {  	_ = 	snop  }
0x6: {  	_ = 	snop  }
0x7: {  	_ = 	snop  }
__scs_overlays_trampoline_lowered:
0x8: {  	[smem:$0x3FAD] =	sst s0  }
0x9: {  	[smem:$0x3FAE] =	sst s1  }
0xa: {  	[smem:$0x3FAF] =	sst s2  }
0xb: {  	[smem:$0x3FB0] =	sst s3  }
0xc: {  	[smem:$0x3FB1] =	sst s4  }
0xd: {  	[smem:$0x3FB2] =	sst s5  }
0xe: {  	[smem:$0x3FB3] =	sst s6  }
0xf: {  	[smem:$0x3FB4] =	sst s7  }
0x10: {  	[smem:$0x3FB5] =	sst s8  }
0x11: {  	[smem:$0x3FB6] =	sst s9;
	s0 =	simm.s32 @!p0 $0x0  }
0x12: {  	s1 =	sld [smem:$0x3F9C];
	s0 =	simm.s32 @p0 $0x1  }
0x13: {  	[smem:$0x3FB7] =	sst s0;
	s0 =	simm.s32 @!p1 $0x0  }
0x14: {  	s2 =	sld [smem:$0x3F9B];
	s0 =	simm.s32 @p1 $0x1  }
0x15: {  	[smem:$0x3FB8] =	sst s0;
	s0 =	simm.s32 @!p2 $0x0  }
0x16: {  	s3 =	sld [smem:$0x3FDB];
	s0 =	simm.s32 @p2 $0x1  }
0x17: {  	s4 =	simm.s32 $0x1BF5;
	[smem:$0x3FBA] =	sst s0  }
0x18: {  	s0 =	sld [smem:$0x3F9D];
	_ =	swait.ge [sflag:s4], $0x0  }
0x19: {  	s7 =	sld [smem:$0x3F9E]  }
0x1a: {  	s8 =	sadd.s32 $0xFFFFE003, lr  }
0x1b: {  	s9 =	sadd.s32 $0xFFFFFEF7, lr;
	s5 =	simm.s32 $0xFFFFFFFF;
	p2 =	slt.u32 s8, $0xFFFFF086  }
0x1c: {  	p1 =	slt.u32 s9, $0xF7A;
	s5 =	simm.s32 @!p2 $0x0  }
0x1d: {  	s5 =	simm.s32 @p1 $0x1;
	p0 =	seq.s32 s7, s2  }
0x1e: {  	s7 =	smul.u32 @!p0 $0xF7A, s2;
	p2 =	seq.s32 @!p0 s5, $0x0  }
0x1f: {  	s9 =	smul.u32 $0xF7A, s1;
	s8 =	simm.s32 @!p0 $0x1BF5;
	p2 =	por !p2, p0  }
0x20: {  	[sflag:s8] =	ssyncset.s32 @!p0 $0xFFFFF086;
	s6 =	sadd.s32 @!p0 s3, s7;
	s7 =	simm.s32 @!p0 $0x108  }
0x21: {  	s3 =	sadd.s32 s3, s9;
	s6 =	sadd.s32 @!p0 $0x88, s6;
	s7 =	simm.s32 @p2 $0x1082  }
0x22: {  	[simem:s7], [sflag:s8] =	dma.local @!p0 [hbm:s6], $0xF7A  }
0x23: {  	s9 =	sor.u32 $0xD0000000, s2;
	s6 =	simm.s32 $0x108;
	_ =	swait.ge @!p0 [sflag:s8], $0x0  }
0x24: {  	s3 =	sadd.s32 $0x88, s3;
	s6 =	simm.s32 @!p1 $0x1082;
	[sflag:s4] =	ssyncset.s32 $0xFFFFF086  }
0x25: {  	[simem:s6], [sflag:s4] =	dma.local [hbm:s3], $0xF7A  }
0x26: {  	[smem:$0x3F9E] =	sst s1;
	(tag) =	ssettag s2;
	_ =	strace s9  }
0x27: {  	s1 =	sld [smem:$0x3FAE]  }
0x28: {  	s2 =	sld [smem:$0x3FAF]  }
0x29: {  	s4 =	sld [smem:$0x3FB1]  }
0x2a: {  	p0 =	seq.s32 s5, $0x0;
	s5 =	sld [smem:$0x3FB2]  }
0x2b: {  	s6 =	sld [smem:$0x3FB3]  }
0x2c: {  	s7 =	sld [smem:$0x3FB4]  }
0x2d: {  	s3 =	simm.s32 $0x108;
	s8 =	sld [smem:$0x3FB5]  }
0x2e: {  	s3 =	simm.s32 @!p0 $0x1082;
	s9 =	sld [smem:$0x3FB6]  }
0x2f: {  	lr =	sadd.s32 s0, s3;
	s0 =	sld [smem:$0x3FAD]  }
0x30: {  	s3 =	sld [smem:$0x3FB0]  }
0x31: {  	[smem:$0x3FB9] =	sst s10  }
0x32: {  	s10 =	sld [smem:$0x3FB7];
	_ =	sdelay $0x3  }
0x33: {  	p0 =	seq.s32 s10, $0x1;
	s10 =	sld [smem:$0x3FB9];
	_ =	sdelay $0x3  }
0x34: {  	[smem:$0x3FB9] =	sst s10  }
0x35: {  	s10 =	sld [smem:$0x3FB8];
	_ =	sdelay $0x3  }
0x36: {  	p1 =	seq.s32 s10, $0x1;
	s10 =	sld [smem:$0x3FB9];
	_ =	sdelay $0x3  }
0x37: {  	[smem:$0x3FB9] =	sst s10  }
0x38: {  	s10 =	sld [smem:$0x3FBA]  }
0x39: {  	_ = 	snop;
	(pc) =	sbr.ind lr, $3  }
0x3a: {  	_ = 	snop  }
0x3b: {  	_ = 	snop  }
0x3c: {  	p2 =	seq.s32 s10, $0x1;
	s10 =	sld [smem:$0x3FB9]  }
0x3d: {  	_ =	shalt  }
0x3e: {  	_ =	shalt  }
0x3f: {  	_ =	shalt  }
0x40: {  	_ =	shalt  }
0x41: {  	_ =	shalt  }
0x42: {  	_ =	shalt  }
0x43: {  	_ =	shalt  }
0x44: {  	_ =	shalt  }
0x45: {  	_ =	shalt  }
0x46: {  	_ =	shalt  }
0x47: {  	_ =	shalt  }
0x48: {  	_ =	shalt  }
0x49: {  	_ =	shalt  }
0x4a: {  	_ =	shalt  }
0x4b: {  	_ =	shalt  }
0x4c: {  	_ =	shalt  }
0x4d: {  	_ =	shalt  }
0x4e: {  	_ =	shalt  }
0x4f: {  	_ =	shalt  }
0x50: {  	_ =	shalt  }
0x51: {  	_ =	shalt  }
0x52: {  	_ =	shalt  }
0x53: {  	_ =	shalt  }
0x54: {  	_ =	shalt  }
0x55: {  	_ =	shalt  }
0x56: {  	_ =	shalt  }
0x57: {  	_ =	shalt  }
0x58: {  	_ =	shalt  }
0x59: {  	_ =	shalt  }
0x5a: {  	_ =	shalt  }
0x5b: {  	_ =	shalt  }
0x5c: {  	_ =	shalt  }
0x5d: {  	_ =	shalt  }
0x5e: {  	_ =	shalt  }
0x5f: {  	_ =	shalt  }
0x60: {  	_ =	shalt  }
0x61: {  	_ =	shalt  }
0x62: {  	_ =	shalt  }
0x63: {  	_ =	shalt  }
0x64: {  	_ =	shalt  }
0x65: {  	_ =	shalt  }
0x66: {  	_ =	shalt  }
0x67: {  	_ =	shalt  }
0x68: {  	_ =	shalt  }
0x69: {  	_ =	shalt  }
0x6a: {  	_ =	shalt  }
0x6b: {  	_ =	shalt  }
0x6c: {  	_ =	shalt  }
0x6d: {  	_ =	shalt  }
0x6e: {  	_ =	shalt  }
0x6f: {  	_ =	shalt  }
0x70: {  	_ =	shalt  }
0x71: {  	_ =	shalt  }
0x72: {  	_ =	shalt  }
0x73: {  	_ =	shalt  }
0x74: {  	_ =	shalt  }
0x75: {  	_ =	shalt  }
0x76: {  	_ =	shalt  }
0x77: {  	_ =	shalt  }
0x78: {  	_ =	shalt  }
0x79: {  	_ =	shalt  }
0x7a: {  	_ =	shalt  }
0x7b: {  	_ =	shalt  }
0x7c: {  	_ =	shalt  }
0x7d: {  	_ =	shalt  }
0x7e: {  	_ =	shalt  }
0x7f: {  	_ =	shalt  }
0x80: {  	_ =	shalt  }
0x81: {  	_ =	shalt  }
0x82: {  	_ =	shalt  }
0x83: {  	_ =	shalt  }
0x84: {  	_ =	shalt  }
0x85: {  	_ =	shalt  }
0x86: {  	_ =	shalt  }
0x87: {  	_ =	shalt  }
.Lfunc_end0:
.L_simem_size_0:
called_computation.3_lowered:
.L_overlay_start_0:
0x88: {  	s2 =	sld [smem:$0x3FD9]  }
0x89: {  	s3 =	sld [smem:$0x3FFE];
	_ =	sdelay $0x1  }
0x8a: {  	s1 =	srdreg.scid  }
0x8b: {  	s0 =	sand.u32 $0x1, s1  }
0x8c: {  	s14 =	sshll.u32 s0, $0xA;
	s2 =	sadd.s32 s3, s2  }
0x8d: {  	s2 =	sadd.s32 s2, s14  }
0x8e: {  	[smem:$0x3FC5] =	sst s2  }
0x8f: {  	_ = 	snop  }
0x90: {  	s2 =	sld [smem:$0x3FD0];
	_ =	sdelay $0x2  }
0x91: {  	s15 =	simm.s32 $0xA;
	s4 =	simm.s32 $0x10  }
0x92: {  	[smem:s4], [sflag:s15] =	dma.local [hbm:s2], $0x1  }
0x93: {  	_ =	swait.eq [sflag:s15], $0x1  }
0x94: {  	[sflag:s15] =	ssyncset.done $0x0  }
0x95: {  	[sflag:s15] =	ssyncadd.s32 $0xFFFFFFFF  }
0x96: {  	s16 =	sld [smem:$0x10];
	(tm) =	ssettm $0x1  }
0x97: {  	s17 =	sld [smem:$0x3FFB];
	_ =	sdelay $0x3  }
0x98: {  	_ =	strace s17  }
0x99: {  	s3 =	sld [smem:$0x3FFC];
	_ =	sdelay $0x3  }
0x9a: {  	_ =	strace s3  }
0x9b: {  	s3 =	sld [smem:$0x3FFD];
	_ =	sdelay $0x3  }
0x9c: {  	_ =	strace s3  }
0x9d: {  	_ =	strace $0x8FFFFFFF  }
0x9e: {  	s18 =	sld [smem:$0x3FDB];
	_ =	sdelay $0x1  }
0x9f: {  	s19 =	simm.s32 $_scs_section_size  }
0xa0: {  	s5 =	simm.s32 $_size__tile_overlayer_lowered;
	s6 =	simm.s32 $_tile_overlayer_lowered  }
0xa1: {  	s22 =	simm.s32 $0x1BFF;
	s21 =	sshll.u32 s6, $0x1;
	s3 =	sadd.s32 s19, s18  }
0xa2: {  	s7 =	simm.s32 $0x0;
	s20 =	sshll.u32 s5, $0x1;
	s5 =	sadd.s32 s21, s3  }
0xa3: {  	[timem:s7], [sflag:s22] =	dma.local [hbm:s5], s20  }
0xa4: {  	_ =	swait.ge [sflag:s22], s20  }
0xa5: {  	s4 =	ssub.s32 $0x0, s20;
	[sflag:s22] =	ssyncset.done $0x0  }
0xa6: {  	[sflag:s22] =	ssyncadd.s32 s4;
	_ =	sdelay $0x1  }
0xa7: {  	s23 =	simm.s32 $0x1B8B  }
0xa8: {  	_ =	swait.ge [sflag:s23], $0x1  }
0xa9: {  	[sflag:s23] =	ssyncset.done $0x0  }
0xaa: {  	s25 =	simm.s32 $0x1B8E;
	s24 =	sld [smem:$0x3FFE];
	[sflag:s23] =	ssyncadd.s32 $0xFFFFFFFF  }
0xab: {  	s26 =	simm.s32 $execute0_lowered;
	[smem:$0x3FD2] =	sst s25  }
0xac: {  	s5 =	sshll.u32 s26, $0x1;
	_ =	strace $0x8000004F;
	[dreg:$0x1] =	wrdreg $0xFFFFFFFF  }
0xad: {  	s28 =	simm.s32 $_size_execute0_lowered;
	s3 =	sadd.s32 s3, s5;
	[dreg:$0x0] =	wrdreg $0x0  }
0xae: {  	s5 =	sshll.u32 s28, $0x1;
	[dreg:$0x2] =	wrdreg s3  }
0xaf: {  	[dreg:$0x3] =	wrdreg s5  }
0xb0: {  	[dreg:$0x4] =	wrdreg $0xC0  }
0xb1: {  	_ =	task [dreg:s7], $0x5FFFF  }
0xb2: {  	[dreg:$0x1] =	wrdreg $0xFFFFFFFF  }
0xb3: {  	[dreg:$0x0] =	wrdreg $0x60  }
0xb4: {  	[dreg:$0x2] =	wrdreg s16  }
0xb5: {  	[dreg:$0x3] =	wrdreg s24  }
0xb6: {  	[dreg:$0x4] =	wrdreg $0x9  }
0xb7: {  	_ =	task.clear_ibuf [dreg:s7], $0x5FFFF;
	_ =	strace $0x9000004F  }
0xb8: {  	s29 =	simm.s32 $0x9;
	_ =	strace $0x80000051  }
0xb9: {  	_ =	swait.ge [sflag:s29], $0x1  }
0xba: {  	[sflag:s29] =	ssyncadd.s32 $0xFFFFFFFF  }
0xbb: {  	_ =	strace $0x90000051  }
0xbc: {  	_ =	sfence  }
0xbd: {  	s30 =	sld [smem:$0x0];
	_ =	sdelay $0x2  }
0xbe: {  	s31 =	sshll.u32 s1, $0xD;
	s1 =	sshrl.u32 s1, $0x2  }
0xbf: {  	s3 =	sand.u32 $0x4000, s31;
	s1 =	sadd.s32 s1, s30  }
0xc0: {  	s0 =	sor.u32 s3, s0;
	s1 =	sshll.u32 s1, $0x11  }
0xc1: {  	s0 =	sor.u32 s1, s0  }
0xc2: {  	s0 =	sadd.s32 $0x8F2B, s0  }
0xc3: {  	[sflag:s0] =	ssyncadd.remote.s32 $0x1  }
0xc4: {  	_ =	sfence.sel $0xFFFF  }
0xc5: {  	[dreg:$0x0] =	wrdreg $0xFFFFFFFF;
	(pc) =	sbr.abs _section_cstart, $3  }
0xc6: {  	[dreg:$0x1] =	wrdreg $0xFFFFFFFF  }
0xc7: {  	_ =	task.clear_ibuf [dreg:s7], $0x2FFFF;
	_ =	strace $0x9FFFFFFF  }
0xc8: {  	(tm) =	ssettm $0x7FFFFFFF  }
0xc9: {  	_ =	shalt  }
tec
execute0_lowered:
.L_overlay_start_1:
0x0: {  	(tag) =	ssettag $0x1  }
0x1: {  	s1 =	srdreg.scid  }
0x2: {  	s0 =	stileid.u32;
	s2 =	rddreg [dreg:$0x0]  }
0x3: {  	s5 =	rddreg [dreg:$0x1];
	s19 =	simm.s32 $0x900;
	s20 =	simm.s32 $0x1100  }
0x4: {  	s21 =	simm.s32 $0x1900;
	s23 =	simm.s32 $0x2100;
	s24 =	simm.s32 $0x2900  }
0x5: {  	s25 =	simm.s32 $0x3100;
	s26 =	simm.s32 $0x3900;
	s8 =	simm.s32 $0x4900  }
0x6: {  	s9 =	simm.s32 $0x5100;
	s10 =	simm.s32 $0x5900;
	s11 =	simm.s32 $0x6100  }
0x7: {  	s12 =	simm.s32 $0x6900;
	s13 =	simm.s32 $0x7100;
	s1 =	sand.u32 $0x1, s1  }
0x8: {  	s14 =	simm.s32 $0x7900;
	s3 =	sshll.u32 s0, $0x9;
	s4 =	sshll.u32 s1, $0x8  }
0x9: {  	s15 =	simm.s32 $0x8100;
	s4 =	sor.u32 s4, s3;
	s3 =	simm.s32 $0x0  }
0xa: {  	s16 =	simm.s32 $0x8900;
	s17 =	simm.s32 $0x9100;
	[smem:$0x7FF] =	sst s3  }
0xb: {  	s28 =	simm.s32 $0xE100;
	_ =	strace $0x80000050;
	[dreg:$0x5] =	wrdreg s19  }
0xc: {  	s29 =	simm.s32 $0xE900;
	s30 =	simm.s32 $0xF100;
	[dreg:$0x6] =	wrdreg s20  }
0xd: {  	s31 =	simm.s32 $0xF900;
	s1 =	ssub.s32 $0x2, s1;
	[dreg:$0x7] =	wrdreg s21  }
0xe: {  	s22 =	sshrl.u32 s1, $0x1;
	s6 =	sshrl.u32 s4, $0x3;
	[dreg:$0x8] =	wrdreg s23  }
0xf: {  	s4 =	sshll.u32 s4, $0x5;
	s1 =	ssub.s32 s1, s22;
	[dreg:$0x9] =	wrdreg s24  }
0x10: {  	s22 =	simm.s32 $0xB900;
	s6 =	sadd.s32 s6, s5;
	[dreg:$0xa] =	wrdreg s25  }
0x11: {  	s4 =	sadd.s32 s4, s5;
	s5 =	simm.s32 $0x2;
	[dreg:$0xb] =	wrdreg s26  }
0x12: {  	s19 =	simm.s32 $0xA100;
	s20 =	simm.s32 $0xA900;
	s21 =	simm.s32 $0xB100  }
0x13: {  	s23 =	simm.s32 $0xC100;
	s24 =	simm.s32 $0xC900;
	s18 =	sadd.s32 $0x4E00, s6  }
0x14: {  	v2 =	vlaneseq.u32;
	s25 =	simm.s32 $0xD100;
	s4 =	sadd.s32 $0x85000, s4;
	[dreg:$0x3] =	wrdreg s18  }
0x15: {  	vm0 =	vmmov $0xffff;
	v1 =	vshrl.u32 v2, $0x3;
	s26 =	simm.s32 $0xD900;
	s6 =	simm.s32 $0x100;
	[dreg:$0x4] =	wrdreg s4  }
0x16: {  	v0 =	vand.u32 $0x7, v2;
	v2 =	vor.u32 $0x8, v2;
	v1 =	vmul.u32 $0x8, v1;
	s4 =	smax.u32 s1, $0x1;
	s18 =	simm.s32 $0x9900;
	s1 =	simm.s32 $0x1  }
.LBB2_1:
0x17: {  	s0 =	rddreg [dreg:$0x3]  }
0x18: {  	[tilespmem:s3], [sflag:$0x2] =	stream.linear.gather [hbm4b:s0+s3], $0x100, $0x38;
	[tilespmem:$0x10100] =	vst v63  }
0x19: {  	_ =	swait.ge [sflag:s5], $0x100  }
0x1a: {  	[sflag:s5] =	ssyncset.done $0x0  }
0x1b: {  	[sflag:s5] =	ssyncadd.s32 $0xFFFFFF00  }
0x1c: {  	v3 =	vld [tilespmem:$0x0];
	_ =	sdelay $0x4  }
0x1d: {  	v4 =	vshll.u32 v3, $0x1  }
0x1e: {  	v3 =	vand.u32 $0x7, v3;
	v4 =	vand.u32 $0xFFFFFFF0, v4  }
0x1f: {  	v3 =	vor.u32 v3, v4  }
0x20: {  	v4 =	vperm.xlane v3, v0;
	_ =	sdelay $0x1  }
0x21: {  	v3 =	vperm.xlane v3, v2;
	v4 =	vadd.s32 v1, v4;
	_ =	sdelay $0x1  }
0x22: {  	v3 =	vadd.s32 v1, v3;
	_ =	sdelay $0x2  }
0x23: {  	[tilespmem:s6], [sflag:$0x1] =	stream.indirect_vreg.gather [hbm4b:s2+s3], $0x80, v4, vm0, $0xb8;
	[tilespmem:$0x10100] =	vst v63  }
0x24: {  	s7 =	rddreg [dreg:$0x5]  }
0x25: {  	[tilespmem:s7], [sflag:$0x1] =	stream.indirect_vreg.gather [hbm4b:s2+s3], $0x80, v3, vm0, $0xb8;
	[tilespmem:$0x10100] =	vst v63  }
0x26: {  	v3 =	vld [tilespmem:$0x10];
	_ =	sdelay $0x4  }
0x27: {  	v49 =	vshll.u32 v3, $0x1  }
0x28: {  	v3 =	vand.u32 $0x7, v3;
	v4 =	vand.u32 $0xFFFFFFF0, v49  }
0x29: {  	v3 =	vor.u32 v3, v4  }
0x2a: {  	v4 =	vperm.xlane v3, v0;
	_ =	sdelay $0x1  }
0x2b: {  	v3 =	vperm.xlane v3, v2;
	v4 =	vadd.s32 v1, v4;
	_ =	sdelay $0x1  }
0x2c: {  	v3 =	vadd.s32 v1, v3;
	_ =	sdelay $0x1  }
0x2d: {  	s0 =	rddreg [dreg:$0x6]  }
0x2e: {  	[tilespmem:s0], [sflag:$0x1] =	stream.indirect_vreg.gather [hbm4b:s2+s3], $0x80, v4, vm0, $0xb8;
	[tilespmem:$0x10100] =	vst v63  }
0x2f: {  	s7 =	rddreg [dreg:$0x7]  }
0x30: {  	[tilespmem:s7], [sflag:$0x1] =	stream.indirect_vreg.gather [hbm4b:s2+s3], $0x80, v3, vm0, $0xb8;
	[tilespmem:$0x10100] =	vst v63  }
0x31: {  	v3 =	vld [tilespmem:$0x20];
	_ =	sdelay $0x4  }
0x32: {  	v50 =	vshll.u32 v3, $0x1  }
0x33: {  	v3 =	vand.u32 $0x7, v3;
	v4 =	vand.u32 $0xFFFFFFF0, v50  }
0x34: {  	v3 =	vor.u32 v3, v4  }
0x35: {  	v4 =	vperm.xlane v3, v0;
	_ =	sdelay $0x1  }
0x36: {  	v3 =	vperm.xlane v3, v2;
	v4 =	vadd.s32 v1, v4;
	_ =	sdelay $0x1  }
0x37: {  	v3 =	vadd.s32 v1, v3;
	_ =	sdelay $0x1  }
0x38: {  	s0 =	rddreg [dreg:$0x8]  }
0x39: {  	[tilespmem:s0], [sflag:$0x1] =	stream.indirect_vreg.gather [hbm4b:s2+s3], $0x80, v4, vm0, $0xb8;
	[tilespmem:$0x10100] =	vst v63  }
0x3a: {  	s7 =	rddreg [dreg:$0x9]  }
0x3b: {  	[tilespmem:s7], [sflag:$0x1] =	stream.indirect_vreg.gather [hbm4b:s2+s3], $0x80, v3, vm0, $0xb8;
	[tilespmem:$0x10100] =	vst v63  }
0x3c: {  	v3 =	vld [tilespmem:$0x30];
	_ =	sdelay $0x4  }
0x3d: {  	v51 =	vshll.u32 v3, $0x1  }
0x3e: {  	v3 =	vand.u32 $0x7, v3;
	v4 =	vand.u32 $0xFFFFFFF0, v51  }
0x3f: {  	v3 =	vor.u32 v3, v4  }
0x40: {  	v4 =	vperm.xlane v3, v0;
	_ =	sdelay $0x1  }
0x41: {  	v3 =	vperm.xlane v3, v2;
	v4 =	vadd.s32 v1, v4;
	_ =	sdelay $0x1  }
0x42: {  	v3 =	vadd.s32 v1, v3;
	_ =	sdelay $0x1  }
0x43: {  	s0 =	rddreg [dreg:$0xa]  }
0x44: {  	[tilespmem:s0], [sflag:$0x1] =	stream.indirect_vreg.gather [hbm4b:s2+s3], $0x80, v4, vm0, $0xb8;
	[tilespmem:$0x10100] =	vst v63  }
0x45: {  	s7 =	rddreg [dreg:$0xb]  }
0x46: {  	[tilespmem:s7], [sflag:$0x1] =	stream.indirect_vreg.gather [hbm4b:s2+s3], $0x80, v3, vm0, $0xb8;
	[tilespmem:$0x10100] =	vst v63  }
0x47: {  	v3 =	vld [tilespmem:$0x40];
	_ =	sdelay $0x4  }
0x48: {  	v52 =	vshll.u32 v3, $0x1  }
0x49: {  	v3 =	vand.u32 $0x7, v3;
	v4 =	vand.u32 $0xFFFFFFF0, v52  }
0x4a: {  	v3 =	vor.u32 v3, v4  }
0x4b: {  	v4 =	vperm.xlane v3, v0;
	_ =	sdelay $0x1  }
0x4c: {  	v3 =	vperm.xlane v3, v2;
	v4 =	vadd.s32 v1, v4;
	_ =	sdelay $0x1  }
0x4d: {  	v3 =	vadd.s32 v1, v3;
	_ =	sdelay $0x1  }
0x4e: {  	s7 =	simm.s32 $0x4100  }
0x4f: {  	[tilespmem:s7], [sflag:$0x1] =	stream.indirect_vreg.gather [hbm4b:s2+s3], $0x80, v4, vm0, $0xb8;
	[tilespmem:$0x10100] =	vst v63  }
0x50: {  	_ = 	snop  }
0x51: {  	[tilespmem:s8], [sflag:$0x1] =	stream.indirect_vreg.gather [hbm4b:s2+s3], $0x80, v3, vm0, $0xb8;
	[tilespmem:$0x10100] =	vst v63  }
0x52: {  	v3 =	vld [tilespmem:$0x50];
	_ =	sdelay $0x4  }
0x53: {  	v53 =	vshll.u32 v3, $0x1  }
0x54: {  	v3 =	vand.u32 $0x7, v3;
	v4 =	vand.u32 $0xFFFFFFF0, v53  }
0x55: {  	v3 =	vor.u32 v3, v4  }
0x56: {  	v4 =	vperm.xlane v3, v0;
	_ =	sdelay $0x1  }
0x57: {  	v3 =	vperm.xlane v3, v2;
	v4 =	vadd.s32 v1, v4;
	_ =	sdelay $0x1  }
0x58: {  	v3 =	vadd.s32 v1, v3;
	_ =	sdelay $0x2  }
0x59: {  	[tilespmem:s9], [sflag:$0x1] =	stream.indirect_vreg.gather [hbm4b:s2+s3], $0x80, v4, vm0, $0xb8;
	[tilespmem:$0x10100] =	vst v63  }
0x5a: {  	_ = 	snop  }
0x5b: {  	[tilespmem:s10], [sflag:$0x1] =	stream.indirect_vreg.gather [hbm4b:s2+s3], $0x80, v3, vm0, $0xb8;
	[tilespmem:$0x10100] =	vst v63  }
0x5c: {  	v3 =	vld [tilespmem:$0x60];
	_ =	sdelay $0x4  }
0x5d: {  	v54 =	vshll.u32 v3, $0x1  }
0x5e: {  	v3 =	vand.u32 $0x7, v3;
	v4 =	vand.u32 $0xFFFFFFF0, v54  }
0x5f: {  	v3 =	vor.u32 v3, v4  }
0x60: {  	v4 =	vperm.xlane v3, v0;
	_ =	sdelay $0x1  }
0x61: {  	v3 =	vperm.xlane v3, v2;
	v4 =	vadd.s32 v1, v4;
	_ =	sdelay $0x1  }
0x62: {  	v3 =	vadd.s32 v1, v3;
	_ =	sdelay $0x2  }
0x63: {  	[tilespmem:s11], [sflag:$0x1] =	stream.indirect_vreg.gather [hbm4b:s2+s3], $0x80, v4, vm0, $0xb8;
	[tilespmem:$0x10100] =	vst v63  }
0x64: {  	_ = 	snop  }
0x65: {  	[tilespmem:s12], [sflag:$0x1] =	stream.indirect_vreg.gather [hbm4b:s2+s3], $0x80, v3, vm0, $0xb8;
	[tilespmem:$0x10100] =	vst v63  }
0x66: {  	v3 =	vld [tilespmem:$0x70];
	_ =	sdelay $0x4  }
0x67: {  	v55 =	vshll.u32 v3, $0x1  }
0x68: {  	v3 =	vand.u32 $0x7, v3;
	v4 =	vand.u32 $0xFFFFFFF0, v55  }
0x69: {  	v3 =	vor.u32 v3, v4  }
0x6a: {  	v4 =	vperm.xlane v3, v0;
	_ =	sdelay $0x1  }
0x6b: {  	v3 =	vperm.xlane v3, v2;
	v4 =	vadd.s32 v1, v4;
	_ =	sdelay $0x1  }
0x6c: {  	v3 =	vadd.s32 v1, v3;
	_ =	sdelay $0x2  }
0x6d: {  	[tilespmem:s13], [sflag:$0x1] =	stream.indirect_vreg.gather [hbm4b:s2+s3], $0x80, v4, vm0, $0xb8;
	[tilespmem:$0x10100] =	vst v63  }
0x6e: {  	_ = 	snop  }
0x6f: {  	[tilespmem:s14], [sflag:$0x1] =	stream.indirect_vreg.gather [hbm4b:s2+s3], $0x80, v3, vm0, $0xb8;
	[tilespmem:$0x10100] =	vst v63  }
0x70: {  	v3 =	vld [tilespmem:$0x80];
	_ =	sdelay $0x4  }
0x71: {  	v56 =	vshll.u32 v3, $0x1  }
0x72: {  	v3 =	vand.u32 $0x7, v3;
	v4 =	vand.u32 $0xFFFFFFF0, v56  }
0x73: {  	v3 =	vor.u32 v3, v4  }
0x74: {  	v4 =	vperm.xlane v3, v0;
	_ =	sdelay $0x1  }
0x75: {  	v3 =	vperm.xlane v3, v2;
	v4 =	vadd.s32 v1, v4;
	_ =	sdelay $0x1  }
0x76: {  	v3 =	vadd.s32 v1, v3;
	_ =	sdelay $0x2  }
0x77: {  	[tilespmem:s15], [sflag:$0x1] =	stream.indirect_vreg.gather [hbm4b:s2+s3], $0x80, v4, vm0, $0xb8;
	[tilespmem:$0x10100] =	vst v63  }
0x78: {  	_ = 	snop  }
0x79: {  	[tilespmem:s16], [sflag:$0x1] =	stream.indirect_vreg.gather [hbm4b:s2+s3], $0x80, v3, vm0, $0xb8;
	[tilespmem:$0x10100] =	vst v63  }
0x7a: {  	v3 =	vld [tilespmem:$0x90];
	_ =	sdelay $0x4  }
0x7b: {  	v57 =	vshll.u32 v3, $0x1  }
0x7c: {  	v3 =	vand.u32 $0x7, v3;
	v4 =	vand.u32 $0xFFFFFFF0, v57  }
0x7d: {  	v3 =	vor.u32 v3, v4  }
0x7e: {  	v4 =	vperm.xlane v3, v0;
	_ =	sdelay $0x1  }
0x7f: {  	v3 =	vperm.xlane v3, v2;
	v4 =	vadd.s32 v1, v4;
	_ =	sdelay $0x1  }
0x80: {  	v3 =	vadd.s32 v1, v3;
	_ =	sdelay $0x2  }
0x81: {  	[tilespmem:s17], [sflag:$0x1] =	stream.indirect_vreg.gather [hbm4b:s2+s3], $0x80, v4, vm0, $0xb8;
	[tilespmem:$0x10100] =	vst v63  }
0x82: {  	_ = 	snop  }
0x83: {  	[tilespmem:s18], [sflag:$0x1] =	stream.indirect_vreg.gather [hbm4b:s2+s3], $0x80, v3, vm0, $0xb8;
	[tilespmem:$0x10100] =	vst v63  }
0x84: {  	v3 =	vld [tilespmem:$0xA0];
	_ =	sdelay $0x4  }
0x85: {  	v58 =	vshll.u32 v3, $0x1  }
0x86: {  	v3 =	vand.u32 $0x7, v3;
	v4 =	vand.u32 $0xFFFFFFF0, v58  }
0x87: {  	v3 =	vor.u32 v3, v4  }
0x88: {  	v4 =	vperm.xlane v3, v0;
	_ =	sdelay $0x1  }
0x89: {  	v3 =	vperm.xlane v3, v2;
	v4 =	vadd.s32 v1, v4;
	_ =	sdelay $0x1  }
0x8a: {  	v3 =	vadd.s32 v1, v3;
	_ =	sdelay $0x2  }
0x8b: {  	[tilespmem:s19], [sflag:$0x1] =	stream.indirect_vreg.gather [hbm4b:s2+s3], $0x80, v4, vm0, $0xb8;
	[tilespmem:$0x10100] =	vst v63  }
0x8c: {  	_ = 	snop  }
0x8d: {  	[tilespmem:s20], [sflag:$0x1] =	stream.indirect_vreg.gather [hbm4b:s2+s3], $0x80, v3, vm0, $0xb8;
	[tilespmem:$0x10100] =	vst v63  }
0x8e: {  	v3 =	vld [tilespmem:$0xB0];
	_ =	sdelay $0x4  }
0x8f: {  	v59 =	vshll.u32 v3, $0x1  }
0x90: {  	v3 =	vand.u32 $0x7, v3;
	v4 =	vand.u32 $0xFFFFFFF0, v59  }
0x91: {  	v3 =	vor.u32 v3, v4  }
0x92: {  	v4 =	vperm.xlane v3, v0;
	_ =	sdelay $0x1  }
0x93: {  	v3 =	vperm.xlane v3, v2;
	v4 =	vadd.s32 v1, v4;
	_ =	sdelay $0x1  }
0x94: {  	v3 =	vadd.s32 v1, v3;
	_ =	sdelay $0x2  }
0x95: {  	[tilespmem:s21], [sflag:$0x1] =	stream.indirect_vreg.gather [hbm4b:s2+s3], $0x80, v4, vm0, $0xb8;
	[tilespmem:$0x10100] =	vst v63  }
0x96: {  	_ = 	snop  }
0x97: {  	[tilespmem:s22], [sflag:$0x1] =	stream.indirect_vreg.gather [hbm4b:s2+s3], $0x80, v3, vm0, $0xb8;
	[tilespmem:$0x10100] =	vst v63  }
0x98: {  	v3 =	vld [tilespmem:$0xC0];
	_ =	sdelay $0x4  }
0x99: {  	v60 =	vshll.u32 v3, $0x1  }
0x9a: {  	v3 =	vand.u32 $0x7, v3;
	v4 =	vand.u32 $0xFFFFFFF0, v60  }
0x9b: {  	v3 =	vor.u32 v3, v4  }
0x9c: {  	v4 =	vperm.xlane v3, v0;
	_ =	sdelay $0x1  }
0x9d: {  	v3 =	vperm.xlane v3, v2;
	v4 =	vadd.s32 v1, v4;
	_ =	sdelay $0x1  }
0x9e: {  	v3 =	vadd.s32 v1, v3;
	_ =	sdelay $0x2  }
0x9f: {  	[tilespmem:s23], [sflag:$0x1] =	stream.indirect_vreg.gather [hbm4b:s2+s3], $0x80, v4, vm0, $0xb8;
	[tilespmem:$0x10100] =	vst v63  }
0xa0: {  	_ = 	snop  }
0xa1: {  	[tilespmem:s24], [sflag:$0x1] =	stream.indirect_vreg.gather [hbm4b:s2+s3], $0x80, v3, vm0, $0xb8;
	[tilespmem:$0x10100] =	vst v63  }
0xa2: {  	v3 =	vld [tilespmem:$0xD0];
	_ =	sdelay $0x4  }
0xa3: {  	v61 =	vshll.u32 v3, $0x1  }
0xa4: {  	v3 =	vand.u32 $0x7, v3;
	v4 =	vand.u32 $0xFFFFFFF0, v61  }
0xa5: {  	v3 =	vor.u32 v3, v4  }
0xa6: {  	v4 =	vperm.xlane v3, v0;
	_ =	sdelay $0x1  }
0xa7: {  	v3 =	vperm.xlane v3, v2;
	v4 =	vadd.s32 v1, v4;
	_ =	sdelay $0x1  }
0xa8: {  	v3 =	vadd.s32 v1, v3;
	_ =	sdelay $0x2  }
0xa9: {  	[tilespmem:s25], [sflag:$0x1] =	stream.indirect_vreg.gather [hbm4b:s2+s3], $0x80, v4, vm0, $0xb8;
	[tilespmem:$0x10100] =	vst v63  }
0xaa: {  	_ = 	snop  }
0xab: {  	[tilespmem:s26], [sflag:$0x1] =	stream.indirect_vreg.gather [hbm4b:s2+s3], $0x80, v3, vm0, $0xb8;
	[tilespmem:$0x10100] =	vst v63  }
0xac: {  	v3 =	vld [tilespmem:$0xE0];
	_ =	sdelay $0x4  }
0xad: {  	v62 =	vshll.u32 v3, $0x1  }
0xae: {  	v3 =	vand.u32 $0x7, v3;
	v4 =	vand.u32 $0xFFFFFFF0, v62  }
0xaf: {  	v3 =	vor.u32 v3, v4  }
0xb0: {  	v4 =	vperm.xlane v3, v0;
	_ =	sdelay $0x1  }
0xb1: {  	v3 =	vperm.xlane v3, v2;
	v4 =	vadd.s32 v1, v4;
	_ =	sdelay $0x1  }
0xb2: {  	v3 =	vadd.s32 v1, v3;
	_ =	sdelay $0x2  }
0xb3: {  	[tilespmem:s28], [sflag:$0x1] =	stream.indirect_vreg.gather [hbm4b:s2+s3], $0x80, v4, vm0, $0xb8;
	[tilespmem:$0x10100] =	vst v63  }
0xb4: {  	_ = 	snop  }
0xb5: {  	[tilespmem:s29], [sflag:$0x1] =	stream.indirect_vreg.gather [hbm4b:s2+s3], $0x80, v3, vm0, $0xb8;
	[tilespmem:$0x10100] =	vst v63  }
0xb6: {  	v3 =	vld [tilespmem:$0xF0];
	_ =	sdelay $0x4  }
0xb7: {  	v63 =	vshll.u32 v3, $0x1  }
0xb8: {  	v3 =	vand.u32 $0x7, v3;
	v4 =	vand.u32 $0xFFFFFFF0, v63  }
0xb9: {  	v3 =	vor.u32 v3, v4  }
0xba: {  	v4 =	vperm.xlane v3, v0;
	_ =	sdelay $0x1  }
0xbb: {  	v3 =	vperm.xlane v3, v2;
	v4 =	vadd.s32 v1, v4;
	_ =	sdelay $0x1  }
0xbc: {  	v3 =	vadd.s32 v1, v3;
	_ =	sdelay $0x2  }
0xbd: {  	[tilespmem:s30], [sflag:$0x1] =	stream.indirect_vreg.gather [hbm4b:s2+s3], $0x80, v4, vm0, $0xb8;
	[tilespmem:$0x10100] =	vst v63  }
0xbe: {  	_ = 	snop  }
0xbf: {  	[tilespmem:s31], [sflag:$0x1] =	stream.indirect_vreg.gather [hbm4b:s2+s3], $0x80, v3, vm0, $0xb8;
	[tilespmem:$0x10100] =	vst v63  }
0xc0: {  	_ =	swait.ge [sflag:s1], $0x10000  }
0xc1: {  	p0 =	sne.s32 s4, $0x1;
	[sflag:s1] =	ssyncset.done $0x0  }
.Ltmp0:
0xc2: {  	s7 =	rddreg [dreg:$0x4];
	[sflag:s1] =	ssyncadd.s32 $0xFFFF0000;
	(pc) =	sbr.rel @p0 .LBB2_1-.Ltmp0, $4  }
0xc3: {  	[hbm4b:s7+s3] =	stream.linear.scatter [tilespmem:s6], [sflag:$0x2], $0x10000, $0x38;
	[tilespmem:$0x10100] =	vst v63  }
0xc4: {  	_ =	swait.ge [sflag:s5], $0x10000  }
0xc5: {  	[sflag:s5] =	ssyncset.done $0x0  }
0xc6: {  	s4 =	sadd.s32 $0xFFFFFFFF, s4;
	[sflag:s5] =	ssyncadd.s32 $0xFFFF0000  }
0xc7: {  	_ =	sfence.sel $0x180000  }
0xc8: {  	[bflag:$0x0] =	sbarrier.arrive $0xFFFF  }
0xc9: {  	_ =	strace $0x90000050  }
0xca: {  	s0 =	stileid.u32;
	[bflag:$0x2] =	sbarrier.arrive $0xFFFF  }
0xcb: {  	p0 =	sne.s32 s0, $0x0;
	s0 =	rddreg [dreg:$0x2]  }
0xcc: {  	s0 =	sadd.s32 @!p0 $0x100000, s0  }
0xcd: {  	[sflag:s0] =	ssyncadd.tile.s32 @!p0 $0x1;
	_ =	shalt  }
.Lfunc_end2:
_tile_overlayer_lowered:
.L_overlay_start_2:
0xce: {  	(tag) =	ssettag $0x2  }
0xcf: {  	s0 =	rddreg [dreg:$0x0];
	s2 =	stileid.u32  }
0xd0: {  	s1 =	rddreg [dreg:$0x1];
	p0 =	sne.s32 s2, $0x0  }
0xd1: {  	s3 =	rddreg [dreg:$0x2];
	[bflag:$0x3] =	sbarrier.arrive $0xFFFF;
	s2 =	simm.s32 @!p0 $0x1C02  }
0xd2: {  	[timem:s3], [sflag:s2] =	dma.local @!p0 [hbm:s0], s1  }
0xd3: {  	s0 =	simm.s32 @!p0 $0x2  }
0xd4: {  	_ =	swait.ge @!p0 [sflag:s0], s1  }
0xd5: {  	s1 =	ssub.s32 @!p0 $0x0, s1;
	[sflag:s0] =	ssyncset.done @!p0 $0x0  }
0xd6: {  	[sflag:s0] =	ssyncadd.s32 @!p0 s1  }
0xd7: {  	[bflag:$0x3] =	sbarrier.arrive $0xFFFF  }
0xd8: {  	_ =	shalt  }

</sc_bundles>
